<compile_context>
chip_gen: v7x
topology: tpu7x:2x2x1
jax: 0.10.2.dev20260603
libtpu: 0.0.44.dev20260713+nightly
codegen_flags: <defaults>
</compile_context>

<pallas_src>
import functools

import jax
import jax.numpy as jnp
from jax import lax
from jax.experimental import pallas as pl
from jax.experimental.pallas import tpu as pltpu
from jax.experimental.pallas import tpu_sc as plsc

N = 50000
A = 32
E = 1600000
D = 32

NC = 2
NS = 16
NW = NC * NS
SLOTS = N * A
TSLOTS = SLOTS // NW
TPAD = 50176
CHUNK = 8000
NCH = E // CHUNK
PB = 1024
NPB = 48
TAIL = TSLOTS - NPB * PB


def _sc_body(s_hbm, nei1_hbm, cflat_hbm, x0_hbm, x1_hbm,
             win_v, sbuf0, sbuf1, eidx, ixe, ixo, n1b, x0b, x1b,
             sem_a, sem_b, sem_g):
    wid = lax.axis_index("s") * NC + lax.axis_index("c")
    base = wid * TSLOTS
    iota = lax.iota(jnp.int32, 16)
    minus1 = jnp.full((16,), -1, jnp.int32)

    def init_body(i, _):
        win_v[pl.ds(i * 16, 16)] = minus1
        return 0
    lax.fori_loop(0, TPAD // 16, init_body, 0)

    sems = (sem_a, sem_b)
    sbufs = (sbuf0, sbuf1)
    pltpu.async_copy(s_hbm.at[pl.ds(0, CHUNK)], sbuf0, sem_a)
    pltpu.async_copy(s_hbm.at[pl.ds(CHUNK, CHUNK)], sbuf1, sem_b)

    def chunk_body(g, _):
        for b in range(2):
            c = g * 2 + b
            sbuf = sbufs[b]
            pltpu.make_async_copy(
                s_hbm.at[pl.ds(0, CHUNK)], sbuf, sems[b]).wait()
            def vbody(i, ev):
                sv = sbuf[pl.ds(i * 16, 16)]
                loc = sv - base
                inb = plsc.bitcast(loc, jnp.uint32) < jnp.uint32(TSLOTS)
                plsc.store_scatter(win_v, [loc], ev, mask=inb)
                return ev + 16
            lax.fori_loop(0, CHUNK // 16, vbody, (c * CHUNK) + iota,
                          unroll=8)

            @pl.when(c < NCH - 2)
            def _():
                pltpu.async_copy(
                    s_hbm.at[pl.ds((c + 2) * CHUNK, CHUNK)], sbuf, sems[b])
        return 0
    lax.fori_loop(0, NCH // 2, chunk_body, 0)

    def do_block(j, wlen):
        gslot0 = base + j * PB
        copies = []
        for r in range(8):
            def b1(k2, _, r=r):
                off = r * 128 + k2 * 16
                wv = win_v[pl.ds(j * PB + off, 16)]
                slotid = (gslot0 + off) + iota
                eidx[r, pl.ds(k2 * 16, 16)] = jnp.where(wv >= 0, wv, slotid)
                return 0
            lax.fori_loop(0, 8, b1, 0)
            copies.append(pltpu.async_copy(
                nei1_hbm.at[eidx.at[r]], n1b.at[pl.ds(r * 128, 128)], sem_g))
        for cp in copies:
            cp.wait()

        copies = []
        for r in range(8):
            def b2(k2, _, r=r):
                off = r * 128 + k2 * 16
                n1v = n1b[pl.ds(off, 16)]
                sg = (gslot0 + off) + iota
                i2 = (n1v & (A - 1)) * (2 * N) + lax.shift_right_logical(sg, 5)
                ixe[r, pl.ds(k2 * 16, 16)] = i2
                ixo[r, pl.ds(k2 * 16, 16)] = i2 + N
                return 0
            lax.fori_loop(0, 8, b2, 0)
            copies.append(pltpu.async_copy(
                cflat_hbm.at[ixe.at[r]], x0b.at[pl.ds(r * 128, 128)], sem_g))
            copies.append(pltpu.async_copy(
                cflat_hbm.at[ixo.at[r]], x1b.at[pl.ds(r * 128, 128)], sem_g))
        for cp in copies:
            cp.wait()

        def b3(k, _):
            m = win_v[pl.ds(j * PB + k * 16, 16)] >= 0
            x0b[pl.ds(k * 16, 16)] = jnp.where(m, x0b[pl.ds(k * 16, 16)], 0.0)
            x1b[pl.ds(k * 16, 16)] = jnp.where(m, x1b[pl.ds(k * 16, 16)], 0.0)
            return 0
        lax.fori_loop(0, PB // 16, b3, 0)

        if wlen == PB:
            pltpu.sync_copy(x0b, x0_hbm.at[pl.ds(gslot0, PB)])
            pltpu.sync_copy(x1b, x1_hbm.at[pl.ds(gslot0, PB)])
        else:
            pltpu.sync_copy(x0b.at[pl.ds(0, wlen)],
                            x0_hbm.at[pl.ds(gslot0, wlen)])
            pltpu.sync_copy(x1b.at[pl.ds(0, wlen)],
                            x1_hbm.at[pl.ds(gslot0, wlen)])

    def block_body(j, _):
        do_block(j, PB)
        return 0
    lax.fori_loop(0, NPB, block_body, 0)
    do_block(NPB, TAIL)


def _sc_winner_gather(s, nei1, cflat):
    mesh = plsc.VectorSubcoreMesh(
        core_axis_name="c", subcore_axis_name="s",
        num_cores=NC, num_subcores=NS)
    f = pl.kernel(
        _sc_body,
        out_type=(jax.ShapeDtypeStruct((SLOTS,), jnp.float32),
                  jax.ShapeDtypeStruct((SLOTS,), jnp.float32)),
        mesh=mesh,
        compiler_params=pltpu.CompilerParams(needs_layout_passes=False),
        scratch_types=[
            pltpu.VMEM((TPAD,), jnp.int32),
            pltpu.VMEM((CHUNK,), jnp.int32),
            pltpu.VMEM((CHUNK,), jnp.int32),
            pltpu.VMEM((8, 128), jnp.int32),
            pltpu.VMEM((8, 128), jnp.int32),
            pltpu.VMEM((8, 128), jnp.int32),
            pltpu.VMEM((PB,), jnp.int32),
            pltpu.VMEM((PB,), jnp.float32),
            pltpu.VMEM((PB,), jnp.float32),
            pltpu.SemaphoreType.DMA,
            pltpu.SemaphoreType.DMA,
            pltpu.SemaphoreType.DMA,
        ],
    )
    return f(s, nei1, cflat)


BN = 1000


def _tc_body(x0_ref, x1_ref, wse_ref, bse_ref, w1_ref, b1_ref, w2_ref,
             b2_ref, out_ref):
    x0 = x0_ref[...]
    x1 = x1_ref[...]
    wse = wse_ref[...]
    r = (x0[:, :, None] * wse[0][None, None, :]
         + x1[:, :, None] * wse[1][None, None, :]
         + bse_ref[...][0][None, None, :])
    r2 = r.reshape(BN * A, -1)
    h = jnp.maximum(
        jnp.dot(r2, w1_ref[...], preferred_element_type=jnp.float32)
        + b1_ref[...][0][None, :], 0.0)
    v = jnp.maximum(
        jnp.dot(h, w2_ref[...], preferred_element_type=jnp.float32)
        + b2_ref[...][0][None, :], 0.0)
    out_ref[...] = jnp.max(v.reshape(BN, A, D), axis=1)


def _tc_mlp_pool(x0, x1, W_se, b_se, W1, b1, W2, b2):
    grid = (N // BN,)
    full = lambda shape: pl.BlockSpec(shape, lambda i: tuple(0 for _ in shape))
    return pl.pallas_call(
        _tc_body,
        grid=grid,
        in_specs=[
            pl.BlockSpec((BN, A), lambda i: (i, 0)),
            pl.BlockSpec((BN, A), lambda i: (i, 0)),
            full((2, 32)), full((1, 32)), full((32, 16)), full((1, 16)),
            full((16, 32)), full((1, 32)),
        ],
        out_specs=pl.BlockSpec((BN, D), lambda i: (i, 0)),
        out_shape=jax.ShapeDtypeStruct((N, D), jnp.float32),
    )(x0, x1, W_se, b_se.reshape(1, -1), W1, b1.reshape(1, -1),
      W2, b2.reshape(1, -1))


def kernel(corr_index, nei_index, lstm_state, W_se, b_se, W1, b1, W2, b2):
    n0 = nei_index[:, 0]
    n1 = nei_index[:, 1]
    n2 = nei_index[:, 2]
    s = (n0 * A + n2).astype(jnp.int32)
    nei1 = n1.astype(jnp.int32)
    cflat = corr_index.transpose(1, 2, 0).reshape(-1)
    x0f, x1f = _sc_winner_gather(s, nei1, cflat)
    x0 = x0f.reshape(N, A)
    x1 = x1f.reshape(N, A)
    return _tc_mlp_pool(x0, x1, W_se, b_se, W1, b1, W2, b2)

# --- scband reference (transcript-rebuilt; emitter-appended) ---
"""Pipeline reference for scband-pooling-net-76802605187717 (READ-ONLY COPY).

The authoritative reference and input builder live on the scoring server;
editing this copy changes nothing except your own understanding.
"""

import jax, jax.numpy as jnp
import numpy as np

N = 50000
A = 32  # num_agents + 1
E = 1600000
EMB = 32
HID = 16
D = 32  # bottleneck_dim = h_dim


def setup_inputs(seed: int = 0) -> dict:
    key = jax.random.key(seed)
    ks = jax.random.split(key, 12)
    corr_index = jax.random.normal(ks[0], (N, A, 2), dtype=jnp.float32)
    n0 = jax.random.randint(ks[1], (E,), 0, N)
    n1 = jax.random.randint(ks[2], (E,), 0, A)
    n2 = jax.random.randint(ks[3], (E,), 0, A)
    nei_index = jnp.stack([n0, n1, n2], axis=1)
    lstm_state = jax.random.normal(ks[4], (N, D), dtype=jnp.float32)
    # learned params
    W_se = jax.random.normal(ks[5], (2, EMB), dtype=jnp.float32) * 0.1
    b_se = jnp.zeros((EMB,), dtype=jnp.float32)
    W1 = jax.random.normal(ks[6], (EMB, HID), dtype=jnp.float32) * 0.1
    b1 = jnp.zeros((HID,), dtype=jnp.float32)
    W2 = jax.random.normal(ks[7], (HID, D), dtype=jnp.float32) * 0.1
    b2 = jnp.zeros((D,), dtype=jnp.float32)
    return {"corr_index": corr_index, "nei_index": nei_index, "lstm_state": lstm_state,
            "W_se": W_se, "b_se": b_se, "W1": W1, "b1": b1, "W2": W2, "b2": b2}


def reference(corr_index, nei_index, lstm_state, W_se, b_se, W1, b1, W2, b2):
    # non-ar_model path of Pooling_net.forward
    n0 = nei_index[:, 0]
    n1 = nei_index[:, 1]
    n2 = nei_index[:, 2]
    # spatial_embedding(corr_index[nei[:,0], nei[:,1]])  -> gather then linear
    gathered = corr_index[n0, n1]              # [E, 2]
    r_t = gathered @ W_se + b_se               # [E, EMB]
    # mlp_pre_pool: Linear(32,16)+ReLU, Linear(16,32)+ReLU (batch_norm=False, dropout=0)
    h = jax.nn.relu(r_t @ W1 + b1)             # [E, HID]
    curr_pool_h = jax.nn.relu(h @ W2 + b2)     # [E, D]
    # scatter-overwrite into H[N, A, D] initialized to -inf
    Hf = jnp.full((N, A, D), -jnp.inf, dtype=curr_pool_h.dtype)
    Hf = Hf.at[n0, n2].set(curr_pool_h)
    pool_h = Hf.max(axis=1)                    # [N, D]
    pool_h = jnp.where(jnp.isneginf(pool_h), 0.0, pool_h)
    return pool_h

if __name__ == "__main__":
    import jax
    _d = setup_inputs()
    print(jax.jit(kernel)(*tuple(_d.values())))

</pallas_src>

<mosaic_0001>
#map = affine_map<(d0, d1) -> (0)>
module attributes {stable_mosaic.version = 14 : i64} {
  func.func @_sc_body(%arg0: i32, %arg1: i32, %arg2: memref<1600000xi32, #tpu.memory_space<hbm>>, %arg3: memref<1600000xi32, #tpu.memory_space<hbm>>, %arg4: memref<3200000xf32, #tpu.memory_space<hbm>>, %arg5: memref<1600000xf32, #tpu.memory_space<hbm>>, %arg6: memref<1600000xf32, #tpu.memory_space<hbm>>, %arg7: memref<50176xi32, #tpu.memory_space<vmem>>, %arg8: memref<8000xi32, #tpu.memory_space<vmem>>, %arg9: memref<8000xi32, #tpu.memory_space<vmem>>, %arg10: memref<8x128xi32, #tpu.memory_space<vmem>>, %arg11: memref<8x128xi32, #tpu.memory_space<vmem>>, %arg12: memref<8x128xi32, #tpu.memory_space<vmem>>, %arg13: memref<1024xi32, #tpu.memory_space<vmem>>, %arg14: memref<1024xf32, #tpu.memory_space<vmem>>, %arg15: memref<1024xf32, #tpu.memory_space<vmem>>, %arg16: memref<!tpu.dma_semaphore, #tpu.memory_space<semaphore_mem>>, %arg17: memref<!tpu.dma_semaphore, #tpu.memory_space<semaphore_mem>>, %arg18: memref<!tpu.dma_semaphore, #tpu.memory_space<semaphore_mem>>) attributes {dimension_semantics = [#tpu.dimension_semantics<core_parallel>, #tpu.dimension_semantics<subcore_parallel>], iteration_bounds = array<i64: 2, 16>, scalar_prefetch = 0 : i64, scratch_operands = 12 : i64, tpu.core_type = #tpu.core_type<sc_vector_subcore>, window_params = [{transform_indices = #map}, {transform_indices = #map}, {transform_indices = #map}, {transform_indices = #map}, {transform_indices = #map}]} {
    %mul3A = arith.constant 2 : i32
    %mul3A_0 = arith.muli %arg1, %mul3A : i32
    %add3A = arith.addi %mul3A_0, %arg0 : i32
    %mul3A_1 = arith.constant 50000 : i32
    %mul3A_2 = arith.muli %add3A, %mul3A_1 : i32
    %iota3A = tpu.iota {dimensions = array<i32: 0>} : vector<16xi32>
    %broadcast_in_dim3A = arith.constant -1 : i32
    %broadcast_in_dim3A_3 = vector.broadcast %broadcast_in_dim3A : i32 to vector<16xi32>
    %scan3A = arith.constant 0 : i32
    %scan3A_4 = arith.constant 0 : i32
    %scan3A_5 = arith.constant 3136 : i32
    %scan3A_6 = arith.addi %scan3A_4, %scan3A_5 : i32
    %scan3A_7 = arith.constant 1 : i32
    %scan3A_8 = scf.for %scan3A_535 = %scan3A_4 to %scan3A_6 step %scan3A_7 iter_args(%scan3A_536 = %scan3A) -> (i32)  : i32 {
      %mul3A_537 = arith.constant 16 : i32
      %mul3A_538 = arith.muli %scan3A_535, %mul3A_537 : i32
      %swap3A = arith.index_cast %mul3A_538 : i32 to index
      %swap3A_539 = tpu.vector_load %arg7[%swap3A] {strides = array<i32>} : memref<50176xi32, #tpu.memory_space<vmem>>, vector<16xi32>,
      tpu.vector_store %arg7[%swap3A], %broadcast_in_dim3A_3 {strides = array<i32>} : memref<50176xi32, #tpu.memory_space<vmem>>, vector<16xi32>,
      %scan3A_540 = arith.constant 0 : i32
      scf.yield %scan3A_540 : i32
    }
    %scan3A_9 = arith.constant 3136 : i32
    %dma_start3A = arith.constant 0 : i32
    %dma_start3A_10 = tpu.memref_slice %arg2[%dma_start3A] : memref<1600000xi32, #tpu.memory_space<hbm>> -> memref<8000xi32, #tpu.memory_space<hbm>>
    %dma_start3A_11 = arith.constant 0 : i32
    %dma_start3A_12 = tpu.memref_slice %arg2[%dma_start3A_11] : memref<1600000xi32, #tpu.memory_space<hbm>> -> memref<8000xi32, #tpu.memory_space<hbm>>
    tpu.enqueue_dma source(%dma_start3A_12 : memref<8000xi32, #tpu.memory_space<hbm>>) target(%arg8 : memref<8000xi32, #tpu.memory_space<vmem>>) target_semaphore(%arg16 : memref<!tpu.dma_semaphore, #tpu.memory_space<semaphore_mem>>)
    %dma_start3A_13 = arith.constant 8000 : i32
    %dma_start3A_14 = tpu.memref_slice %arg2[%dma_start3A_13] : memref<1600000xi32, #tpu.memory_space<hbm>> -> memref<8000xi32, #tpu.memory_space<hbm>>
    %dma_start3A_15 = arith.constant 8000 : i32
    %dma_start3A_16 = tpu.memref_slice %arg2[%dma_start3A_15] : memref<1600000xi32, #tpu.memory_space<hbm>> -> memref<8000xi32, #tpu.memory_space<hbm>>
    tpu.enqueue_dma source(%dma_start3A_16 : memref<8000xi32, #tpu.memory_space<hbm>>) target(%arg9 : memref<8000xi32, #tpu.memory_space<vmem>>) target_semaphore(%arg17 : memref<!tpu.dma_semaphore, #tpu.memory_space<semaphore_mem>>)
    %scan3A_17 = arith.constant 0 : i32
    %scan3A_18 = arith.constant 0 : i32
    %scan3A_19 = arith.constant 100 : i32
    %scan3A_20 = arith.addi %scan3A_18, %scan3A_19 : i32
    %scan3A_21 = arith.constant 1 : i32
    %scan3A_22 = scf.for %scan3A_535 = %scan3A_18 to %scan3A_20 step %scan3A_21 iter_args(%scan3A_536 = %scan3A_17) -> (i32)  : i32 {
      %mul3A_537 = arith.constant 2 : i32
      %mul3A_538 = arith.muli %scan3A_535, %mul3A_537 : i32
      %add3A_539 = arith.constant 0 : i32
      %add3A_540 = arith.addi %mul3A_538, %add3A_539 : i32
      %dma_wait3A_541 = arith.constant 0 : i32
      %dma_wait3A_542 = tpu.memref_slice %arg2[%dma_wait3A_541] : memref<1600000xi32, #tpu.memory_space<hbm>> -> memref<8000xi32, #tpu.memory_space<hbm>>
      %dma_wait3A_543 = arith.constant 0 : i32
      %dma_wait3A_544 = tpu.memref_slice %arg2[%dma_wait3A_543] : memref<1600000xi32, #tpu.memory_space<hbm>> -> memref<8000xi32, #tpu.memory_space<hbm>>
      tpu.wait_dma2 semaphore(%arg16 : memref<!tpu.dma_semaphore, #tpu.memory_space<semaphore_mem>>) src(%dma_wait3A_544 : memref<8000xi32, #tpu.memory_space<hbm>>) dst(%arg8 : memref<8000xi32, #tpu.memory_space<vmem>>)
      %mul3A_545 = arith.constant 8000 : i32
      %mul3A_546 = arith.muli %add3A_540, %mul3A_545 : i32
      %add3A_547 = vector.broadcast %mul3A_546 : i32 to vector<16xi32>
      %add3A_548 = arith.addi %add3A_547, %iota3A : vector<16xi32>
      %scan3A_549 = arith.constant 0 : i32
      %scan3A_550 = arith.constant 496 : i32
      %scan3A_551 = arith.addi %scan3A_549, %scan3A_550 : i32
      %scan3A_552 = arith.constant 8 : i32
      %scan3A_553 = scf.for %scan3A_698 = %scan3A_549 to %scan3A_551 step %scan3A_552 iter_args(%scan3A_699 = %add3A_548) -> (vector<16xi32>)  : i32 {
        %mul3A_700 = arith.constant 16 : i32
        %mul3A_701 = arith.muli %scan3A_698, %mul3A_700 : i32
        %get3A_702 = arith.index_cast %mul3A_701 : i32 to index
        %get3A_703 = tpu.vector_load %arg8[%get3A_702] {strides = array<i32>} : memref<8000xi32, #tpu.memory_space<vmem>>, vector<16xi32>,
        %sub3A_704 = vector.broadcast %mul3A_2 : i32 to vector<16xi32>
        %sub3A_705 = arith.subi %get3A_703, %sub3A_704 : vector<16xi32>
        %bitcast3A_706 = vector.bitcast %sub3A_705 : vector<16xi32> to vector<16xi32>
        %lt3A_707 = arith.constant 50000 : i32
        %lt3A_708 = vector.broadcast %lt3A_707 : i32 to vector<16xi32>
        %lt3A_709 = arith.cmpi ult, %bitcast3A_706, %lt3A_708 : vector<16xi32>
        tpu.vector_store_idx %arg7[%sub3A_705], %scan3A_699 masked %lt3A_709 : memref<50176xi32, #tpu.memory_space<vmem>>[vector<16xi32>], vector<16xi32>, vector<16xi1>
        %add3A_710 = arith.constant 16 : i32
        %add3A_711 = vector.broadcast %add3A_710 : i32 to vector<16xi32>
        %add3A_712 = arith.addi %scan3A_699, %add3A_711 : vector<16xi32>
        %scan3A_713 = arith.constant 1 : i32
        %scan3A_714 = arith.addi %scan3A_698, %scan3A_713 : i32
        %mul3A_715 = arith.constant 16 : i32
        %mul3A_716 = arith.muli %scan3A_714, %mul3A_715 : i32
        %get3A_717 = arith.index_cast %mul3A_716 : i32 to index
        %get3A_718 = tpu.vector_load %arg8[%get3A_717] {strides = array<i32>} : memref<8000xi32, #tpu.memory_space<vmem>>, vector<16xi32>,
        %sub3A_719 = vector.broadcast %mul3A_2 : i32 to vector<16xi32>
        %sub3A_720 = arith.subi %get3A_718, %sub3A_719 : vector<16xi32>
        %bitcast3A_721 = vector.bitcast %sub3A_720 : vector<16xi32> to vector<16xi32>
        %lt3A_722 = arith.constant 50000 : i32
        %lt3A_723 = vector.broadcast %lt3A_722 : i32 to vector<16xi32>
        %lt3A_724 = arith.cmpi ult, %bitcast3A_721, %lt3A_723 : vector<16xi32>
        tpu.vector_store_idx %arg7[%sub3A_720], %add3A_712 masked %lt3A_724 : memref<50176xi32, #tpu.memory_space<vmem>>[vector<16xi32>], vector<16xi32>, vector<16xi1>
        %add3A_725 = arith.constant 16 : i32
        %add3A_726 = vector.broadcast %add3A_725 : i32 to vector<16xi32>
        %add3A_727 = arith.addi %add3A_712, %add3A_726 : vector<16xi32>
        %scan3A_728 = arith.constant 2 : i32
        %scan3A_729 = arith.addi %scan3A_698, %scan3A_728 : i32
        %mul3A_730 = arith.constant 16 : i32
        %mul3A_731 = arith.muli %scan3A_729, %mul3A_730 : i32
        %get3A_732 = arith.index_cast %mul3A_731 : i32 to index
        %get3A_733 = tpu.vector_load %arg8[%get3A_732] {strides = array<i32>} : memref<8000xi32, #tpu.memory_space<vmem>>, vector<16xi32>,
        %sub3A_734 = vector.broadcast %mul3A_2 : i32 to vector<16xi32>
        %sub3A_735 = arith.subi %get3A_733, %sub3A_734 : vector<16xi32>
        %bitcast3A_736 = vector.bitcast %sub3A_735 : vector<16xi32> to vector<16xi32>
        %lt3A_737 = arith.constant 50000 : i32
        %lt3A_738 = vector.broadcast %lt3A_737 : i32 to vector<16xi32>
        %lt3A_739 = arith.cmpi ult, %bitcast3A_736, %lt3A_738 : vector<16xi32>
        tpu.vector_store_idx %arg7[%sub3A_735], %add3A_727 masked %lt3A_739 : memref<50176xi32, #tpu.memory_space<vmem>>[vector<16xi32>], vector<16xi32>, vector<16xi1>
        %add3A_740 = arith.constant 16 : i32
        %add3A_741 = vector.broadcast %add3A_740 : i32 to vector<16xi32>
        %add3A_742 = arith.addi %add3A_727, %add3A_741 : vector<16xi32>
        %scan3A_743 = arith.constant 3 : i32
        %scan3A_744 = arith.addi %scan3A_698, %scan3A_743 : i32
        %mul3A_745 = arith.constant 16 : i32
        %mul3A_746 = arith.muli %scan3A_744, %mul3A_745 : i32
        %get3A_747 = arith.index_cast %mul3A_746 : i32 to index
        %get3A_748 = tpu.vector_load %arg8[%get3A_747] {strides = array<i32>} : memref<8000xi32, #tpu.memory_space<vmem>>, vector<16xi32>,
        %sub3A_749 = vector.broadcast %mul3A_2 : i32 to vector<16xi32>
        %sub3A_750 = arith.subi %get3A_748, %sub3A_749 : vector<16xi32>
        %bitcast3A_751 = vector.bitcast %sub3A_750 : vector<16xi32> to vector<16xi32>
        %lt3A_752 = arith.constant 50000 : i32
        %lt3A_753 = vector.broadcast %lt3A_752 : i32 to vector<16xi32>
        %lt3A_754 = arith.cmpi ult, %bitcast3A_751, %lt3A_753 : vector<16xi32>
        tpu.vector_store_idx %arg7[%sub3A_750], %add3A_742 masked %lt3A_754 : memref<50176xi32, #tpu.memory_space<vmem>>[vector<16xi32>], vector<16xi32>, vector<16xi1>
        %add3A_755 = arith.constant 16 : i32
        %add3A_756 = vector.broadcast %add3A_755 : i32 to vector<16xi32>
        %add3A_757 = arith.addi %add3A_742, %add3A_756 : vector<16xi32>
        %scan3A_758 = arith.constant 4 : i32
        %scan3A_759 = arith.addi %scan3A_698, %scan3A_758 : i32
        %mul3A_760 = arith.constant 16 : i32
        %mul3A_761 = arith.muli %scan3A_759, %mul3A_760 : i32
        %get3A_762 = arith.index_cast %mul3A_761 : i32 to index
        %get3A_763 = tpu.vector_load %arg8[%get3A_762] {strides = array<i32>} : memref<8000xi32, #tpu.memory_space<vmem>>, vector<16xi32>,
        %sub3A_764 = vector.broadcast %mul3A_2 : i32 to vector<16xi32>
        %sub3A_765 = arith.subi %get3A_763, %sub3A_764 : vector<16xi32>
        %bitcast3A_766 = vector.bitcast %sub3A_765 : vector<16xi32> to vector<16xi32>
        %lt3A_767 = arith.constant 50000 : i32
        %lt3A_768 = vector.broadcast %lt3A_767 : i32 to vector<16xi32>
        %lt3A_769 = arith.cmpi ult, %bitcast3A_766, %lt3A_768 : vector<16xi32>
        tpu.vector_store_idx %arg7[%sub3A_765], %add3A_757 masked %lt3A_769 : memref<50176xi32, #tpu.memory_space<vmem>>[vector<16xi32>], vector<16xi32>, vector<16xi1>
        %add3A_770 = arith.constant 16 : i32
        %add3A_771 = vector.broadcast %add3A_770 : i32 to vector<16xi32>
        %add3A_772 = arith.addi %add3A_757, %add3A_771 : vector<16xi32>
        %scan3A_773 = arith.constant 5 : i32
        %scan3A_774 = arith.addi %scan3A_698, %scan3A_773 : i32
        %mul3A_775 = arith.constant 16 : i32
        %mul3A_776 = arith.muli %scan3A_774, %mul3A_775 : i32
        %get3A_777 = arith.index_cast %mul3A_776 : i32 to index
        %get3A_778 = tpu.vector_load %arg8[%get3A_777] {strides = array<i32>} : memref<8000xi32, #tpu.memory_space<vmem>>, vector<16xi32>,
        %sub3A_779 = vector.broadcast %mul3A_2 : i32 to vector<16xi32>
        %sub3A_780 = arith.subi %get3A_778, %sub3A_779 : vector<16xi32>
        %bitcast3A_781 = vector.bitcast %sub3A_780 : vector<16xi32> to vector<16xi32>
        %lt3A_782 = arith.constant 50000 : i32
        %lt3A_783 = vector.broadcast %lt3A_782 : i32 to vector<16xi32>
        %lt3A_784 = arith.cmpi ult, %bitcast3A_781, %lt3A_783 : vector<16xi32>
        tpu.vector_store_idx %arg7[%sub3A_780], %add3A_772 masked %lt3A_784 : memref<50176xi32, #tpu.memory_space<vmem>>[vector<16xi32>], vector<16xi32>, vector<16xi1>
        %add3A_785 = arith.constant 16 : i32
        %add3A_786 = vector.broadcast %add3A_785 : i32 to vector<16xi32>
        %add3A_787 = arith.addi %add3A_772, %add3A_786 : vector<16xi32>
        %scan3A_788 = arith.constant 6 : i32
        %scan3A_789 = arith.addi %scan3A_698, %scan3A_788 : i32
        %mul3A_790 = arith.constant 16 : i32
        %mul3A_791 = arith.muli %scan3A_789, %mul3A_790 : i32
        %get3A_792 = arith.index_cast %mul3A_791 : i32 to index
        %get3A_793 = tpu.vector_load %arg8[%get3A_792] {strides = array<i32>} : memref<8000xi32, #tpu.memory_space<vmem>>, vector<16xi32>,
        %sub3A_794 = vector.broadcast %mul3A_2 : i32 to vector<16xi32>
        %sub3A_795 = arith.subi %get3A_793, %sub3A_794 : vector<16xi32>
        %bitcast3A_796 = vector.bitcast %sub3A_795 : vector<16xi32> to vector<16xi32>
        %lt3A_797 = arith.constant 50000 : i32
        %lt3A_798 = vector.broadcast %lt3A_797 : i32 to vector<16xi32>
        %lt3A_799 = arith.cmpi ult, %bitcast3A_796, %lt3A_798 : vector<16xi32>
        tpu.vector_store_idx %arg7[%sub3A_795], %add3A_787 masked %lt3A_799 : memref<50176xi32, #tpu.memory_space<vmem>>[vector<16xi32>], vector<16xi32>, vector<16xi1>
        %add3A_800 = arith.constant 16 : i32
        %add3A_801 = vector.broadcast %add3A_800 : i32 to vector<16xi32>
        %add3A_802 = arith.addi %add3A_787, %add3A_801 : vector<16xi32>
        %scan3A_803 = arith.constant 7 : i32
        %scan3A_804 = arith.addi %scan3A_698, %scan3A_803 : i32
        %mul3A_805 = arith.constant 16 : i32
        %mul3A_806 = arith.muli %scan3A_804, %mul3A_805 : i32
        %get3A_807 = arith.index_cast %mul3A_806 : i32 to index
        %get3A_808 = tpu.vector_load %arg8[%get3A_807] {strides = array<i32>} : memref<8000xi32, #tpu.memory_space<vmem>>, vector<16xi32>,
        %sub3A_809 = vector.broadcast %mul3A_2 : i32 to vector<16xi32>
        %sub3A_810 = arith.subi %get3A_808, %sub3A_809 : vector<16xi32>
        %bitcast3A_811 = vector.bitcast %sub3A_810 : vector<16xi32> to vector<16xi32>
        %lt3A_812 = arith.constant 50000 : i32
        %lt3A_813 = vector.broadcast %lt3A_812 : i32 to vector<16xi32>
        %lt3A_814 = arith.cmpi ult, %bitcast3A_811, %lt3A_813 : vector<16xi32>
        tpu.vector_store_idx %arg7[%sub3A_810], %add3A_802 masked %lt3A_814 : memref<50176xi32, #tpu.memory_space<vmem>>[vector<16xi32>], vector<16xi32>, vector<16xi1>
        %add3A_815 = arith.constant 16 : i32
        %add3A_816 = vector.broadcast %add3A_815 : i32 to vector<16xi32>
        %add3A_817 = arith.addi %add3A_802, %add3A_816 : vector<16xi32>
        scf.yield %add3A_817 : vector<16xi32>
      }
      %scan3A_554 = arith.constant 496 : i32
      %scan3A_555 = arith.addi %scan3A_549, %scan3A_554 : i32
      %mul3A_556 = arith.constant 16 : i32
      %mul3A_557 = arith.muli %scan3A_555, %mul3A_556 : i32
      %get3A = arith.index_cast %mul3A_557 : i32 to index
      %get3A_558 = tpu.vector_load %arg8[%get3A] {strides = array<i32>} : memref<8000xi32, #tpu.memory_space<vmem>>, vector<16xi32>,
      %sub3A = vector.broadcast %mul3A_2 : i32 to vector<16xi32>
      %sub3A_559 = arith.subi %get3A_558, %sub3A : vector<16xi32>
      %bitcast3A = vector.bitcast %sub3A_559 : vector<16xi32> to vector<16xi32>
      %lt3A = arith.constant 50000 : i32
      %lt3A_560 = vector.broadcast %lt3A : i32 to vector<16xi32>
      %lt3A_561 = arith.cmpi ult, %bitcast3A, %lt3A_560 : vector<16xi32>
      tpu.vector_store_idx %arg7[%sub3A_559], %scan3A_553 masked %lt3A_561 : memref<50176xi32, #tpu.memory_space<vmem>>[vector<16xi32>], vector<16xi32>, vector<16xi1>
      %add3A_562 = arith.constant 16 : i32
      %add3A_563 = vector.broadcast %add3A_562 : i32 to vector<16xi32>
      %add3A_564 = arith.addi %scan3A_553, %add3A_563 : vector<16xi32>
      %scan3A_565 = arith.constant 497 : i32
      %scan3A_566 = arith.addi %scan3A_549, %scan3A_565 : i32
      %mul3A_567 = arith.constant 16 : i32
      %mul3A_568 = arith.muli %scan3A_566, %mul3A_567 : i32
      %get3A_569 = arith.index_cast %mul3A_568 : i32 to index
      %get3A_570 = tpu.vector_load %arg8[%get3A_569] {strides = array<i32>} : memref<8000xi32, #tpu.memory_space<vmem>>, vector<16xi32>,
      %sub3A_571 = vector.broadcast %mul3A_2 : i32 to vector<16xi32>
      %sub3A_572 = arith.subi %get3A_570, %sub3A_571 : vector<16xi32>
      %bitcast3A_573 = vector.bitcast %sub3A_572 : vector<16xi32> to vector<16xi32>
      %lt3A_574 = arith.constant 50000 : i32
      %lt3A_575 = vector.broadcast %lt3A_574 : i32 to vector<16xi32>
      %lt3A_576 = arith.cmpi ult, %bitcast3A_573, %lt3A_575 : vector<16xi32>
      tpu.vector_store_idx %arg7[%sub3A_572], %add3A_564 masked %lt3A_576 : memref<50176xi32, #tpu.memory_space<vmem>>[vector<16xi32>], vector<16xi32>, vector<16xi1>
      %add3A_577 = arith.constant 16 : i32
      %add3A_578 = vector.broadcast %add3A_577 : i32 to vector<16xi32>
      %add3A_579 = arith.addi %add3A_564, %add3A_578 : vector<16xi32>
      %scan3A_580 = arith.constant 498 : i32
      %scan3A_581 = arith.addi %scan3A_549, %scan3A_580 : i32
      %mul3A_582 = arith.constant 16 : i32
      %mul3A_583 = arith.muli %scan3A_581, %mul3A_582 : i32
      %get3A_584 = arith.index_cast %mul3A_583 : i32 to index
      %get3A_585 = tpu.vector_load %arg8[%get3A_584] {strides = array<i32>} : memref<8000xi32, #tpu.memory_space<vmem>>, vector<16xi32>,
      %sub3A_586 = vector.broadcast %mul3A_2 : i32 to vector<16xi32>
      %sub3A_587 = arith.subi %get3A_585, %sub3A_586 : vector<16xi32>
      %bitcast3A_588 = vector.bitcast %sub3A_587 : vector<16xi32> to vector<16xi32>
      %lt3A_589 = arith.constant 50000 : i32
      %lt3A_590 = vector.broadcast %lt3A_589 : i32 to vector<16xi32>
      %lt3A_591 = arith.cmpi ult, %bitcast3A_588, %lt3A_590 : vector<16xi32>
      tpu.vector_store_idx %arg7[%sub3A_587], %add3A_579 masked %lt3A_591 : memref<50176xi32, #tpu.memory_space<vmem>>[vector<16xi32>], vector<16xi32>, vector<16xi1>
      %add3A_592 = arith.constant 16 : i32
      %add3A_593 = vector.broadcast %add3A_592 : i32 to vector<16xi32>
      %add3A_594 = arith.addi %add3A_579, %add3A_593 : vector<16xi32>
      %scan3A_595 = arith.constant 499 : i32
      %scan3A_596 = arith.addi %scan3A_549, %scan3A_595 : i32
      %mul3A_597 = arith.constant 16 : i32
      %mul3A_598 = arith.muli %scan3A_596, %mul3A_597 : i32
      %get3A_599 = arith.index_cast %mul3A_598 : i32 to index
      %get3A_600 = tpu.vector_load %arg8[%get3A_599] {strides = array<i32>} : memref<8000xi32, #tpu.memory_space<vmem>>, vector<16xi32>,
      %sub3A_601 = vector.broadcast %mul3A_2 : i32 to vector<16xi32>
      %sub3A_602 = arith.subi %get3A_600, %sub3A_601 : vector<16xi32>
      %bitcast3A_603 = vector.bitcast %sub3A_602 : vector<16xi32> to vector<16xi32>
      %lt3A_604 = arith.constant 50000 : i32
      %lt3A_605 = vector.broadcast %lt3A_604 : i32 to vector<16xi32>
      %lt3A_606 = arith.cmpi ult, %bitcast3A_603, %lt3A_605 : vector<16xi32>
      tpu.vector_store_idx %arg7[%sub3A_602], %add3A_594 masked %lt3A_606 : memref<50176xi32, #tpu.memory_space<vmem>>[vector<16xi32>], vector<16xi32>, vector<16xi1>
      %add3A_607 = arith.constant 16 : i32
      %add3A_608 = vector.broadcast %add3A_607 : i32 to vector<16xi32>
      %add3A_609 = arith.addi %add3A_594, %add3A_608 : vector<16xi32>
      %scan3A_610 = arith.constant 500 : i32
      %lt3A_611 = arith.constant 198 : i32
      %lt3A_612 = arith.cmpi slt, %add3A_540, %lt3A_611 : i32
      %convert_element_type3A = arith.extui %lt3A_612 : i1 to i32
      %cond3A = arith.constant 0 : i32
      %cond3A_613 = arith.cmpi ne, %convert_element_type3A, %cond3A : i32
      scf.if %cond3A_613 {
        %add3A_698 = arith.constant 2 : i32
        %add3A_699 = arith.addi %add3A_540, %add3A_698 : i32
        %mul3A_700 = arith.constant 8000 : i32
        %mul3A_701 = arith.muli %add3A_699, %mul3A_700 : i32
        %dma_start3A_702 = tpu.memref_slice %arg2[%mul3A_701] : memref<1600000xi32, #tpu.memory_space<hbm>> -> memref<8000xi32, #tpu.memory_space<hbm>>
        %dma_start3A_703 = tpu.memref_slice %arg2[%mul3A_701] : memref<1600000xi32, #tpu.memory_space<hbm>> -> memref<8000xi32, #tpu.memory_space<hbm>>
        tpu.enqueue_dma source(%dma_start3A_703 : memref<8000xi32, #tpu.memory_space<hbm>>) target(%arg8 : memref<8000xi32, #tpu.memory_space<vmem>>) target_semaphore(%arg16 : memref<!tpu.dma_semaphore, #tpu.memory_space<semaphore_mem>>)
      } else {
      }
      %mul3A_614 = arith.constant 2 : i32
      %mul3A_615 = arith.muli %scan3A_535, %mul3A_614 : i32
      %add3A_616 = arith.constant 1 : i32
      %add3A_617 = arith.addi %mul3A_615, %add3A_616 : i32
      %dma_wait3A_618 = arith.constant 0 : i32
      %dma_wait3A_619 = tpu.memref_slice %arg2[%dma_wait3A_618] : memref<1600000xi32, #tpu.memory_space<hbm>> -> memref<8000xi32, #tpu.memory_space<hbm>>
      %dma_wait3A_620 = arith.constant 0 : i32
      %dma_wait3A_621 = tpu.memref_slice %arg2[%dma_wait3A_620] : memref<1600000xi32, #tpu.memory_space<hbm>> -> memref<8000xi32, #tpu.memory_space<hbm>>
      tpu.wait_dma2 semaphore(%arg17 : memref<!tpu.dma_semaphore, #tpu.memory_space<semaphore_mem>>) src(%dma_wait3A_621 : memref<8000xi32, #tpu.memory_space<hbm>>) dst(%arg9 : memref<8000xi32, #tpu.memory_space<vmem>>)
      %mul3A_622 = arith.constant 8000 : i32
      %mul3A_623 = arith.muli %add3A_617, %mul3A_622 : i32
      %add3A_624 = vector.broadcast %mul3A_623 : i32 to vector<16xi32>
      %add3A_625 = arith.addi %add3A_624, %iota3A : vector<16xi32>
      %scan3A_626 = arith.constant 0 : i32
      %scan3A_627 = arith.constant 496 : i32
      %scan3A_628 = arith.addi %scan3A_626, %scan3A_627 : i32
      %scan3A_629 = arith.constant 8 : i32
      %scan3A_630 = scf.for %scan3A_698 = %scan3A_626 to %scan3A_628 step %scan3A_629 iter_args(%scan3A_699 = %add3A_625) -> (vector<16xi32>)  : i32 {
        %mul3A_700 = arith.constant 16 : i32
        %mul3A_701 = arith.muli %scan3A_698, %mul3A_700 : i32
        %get3A_702 = arith.index_cast %mul3A_701 : i32 to index
        %get3A_703 = tpu.vector_load %arg9[%get3A_702] {strides = array<i32>} : memref<8000xi32, #tpu.memory_space<vmem>>, vector<16xi32>,
        %sub3A_704 = vector.broadcast %mul3A_2 : i32 to vector<16xi32>
        %sub3A_705 = arith.subi %get3A_703, %sub3A_704 : vector<16xi32>
        %bitcast3A_706 = vector.bitcast %sub3A_705 : vector<16xi32> to vector<16xi32>
        %lt3A_707 = arith.constant 50000 : i32
        %lt3A_708 = vector.broadcast %lt3A_707 : i32 to vector<16xi32>
        %lt3A_709 = arith.cmpi ult, %bitcast3A_706, %lt3A_708 : vector<16xi32>
        tpu.vector_store_idx %arg7[%sub3A_705], %scan3A_699 masked %lt3A_709 : memref<50176xi32, #tpu.memory_space<vmem>>[vector<16xi32>], vector<16xi32>, vector<16xi1>
        %add3A_710 = arith.constant 16 : i32
        %add3A_711 = vector.broadcast %add3A_710 : i32 to vector<16xi32>
        %add3A_712 = arith.addi %scan3A_699, %add3A_711 : vector<16xi32>
        %scan3A_713 = arith.constant 1 : i32
        %scan3A_714 = arith.addi %scan3A_698, %scan3A_713 : i32
        %mul3A_715 = arith.constant 16 : i32
        %mul3A_716 = arith.muli %scan3A_714, %mul3A_715 : i32
        %get3A_717 = arith.index_cast %mul3A_716 : i32 to index
        %get3A_718 = tpu.vector_load %arg9[%get3A_717] {strides = array<i32>} : memref<8000xi32, #tpu.memory_space<vmem>>, vector<16xi32>,
        %sub3A_719 = vector.broadcast %mul3A_2 : i32 to vector<16xi32>
        %sub3A_720 = arith.subi %get3A_718, %sub3A_719 : vector<16xi32>
        %bitcast3A_721 = vector.bitcast %sub3A_720 : vector<16xi32> to vector<16xi32>
        %lt3A_722 = arith.constant 50000 : i32
        %lt3A_723 = vector.broadcast %lt3A_722 : i32 to vector<16xi32>
        %lt3A_724 = arith.cmpi ult, %bitcast3A_721, %lt3A_723 : vector<16xi32>
        tpu.vector_store_idx %arg7[%sub3A_720], %add3A_712 masked %lt3A_724 : memref<50176xi32, #tpu.memory_space<vmem>>[vector<16xi32>], vector<16xi32>, vector<16xi1>
        %add3A_725 = arith.constant 16 : i32
        %add3A_726 = vector.broadcast %add3A_725 : i32 to vector<16xi32>
        %add3A_727 = arith.addi %add3A_712, %add3A_726 : vector<16xi32>
        %scan3A_728 = arith.constant 2 : i32
        %scan3A_729 = arith.addi %scan3A_698, %scan3A_728 : i32
        %mul3A_730 = arith.constant 16 : i32
        %mul3A_731 = arith.muli %scan3A_729, %mul3A_730 : i32
        %get3A_732 = arith.index_cast %mul3A_731 : i32 to index
        %get3A_733 = tpu.vector_load %arg9[%get3A_732] {strides = array<i32>} : memref<8000xi32, #tpu.memory_space<vmem>>, vector<16xi32>,
        %sub3A_734 = vector.broadcast %mul3A_2 : i32 to vector<16xi32>
        %sub3A_735 = arith.subi %get3A_733, %sub3A_734 : vector<16xi32>
        %bitcast3A_736 = vector.bitcast %sub3A_735 : vector<16xi32> to vector<16xi32>
        %lt3A_737 = arith.constant 50000 : i32
        %lt3A_738 = vector.broadcast %lt3A_737 : i32 to vector<16xi32>
        %lt3A_739 = arith.cmpi ult, %bitcast3A_736, %lt3A_738 : vector<16xi32>
        tpu.vector_store_idx %arg7[%sub3A_735], %add3A_727 masked %lt3A_739 : memref<50176xi32, #tpu.memory_space<vmem>>[vector<16xi32>], vector<16xi32>, vector<16xi1>
        %add3A_740 = arith.constant 16 : i32
        %add3A_741 = vector.broadcast %add3A_740 : i32 to vector<16xi32>
        %add3A_742 = arith.addi %add3A_727, %add3A_741 : vector<16xi32>
        %scan3A_743 = arith.constant 3 : i32
        %scan3A_744 = arith.addi %scan3A_698, %scan3A_743 : i32
        %mul3A_745 = arith.constant 16 : i32
        %mul3A_746 = arith.muli %scan3A_744, %mul3A_745 : i32
        %get3A_747 = arith.index_cast %mul3A_746 : i32 to index
        %get3A_748 = tpu.vector_load %arg9[%get3A_747] {strides = array<i32>} : memref<8000xi32, #tpu.memory_space<vmem>>, vector<16xi32>,
        %sub3A_749 = vector.broadcast %mul3A_2 : i32 to vector<16xi32>
        %sub3A_750 = arith.subi %get3A_748, %sub3A_749 : vector<16xi32>
        %bitcast3A_751 = vector.bitcast %sub3A_750 : vector<16xi32> to vector<16xi32>
        %lt3A_752 = arith.constant 50000 : i32
        %lt3A_753 = vector.broadcast %lt3A_752 : i32 to vector<16xi32>
        %lt3A_754 = arith.cmpi ult, %bitcast3A_751, %lt3A_753 : vector<16xi32>
        tpu.vector_store_idx %arg7[%sub3A_750], %add3A_742 masked %lt3A_754 : memref<50176xi32, #tpu.memory_space<vmem>>[vector<16xi32>], vector<16xi32>, vector<16xi1>
        %add3A_755 = arith.constant 16 : i32
        %add3A_756 = vector.broadcast %add3A_755 : i32 to vector<16xi32>
        %add3A_757 = arith.addi %add3A_742, %add3A_756 : vector<16xi32>
        %scan3A_758 = arith.constant 4 : i32
        %scan3A_759 = arith.addi %scan3A_698, %scan3A_758 : i32
        %mul3A_760 = arith.constant 16 : i32
        %mul3A_761 = arith.muli %scan3A_759, %mul3A_760 : i32
        %get3A_762 = arith.index_cast %mul3A_761 : i32 to index
        %get3A_763 = tpu.vector_load %arg9[%get3A_762] {strides = array<i32>} : memref<8000xi32, #tpu.memory_space<vmem>>, vector<16xi32>,
        %sub3A_764 = vector.broadcast %mul3A_2 : i32 to vector<16xi32>
        %sub3A_765 = arith.subi %get3A_763, %sub3A_764 : vector<16xi32>
        %bitcast3A_766 = vector.bitcast %sub3A_765 : vector<16xi32> to vector<16xi32>
        %lt3A_767 = arith.constant 50000 : i32
        %lt3A_768 = vector.broadcast %lt3A_767 : i32 to vector<16xi32>
        %lt3A_769 = arith.cmpi ult, %bitcast3A_766, %lt3A_768 : vector<16xi32>
        tpu.vector_store_idx %arg7[%sub3A_765], %add3A_757 masked %lt3A_769 : memref<50176xi32, #tpu.memory_space<vmem>>[vector<16xi32>], vector<16xi32>, vector<16xi1>
        %add3A_770 = arith.constant 16 : i32
        %add3A_771 = vector.broadcast %add3A_770 : i32 to vector<16xi32>
        %add3A_772 = arith.addi %add3A_757, %add3A_771 : vector<16xi32>
        %scan3A_773 = arith.constant 5 : i32
        %scan3A_774 = arith.addi %scan3A_698, %scan3A_773 : i32
        %mul3A_775 = arith.constant 16 : i32
        %mul3A_776 = arith.muli %scan3A_774, %mul3A_775 : i32
        %get3A_777 = arith.index_cast %mul3A_776 : i32 to index
        %get3A_778 = tpu.vector_load %arg9[%get3A_777] {strides = array<i32>} : memref<8000xi32, #tpu.memory_space<vmem>>, vector<16xi32>,
        %sub3A_779 = vector.broadcast %mul3A_2 : i32 to vector<16xi32>
        %sub3A_780 = arith.subi %get3A_778, %sub3A_779 : vector<16xi32>
        %bitcast3A_781 = vector.bitcast %sub3A_780 : vector<16xi32> to vector<16xi32>
        %lt3A_782 = arith.constant 50000 : i32
        %lt3A_783 = vector.broadcast %lt3A_782 : i32 to vector<16xi32>
        %lt3A_784 = arith.cmpi ult, %bitcast3A_781, %lt3A_783 : vector<16xi32>
        tpu.vector_store_idx %arg7[%sub3A_780], %add3A_772 masked %lt3A_784 : memref<50176xi32, #tpu.memory_space<vmem>>[vector<16xi32>], vector<16xi32>, vector<16xi1>
        %add3A_785 = arith.constant 16 : i32
        %add3A_786 = vector.broadcast %add3A_785 : i32 to vector<16xi32>
        %add3A_787 = arith.addi %add3A_772, %add3A_786 : vector<16xi32>
        %scan3A_788 = arith.constant 6 : i32
        %scan3A_789 = arith.addi %scan3A_698, %scan3A_788 : i32
        %mul3A_790 = arith.constant 16 : i32
        %mul3A_791 = arith.muli %scan3A_789, %mul3A_790 : i32
        %get3A_792 = arith.index_cast %mul3A_791 : i32 to index
        %get3A_793 = tpu.vector_load %arg9[%get3A_792] {strides = array<i32>} : memref<8000xi32, #tpu.memory_space<vmem>>, vector<16xi32>,
        %sub3A_794 = vector.broadcast %mul3A_2 : i32 to vector<16xi32>
        %sub3A_795 = arith.subi %get3A_793, %sub3A_794 : vector<16xi32>
        %bitcast3A_796 = vector.bitcast %sub3A_795 : vector<16xi32> to vector<16xi32>
        %lt3A_797 = arith.constant 50000 : i32
        %lt3A_798 = vector.broadcast %lt3A_797 : i32 to vector<16xi32>
        %lt3A_799 = arith.cmpi ult, %bitcast3A_796, %lt3A_798 : vector<16xi32>
        tpu.vector_store_idx %arg7[%sub3A_795], %add3A_787 masked %lt3A_799 : memref<50176xi32, #tpu.memory_space<vmem>>[vector<16xi32>], vector<16xi32>, vector<16xi1>
        %add3A_800 = arith.constant 16 : i32
        %add3A_801 = vector.broadcast %add3A_800 : i32 to vector<16xi32>
        %add3A_802 = arith.addi %add3A_787, %add3A_801 : vector<16xi32>
        %scan3A_803 = arith.constant 7 : i32
        %scan3A_804 = arith.addi %scan3A_698, %scan3A_803 : i32
        %mul3A_805 = arith.constant 16 : i32
        %mul3A_806 = arith.muli %scan3A_804, %mul3A_805 : i32
        %get3A_807 = arith.index_cast %mul3A_806 : i32 to index
        %get3A_808 = tpu.vector_load %arg9[%get3A_807] {strides = array<i32>} : memref<8000xi32, #tpu.memory_space<vmem>>, vector<16xi32>,
        %sub3A_809 = vector.broadcast %mul3A_2 : i32 to vector<16xi32>
        %sub3A_810 = arith.subi %get3A_808, %sub3A_809 : vector<16xi32>
        %bitcast3A_811 = vector.bitcast %sub3A_810 : vector<16xi32> to vector<16xi32>
        %lt3A_812 = arith.constant 50000 : i32
        %lt3A_813 = vector.broadcast %lt3A_812 : i32 to vector<16xi32>
        %lt3A_814 = arith.cmpi ult, %bitcast3A_811, %lt3A_813 : vector<16xi32>
        tpu.vector_store_idx %arg7[%sub3A_810], %add3A_802 masked %lt3A_814 : memref<50176xi32, #tpu.memory_space<vmem>>[vector<16xi32>], vector<16xi32>, vector<16xi1>
        %add3A_815 = arith.constant 16 : i32
        %add3A_816 = vector.broadcast %add3A_815 : i32 to vector<16xi32>
        %add3A_817 = arith.addi %add3A_802, %add3A_816 : vector<16xi32>
        scf.yield %add3A_817 : vector<16xi32>
      }
      %scan3A_631 = arith.constant 496 : i32
      %scan3A_632 = arith.addi %scan3A_626, %scan3A_631 : i32
      %mul3A_633 = arith.constant 16 : i32
      %mul3A_634 = arith.muli %scan3A_632, %mul3A_633 : i32
      %get3A_635 = arith.index_cast %mul3A_634 : i32 to index
      %get3A_636 = tpu.vector_load %arg9[%get3A_635] {strides = array<i32>} : memref<8000xi32, #tpu.memory_space<vmem>>, vector<16xi32>,
      %sub3A_637 = vector.broadcast %mul3A_2 : i32 to vector<16xi32>
      %sub3A_638 = arith.subi %get3A_636, %sub3A_637 : vector<16xi32>
      %bitcast3A_639 = vector.bitcast %sub3A_638 : vector<16xi32> to vector<16xi32>
      %lt3A_640 = arith.constant 50000 : i32
      %lt3A_641 = vector.broadcast %lt3A_640 : i32 to vector<16xi32>
      %lt3A_642 = arith.cmpi ult, %bitcast3A_639, %lt3A_641 : vector<16xi32>
      tpu.vector_store_idx %arg7[%sub3A_638], %scan3A_630 masked %lt3A_642 : memref<50176xi32, #tpu.memory_space<vmem>>[vector<16xi32>], vector<16xi32>, vector<16xi1>
      %add3A_643 = arith.constant 16 : i32
      %add3A_644 = vector.broadcast %add3A_643 : i32 to vector<16xi32>
      %add3A_645 = arith.addi %scan3A_630, %add3A_644 : vector<16xi32>
      %scan3A_646 = arith.constant 497 : i32
      %scan3A_647 = arith.addi %scan3A_626, %scan3A_646 : i32
      %mul3A_648 = arith.constant 16 : i32
      %mul3A_649 = arith.muli %scan3A_647, %mul3A_648 : i32
      %get3A_650 = arith.index_cast %mul3A_649 : i32 to index
      %get3A_651 = tpu.vector_load %arg9[%get3A_650] {strides = array<i32>} : memref<8000xi32, #tpu.memory_space<vmem>>, vector<16xi32>,
      %sub3A_652 = vector.broadcast %mul3A_2 : i32 to vector<16xi32>
      %sub3A_653 = arith.subi %get3A_651, %sub3A_652 : vector<16xi32>
      %bitcast3A_654 = vector.bitcast %sub3A_653 : vector<16xi32> to vector<16xi32>
      %lt3A_655 = arith.constant 50000 : i32
      %lt3A_656 = vector.broadcast %lt3A_655 : i32 to vector<16xi32>
      %lt3A_657 = arith.cmpi ult, %bitcast3A_654, %lt3A_656 : vector<16xi32>
      tpu.vector_store_idx %arg7[%sub3A_653], %add3A_645 masked %lt3A_657 : memref<50176xi32, #tpu.memory_space<vmem>>[vector<16xi32>], vector<16xi32>, vector<16xi1>
      %add3A_658 = arith.constant 16 : i32
      %add3A_659 = vector.broadcast %add3A_658 : i32 to vector<16xi32>
      %add3A_660 = arith.addi %add3A_645, %add3A_659 : vector<16xi32>
      %scan3A_661 = arith.constant 498 : i32
      %scan3A_662 = arith.addi %scan3A_626, %scan3A_661 : i32
      %mul3A_663 = arith.constant 16 : i32
      %mul3A_664 = arith.muli %scan3A_662, %mul3A_663 : i32
      %get3A_665 = arith.index_cast %mul3A_664 : i32 to index
      %get3A_666 = tpu.vector_load %arg9[%get3A_665] {strides = array<i32>} : memref<8000xi32, #tpu.memory_space<vmem>>, vector<16xi32>,
      %sub3A_667 = vector.broadcast %mul3A_2 : i32 to vector<16xi32>
      %sub3A_668 = arith.subi %get3A_666, %sub3A_667 : vector<16xi32>
      %bitcast3A_669 = vector.bitcast %sub3A_668 : vector<16xi32> to vector<16xi32>
      %lt3A_670 = arith.constant 50000 : i32
      %lt3A_671 = vector.broadcast %lt3A_670 : i32 to vector<16xi32>
      %lt3A_672 = arith.cmpi ult, %bitcast3A_669, %lt3A_671 : vector<16xi32>
      tpu.vector_store_idx %arg7[%sub3A_668], %add3A_660 masked %lt3A_672 : memref<50176xi32, #tpu.memory_space<vmem>>[vector<16xi32>], vector<16xi32>, vector<16xi1>
      %add3A_673 = arith.constant 16 : i32
      %add3A_674 = vector.broadcast %add3A_673 : i32 to vector<16xi32>
      %add3A_675 = arith.addi %add3A_660, %add3A_674 : vector<16xi32>
      %scan3A_676 = arith.constant 499 : i32
      %scan3A_677 = arith.addi %scan3A_626, %scan3A_676 : i32
      %mul3A_678 = arith.constant 16 : i32
      %mul3A_679 = arith.muli %scan3A_677, %mul3A_678 : i32
      %get3A_680 = arith.index_cast %mul3A_679 : i32 to index
      %get3A_681 = tpu.vector_load %arg9[%get3A_680] {strides = array<i32>} : memref<8000xi32, #tpu.memory_space<vmem>>, vector<16xi32>,
      %sub3A_682 = vector.broadcast %mul3A_2 : i32 to vector<16xi32>
      %sub3A_683 = arith.subi %get3A_681, %sub3A_682 : vector<16xi32>
      %bitcast3A_684 = vector.bitcast %sub3A_683 : vector<16xi32> to vector<16xi32>
      %lt3A_685 = arith.constant 50000 : i32
      %lt3A_686 = vector.broadcast %lt3A_685 : i32 to vector<16xi32>
      %lt3A_687 = arith.cmpi ult, %bitcast3A_684, %lt3A_686 : vector<16xi32>
      tpu.vector_store_idx %arg7[%sub3A_683], %add3A_675 masked %lt3A_687 : memref<50176xi32, #tpu.memory_space<vmem>>[vector<16xi32>], vector<16xi32>, vector<16xi1>
      %add3A_688 = arith.constant 16 : i32
      %add3A_689 = vector.broadcast %add3A_688 : i32 to vector<16xi32>
      %add3A_690 = arith.addi %add3A_675, %add3A_689 : vector<16xi32>
      %scan3A_691 = arith.constant 500 : i32
      %lt3A_692 = arith.constant 198 : i32
      %lt3A_693 = arith.cmpi slt, %add3A_617, %lt3A_692 : i32
      %convert_element_type3A_694 = arith.extui %lt3A_693 : i1 to i32
      %cond3A_695 = arith.constant 0 : i32
      %cond3A_696 = arith.cmpi ne, %convert_element_type3A_694, %cond3A_695 : i32
      scf.if %cond3A_696 {
        %add3A_698 = arith.constant 2 : i32
        %add3A_699 = arith.addi %add3A_617, %add3A_698 : i32
        %mul3A_700 = arith.constant 8000 : i32
        %mul3A_701 = arith.muli %add3A_699, %mul3A_700 : i32
        %dma_start3A_702 = tpu.memref_slice %arg2[%mul3A_701] : memref<1600000xi32, #tpu.memory_space<hbm>> -> memref<8000xi32, #tpu.memory_space<hbm>>
        %dma_start3A_703 = tpu.memref_slice %arg2[%mul3A_701] : memref<1600000xi32, #tpu.memory_space<hbm>> -> memref<8000xi32, #tpu.memory_space<hbm>>
        tpu.enqueue_dma source(%dma_start3A_703 : memref<8000xi32, #tpu.memory_space<hbm>>) target(%arg9 : memref<8000xi32, #tpu.memory_space<vmem>>) target_semaphore(%arg17 : memref<!tpu.dma_semaphore, #tpu.memory_space<semaphore_mem>>)
      } else {
      }
      %scan3A_697 = arith.constant 0 : i32
      scf.yield %scan3A_697 : i32
    }
    %scan3A_23 = arith.constant 100 : i32
    %scan3A_24 = arith.constant 0 : i32
    %scan3A_25 = arith.constant 0 : i32
    %scan3A_26 = arith.constant 48 : i32
    %scan3A_27 = arith.addi %scan3A_25, %scan3A_26 : i32
    %scan3A_28 = arith.constant 1 : i32
    %scan3A_29 = scf.for %scan3A_535 = %scan3A_25 to %scan3A_27 step %scan3A_28 iter_args(%scan3A_536 = %scan3A_24) -> (i32)  : i32 {
      %mul3A_537 = arith.constant 1024 : i32
      %mul3A_538 = arith.muli %scan3A_535, %mul3A_537 : i32
      %add3A_539 = arith.addi %mul3A_2, %mul3A_538 : i32
      %scan3A_540 = arith.constant 0 : i32
      %scan3A_541 = arith.constant 0 : i32
      %scan3A_542 = arith.constant 8 : i32
      %scan3A_543 = arith.addi %scan3A_541, %scan3A_542 : i32
      %scan3A_544 = arith.constant 1 : i32
      %scan3A_545 = scf.for %scan3A_1044 = %scan3A_541 to %scan3A_543 step %scan3A_544 iter_args(%scan3A_1045 = %scan3A_540) -> (i32)  : i32 {
        %mul3A_1046 = arith.constant 16 : i32
        %mul3A_1047 = arith.muli %scan3A_1044, %mul3A_1046 : i32
        %add3A_1048 = arith.constant 0 : i32
        %add3A_1049 = arith.addi %add3A_1048, %mul3A_1047 : i32
        %mul3A_1050 = arith.constant 1024 : i32
        %mul3A_1051 = arith.muli %scan3A_535, %mul3A_1050 : i32
        %add3A_1052 = arith.addi %mul3A_1051, %add3A_1049 : i32
        %get3A = arith.index_cast %add3A_1052 : i32 to index
        %get3A_1053 = tpu.vector_load %arg7[%get3A] {strides = array<i32>} : memref<50176xi32, #tpu.memory_space<vmem>>, vector<16xi32>,
        %add3A_1054 = arith.addi %add3A_539, %add3A_1049 : i32
        %add3A_1055 = vector.broadcast %add3A_1054 : i32 to vector<16xi32>
        %add3A_1056 = arith.addi %add3A_1055, %iota3A : vector<16xi32>
        %ge3A = arith.constant 0 : i32
        %ge3A_1057 = vector.broadcast %ge3A : i32 to vector<16xi32>
        %ge3A_1058 = arith.cmpi sge, %get3A_1053, %ge3A_1057 : vector<16xi32>
        %select_n3A = arith.select %ge3A_1058, %get3A_1053, %add3A_1056 : vector<16xi1>, vector<16xi32>
        %mul3A_1059 = arith.constant 16 : i32
        %mul3A_1060 = arith.muli %scan3A_1044, %mul3A_1059 : i32
        %swap3A = arith.constant 0 : i32
        %swap3A_1061 = arith.index_cast %swap3A : i32 to index
        %swap3A_1062 = arith.index_cast %mul3A_1060 : i32 to index
        %swap3A_1063 = tpu.vector_load %arg10[%swap3A_1061, %swap3A_1062] {strides = array<i32>} : memref<8x128xi32, #tpu.memory_space<vmem>>, vector<16xi32>,
        tpu.vector_store %arg10[%swap3A_1061, %swap3A_1062], %select_n3A {strides = array<i32>} : memref<8x128xi32, #tpu.memory_space<vmem>>, vector<16xi32>,
        %scan3A_1064 = arith.constant 0 : i32
        scf.yield %scan3A_1064 : i32
      }
      %scan3A_546 = arith.constant 8 : i32
      %dma_start3A_547 = arith.constant 0 : i32
      %dma_start3A_548 = arith.constant 0 : i32
      %dma_start3A_549 = tpu.memref_slice %arg13[%dma_start3A_548] : memref<1024xi32, #tpu.memory_space<vmem>> -> memref<128xi32, #tpu.memory_space<vmem>>
      %dma_start3A_550 = arith.constant 0 : i32
      %dma_start3A_551 = tpu.memref_slice %arg10[%dma_start3A_547, %dma_start3A_550] : memref<8x128xi32, #tpu.memory_space<vmem>> -> memref<1x128xi32, #tpu.memory_space<vmem>>
      %dma_start3A_552 = tpu.memref_squeeze %dma_start3A_551 : memref<1x128xi32, #tpu.memory_space<vmem>> -> memref<128xi32, #tpu.memory_space<vmem>>
      %dma_start3A_553 = arith.constant 0 : i32
      %dma_start3A_554 = tpu.memref_slice %arg3[%dma_start3A_553] : memref<1600000xi32, #tpu.memory_space<hbm>> -> memref<1600000xi32, #tpu.memory_space<hbm>>
      tpu.enqueue_indirect_dma source(%dma_start3A_554 : memref<1600000xi32, #tpu.memory_space<hbm>>) target(%dma_start3A_549 : memref<128xi32, #tpu.memory_space<vmem>>) offsets(%dma_start3A_552 : memref<128xi32, #tpu.memory_space<vmem>>) semaphore(%arg18 : memref<!tpu.dma_semaphore, #tpu.memory_space<semaphore_mem>>)
      %scan3A_555 = arith.constant 0 : i32
      %scan3A_556 = arith.constant 0 : i32
      %scan3A_557 = arith.constant 8 : i32
      %scan3A_558 = arith.addi %scan3A_556, %scan3A_557 : i32
      %scan3A_559 = arith.constant 1 : i32
      %scan3A_560 = scf.for %scan3A_1044 = %scan3A_556 to %scan3A_558 step %scan3A_559 iter_args(%scan3A_1045 = %scan3A_555) -> (i32)  : i32 {
        %mul3A_1046 = arith.constant 16 : i32
        %mul3A_1047 = arith.muli %scan3A_1044, %mul3A_1046 : i32
        %add3A_1048 = arith.constant 128 : i32
        %add3A_1049 = arith.addi %add3A_1048, %mul3A_1047 : i32
        %mul3A_1050 = arith.constant 1024 : i32
        %mul3A_1051 = arith.muli %scan3A_535, %mul3A_1050 : i32
        %add3A_1052 = arith.addi %mul3A_1051, %add3A_1049 : i32
        %get3A = arith.index_cast %add3A_1052 : i32 to index
        %get3A_1053 = tpu.vector_load %arg7[%get3A] {strides = array<i32>} : memref<50176xi32, #tpu.memory_space<vmem>>, vector<16xi32>,
        %add3A_1054 = arith.addi %add3A_539, %add3A_1049 : i32
        %add3A_1055 = vector.broadcast %add3A_1054 : i32 to vector<16xi32>
        %add3A_1056 = arith.addi %add3A_1055, %iota3A : vector<16xi32>
        %ge3A = arith.constant 0 : i32
        %ge3A_1057 = vector.broadcast %ge3A : i32 to vector<16xi32>
        %ge3A_1058 = arith.cmpi sge, %get3A_1053, %ge3A_1057 : vector<16xi32>
        %select_n3A = arith.select %ge3A_1058, %get3A_1053, %add3A_1056 : vector<16xi1>, vector<16xi32>
        %mul3A_1059 = arith.constant 16 : i32
        %mul3A_1060 = arith.muli %scan3A_1044, %mul3A_1059 : i32
        %swap3A = arith.constant 1 : i32
        %swap3A_1061 = arith.index_cast %swap3A : i32 to index
        %swap3A_1062 = arith.index_cast %mul3A_1060 : i32 to index
        %swap3A_1063 = tpu.vector_load %arg10[%swap3A_1061, %swap3A_1062] {strides = array<i32>} : memref<8x128xi32, #tpu.memory_space<vmem>>, vector<16xi32>,
        tpu.vector_store %arg10[%swap3A_1061, %swap3A_1062], %select_n3A {strides = array<i32>} : memref<8x128xi32, #tpu.memory_space<vmem>>, vector<16xi32>,
        %scan3A_1064 = arith.constant 0 : i32
        scf.yield %scan3A_1064 : i32
      }
      %scan3A_561 = arith.constant 8 : i32
      %dma_start3A_562 = arith.constant 1 : i32
      %dma_start3A_563 = arith.constant 128 : i32
      %dma_start3A_564 = tpu.memref_slice %arg13[%dma_start3A_563] : memref<1024xi32, #tpu.memory_space<vmem>> -> memref<128xi32, #tpu.memory_space<vmem>>
      %dma_start3A_565 = arith.constant 0 : i32
      %dma_start3A_566 = tpu.memref_slice %arg10[%dma_start3A_562, %dma_start3A_565] : memref<8x128xi32, #tpu.memory_space<vmem>> -> memref<1x128xi32, #tpu.memory_space<vmem>>
      %dma_start3A_567 = tpu.memref_squeeze %dma_start3A_566 : memref<1x128xi32, #tpu.memory_space<vmem>> -> memref<128xi32, #tpu.memory_space<vmem>>
      %dma_start3A_568 = arith.constant 0 : i32
      %dma_start3A_569 = tpu.memref_slice %arg3[%dma_start3A_568] : memref<1600000xi32, #tpu.memory_space<hbm>> -> memref<1600000xi32, #tpu.memory_space<hbm>>
      tpu.enqueue_indirect_dma source(%dma_start3A_569 : memref<1600000xi32, #tpu.memory_space<hbm>>) target(%dma_start3A_564 : memref<128xi32, #tpu.memory_space<vmem>>) offsets(%dma_start3A_567 : memref<128xi32, #tpu.memory_space<vmem>>) semaphore(%arg18 : memref<!tpu.dma_semaphore, #tpu.memory_space<semaphore_mem>>)
      %scan3A_570 = arith.constant 0 : i32
      %scan3A_571 = arith.constant 0 : i32
      %scan3A_572 = arith.constant 8 : i32
      %scan3A_573 = arith.addi %scan3A_571, %scan3A_572 : i32
      %scan3A_574 = arith.constant 1 : i32
      %scan3A_575 = scf.for %scan3A_1044 = %scan3A_571 to %scan3A_573 step %scan3A_574 iter_args(%scan3A_1045 = %scan3A_570) -> (i32)  : i32 {
        %mul3A_1046 = arith.constant 16 : i32
        %mul3A_1047 = arith.muli %scan3A_1044, %mul3A_1046 : i32
        %add3A_1048 = arith.constant 256 : i32
        %add3A_1049 = arith.addi %add3A_1048, %mul3A_1047 : i32
        %mul3A_1050 = arith.constant 1024 : i32
        %mul3A_1051 = arith.muli %scan3A_535, %mul3A_1050 : i32
        %add3A_1052 = arith.addi %mul3A_1051, %add3A_1049 : i32
        %get3A = arith.index_cast %add3A_1052 : i32 to index
        %get3A_1053 = tpu.vector_load %arg7[%get3A] {strides = array<i32>} : memref<50176xi32, #tpu.memory_space<vmem>>, vector<16xi32>,
        %add3A_1054 = arith.addi %add3A_539, %add3A_1049 : i32
        %add3A_1055 = vector.broadcast %add3A_1054 : i32 to vector<16xi32>
        %add3A_1056 = arith.addi %add3A_1055, %iota3A : vector<16xi32>
        %ge3A = arith.constant 0 : i32
        %ge3A_1057 = vector.broadcast %ge3A : i32 to vector<16xi32>
        %ge3A_1058 = arith.cmpi sge, %get3A_1053, %ge3A_1057 : vector<16xi32>
        %select_n3A = arith.select %ge3A_1058, %get3A_1053, %add3A_1056 : vector<16xi1>, vector<16xi32>
        %mul3A_1059 = arith.constant 16 : i32
        %mul3A_1060 = arith.muli %scan3A_1044, %mul3A_1059 : i32
        %swap3A = arith.constant 2 : i32
        %swap3A_1061 = arith.index_cast %swap3A : i32 to index
        %swap3A_1062 = arith.index_cast %mul3A_1060 : i32 to index
        %swap3A_1063 = tpu.vector_load %arg10[%swap3A_1061, %swap3A_1062] {strides = array<i32>} : memref<8x128xi32, #tpu.memory_space<vmem>>, vector<16xi32>,
        tpu.vector_store %arg10[%swap3A_1061, %swap3A_1062], %select_n3A {strides = array<i32>} : memref<8x128xi32, #tpu.memory_space<vmem>>, vector<16xi32>,
        %scan3A_1064 = arith.constant 0 : i32
        scf.yield %scan3A_1064 : i32
      }
      %scan3A_576 = arith.constant 8 : i32
      %dma_start3A_577 = arith.constant 2 : i32
      %dma_start3A_578 = arith.constant 256 : i32
      %dma_start3A_579 = tpu.memref_slice %arg13[%dma_start3A_578] : memref<1024xi32, #tpu.memory_space<vmem>> -> memref<128xi32, #tpu.memory_space<vmem>>
      %dma_start3A_580 = arith.constant 0 : i32
      %dma_start3A_581 = tpu.memref_slice %arg10[%dma_start3A_577, %dma_start3A_580] : memref<8x128xi32, #tpu.memory_space<vmem>> -> memref<1x128xi32, #tpu.memory_space<vmem>>
      %dma_start3A_582 = tpu.memref_squeeze %dma_start3A_581 : memref<1x128xi32, #tpu.memory_space<vmem>> -> memref<128xi32, #tpu.memory_space<vmem>>
      %dma_start3A_583 = arith.constant 0 : i32
      %dma_start3A_584 = tpu.memref_slice %arg3[%dma_start3A_583] : memref<1600000xi32, #tpu.memory_space<hbm>> -> memref<1600000xi32, #tpu.memory_space<hbm>>
      tpu.enqueue_indirect_dma source(%dma_start3A_584 : memref<1600000xi32, #tpu.memory_space<hbm>>) target(%dma_start3A_579 : memref<128xi32, #tpu.memory_space<vmem>>) offsets(%dma_start3A_582 : memref<128xi32, #tpu.memory_space<vmem>>) semaphore(%arg18 : memref<!tpu.dma_semaphore, #tpu.memory_space<semaphore_mem>>)
      %scan3A_585 = arith.constant 0 : i32
      %scan3A_586 = arith.constant 0 : i32
      %scan3A_587 = arith.constant 8 : i32
      %scan3A_588 = arith.addi %scan3A_586, %scan3A_587 : i32
      %scan3A_589 = arith.constant 1 : i32
      %scan3A_590 = scf.for %scan3A_1044 = %scan3A_586 to %scan3A_588 step %scan3A_589 iter_args(%scan3A_1045 = %scan3A_585) -> (i32)  : i32 {
        %mul3A_1046 = arith.constant 16 : i32
        %mul3A_1047 = arith.muli %scan3A_1044, %mul3A_1046 : i32
        %add3A_1048 = arith.constant 384 : i32
        %add3A_1049 = arith.addi %add3A_1048, %mul3A_1047 : i32
        %mul3A_1050 = arith.constant 1024 : i32
        %mul3A_1051 = arith.muli %scan3A_535, %mul3A_1050 : i32
        %add3A_1052 = arith.addi %mul3A_1051, %add3A_1049 : i32
        %get3A = arith.index_cast %add3A_1052 : i32 to index
        %get3A_1053 = tpu.vector_load %arg7[%get3A] {strides = array<i32>} : memref<50176xi32, #tpu.memory_space<vmem>>, vector<16xi32>,
        %add3A_1054 = arith.addi %add3A_539, %add3A_1049 : i32
        %add3A_1055 = vector.broadcast %add3A_1054 : i32 to vector<16xi32>
        %add3A_1056 = arith.addi %add3A_1055, %iota3A : vector<16xi32>
        %ge3A = arith.constant 0 : i32
        %ge3A_1057 = vector.broadcast %ge3A : i32 to vector<16xi32>
        %ge3A_1058 = arith.cmpi sge, %get3A_1053, %ge3A_1057 : vector<16xi32>
        %select_n3A = arith.select %ge3A_1058, %get3A_1053, %add3A_1056 : vector<16xi1>, vector<16xi32>
        %mul3A_1059 = arith.constant 16 : i32
        %mul3A_1060 = arith.muli %scan3A_1044, %mul3A_1059 : i32
        %swap3A = arith.constant 3 : i32
        %swap3A_1061 = arith.index_cast %swap3A : i32 to index
        %swap3A_1062 = arith.index_cast %mul3A_1060 : i32 to index
        %swap3A_1063 = tpu.vector_load %arg10[%swap3A_1061, %swap3A_1062] {strides = array<i32>} : memref<8x128xi32, #tpu.memory_space<vmem>>, vector<16xi32>,
        tpu.vector_store %arg10[%swap3A_1061, %swap3A_1062], %select_n3A {strides = array<i32>} : memref<8x128xi32, #tpu.memory_space<vmem>>, vector<16xi32>,
        %scan3A_1064 = arith.constant 0 : i32
        scf.yield %scan3A_1064 : i32
      }
      %scan3A_591 = arith.constant 8 : i32
      %dma_start3A_592 = arith.constant 3 : i32
      %dma_start3A_593 = arith.constant 384 : i32
      %dma_start3A_594 = tpu.memref_slice %arg13[%dma_start3A_593] : memref<1024xi32, #tpu.memory_space<vmem>> -> memref<128xi32, #tpu.memory_space<vmem>>
      %dma_start3A_595 = arith.constant 0 : i32
      %dma_start3A_596 = tpu.memref_slice %arg10[%dma_start3A_592, %dma_start3A_595] : memref<8x128xi32, #tpu.memory_space<vmem>> -> memref<1x128xi32, #tpu.memory_space<vmem>>
      %dma_start3A_597 = tpu.memref_squeeze %dma_start3A_596 : memref<1x128xi32, #tpu.memory_space<vmem>> -> memref<128xi32, #tpu.memory_space<vmem>>
      %dma_start3A_598 = arith.constant 0 : i32
      %dma_start3A_599 = tpu.memref_slice %arg3[%dma_start3A_598] : memref<1600000xi32, #tpu.memory_space<hbm>> -> memref<1600000xi32, #tpu.memory_space<hbm>>
      tpu.enqueue_indirect_dma source(%dma_start3A_599 : memref<1600000xi32, #tpu.memory_space<hbm>>) target(%dma_start3A_594 : memref<128xi32, #tpu.memory_space<vmem>>) offsets(%dma_start3A_597 : memref<128xi32, #tpu.memory_space<vmem>>) semaphore(%arg18 : memref<!tpu.dma_semaphore, #tpu.memory_space<semaphore_mem>>)
      %scan3A_600 = arith.constant 0 : i32
      %scan3A_601 = arith.constant 0 : i32
      %scan3A_602 = arith.constant 8 : i32
      %scan3A_603 = arith.addi %scan3A_601, %scan3A_602 : i32
      %scan3A_604 = arith.constant 1 : i32
      %scan3A_605 = scf.for %scan3A_1044 = %scan3A_601 to %scan3A_603 step %scan3A_604 iter_args(%scan3A_1045 = %scan3A_600) -> (i32)  : i32 {
        %mul3A_1046 = arith.constant 16 : i32
        %mul3A_1047 = arith.muli %scan3A_1044, %mul3A_1046 : i32
        %add3A_1048 = arith.constant 512 : i32
        %add3A_1049 = arith.addi %add3A_1048, %mul3A_1047 : i32
        %mul3A_1050 = arith.constant 1024 : i32
        %mul3A_1051 = arith.muli %scan3A_535, %mul3A_1050 : i32
        %add3A_1052 = arith.addi %mul3A_1051, %add3A_1049 : i32
        %get3A = arith.index_cast %add3A_1052 : i32 to index
        %get3A_1053 = tpu.vector_load %arg7[%get3A] {strides = array<i32>} : memref<50176xi32, #tpu.memory_space<vmem>>, vector<16xi32>,
        %add3A_1054 = arith.addi %add3A_539, %add3A_1049 : i32
        %add3A_1055 = vector.broadcast %add3A_1054 : i32 to vector<16xi32>
        %add3A_1056 = arith.addi %add3A_1055, %iota3A : vector<16xi32>
        %ge3A = arith.constant 0 : i32
        %ge3A_1057 = vector.broadcast %ge3A : i32 to vector<16xi32>
        %ge3A_1058 = arith.cmpi sge, %get3A_1053, %ge3A_1057 : vector<16xi32>
        %select_n3A = arith.select %ge3A_1058, %get3A_1053, %add3A_1056 : vector<16xi1>, vector<16xi32>
        %mul3A_1059 = arith.constant 16 : i32
        %mul3A_1060 = arith.muli %scan3A_1044, %mul3A_1059 : i32
        %swap3A = arith.constant 4 : i32
        %swap3A_1061 = arith.index_cast %swap3A : i32 to index
        %swap3A_1062 = arith.index_cast %mul3A_1060 : i32 to index
        %swap3A_1063 = tpu.vector_load %arg10[%swap3A_1061, %swap3A_1062] {strides = array<i32>} : memref<8x128xi32, #tpu.memory_space<vmem>>, vector<16xi32>,
        tpu.vector_store %arg10[%swap3A_1061, %swap3A_1062], %select_n3A {strides = array<i32>} : memref<8x128xi32, #tpu.memory_space<vmem>>, vector<16xi32>,
        %scan3A_1064 = arith.constant 0 : i32
        scf.yield %scan3A_1064 : i32
      }
      %scan3A_606 = arith.constant 8 : i32
      %dma_start3A_607 = arith.constant 4 : i32
      %dma_start3A_608 = arith.constant 512 : i32
      %dma_start3A_609 = tpu.memref_slice %arg13[%dma_start3A_608] : memref<1024xi32, #tpu.memory_space<vmem>> -> memref<128xi32, #tpu.memory_space<vmem>>
      %dma_start3A_610 = arith.constant 0 : i32
      %dma_start3A_611 = tpu.memref_slice %arg10[%dma_start3A_607, %dma_start3A_610] : memref<8x128xi32, #tpu.memory_space<vmem>> -> memref<1x128xi32, #tpu.memory_space<vmem>>
      %dma_start3A_612 = tpu.memref_squeeze %dma_start3A_611 : memref<1x128xi32, #tpu.memory_space<vmem>> -> memref<128xi32, #tpu.memory_space<vmem>>
      %dma_start3A_613 = arith.constant 0 : i32
      %dma_start3A_614 = tpu.memref_slice %arg3[%dma_start3A_613] : memref<1600000xi32, #tpu.memory_space<hbm>> -> memref<1600000xi32, #tpu.memory_space<hbm>>
      tpu.enqueue_indirect_dma source(%dma_start3A_614 : memref<1600000xi32, #tpu.memory_space<hbm>>) target(%dma_start3A_609 : memref<128xi32, #tpu.memory_space<vmem>>) offsets(%dma_start3A_612 : memref<128xi32, #tpu.memory_space<vmem>>) semaphore(%arg18 : memref<!tpu.dma_semaphore, #tpu.memory_space<semaphore_mem>>)
      %scan3A_615 = arith.constant 0 : i32
      %scan3A_616 = arith.constant 0 : i32
      %scan3A_617 = arith.constant 8 : i32
      %scan3A_618 = arith.addi %scan3A_616, %scan3A_617 : i32
      %scan3A_619 = arith.constant 1 : i32
      %scan3A_620 = scf.for %scan3A_1044 = %scan3A_616 to %scan3A_618 step %scan3A_619 iter_args(%scan3A_1045 = %scan3A_615) -> (i32)  : i32 {
        %mul3A_1046 = arith.constant 16 : i32
        %mul3A_1047 = arith.muli %scan3A_1044, %mul3A_1046 : i32
        %add3A_1048 = arith.constant 640 : i32
        %add3A_1049 = arith.addi %add3A_1048, %mul3A_1047 : i32
        %mul3A_1050 = arith.constant 1024 : i32
        %mul3A_1051 = arith.muli %scan3A_535, %mul3A_1050 : i32
        %add3A_1052 = arith.addi %mul3A_1051, %add3A_1049 : i32
        %get3A = arith.index_cast %add3A_1052 : i32 to index
        %get3A_1053 = tpu.vector_load %arg7[%get3A] {strides = array<i32>} : memref<50176xi32, #tpu.memory_space<vmem>>, vector<16xi32>,
        %add3A_1054 = arith.addi %add3A_539, %add3A_1049 : i32
        %add3A_1055 = vector.broadcast %add3A_1054 : i32 to vector<16xi32>
        %add3A_1056 = arith.addi %add3A_1055, %iota3A : vector<16xi32>
        %ge3A = arith.constant 0 : i32
        %ge3A_1057 = vector.broadcast %ge3A : i32 to vector<16xi32>
        %ge3A_1058 = arith.cmpi sge, %get3A_1053, %ge3A_1057 : vector<16xi32>
        %select_n3A = arith.select %ge3A_1058, %get3A_1053, %add3A_1056 : vector<16xi1>, vector<16xi32>
        %mul3A_1059 = arith.constant 16 : i32
        %mul3A_1060 = arith.muli %scan3A_1044, %mul3A_1059 : i32
        %swap3A = arith.constant 5 : i32
        %swap3A_1061 = arith.index_cast %swap3A : i32 to index
        %swap3A_1062 = arith.index_cast %mul3A_1060 : i32 to index
        %swap3A_1063 = tpu.vector_load %arg10[%swap3A_1061, %swap3A_1062] {strides = array<i32>} : memref<8x128xi32, #tpu.memory_space<vmem>>, vector<16xi32>,
        tpu.vector_store %arg10[%swap3A_1061, %swap3A_1062], %select_n3A {strides = array<i32>} : memref<8x128xi32, #tpu.memory_space<vmem>>, vector<16xi32>,
        %scan3A_1064 = arith.constant 0 : i32
        scf.yield %scan3A_1064 : i32
      }
      %scan3A_621 = arith.constant 8 : i32
      %dma_start3A_622 = arith.constant 5 : i32
      %dma_start3A_623 = arith.constant 640 : i32
      %dma_start3A_624 = tpu.memref_slice %arg13[%dma_start3A_623] : memref<1024xi32, #tpu.memory_space<vmem>> -> memref<128xi32, #tpu.memory_space<vmem>>
      %dma_start3A_625 = arith.constant 0 : i32
      %dma_start3A_626 = tpu.memref_slice %arg10[%dma_start3A_622, %dma_start3A_625] : memref<8x128xi32, #tpu.memory_space<vmem>> -> memref<1x128xi32, #tpu.memory_space<vmem>>
      %dma_start3A_627 = tpu.memref_squeeze %dma_start3A_626 : memref<1x128xi32, #tpu.memory_space<vmem>> -> memref<128xi32, #tpu.memory_space<vmem>>
      %dma_start3A_628 = arith.constant 0 : i32
      %dma_start3A_629 = tpu.memref_slice %arg3[%dma_start3A_628] : memref<1600000xi32, #tpu.memory_space<hbm>> -> memref<1600000xi32, #tpu.memory_space<hbm>>
      tpu.enqueue_indirect_dma source(%dma_start3A_629 : memref<1600000xi32, #tpu.memory_space<hbm>>) target(%dma_start3A_624 : memref<128xi32, #tpu.memory_space<vmem>>) offsets(%dma_start3A_627 : memref<128xi32, #tpu.memory_space<vmem>>) semaphore(%arg18 : memref<!tpu.dma_semaphore, #tpu.memory_space<semaphore_mem>>)
      %scan3A_630 = arith.constant 0 : i32
      %scan3A_631 = arith.constant 0 : i32
      %scan3A_632 = arith.constant 8 : i32
      %scan3A_633 = arith.addi %scan3A_631, %scan3A_632 : i32
      %scan3A_634 = arith.constant 1 : i32
      %scan3A_635 = scf.for %scan3A_1044 = %scan3A_631 to %scan3A_633 step %scan3A_634 iter_args(%scan3A_1045 = %scan3A_630) -> (i32)  : i32 {
        %mul3A_1046 = arith.constant 16 : i32
        %mul3A_1047 = arith.muli %scan3A_1044, %mul3A_1046 : i32
        %add3A_1048 = arith.constant 768 : i32
        %add3A_1049 = arith.addi %add3A_1048, %mul3A_1047 : i32
        %mul3A_1050 = arith.constant 1024 : i32
        %mul3A_1051 = arith.muli %scan3A_535, %mul3A_1050 : i32
        %add3A_1052 = arith.addi %mul3A_1051, %add3A_1049 : i32
        %get3A = arith.index_cast %add3A_1052 : i32 to index
        %get3A_1053 = tpu.vector_load %arg7[%get3A] {strides = array<i32>} : memref<50176xi32, #tpu.memory_space<vmem>>, vector<16xi32>,
        %add3A_1054 = arith.addi %add3A_539, %add3A_1049 : i32
        %add3A_1055 = vector.broadcast %add3A_1054 : i32 to vector<16xi32>
        %add3A_1056 = arith.addi %add3A_1055, %iota3A : vector<16xi32>
        %ge3A = arith.constant 0 : i32
        %ge3A_1057 = vector.broadcast %ge3A : i32 to vector<16xi32>
        %ge3A_1058 = arith.cmpi sge, %get3A_1053, %ge3A_1057 : vector<16xi32>
        %select_n3A = arith.select %ge3A_1058, %get3A_1053, %add3A_1056 : vector<16xi1>, vector<16xi32>
        %mul3A_1059 = arith.constant 16 : i32
        %mul3A_1060 = arith.muli %scan3A_1044, %mul3A_1059 : i32
        %swap3A = arith.constant 6 : i32
        %swap3A_1061 = arith.index_cast %swap3A : i32 to index
        %swap3A_1062 = arith.index_cast %mul3A_1060 : i32 to index
        %swap3A_1063 = tpu.vector_load %arg10[%swap3A_1061, %swap3A_1062] {strides = array<i32>} : memref<8x128xi32, #tpu.memory_space<vmem>>, vector<16xi32>,
        tpu.vector_store %arg10[%swap3A_1061, %swap3A_1062], %select_n3A {strides = array<i32>} : memref<8x128xi32, #tpu.memory_space<vmem>>, vector<16xi32>,
        %scan3A_1064 = arith.constant 0 : i32
        scf.yield %scan3A_1064 : i32
      }
      %scan3A_636 = arith.constant 8 : i32
      %dma_start3A_637 = arith.constant 6 : i32
      %dma_start3A_638 = arith.constant 768 : i32
      %dma_start3A_639 = tpu.memref_slice %arg13[%dma_start3A_638] : memref<1024xi32, #tpu.memory_space<vmem>> -> memref<128xi32, #tpu.memory_space<vmem>>
      %dma_start3A_640 = arith.constant 0 : i32
      %dma_start3A_641 = tpu.memref_slice %arg10[%dma_start3A_637, %dma_start3A_640] : memref<8x128xi32, #tpu.memory_space<vmem>> -> memref<1x128xi32, #tpu.memory_space<vmem>>
      %dma_start3A_642 = tpu.memref_squeeze %dma_start3A_641 : memref<1x128xi32, #tpu.memory_space<vmem>> -> memref<128xi32, #tpu.memory_space<vmem>>
      %dma_start3A_643 = arith.constant 0 : i32
      %dma_start3A_644 = tpu.memref_slice %arg3[%dma_start3A_643] : memref<1600000xi32, #tpu.memory_space<hbm>> -> memref<1600000xi32, #tpu.memory_space<hbm>>
      tpu.enqueue_indirect_dma source(%dma_start3A_644 : memref<1600000xi32, #tpu.memory_space<hbm>>) target(%dma_start3A_639 : memref<128xi32, #tpu.memory_space<vmem>>) offsets(%dma_start3A_642 : memref<128xi32, #tpu.memory_space<vmem>>) semaphore(%arg18 : memref<!tpu.dma_semaphore, #tpu.memory_space<semaphore_mem>>)
      %scan3A_645 = arith.constant 0 : i32
      %scan3A_646 = arith.constant 0 : i32
      %scan3A_647 = arith.constant 8 : i32
      %scan3A_648 = arith.addi %scan3A_646, %scan3A_647 : i32
      %scan3A_649 = arith.constant 1 : i32
      %scan3A_650 = scf.for %scan3A_1044 = %scan3A_646 to %scan3A_648 step %scan3A_649 iter_args(%scan3A_1045 = %scan3A_645) -> (i32)  : i32 {
        %mul3A_1046 = arith.constant 16 : i32
        %mul3A_1047 = arith.muli %scan3A_1044, %mul3A_1046 : i32
        %add3A_1048 = arith.constant 896 : i32
        %add3A_1049 = arith.addi %add3A_1048, %mul3A_1047 : i32
        %mul3A_1050 = arith.constant 1024 : i32
        %mul3A_1051 = arith.muli %scan3A_535, %mul3A_1050 : i32
        %add3A_1052 = arith.addi %mul3A_1051, %add3A_1049 : i32
        %get3A = arith.index_cast %add3A_1052 : i32 to index
        %get3A_1053 = tpu.vector_load %arg7[%get3A] {strides = array<i32>} : memref<50176xi32, #tpu.memory_space<vmem>>, vector<16xi32>,
        %add3A_1054 = arith.addi %add3A_539, %add3A_1049 : i32
        %add3A_1055 = vector.broadcast %add3A_1054 : i32 to vector<16xi32>
        %add3A_1056 = arith.addi %add3A_1055, %iota3A : vector<16xi32>
        %ge3A = arith.constant 0 : i32
        %ge3A_1057 = vector.broadcast %ge3A : i32 to vector<16xi32>
        %ge3A_1058 = arith.cmpi sge, %get3A_1053, %ge3A_1057 : vector<16xi32>
        %select_n3A = arith.select %ge3A_1058, %get3A_1053, %add3A_1056 : vector<16xi1>, vector<16xi32>
        %mul3A_1059 = arith.constant 16 : i32
        %mul3A_1060 = arith.muli %scan3A_1044, %mul3A_1059 : i32
        %swap3A = arith.constant 7 : i32
        %swap3A_1061 = arith.index_cast %swap3A : i32 to index
        %swap3A_1062 = arith.index_cast %mul3A_1060 : i32 to index
        %swap3A_1063 = tpu.vector_load %arg10[%swap3A_1061, %swap3A_1062] {strides = array<i32>} : memref<8x128xi32, #tpu.memory_space<vmem>>, vector<16xi32>,
        tpu.vector_store %arg10[%swap3A_1061, %swap3A_1062], %select_n3A {strides = array<i32>} : memref<8x128xi32, #tpu.memory_space<vmem>>, vector<16xi32>,
        %scan3A_1064 = arith.constant 0 : i32
        scf.yield %scan3A_1064 : i32
      }
      %scan3A_651 = arith.constant 8 : i32
      %dma_start3A_652 = arith.constant 7 : i32
      %dma_start3A_653 = arith.constant 896 : i32
      %dma_start3A_654 = tpu.memref_slice %arg13[%dma_start3A_653] : memref<1024xi32, #tpu.memory_space<vmem>> -> memref<128xi32, #tpu.memory_space<vmem>>
      %dma_start3A_655 = arith.constant 0 : i32
      %dma_start3A_656 = tpu.memref_slice %arg10[%dma_start3A_652, %dma_start3A_655] : memref<8x128xi32, #tpu.memory_space<vmem>> -> memref<1x128xi32, #tpu.memory_space<vmem>>
      %dma_start3A_657 = tpu.memref_squeeze %dma_start3A_656 : memref<1x128xi32, #tpu.memory_space<vmem>> -> memref<128xi32, #tpu.memory_space<vmem>>
      %dma_start3A_658 = arith.constant 0 : i32
      %dma_start3A_659 = tpu.memref_slice %arg3[%dma_start3A_658] : memref<1600000xi32, #tpu.memory_space<hbm>> -> memref<1600000xi32, #tpu.memory_space<hbm>>
      tpu.enqueue_indirect_dma source(%dma_start3A_659 : memref<1600000xi32, #tpu.memory_space<hbm>>) target(%dma_start3A_654 : memref<128xi32, #tpu.memory_space<vmem>>) offsets(%dma_start3A_657 : memref<128xi32, #tpu.memory_space<vmem>>) semaphore(%arg18 : memref<!tpu.dma_semaphore, #tpu.memory_space<semaphore_mem>>)
      %dma_wait3A_660 = arith.constant 0 : i32
      %dma_wait3A_661 = arith.constant 0 : i32
      %dma_wait3A_662 = tpu.memref_slice %arg13[%dma_wait3A_661] : memref<1024xi32, #tpu.memory_space<vmem>> -> memref<128xi32, #tpu.memory_space<vmem>>
      %dma_wait3A_663 = arith.constant 0 : i32
      %dma_wait3A_664 = tpu.memref_slice %arg10[%dma_wait3A_660, %dma_wait3A_663] : memref<8x128xi32, #tpu.memory_space<vmem>> -> memref<1x128xi32, #tpu.memory_space<vmem>>
      %dma_wait3A_665 = tpu.memref_squeeze %dma_wait3A_664 : memref<1x128xi32, #tpu.memory_space<vmem>> -> memref<128xi32, #tpu.memory_space<vmem>>
      %dma_wait3A_666 = arith.constant 0 : i32
      %dma_wait3A_667 = tpu.memref_slice %arg3[%dma_wait3A_666] : memref<1600000xi32, #tpu.memory_space<hbm>> -> memref<1600000xi32, #tpu.memory_space<hbm>>
      tpu.wait_indirect_dma semaphore(%arg18 : memref<!tpu.dma_semaphore, #tpu.memory_space<semaphore_mem>>) src(%dma_wait3A_667 : memref<1600000xi32, #tpu.memory_space<hbm>>) dst(%dma_wait3A_662 : memref<128xi32, #tpu.memory_space<vmem>>)
      %dma_wait3A_668 = arith.constant 1 : i32
      %dma_wait3A_669 = arith.constant 128 : i32
      %dma_wait3A_670 = tpu.memref_slice %arg13[%dma_wait3A_669] : memref<1024xi32, #tpu.memory_space<vmem>> -> memref<128xi32, #tpu.memory_space<vmem>>
      %dma_wait3A_671 = arith.constant 0 : i32
      %dma_wait3A_672 = tpu.memref_slice %arg10[%dma_wait3A_668, %dma_wait3A_671] : memref<8x128xi32, #tpu.memory_space<vmem>> -> memref<1x128xi32, #tpu.memory_space<vmem>>
      %dma_wait3A_673 = tpu.memref_squeeze %dma_wait3A_672 : memref<1x128xi32, #tpu.memory_space<vmem>> -> memref<128xi32, #tpu.memory_space<vmem>>
      %dma_wait3A_674 = arith.constant 0 : i32
      %dma_wait3A_675 = tpu.memref_slice %arg3[%dma_wait3A_674] : memref<1600000xi32, #tpu.memory_space<hbm>> -> memref<1600000xi32, #tpu.memory_space<hbm>>
      tpu.wait_indirect_dma semaphore(%arg18 : memref<!tpu.dma_semaphore, #tpu.memory_space<semaphore_mem>>) src(%dma_wait3A_675 : memref<1600000xi32, #tpu.memory_space<hbm>>) dst(%dma_wait3A_670 : memref<128xi32, #tpu.memory_space<vmem>>)
      %dma_wait3A_676 = arith.constant 2 : i32
      %dma_wait3A_677 = arith.constant 256 : i32
      %dma_wait3A_678 = tpu.memref_slice %arg13[%dma_wait3A_677] : memref<1024xi32, #tpu.memory_space<vmem>> -> memref<128xi32, #tpu.memory_space<vmem>>
      %dma_wait3A_679 = arith.constant 0 : i32
      %dma_wait3A_680 = tpu.memref_slice %arg10[%dma_wait3A_676, %dma_wait3A_679] : memref<8x128xi32, #tpu.memory_space<vmem>> -> memref<1x128xi32, #tpu.memory_space<vmem>>
      %dma_wait3A_681 = tpu.memref_squeeze %dma_wait3A_680 : memref<1x128xi32, #tpu.memory_space<vmem>> -> memref<128xi32, #tpu.memory_space<vmem>>
      %dma_wait3A_682 = arith.constant 0 : i32
      %dma_wait3A_683 = tpu.memref_slice %arg3[%dma_wait3A_682] : memref<1600000xi32, #tpu.memory_space<hbm>> -> memref<1600000xi32, #tpu.memory_space<hbm>>
      tpu.wait_indirect_dma semaphore(%arg18 : memref<!tpu.dma_semaphore, #tpu.memory_space<semaphore_mem>>) src(%dma_wait3A_683 : memref<1600000xi32, #tpu.memory_space<hbm>>) dst(%dma_wait3A_678 : memref<128xi32, #tpu.memory_space<vmem>>)
      %dma_wait3A_684 = arith.constant 3 : i32
      %dma_wait3A_685 = arith.constant 384 : i32
      %dma_wait3A_686 = tpu.memref_slice %arg13[%dma_wait3A_685] : memref<1024xi32, #tpu.memory_space<vmem>> -> memref<128xi32, #tpu.memory_space<vmem>>
      %dma_wait3A_687 = arith.constant 0 : i32
      %dma_wait3A_688 = tpu.memref_slice %arg10[%dma_wait3A_684, %dma_wait3A_687] : memref<8x128xi32, #tpu.memory_space<vmem>> -> memref<1x128xi32, #tpu.memory_space<vmem>>
      %dma_wait3A_689 = tpu.memref_squeeze %dma_wait3A_688 : memref<1x128xi32, #tpu.memory_space<vmem>> -> memref<128xi32, #tpu.memory_space<vmem>>
      %dma_wait3A_690 = arith.constant 0 : i32
      %dma_wait3A_691 = tpu.memref_slice %arg3[%dma_wait3A_690] : memref<1600000xi32, #tpu.memory_space<hbm>> -> memref<1600000xi32, #tpu.memory_space<hbm>>
      tpu.wait_indirect_dma semaphore(%arg18 : memref<!tpu.dma_semaphore, #tpu.memory_space<semaphore_mem>>) src(%dma_wait3A_691 : memref<1600000xi32, #tpu.memory_space<hbm>>) dst(%dma_wait3A_686 : memref<128xi32, #tpu.memory_space<vmem>>)
      %dma_wait3A_692 = arith.constant 4 : i32
      %dma_wait3A_693 = arith.constant 512 : i32
      %dma_wait3A_694 = tpu.memref_slice %arg13[%dma_wait3A_693] : memref<1024xi32, #tpu.memory_space<vmem>> -> memref<128xi32, #tpu.memory_space<vmem>>
      %dma_wait3A_695 = arith.constant 0 : i32
      %dma_wait3A_696 = tpu.memref_slice %arg10[%dma_wait3A_692, %dma_wait3A_695] : memref<8x128xi32, #tpu.memory_space<vmem>> -> memref<1x128xi32, #tpu.memory_space<vmem>>
      %dma_wait3A_697 = tpu.memref_squeeze %dma_wait3A_696 : memref<1x128xi32, #tpu.memory_space<vmem>> -> memref<128xi32, #tpu.memory_space<vmem>>
      %dma_wait3A_698 = arith.constant 0 : i32
      %dma_wait3A_699 = tpu.memref_slice %arg3[%dma_wait3A_698] : memref<1600000xi32, #tpu.memory_space<hbm>> -> memref<1600000xi32, #tpu.memory_space<hbm>>
      tpu.wait_indirect_dma semaphore(%arg18 : memref<!tpu.dma_semaphore, #tpu.memory_space<semaphore_mem>>) src(%dma_wait3A_699 : memref<1600000xi32, #tpu.memory_space<hbm>>) dst(%dma_wait3A_694 : memref<128xi32, #tpu.memory_space<vmem>>)
      %dma_wait3A_700 = arith.constant 5 : i32
      %dma_wait3A_701 = arith.constant 640 : i32
      %dma_wait3A_702 = tpu.memref_slice %arg13[%dma_wait3A_701] : memref<1024xi32, #tpu.memory_space<vmem>> -> memref<128xi32, #tpu.memory_space<vmem>>
      %dma_wait3A_703 = arith.constant 0 : i32
      %dma_wait3A_704 = tpu.memref_slice %arg10[%dma_wait3A_700, %dma_wait3A_703] : memref<8x128xi32, #tpu.memory_space<vmem>> -> memref<1x128xi32, #tpu.memory_space<vmem>>
      %dma_wait3A_705 = tpu.memref_squeeze %dma_wait3A_704 : memref<1x128xi32, #tpu.memory_space<vmem>> -> memref<128xi32, #tpu.memory_space<vmem>>
      %dma_wait3A_706 = arith.constant 0 : i32
      %dma_wait3A_707 = tpu.memref_slice %arg3[%dma_wait3A_706] : memref<1600000xi32, #tpu.memory_space<hbm>> -> memref<1600000xi32, #tpu.memory_space<hbm>>
      tpu.wait_indirect_dma semaphore(%arg18 : memref<!tpu.dma_semaphore, #tpu.memory_space<semaphore_mem>>) src(%dma_wait3A_707 : memref<1600000xi32, #tpu.memory_space<hbm>>) dst(%dma_wait3A_702 : memref<128xi32, #tpu.memory_space<vmem>>)
      %dma_wait3A_708 = arith.constant 6 : i32
      %dma_wait3A_709 = arith.constant 768 : i32
      %dma_wait3A_710 = tpu.memref_slice %arg13[%dma_wait3A_709] : memref<1024xi32, #tpu.memory_space<vmem>> -> memref<128xi32, #tpu.memory_space<vmem>>
      %dma_wait3A_711 = arith.constant 0 : i32
      %dma_wait3A_712 = tpu.memref_slice %arg10[%dma_wait3A_708, %dma_wait3A_711] : memref<8x128xi32, #tpu.memory_space<vmem>> -> memref<1x128xi32, #tpu.memory_space<vmem>>
      %dma_wait3A_713 = tpu.memref_squeeze %dma_wait3A_712 : memref<1x128xi32, #tpu.memory_space<vmem>> -> memref<128xi32, #tpu.memory_space<vmem>>
      %dma_wait3A_714 = arith.constant 0 : i32
      %dma_wait3A_715 = tpu.memref_slice %arg3[%dma_wait3A_714] : memref<1600000xi32, #tpu.memory_space<hbm>> -> memref<1600000xi32, #tpu.memory_space<hbm>>
      tpu.wait_indirect_dma semaphore(%arg18 : memref<!tpu.dma_semaphore, #tpu.memory_space<semaphore_mem>>) src(%dma_wait3A_715 : memref<1600000xi32, #tpu.memory_space<hbm>>) dst(%dma_wait3A_710 : memref<128xi32, #tpu.memory_space<vmem>>)
      %dma_wait3A_716 = arith.constant 7 : i32
      %dma_wait3A_717 = arith.constant 896 : i32
      %dma_wait3A_718 = tpu.memref_slice %arg13[%dma_wait3A_717] : memref<1024xi32, #tpu.memory_space<vmem>> -> memref<128xi32, #tpu.memory_space<vmem>>
      %dma_wait3A_719 = arith.constant 0 : i32
      %dma_wait3A_720 = tpu.memref_slice %arg10[%dma_wait3A_716, %dma_wait3A_719] : memref<8x128xi32, #tpu.memory_space<vmem>> -> memref<1x128xi32, #tpu.memory_space<vmem>>
      %dma_wait3A_721 = tpu.memref_squeeze %dma_wait3A_720 : memref<1x128xi32, #tpu.memory_space<vmem>> -> memref<128xi32, #tpu.memory_space<vmem>>
      %dma_wait3A_722 = arith.constant 0 : i32
      %dma_wait3A_723 = tpu.memref_slice %arg3[%dma_wait3A_722] : memref<1600000xi32, #tpu.memory_space<hbm>> -> memref<1600000xi32, #tpu.memory_space<hbm>>
      tpu.wait_indirect_dma semaphore(%arg18 : memref<!tpu.dma_semaphore, #tpu.memory_space<semaphore_mem>>) src(%dma_wait3A_723 : memref<1600000xi32, #tpu.memory_space<hbm>>) dst(%dma_wait3A_718 : memref<128xi32, #tpu.memory_space<vmem>>)
      %scan3A_724 = arith.constant 0 : i32
      %scan3A_725 = arith.constant 0 : i32
      %scan3A_726 = arith.constant 8 : i32
      %scan3A_727 = arith.addi %scan3A_725, %scan3A_726 : i32
      %scan3A_728 = arith.constant 1 : i32
      %scan3A_729 = scf.for %scan3A_1044 = %scan3A_725 to %scan3A_727 step %scan3A_728 iter_args(%scan3A_1045 = %scan3A_724) -> (i32)  : i32 {
        %mul3A_1046 = arith.constant 16 : i32
        %mul3A_1047 = arith.muli %scan3A_1044, %mul3A_1046 : i32
        %add3A_1048 = arith.constant 0 : i32
        %add3A_1049 = arith.addi %add3A_1048, %mul3A_1047 : i32
        %get3A = arith.index_cast %add3A_1049 : i32 to index
        %get3A_1050 = tpu.vector_load %arg13[%get3A] {strides = array<i32>} : memref<1024xi32, #tpu.memory_space<vmem>>, vector<16xi32>,
        %add3A_1051 = arith.addi %add3A_539, %add3A_1049 : i32
        %add3A_1052 = vector.broadcast %add3A_1051 : i32 to vector<16xi32>
        %add3A_1053 = arith.addi %add3A_1052, %iota3A : vector<16xi32>
        %and3A = arith.constant 31 : i32
        %and3A_1054 = vector.broadcast %and3A : i32 to vector<16xi32>
        %and3A_1055 = arith.andi %get3A_1050, %and3A_1054 : vector<16xi32>
        %mul3A_1056 = arith.constant 100000 : i32
        %mul3A_1057 = vector.broadcast %mul3A_1056 : i32 to vector<16xi32>
        %mul3A_1058 = arith.muli %and3A_1055, %mul3A_1057 : vector<16xi32>
        %shift_right_logical3A = arith.constant 5 : i32
        %shift_right_logical3A_1059 = vector.broadcast %shift_right_logical3A : i32 to vector<16xi32>
        %shift_right_logical3A_1060 = arith.shrui %add3A_1053, %shift_right_logical3A_1059 : vector<16xi32>
        %add3A_1061 = arith.addi %mul3A_1058, %shift_right_logical3A_1060 : vector<16xi32>
        %mul3A_1062 = arith.constant 16 : i32
        %mul3A_1063 = arith.muli %scan3A_1044, %mul3A_1062 : i32
        %swap3A = arith.constant 0 : i32
        %swap3A_1064 = arith.index_cast %swap3A : i32 to index
        %swap3A_1065 = arith.index_cast %mul3A_1063 : i32 to index
        %swap3A_1066 = tpu.vector_load %arg11[%swap3A_1064, %swap3A_1065] {strides = array<i32>} : memref<8x128xi32, #tpu.memory_space<vmem>>, vector<16xi32>,
        tpu.vector_store %arg11[%swap3A_1064, %swap3A_1065], %add3A_1061 {strides = array<i32>} : memref<8x128xi32, #tpu.memory_space<vmem>>, vector<16xi32>,
        %add3A_1067 = arith.constant 50000 : i32
        %add3A_1068 = vector.broadcast %add3A_1067 : i32 to vector<16xi32>
        %add3A_1069 = arith.addi %add3A_1061, %add3A_1068 : vector<16xi32>
        %mul3A_1070 = arith.constant 16 : i32
        %mul3A_1071 = arith.muli %scan3A_1044, %mul3A_1070 : i32
        %swap3A_1072 = arith.constant 0 : i32
        %swap3A_1073 = arith.index_cast %swap3A_1072 : i32 to index
        %swap3A_1074 = arith.index_cast %mul3A_1071 : i32 to index
        %swap3A_1075 = tpu.vector_load %arg12[%swap3A_1073, %swap3A_1074] {strides = array<i32>} : memref<8x128xi32, #tpu.memory_space<vmem>>, vector<16xi32>,
        tpu.vector_store %arg12[%swap3A_1073, %swap3A_1074], %add3A_1069 {strides = array<i32>} : memref<8x128xi32, #tpu.memory_space<vmem>>, vector<16xi32>,
        %scan3A_1076 = arith.constant 0 : i32
        scf.yield %scan3A_1076 : i32
      }
      %scan3A_730 = arith.constant 8 : i32
      %dma_start3A_731 = arith.constant 0 : i32
      %dma_start3A_732 = arith.constant 0 : i32
      %dma_start3A_733 = tpu.memref_slice %arg14[%dma_start3A_732] : memref<1024xf32, #tpu.memory_space<vmem>> -> memref<128xf32, #tpu.memory_space<vmem>>
      %dma_start3A_734 = arith.constant 0 : i32
      %dma_start3A_735 = tpu.memref_slice %arg11[%dma_start3A_731, %dma_start3A_734] : memref<8x128xi32, #tpu.memory_space<vmem>> -> memref<1x128xi32, #tpu.memory_space<vmem>>
      %dma_start3A_736 = tpu.memref_squeeze %dma_start3A_735 : memref<1x128xi32, #tpu.memory_space<vmem>> -> memref<128xi32, #tpu.memory_space<vmem>>
      %dma_start3A_737 = arith.constant 0 : i32
      %dma_start3A_738 = tpu.memref_slice %arg4[%dma_start3A_737] : memref<3200000xf32, #tpu.memory_space<hbm>> -> memref<3200000xf32, #tpu.memory_space<hbm>>
      tpu.enqueue_indirect_dma source(%dma_start3A_738 : memref<3200000xf32, #tpu.memory_space<hbm>>) target(%dma_start3A_733 : memref<128xf32, #tpu.memory_space<vmem>>) offsets(%dma_start3A_736 : memref<128xi32, #tpu.memory_space<vmem>>) semaphore(%arg18 : memref<!tpu.dma_semaphore, #tpu.memory_space<semaphore_mem>>)
      %dma_start3A_739 = arith.constant 0 : i32
      %dma_start3A_740 = arith.constant 0 : i32
      %dma_start3A_741 = tpu.memref_slice %arg15[%dma_start3A_740] : memref<1024xf32, #tpu.memory_space<vmem>> -> memref<128xf32, #tpu.memory_space<vmem>>
      %dma_start3A_742 = arith.constant 0 : i32
      %dma_start3A_743 = tpu.memref_slice %arg12[%dma_start3A_739, %dma_start3A_742] : memref<8x128xi32, #tpu.memory_space<vmem>> -> memref<1x128xi32, #tpu.memory_space<vmem>>
      %dma_start3A_744 = tpu.memref_squeeze %dma_start3A_743 : memref<1x128xi32, #tpu.memory_space<vmem>> -> memref<128xi32, #tpu.memory_space<vmem>>
      %dma_start3A_745 = arith.constant 0 : i32
      %dma_start3A_746 = tpu.memref_slice %arg4[%dma_start3A_745] : memref<3200000xf32, #tpu.memory_space<hbm>> -> memref<3200000xf32, #tpu.memory_space<hbm>>
      tpu.enqueue_indirect_dma source(%dma_start3A_746 : memref<3200000xf32, #tpu.memory_space<hbm>>) target(%dma_start3A_741 : memref<128xf32, #tpu.memory_space<vmem>>) offsets(%dma_start3A_744 : memref<128xi32, #tpu.memory_space<vmem>>) semaphore(%arg18 : memref<!tpu.dma_semaphore, #tpu.memory_space<semaphore_mem>>)
      %scan3A_747 = arith.constant 0 : i32
      %scan3A_748 = arith.constant 0 : i32
      %scan3A_749 = arith.constant 8 : i32
      %scan3A_750 = arith.addi %scan3A_748, %scan3A_749 : i32
      %scan3A_751 = arith.constant 1 : i32
      %scan3A_752 = scf.for %scan3A_1044 = %scan3A_748 to %scan3A_750 step %scan3A_751 iter_args(%scan3A_1045 = %scan3A_747) -> (i32)  : i32 {
        %mul3A_1046 = arith.constant 16 : i32
        %mul3A_1047 = arith.muli %scan3A_1044, %mul3A_1046 : i32
        %add3A_1048 = arith.constant 128 : i32
        %add3A_1049 = arith.addi %add3A_1048, %mul3A_1047 : i32
        %get3A = arith.index_cast %add3A_1049 : i32 to index
        %get3A_1050 = tpu.vector_load %arg13[%get3A] {strides = array<i32>} : memref<1024xi32, #tpu.memory_space<vmem>>, vector<16xi32>,
        %add3A_1051 = arith.addi %add3A_539, %add3A_1049 : i32
        %add3A_1052 = vector.broadcast %add3A_1051 : i32 to vector<16xi32>
        %add3A_1053 = arith.addi %add3A_1052, %iota3A : vector<16xi32>
        %and3A = arith.constant 31 : i32
        %and3A_1054 = vector.broadcast %and3A : i32 to vector<16xi32>
        %and3A_1055 = arith.andi %get3A_1050, %and3A_1054 : vector<16xi32>
        %mul3A_1056 = arith.constant 100000 : i32
        %mul3A_1057 = vector.broadcast %mul3A_1056 : i32 to vector<16xi32>
        %mul3A_1058 = arith.muli %and3A_1055, %mul3A_1057 : vector<16xi32>
        %shift_right_logical3A = arith.constant 5 : i32
        %shift_right_logical3A_1059 = vector.broadcast %shift_right_logical3A : i32 to vector<16xi32>
        %shift_right_logical3A_1060 = arith.shrui %add3A_1053, %shift_right_logical3A_1059 : vector<16xi32>
        %add3A_1061 = arith.addi %mul3A_1058, %shift_right_logical3A_1060 : vector<16xi32>
        %mul3A_1062 = arith.constant 16 : i32
        %mul3A_1063 = arith.muli %scan3A_1044, %mul3A_1062 : i32
        %swap3A = arith.constant 1 : i32
        %swap3A_1064 = arith.index_cast %swap3A : i32 to index
        %swap3A_1065 = arith.index_cast %mul3A_1063 : i32 to index
        %swap3A_1066 = tpu.vector_load %arg11[%swap3A_1064, %swap3A_1065] {strides = array<i32>} : memref<8x128xi32, #tpu.memory_space<vmem>>, vector<16xi32>,
        tpu.vector_store %arg11[%swap3A_1064, %swap3A_1065], %add3A_1061 {strides = array<i32>} : memref<8x128xi32, #tpu.memory_space<vmem>>, vector<16xi32>,
        %add3A_1067 = arith.constant 50000 : i32
        %add3A_1068 = vector.broadcast %add3A_1067 : i32 to vector<16xi32>
        %add3A_1069 = arith.addi %add3A_1061, %add3A_1068 : vector<16xi32>
        %mul3A_1070 = arith.constant 16 : i32
        %mul3A_1071 = arith.muli %scan3A_1044, %mul3A_1070 : i32
        %swap3A_1072 = arith.constant 1 : i32
        %swap3A_1073 = arith.index_cast %swap3A_1072 : i32 to index
        %swap3A_1074 = arith.index_cast %mul3A_1071 : i32 to index
        %swap3A_1075 = tpu.vector_load %arg12[%swap3A_1073, %swap3A_1074] {strides = array<i32>} : memref<8x128xi32, #tpu.memory_space<vmem>>, vector<16xi32>,
        tpu.vector_store %arg12[%swap3A_1073, %swap3A_1074], %add3A_1069 {strides = array<i32>} : memref<8x128xi32, #tpu.memory_space<vmem>>, vector<16xi32>,
        %scan3A_1076 = arith.constant 0 : i32
        scf.yield %scan3A_1076 : i32
      }
      %scan3A_753 = arith.constant 8 : i32
      %dma_start3A_754 = arith.constant 1 : i32
      %dma_start3A_755 = arith.constant 128 : i32
      %dma_start3A_756 = tpu.memref_slice %arg14[%dma_start3A_755] : memref<1024xf32, #tpu.memory_space<vmem>> -> memref<128xf32, #tpu.memory_space<vmem>>
      %dma_start3A_757 = arith.constant 0 : i32
      %dma_start3A_758 = tpu.memref_slice %arg11[%dma_start3A_754, %dma_start3A_757] : memref<8x128xi32, #tpu.memory_space<vmem>> -> memref<1x128xi32, #tpu.memory_space<vmem>>
      %dma_start3A_759 = tpu.memref_squeeze %dma_start3A_758 : memref<1x128xi32, #tpu.memory_space<vmem>> -> memref<128xi32, #tpu.memory_space<vmem>>
      %dma_start3A_760 = arith.constant 0 : i32
      %dma_start3A_761 = tpu.memref_slice %arg4[%dma_start3A_760] : memref<3200000xf32, #tpu.memory_space<hbm>> -> memref<3200000xf32, #tpu.memory_space<hbm>>
      tpu.enqueue_indirect_dma source(%dma_start3A_761 : memref<3200000xf32, #tpu.memory_space<hbm>>) target(%dma_start3A_756 : memref<128xf32, #tpu.memory_space<vmem>>) offsets(%dma_start3A_759 : memref<128xi32, #tpu.memory_space<vmem>>) semaphore(%arg18 : memref<!tpu.dma_semaphore, #tpu.memory_space<semaphore_mem>>)
      %dma_start3A_762 = arith.constant 1 : i32
      %dma_start3A_763 = arith.constant 128 : i32
      %dma_start3A_764 = tpu.memref_slice %arg15[%dma_start3A_763] : memref<1024xf32, #tpu.memory_space<vmem>> -> memref<128xf32, #tpu.memory_space<vmem>>
      %dma_start3A_765 = arith.constant 0 : i32
      %dma_start3A_766 = tpu.memref_slice %arg12[%dma_start3A_762, %dma_start3A_765] : memref<8x128xi32, #tpu.memory_space<vmem>> -> memref<1x128xi32, #tpu.memory_space<vmem>>
      %dma_start3A_767 = tpu.memref_squeeze %dma_start3A_766 : memref<1x128xi32, #tpu.memory_space<vmem>> -> memref<128xi32, #tpu.memory_space<vmem>>
      %dma_start3A_768 = arith.constant 0 : i32
      %dma_start3A_769 = tpu.memref_slice %arg4[%dma_start3A_768] : memref<3200000xf32, #tpu.memory_space<hbm>> -> memref<3200000xf32, #tpu.memory_space<hbm>>
      tpu.enqueue_indirect_dma source(%dma_start3A_769 : memref<3200000xf32, #tpu.memory_space<hbm>>) target(%dma_start3A_764 : memref<128xf32, #tpu.memory_space<vmem>>) offsets(%dma_start3A_767 : memref<128xi32, #tpu.memory_space<vmem>>) semaphore(%arg18 : memref<!tpu.dma_semaphore, #tpu.memory_space<semaphore_mem>>)
      %scan3A_770 = arith.constant 0 : i32
      %scan3A_771 = arith.constant 0 : i32
      %scan3A_772 = arith.constant 8 : i32
      %scan3A_773 = arith.addi %scan3A_771, %scan3A_772 : i32
      %scan3A_774 = arith.constant 1 : i32
      %scan3A_775 = scf.for %scan3A_1044 = %scan3A_771 to %scan3A_773 step %scan3A_774 iter_args(%scan3A_1045 = %scan3A_770) -> (i32)  : i32 {
        %mul3A_1046 = arith.constant 16 : i32
        %mul3A_1047 = arith.muli %scan3A_1044, %mul3A_1046 : i32
        %add3A_1048 = arith.constant 256 : i32
        %add3A_1049 = arith.addi %add3A_1048, %mul3A_1047 : i32
        %get3A = arith.index_cast %add3A_1049 : i32 to index
        %get3A_1050 = tpu.vector_load %arg13[%get3A] {strides = array<i32>} : memref<1024xi32, #tpu.memory_space<vmem>>, vector<16xi32>,
        %add3A_1051 = arith.addi %add3A_539, %add3A_1049 : i32
        %add3A_1052 = vector.broadcast %add3A_1051 : i32 to vector<16xi32>
        %add3A_1053 = arith.addi %add3A_1052, %iota3A : vector<16xi32>
        %and3A = arith.constant 31 : i32
        %and3A_1054 = vector.broadcast %and3A : i32 to vector<16xi32>
        %and3A_1055 = arith.andi %get3A_1050, %and3A_1054 : vector<16xi32>
        %mul3A_1056 = arith.constant 100000 : i32
        %mul3A_1057 = vector.broadcast %mul3A_1056 : i32 to vector<16xi32>
        %mul3A_1058 = arith.muli %and3A_1055, %mul3A_1057 : vector<16xi32>
        %shift_right_logical3A = arith.constant 5 : i32
        %shift_right_logical3A_1059 = vector.broadcast %shift_right_logical3A : i32 to vector<16xi32>
        %shift_right_logical3A_1060 = arith.shrui %add3A_1053, %shift_right_logical3A_1059 : vector<16xi32>
        %add3A_1061 = arith.addi %mul3A_1058, %shift_right_logical3A_1060 : vector<16xi32>
        %mul3A_1062 = arith.constant 16 : i32
        %mul3A_1063 = arith.muli %scan3A_1044, %mul3A_1062 : i32
        %swap3A = arith.constant 2 : i32
        %swap3A_1064 = arith.index_cast %swap3A : i32 to index
        %swap3A_1065 = arith.index_cast %mul3A_1063 : i32 to index
        %swap3A_1066 = tpu.vector_load %arg11[%swap3A_1064, %swap3A_1065] {strides = array<i32>} : memref<8x128xi32, #tpu.memory_space<vmem>>, vector<16xi32>,
        tpu.vector_store %arg11[%swap3A_1064, %swap3A_1065], %add3A_1061 {strides = array<i32>} : memref<8x128xi32, #tpu.memory_space<vmem>>, vector<16xi32>,
        %add3A_1067 = arith.constant 50000 : i32
        %add3A_1068 = vector.broadcast %add3A_1067 : i32 to vector<16xi32>
        %add3A_1069 = arith.addi %add3A_1061, %add3A_1068 : vector<16xi32>
        %mul3A_1070 = arith.constant 16 : i32
        %mul3A_1071 = arith.muli %scan3A_1044, %mul3A_1070 : i32
        %swap3A_1072 = arith.constant 2 : i32
        %swap3A_1073 = arith.index_cast %swap3A_1072 : i32 to index
        %swap3A_1074 = arith.index_cast %mul3A_1071 : i32 to index
        %swap3A_1075 = tpu.vector_load %arg12[%swap3A_1073, %swap3A_1074] {strides = array<i32>} : memref<8x128xi32, #tpu.memory_space<vmem>>, vector<16xi32>,
        tpu.vector_store %arg12[%swap3A_1073, %swap3A_1074], %add3A_1069 {strides = array<i32>} : memref<8x128xi32, #tpu.memory_space<vmem>>, vector<16xi32>,
        %scan3A_1076 = arith.constant 0 : i32
        scf.yield %scan3A_1076 : i32
      }
      %scan3A_776 = arith.constant 8 : i32
      %dma_start3A_777 = arith.constant 2 : i32
      %dma_start3A_778 = arith.constant 256 : i32
      %dma_start3A_779 = tpu.memref_slice %arg14[%dma_start3A_778] : memref<1024xf32, #tpu.memory_space<vmem>> -> memref<128xf32, #tpu.memory_space<vmem>>
      %dma_start3A_780 = arith.constant 0 : i32
      %dma_start3A_781 = tpu.memref_slice %arg11[%dma_start3A_777, %dma_start3A_780] : memref<8x128xi32, #tpu.memory_space<vmem>> -> memref<1x128xi32, #tpu.memory_space<vmem>>
      %dma_start3A_782 = tpu.memref_squeeze %dma_start3A_781 : memref<1x128xi32, #tpu.memory_space<vmem>> -> memref<128xi32, #tpu.memory_space<vmem>>
      %dma_start3A_783 = arith.constant 0 : i32
      %dma_start3A_784 = tpu.memref_slice %arg4[%dma_start3A_783] : memref<3200000xf32, #tpu.memory_space<hbm>> -> memref<3200000xf32, #tpu.memory_space<hbm>>
      tpu.enqueue_indirect_dma source(%dma_start3A_784 : memref<3200000xf32, #tpu.memory_space<hbm>>) target(%dma_start3A_779 : memref<128xf32, #tpu.memory_space<vmem>>) offsets(%dma_start3A_782 : memref<128xi32, #tpu.memory_space<vmem>>) semaphore(%arg18 : memref<!tpu.dma_semaphore, #tpu.memory_space<semaphore_mem>>)
      %dma_start3A_785 = arith.constant 2 : i32
      %dma_start3A_786 = arith.constant 256 : i32
      %dma_start3A_787 = tpu.memref_slice %arg15[%dma_start3A_786] : memref<1024xf32, #tpu.memory_space<vmem>> -> memref<128xf32, #tpu.memory_space<vmem>>
      %dma_start3A_788 = arith.constant 0 : i32
      %dma_start3A_789 = tpu.memref_slice %arg12[%dma_start3A_785, %dma_start3A_788] : memref<8x128xi32, #tpu.memory_space<vmem>> -> memref<1x128xi32, #tpu.memory_space<vmem>>
      %dma_start3A_790 = tpu.memref_squeeze %dma_start3A_789 : memref<1x128xi32, #tpu.memory_space<vmem>> -> memref<128xi32, #tpu.memory_space<vmem>>
      %dma_start3A_791 = arith.constant 0 : i32
      %dma_start3A_792 = tpu.memref_slice %arg4[%dma_start3A_791] : memref<3200000xf32, #tpu.memory_space<hbm>> -> memref<3200000xf32, #tpu.memory_space<hbm>>
      tpu.enqueue_indirect_dma source(%dma_start3A_792 : memref<3200000xf32, #tpu.memory_space<hbm>>) target(%dma_start3A_787 : memref<128xf32, #tpu.memory_space<vmem>>) offsets(%dma_start3A_790 : memref<128xi32, #tpu.memory_space<vmem>>) semaphore(%arg18 : memref<!tpu.dma_semaphore, #tpu.memory_space<semaphore_mem>>)
      %scan3A_793 = arith.constant 0 : i32
      %scan3A_794 = arith.constant 0 : i32
      %scan3A_795 = arith.constant 8 : i32
      %scan3A_796 = arith.addi %scan3A_794, %scan3A_795 : i32
      %scan3A_797 = arith.constant 1 : i32
      %scan3A_798 = scf.for %scan3A_1044 = %scan3A_794 to %scan3A_796 step %scan3A_797 iter_args(%scan3A_1045 = %scan3A_793) -> (i32)  : i32 {
        %mul3A_1046 = arith.constant 16 : i32
        %mul3A_1047 = arith.muli %scan3A_1044, %mul3A_1046 : i32
        %add3A_1048 = arith.constant 384 : i32
        %add3A_1049 = arith.addi %add3A_1048, %mul3A_1047 : i32
        %get3A = arith.index_cast %add3A_1049 : i32 to index
        %get3A_1050 = tpu.vector_load %arg13[%get3A] {strides = array<i32>} : memref<1024xi32, #tpu.memory_space<vmem>>, vector<16xi32>,
        %add3A_1051 = arith.addi %add3A_539, %add3A_1049 : i32
        %add3A_1052 = vector.broadcast %add3A_1051 : i32 to vector<16xi32>
        %add3A_1053 = arith.addi %add3A_1052, %iota3A : vector<16xi32>
        %and3A = arith.constant 31 : i32
        %and3A_1054 = vector.broadcast %and3A : i32 to vector<16xi32>
        %and3A_1055 = arith.andi %get3A_1050, %and3A_1054 : vector<16xi32>
        %mul3A_1056 = arith.constant 100000 : i32
        %mul3A_1057 = vector.broadcast %mul3A_1056 : i32 to vector<16xi32>
        %mul3A_1058 = arith.muli %and3A_1055, %mul3A_1057 : vector<16xi32>
        %shift_right_logical3A = arith.constant 5 : i32
        %shift_right_logical3A_1059 = vector.broadcast %shift_right_logical3A : i32 to vector<16xi32>
        %shift_right_logical3A_1060 = arith.shrui %add3A_1053, %shift_right_logical3A_1059 : vector<16xi32>
        %add3A_1061 = arith.addi %mul3A_1058, %shift_right_logical3A_1060 : vector<16xi32>
        %mul3A_1062 = arith.constant 16 : i32
        %mul3A_1063 = arith.muli %scan3A_1044, %mul3A_1062 : i32
        %swap3A = arith.constant 3 : i32
        %swap3A_1064 = arith.index_cast %swap3A : i32 to index
        %swap3A_1065 = arith.index_cast %mul3A_1063 : i32 to index
        %swap3A_1066 = tpu.vector_load %arg11[%swap3A_1064, %swap3A_1065] {strides = array<i32>} : memref<8x128xi32, #tpu.memory_space<vmem>>, vector<16xi32>,
        tpu.vector_store %arg11[%swap3A_1064, %swap3A_1065], %add3A_1061 {strides = array<i32>} : memref<8x128xi32, #tpu.memory_space<vmem>>, vector<16xi32>,
        %add3A_1067 = arith.constant 50000 : i32
        %add3A_1068 = vector.broadcast %add3A_1067 : i32 to vector<16xi32>
        %add3A_1069 = arith.addi %add3A_1061, %add3A_1068 : vector<16xi32>
        %mul3A_1070 = arith.constant 16 : i32
        %mul3A_1071 = arith.muli %scan3A_1044, %mul3A_1070 : i32
        %swap3A_1072 = arith.constant 3 : i32
        %swap3A_1073 = arith.index_cast %swap3A_1072 : i32 to index
        %swap3A_1074 = arith.index_cast %mul3A_1071 : i32 to index
        %swap3A_1075 = tpu.vector_load %arg12[%swap3A_1073, %swap3A_1074] {strides = array<i32>} : memref<8x128xi32, #tpu.memory_space<vmem>>, vector<16xi32>,
        tpu.vector_store %arg12[%swap3A_1073, %swap3A_1074], %add3A_1069 {strides = array<i32>} : memref<8x128xi32, #tpu.memory_space<vmem>>, vector<16xi32>,
        %scan3A_1076 = arith.constant 0 : i32
        scf.yield %scan3A_1076 : i32
      }
      %scan3A_799 = arith.constant 8 : i32
      %dma_start3A_800 = arith.constant 3 : i32
      %dma_start3A_801 = arith.constant 384 : i32
      %dma_start3A_802 = tpu.memref_slice %arg14[%dma_start3A_801] : memref<1024xf32, #tpu.memory_space<vmem>> -> memref<128xf32, #tpu.memory_space<vmem>>
      %dma_start3A_803 = arith.constant 0 : i32
      %dma_start3A_804 = tpu.memref_slice %arg11[%dma_start3A_800, %dma_start3A_803] : memref<8x128xi32, #tpu.memory_space<vmem>> -> memref<1x128xi32, #tpu.memory_space<vmem>>
      %dma_start3A_805 = tpu.memref_squeeze %dma_start3A_804 : memref<1x128xi32, #tpu.memory_space<vmem>> -> memref<128xi32, #tpu.memory_space<vmem>>
      %dma_start3A_806 = arith.constant 0 : i32
      %dma_start3A_807 = tpu.memref_slice %arg4[%dma_start3A_806] : memref<3200000xf32, #tpu.memory_space<hbm>> -> memref<3200000xf32, #tpu.memory_space<hbm>>
      tpu.enqueue_indirect_dma source(%dma_start3A_807 : memref<3200000xf32, #tpu.memory_space<hbm>>) target(%dma_start3A_802 : memref<128xf32, #tpu.memory_space<vmem>>) offsets(%dma_start3A_805 : memref<128xi32, #tpu.memory_space<vmem>>) semaphore(%arg18 : memref<!tpu.dma_semaphore, #tpu.memory_space<semaphore_mem>>)
      %dma_start3A_808 = arith.constant 3 : i32
      %dma_start3A_809 = arith.constant 384 : i32
      %dma_start3A_810 = tpu.memref_slice %arg15[%dma_start3A_809] : memref<1024xf32, #tpu.memory_space<vmem>> -> memref<128xf32, #tpu.memory_space<vmem>>
      %dma_start3A_811 = arith.constant 0 : i32
      %dma_start3A_812 = tpu.memref_slice %arg12[%dma_start3A_808, %dma_start3A_811] : memref<8x128xi32, #tpu.memory_space<vmem>> -> memref<1x128xi32, #tpu.memory_space<vmem>>
      %dma_start3A_813 = tpu.memref_squeeze %dma_start3A_812 : memref<1x128xi32, #tpu.memory_space<vmem>> -> memref<128xi32, #tpu.memory_space<vmem>>
      %dma_start3A_814 = arith.constant 0 : i32
      %dma_start3A_815 = tpu.memref_slice %arg4[%dma_start3A_814] : memref<3200000xf32, #tpu.memory_space<hbm>> -> memref<3200000xf32, #tpu.memory_space<hbm>>
      tpu.enqueue_indirect_dma source(%dma_start3A_815 : memref<3200000xf32, #tpu.memory_space<hbm>>) target(%dma_start3A_810 : memref<128xf32, #tpu.memory_space<vmem>>) offsets(%dma_start3A_813 : memref<128xi32, #tpu.memory_space<vmem>>) semaphore(%arg18 : memref<!tpu.dma_semaphore, #tpu.memory_space<semaphore_mem>>)
      %scan3A_816 = arith.constant 0 : i32
      %scan3A_817 = arith.constant 0 : i32
      %scan3A_818 = arith.constant 8 : i32
      %scan3A_819 = arith.addi %scan3A_817, %scan3A_818 : i32
      %scan3A_820 = arith.constant 1 : i32
      %scan3A_821 = scf.for %scan3A_1044 = %scan3A_817 to %scan3A_819 step %scan3A_820 iter_args(%scan3A_1045 = %scan3A_816) -> (i32)  : i32 {
        %mul3A_1046 = arith.constant 16 : i32
        %mul3A_1047 = arith.muli %scan3A_1044, %mul3A_1046 : i32
        %add3A_1048 = arith.constant 512 : i32
        %add3A_1049 = arith.addi %add3A_1048, %mul3A_1047 : i32
        %get3A = arith.index_cast %add3A_1049 : i32 to index
        %get3A_1050 = tpu.vector_load %arg13[%get3A] {strides = array<i32>} : memref<1024xi32, #tpu.memory_space<vmem>>, vector<16xi32>,
        %add3A_1051 = arith.addi %add3A_539, %add3A_1049 : i32
        %add3A_1052 = vector.broadcast %add3A_1051 : i32 to vector<16xi32>
        %add3A_1053 = arith.addi %add3A_1052, %iota3A : vector<16xi32>
        %and3A = arith.constant 31 : i32
        %and3A_1054 = vector.broadcast %and3A : i32 to vector<16xi32>
        %and3A_1055 = arith.andi %get3A_1050, %and3A_1054 : vector<16xi32>
        %mul3A_1056 = arith.constant 100000 : i32
        %mul3A_1057 = vector.broadcast %mul3A_1056 : i32 to vector<16xi32>
        %mul3A_1058 = arith.muli %and3A_1055, %mul3A_1057 : vector<16xi32>
        %shift_right_logical3A = arith.constant 5 : i32
        %shift_right_logical3A_1059 = vector.broadcast %shift_right_logical3A : i32 to vector<16xi32>
        %shift_right_logical3A_1060 = arith.shrui %add3A_1053, %shift_right_logical3A_1059 : vector<16xi32>
        %add3A_1061 = arith.addi %mul3A_1058, %shift_right_logical3A_1060 : vector<16xi32>
        %mul3A_1062 = arith.constant 16 : i32
        %mul3A_1063 = arith.muli %scan3A_1044, %mul3A_1062 : i32
        %swap3A = arith.constant 4 : i32
        %swap3A_1064 = arith.index_cast %swap3A : i32 to index
        %swap3A_1065 = arith.index_cast %mul3A_1063 : i32 to index
        %swap3A_1066 = tpu.vector_load %arg11[%swap3A_1064, %swap3A_1065] {strides = array<i32>} : memref<8x128xi32, #tpu.memory_space<vmem>>, vector<16xi32>,
        tpu.vector_store %arg11[%swap3A_1064, %swap3A_1065], %add3A_1061 {strides = array<i32>} : memref<8x128xi32, #tpu.memory_space<vmem>>, vector<16xi32>,
        %add3A_1067 = arith.constant 50000 : i32
        %add3A_1068 = vector.broadcast %add3A_1067 : i32 to vector<16xi32>
        %add3A_1069 = arith.addi %add3A_1061, %add3A_1068 : vector<16xi32>
        %mul3A_1070 = arith.constant 16 : i32
        %mul3A_1071 = arith.muli %scan3A_1044, %mul3A_1070 : i32
        %swap3A_1072 = arith.constant 4 : i32
        %swap3A_1073 = arith.index_cast %swap3A_1072 : i32 to index
        %swap3A_1074 = arith.index_cast %mul3A_1071 : i32 to index
        %swap3A_1075 = tpu.vector_load %arg12[%swap3A_1073, %swap3A_1074] {strides = array<i32>} : memref<8x128xi32, #tpu.memory_space<vmem>>, vector<16xi32>,
        tpu.vector_store %arg12[%swap3A_1073, %swap3A_1074], %add3A_1069 {strides = array<i32>} : memref<8x128xi32, #tpu.memory_space<vmem>>, vector<16xi32>,
        %scan3A_1076 = arith.constant 0 : i32
        scf.yield %scan3A_1076 : i32
      }
      %scan3A_822 = arith.constant 8 : i32
      %dma_start3A_823 = arith.constant 4 : i32
      %dma_start3A_824 = arith.constant 512 : i32
      %dma_start3A_825 = tpu.memref_slice %arg14[%dma_start3A_824] : memref<1024xf32, #tpu.memory_space<vmem>> -> memref<128xf32, #tpu.memory_space<vmem>>
      %dma_start3A_826 = arith.constant 0 : i32
      %dma_start3A_827 = tpu.memref_slice %arg11[%dma_start3A_823, %dma_start3A_826] : memref<8x128xi32, #tpu.memory_space<vmem>> -> memref<1x128xi32, #tpu.memory_space<vmem>>
      %dma_start3A_828 = tpu.memref_squeeze %dma_start3A_827 : memref<1x128xi32, #tpu.memory_space<vmem>> -> memref<128xi32, #tpu.memory_space<vmem>>
      %dma_start3A_829 = arith.constant 0 : i32
      %dma_start3A_830 = tpu.memref_slice %arg4[%dma_start3A_829] : memref<3200000xf32, #tpu.memory_space<hbm>> -> memref<3200000xf32, #tpu.memory_space<hbm>>
      tpu.enqueue_indirect_dma source(%dma_start3A_830 : memref<3200000xf32, #tpu.memory_space<hbm>>) target(%dma_start3A_825 : memref<128xf32, #tpu.memory_space<vmem>>) offsets(%dma_start3A_828 : memref<128xi32, #tpu.memory_space<vmem>>) semaphore(%arg18 : memref<!tpu.dma_semaphore, #tpu.memory_space<semaphore_mem>>)
      %dma_start3A_831 = arith.constant 4 : i32
      %dma_start3A_832 = arith.constant 512 : i32
      %dma_start3A_833 = tpu.memref_slice %arg15[%dma_start3A_832] : memref<1024xf32, #tpu.memory_space<vmem>> -> memref<128xf32, #tpu.memory_space<vmem>>
      %dma_start3A_834 = arith.constant 0 : i32
      %dma_start3A_835 = tpu.memref_slice %arg12[%dma_start3A_831, %dma_start3A_834] : memref<8x128xi32, #tpu.memory_space<vmem>> -> memref<1x128xi32, #tpu.memory_space<vmem>>
      %dma_start3A_836 = tpu.memref_squeeze %dma_start3A_835 : memref<1x128xi32, #tpu.memory_space<vmem>> -> memref<128xi32, #tpu.memory_space<vmem>>
      %dma_start3A_837 = arith.constant 0 : i32
      %dma_start3A_838 = tpu.memref_slice %arg4[%dma_start3A_837] : memref<3200000xf32, #tpu.memory_space<hbm>> -> memref<3200000xf32, #tpu.memory_space<hbm>>
      tpu.enqueue_indirect_dma source(%dma_start3A_838 : memref<3200000xf32, #tpu.memory_space<hbm>>) target(%dma_start3A_833 : memref<128xf32, #tpu.memory_space<vmem>>) offsets(%dma_start3A_836 : memref<128xi32, #tpu.memory_space<vmem>>) semaphore(%arg18 : memref<!tpu.dma_semaphore, #tpu.memory_space<semaphore_mem>>)
      %scan3A_839 = arith.constant 0 : i32
      %scan3A_840 = arith.constant 0 : i32
      %scan3A_841 = arith.constant 8 : i32
      %scan3A_842 = arith.addi %scan3A_840, %scan3A_841 : i32
      %scan3A_843 = arith.constant 1 : i32
      %scan3A_844 = scf.for %scan3A_1044 = %scan3A_840 to %scan3A_842 step %scan3A_843 iter_args(%scan3A_1045 = %scan3A_839) -> (i32)  : i32 {
        %mul3A_1046 = arith.constant 16 : i32
        %mul3A_1047 = arith.muli %scan3A_1044, %mul3A_1046 : i32
        %add3A_1048 = arith.constant 640 : i32
        %add3A_1049 = arith.addi %add3A_1048, %mul3A_1047 : i32
        %get3A = arith.index_cast %add3A_1049 : i32 to index
        %get3A_1050 = tpu.vector_load %arg13[%get3A] {strides = array<i32>} : memref<1024xi32, #tpu.memory_space<vmem>>, vector<16xi32>,
        %add3A_1051 = arith.addi %add3A_539, %add3A_1049 : i32
        %add3A_1052 = vector.broadcast %add3A_1051 : i32 to vector<16xi32>
        %add3A_1053 = arith.addi %add3A_1052, %iota3A : vector<16xi32>
        %and3A = arith.constant 31 : i32
        %and3A_1054 = vector.broadcast %and3A : i32 to vector<16xi32>
        %and3A_1055 = arith.andi %get3A_1050, %and3A_1054 : vector<16xi32>
        %mul3A_1056 = arith.constant 100000 : i32
        %mul3A_1057 = vector.broadcast %mul3A_1056 : i32 to vector<16xi32>
        %mul3A_1058 = arith.muli %and3A_1055, %mul3A_1057 : vector<16xi32>
        %shift_right_logical3A = arith.constant 5 : i32
        %shift_right_logical3A_1059 = vector.broadcast %shift_right_logical3A : i32 to vector<16xi32>
        %shift_right_logical3A_1060 = arith.shrui %add3A_1053, %shift_right_logical3A_1059 : vector<16xi32>
        %add3A_1061 = arith.addi %mul3A_1058, %shift_right_logical3A_1060 : vector<16xi32>
        %mul3A_1062 = arith.constant 16 : i32
        %mul3A_1063 = arith.muli %scan3A_1044, %mul3A_1062 : i32
        %swap3A = arith.constant 5 : i32
        %swap3A_1064 = arith.index_cast %swap3A : i32 to index
        %swap3A_1065 = arith.index_cast %mul3A_1063 : i32 to index
        %swap3A_1066 = tpu.vector_load %arg11[%swap3A_1064, %swap3A_1065] {strides = array<i32>} : memref<8x128xi32, #tpu.memory_space<vmem>>, vector<16xi32>,
        tpu.vector_store %arg11[%swap3A_1064, %swap3A_1065], %add3A_1061 {strides = array<i32>} : memref<8x128xi32, #tpu.memory_space<vmem>>, vector<16xi32>,
        %add3A_1067 = arith.constant 50000 : i32
        %add3A_1068 = vector.broadcast %add3A_1067 : i32 to vector<16xi32>
        %add3A_1069 = arith.addi %add3A_1061, %add3A_1068 : vector<16xi32>
        %mul3A_1070 = arith.constant 16 : i32
        %mul3A_1071 = arith.muli %scan3A_1044, %mul3A_1070 : i32
        %swap3A_1072 = arith.constant 5 : i32
        %swap3A_1073 = arith.index_cast %swap3A_1072 : i32 to index
        %swap3A_1074 = arith.index_cast %mul3A_1071 : i32 to index
        %swap3A_1075 = tpu.vector_load %arg12[%swap3A_1073, %swap3A_1074] {strides = array<i32>} : memref<8x128xi32, #tpu.memory_space<vmem>>, vector<16xi32>,
        tpu.vector_store %arg12[%swap3A_1073, %swap3A_1074], %add3A_1069 {strides = array<i32>} : memref<8x128xi32, #tpu.memory_space<vmem>>, vector<16xi32>,
        %scan3A_1076 = arith.constant 0 : i32
        scf.yield %scan3A_1076 : i32
      }
      %scan3A_845 = arith.constant 8 : i32
      %dma_start3A_846 = arith.constant 5 : i32
      %dma_start3A_847 = arith.constant 640 : i32
      %dma_start3A_848 = tpu.memref_slice %arg14[%dma_start3A_847] : memref<1024xf32, #tpu.memory_space<vmem>> -> memref<128xf32, #tpu.memory_space<vmem>>
      %dma_start3A_849 = arith.constant 0 : i32
      %dma_start3A_850 = tpu.memref_slice %arg11[%dma_start3A_846, %dma_start3A_849] : memref<8x128xi32, #tpu.memory_space<vmem>> -> memref<1x128xi32, #tpu.memory_space<vmem>>
      %dma_start3A_851 = tpu.memref_squeeze %dma_start3A_850 : memref<1x128xi32, #tpu.memory_space<vmem>> -> memref<128xi32, #tpu.memory_space<vmem>>
      %dma_start3A_852 = arith.constant 0 : i32
      %dma_start3A_853 = tpu.memref_slice %arg4[%dma_start3A_852] : memref<3200000xf32, #tpu.memory_space<hbm>> -> memref<3200000xf32, #tpu.memory_space<hbm>>
      tpu.enqueue_indirect_dma source(%dma_start3A_853 : memref<3200000xf32, #tpu.memory_space<hbm>>) target(%dma_start3A_848 : memref<128xf32, #tpu.memory_space<vmem>>) offsets(%dma_start3A_851 : memref<128xi32, #tpu.memory_space<vmem>>) semaphore(%arg18 : memref<!tpu.dma_semaphore, #tpu.memory_space<semaphore_mem>>)
      %dma_start3A_854 = arith.constant 5 : i32
      %dma_start3A_855 = arith.constant 640 : i32
      %dma_start3A_856 = tpu.memref_slice %arg15[%dma_start3A_855] : memref<1024xf32, #tpu.memory_space<vmem>> -> memref<128xf32, #tpu.memory_space<vmem>>
      %dma_start3A_857 = arith.constant 0 : i32
      %dma_start3A_858 = tpu.memref_slice %arg12[%dma_start3A_854, %dma_start3A_857] : memref<8x128xi32, #tpu.memory_space<vmem>> -> memref<1x128xi32, #tpu.memory_space<vmem>>
      %dma_start3A_859 = tpu.memref_squeeze %dma_start3A_858 : memref<1x128xi32, #tpu.memory_space<vmem>> -> memref<128xi32, #tpu.memory_space<vmem>>
      %dma_start3A_860 = arith.constant 0 : i32
      %dma_start3A_861 = tpu.memref_slice %arg4[%dma_start3A_860] : memref<3200000xf32, #tpu.memory_space<hbm>> -> memref<3200000xf32, #tpu.memory_space<hbm>>
      tpu.enqueue_indirect_dma source(%dma_start3A_861 : memref<3200000xf32, #tpu.memory_space<hbm>>) target(%dma_start3A_856 : memref<128xf32, #tpu.memory_space<vmem>>) offsets(%dma_start3A_859 : memref<128xi32, #tpu.memory_space<vmem>>) semaphore(%arg18 : memref<!tpu.dma_semaphore, #tpu.memory_space<semaphore_mem>>)
      %scan3A_862 = arith.constant 0 : i32
      %scan3A_863 = arith.constant 0 : i32
      %scan3A_864 = arith.constant 8 : i32
      %scan3A_865 = arith.addi %scan3A_863, %scan3A_864 : i32
      %scan3A_866 = arith.constant 1 : i32
      %scan3A_867 = scf.for %scan3A_1044 = %scan3A_863 to %scan3A_865 step %scan3A_866 iter_args(%scan3A_1045 = %scan3A_862) -> (i32)  : i32 {
        %mul3A_1046 = arith.constant 16 : i32
        %mul3A_1047 = arith.muli %scan3A_1044, %mul3A_1046 : i32
        %add3A_1048 = arith.constant 768 : i32
        %add3A_1049 = arith.addi %add3A_1048, %mul3A_1047 : i32
        %get3A = arith.index_cast %add3A_1049 : i32 to index
        %get3A_1050 = tpu.vector_load %arg13[%get3A] {strides = array<i32>} : memref<1024xi32, #tpu.memory_space<vmem>>, vector<16xi32>,
        %add3A_1051 = arith.addi %add3A_539, %add3A_1049 : i32
        %add3A_1052 = vector.broadcast %add3A_1051 : i32 to vector<16xi32>
        %add3A_1053 = arith.addi %add3A_1052, %iota3A : vector<16xi32>
        %and3A = arith.constant 31 : i32
        %and3A_1054 = vector.broadcast %and3A : i32 to vector<16xi32>
        %and3A_1055 = arith.andi %get3A_1050, %and3A_1054 : vector<16xi32>
        %mul3A_1056 = arith.constant 100000 : i32
        %mul3A_1057 = vector.broadcast %mul3A_1056 : i32 to vector<16xi32>
        %mul3A_1058 = arith.muli %and3A_1055, %mul3A_1057 : vector<16xi32>
        %shift_right_logical3A = arith.constant 5 : i32
        %shift_right_logical3A_1059 = vector.broadcast %shift_right_logical3A : i32 to vector<16xi32>
        %shift_right_logical3A_1060 = arith.shrui %add3A_1053, %shift_right_logical3A_1059 : vector<16xi32>
        %add3A_1061 = arith.addi %mul3A_1058, %shift_right_logical3A_1060 : vector<16xi32>
        %mul3A_1062 = arith.constant 16 : i32
        %mul3A_1063 = arith.muli %scan3A_1044, %mul3A_1062 : i32
        %swap3A = arith.constant 6 : i32
        %swap3A_1064 = arith.index_cast %swap3A : i32 to index
        %swap3A_1065 = arith.index_cast %mul3A_1063 : i32 to index
        %swap3A_1066 = tpu.vector_load %arg11[%swap3A_1064, %swap3A_1065] {strides = array<i32>} : memref<8x128xi32, #tpu.memory_space<vmem>>, vector<16xi32>,
        tpu.vector_store %arg11[%swap3A_1064, %swap3A_1065], %add3A_1061 {strides = array<i32>} : memref<8x128xi32, #tpu.memory_space<vmem>>, vector<16xi32>,
        %add3A_1067 = arith.constant 50000 : i32
        %add3A_1068 = vector.broadcast %add3A_1067 : i32 to vector<16xi32>
        %add3A_1069 = arith.addi %add3A_1061, %add3A_1068 : vector<16xi32>
        %mul3A_1070 = arith.constant 16 : i32
        %mul3A_1071 = arith.muli %scan3A_1044, %mul3A_1070 : i32
        %swap3A_1072 = arith.constant 6 : i32
        %swap3A_1073 = arith.index_cast %swap3A_1072 : i32 to index
        %swap3A_1074 = arith.index_cast %mul3A_1071 : i32 to index
        %swap3A_1075 = tpu.vector_load %arg12[%swap3A_1073, %swap3A_1074] {strides = array<i32>} : memref<8x128xi32, #tpu.memory_space<vmem>>, vector<16xi32>,
        tpu.vector_store %arg12[%swap3A_1073, %swap3A_1074], %add3A_1069 {strides = array<i32>} : memref<8x128xi32, #tpu.memory_space<vmem>>, vector<16xi32>,
        %scan3A_1076 = arith.constant 0 : i32
        scf.yield %scan3A_1076 : i32
      }
      %scan3A_868 = arith.constant 8 : i32
      %dma_start3A_869 = arith.constant 6 : i32
      %dma_start3A_870 = arith.constant 768 : i32
      %dma_start3A_871 = tpu.memref_slice %arg14[%dma_start3A_870] : memref<1024xf32, #tpu.memory_space<vmem>> -> memref<128xf32, #tpu.memory_space<vmem>>
      %dma_start3A_872 = arith.constant 0 : i32
      %dma_start3A_873 = tpu.memref_slice %arg11[%dma_start3A_869, %dma_start3A_872] : memref<8x128xi32, #tpu.memory_space<vmem>> -> memref<1x128xi32, #tpu.memory_space<vmem>>
      %dma_start3A_874 = tpu.memref_squeeze %dma_start3A_873 : memref<1x128xi32, #tpu.memory_space<vmem>> -> memref<128xi32, #tpu.memory_space<vmem>>
      %dma_start3A_875 = arith.constant 0 : i32
      %dma_start3A_876 = tpu.memref_slice %arg4[%dma_start3A_875] : memref<3200000xf32, #tpu.memory_space<hbm>> -> memref<3200000xf32, #tpu.memory_space<hbm>>
      tpu.enqueue_indirect_dma source(%dma_start3A_876 : memref<3200000xf32, #tpu.memory_space<hbm>>) target(%dma_start3A_871 : memref<128xf32, #tpu.memory_space<vmem>>) offsets(%dma_start3A_874 : memref<128xi32, #tpu.memory_space<vmem>>) semaphore(%arg18 : memref<!tpu.dma_semaphore, #tpu.memory_space<semaphore_mem>>)
      %dma_start3A_877 = arith.constant 6 : i32
      %dma_start3A_878 = arith.constant 768 : i32
      %dma_start3A_879 = tpu.memref_slice %arg15[%dma_start3A_878] : memref<1024xf32, #tpu.memory_space<vmem>> -> memref<128xf32, #tpu.memory_space<vmem>>
      %dma_start3A_880 = arith.constant 0 : i32
      %dma_start3A_881 = tpu.memref_slice %arg12[%dma_start3A_877, %dma_start3A_880] : memref<8x128xi32, #tpu.memory_space<vmem>> -> memref<1x128xi32, #tpu.memory_space<vmem>>
      %dma_start3A_882 = tpu.memref_squeeze %dma_start3A_881 : memref<1x128xi32, #tpu.memory_space<vmem>> -> memref<128xi32, #tpu.memory_space<vmem>>
      %dma_start3A_883 = arith.constant 0 : i32
      %dma_start3A_884 = tpu.memref_slice %arg4[%dma_start3A_883] : memref<3200000xf32, #tpu.memory_space<hbm>> -> memref<3200000xf32, #tpu.memory_space<hbm>>
      tpu.enqueue_indirect_dma source(%dma_start3A_884 : memref<3200000xf32, #tpu.memory_space<hbm>>) target(%dma_start3A_879 : memref<128xf32, #tpu.memory_space<vmem>>) offsets(%dma_start3A_882 : memref<128xi32, #tpu.memory_space<vmem>>) semaphore(%arg18 : memref<!tpu.dma_semaphore, #tpu.memory_space<semaphore_mem>>)
      %scan3A_885 = arith.constant 0 : i32
      %scan3A_886 = arith.constant 0 : i32
      %scan3A_887 = arith.constant 8 : i32
      %scan3A_888 = arith.addi %scan3A_886, %scan3A_887 : i32
      %scan3A_889 = arith.constant 1 : i32
      %scan3A_890 = scf.for %scan3A_1044 = %scan3A_886 to %scan3A_888 step %scan3A_889 iter_args(%scan3A_1045 = %scan3A_885) -> (i32)  : i32 {
        %mul3A_1046 = arith.constant 16 : i32
        %mul3A_1047 = arith.muli %scan3A_1044, %mul3A_1046 : i32
        %add3A_1048 = arith.constant 896 : i32
        %add3A_1049 = arith.addi %add3A_1048, %mul3A_1047 : i32
        %get3A = arith.index_cast %add3A_1049 : i32 to index
        %get3A_1050 = tpu.vector_load %arg13[%get3A] {strides = array<i32>} : memref<1024xi32, #tpu.memory_space<vmem>>, vector<16xi32>,
        %add3A_1051 = arith.addi %add3A_539, %add3A_1049 : i32
        %add3A_1052 = vector.broadcast %add3A_1051 : i32 to vector<16xi32>
        %add3A_1053 = arith.addi %add3A_1052, %iota3A : vector<16xi32>
        %and3A = arith.constant 31 : i32
        %and3A_1054 = vector.broadcast %and3A : i32 to vector<16xi32>
        %and3A_1055 = arith.andi %get3A_1050, %and3A_1054 : vector<16xi32>
        %mul3A_1056 = arith.constant 100000 : i32
        %mul3A_1057 = vector.broadcast %mul3A_1056 : i32 to vector<16xi32>
        %mul3A_1058 = arith.muli %and3A_1055, %mul3A_1057 : vector<16xi32>
        %shift_right_logical3A = arith.constant 5 : i32
        %shift_right_logical3A_1059 = vector.broadcast %shift_right_logical3A : i32 to vector<16xi32>
        %shift_right_logical3A_1060 = arith.shrui %add3A_1053, %shift_right_logical3A_1059 : vector<16xi32>
        %add3A_1061 = arith.addi %mul3A_1058, %shift_right_logical3A_1060 : vector<16xi32>
        %mul3A_1062 = arith.constant 16 : i32
        %mul3A_1063 = arith.muli %scan3A_1044, %mul3A_1062 : i32
        %swap3A = arith.constant 7 : i32
        %swap3A_1064 = arith.index_cast %swap3A : i32 to index
        %swap3A_1065 = arith.index_cast %mul3A_1063 : i32 to index
        %swap3A_1066 = tpu.vector_load %arg11[%swap3A_1064, %swap3A_1065] {strides = array<i32>} : memref<8x128xi32, #tpu.memory_space<vmem>>, vector<16xi32>,
        tpu.vector_store %arg11[%swap3A_1064, %swap3A_1065], %add3A_1061 {strides = array<i32>} : memref<8x128xi32, #tpu.memory_space<vmem>>, vector<16xi32>,
        %add3A_1067 = arith.constant 50000 : i32
        %add3A_1068 = vector.broadcast %add3A_1067 : i32 to vector<16xi32>
        %add3A_1069 = arith.addi %add3A_1061, %add3A_1068 : vector<16xi32>
        %mul3A_1070 = arith.constant 16 : i32
        %mul3A_1071 = arith.muli %scan3A_1044, %mul3A_1070 : i32
        %swap3A_1072 = arith.constant 7 : i32
        %swap3A_1073 = arith.index_cast %swap3A_1072 : i32 to index
        %swap3A_1074 = arith.index_cast %mul3A_1071 : i32 to index
        %swap3A_1075 = tpu.vector_load %arg12[%swap3A_1073, %swap3A_1074] {strides = array<i32>} : memref<8x128xi32, #tpu.memory_space<vmem>>, vector<16xi32>,
        tpu.vector_store %arg12[%swap3A_1073, %swap3A_1074], %add3A_1069 {strides = array<i32>} : memref<8x128xi32, #tpu.memory_space<vmem>>, vector<16xi32>,
        %scan3A_1076 = arith.constant 0 : i32
        scf.yield %scan3A_1076 : i32
      }
      %scan3A_891 = arith.constant 8 : i32
      %dma_start3A_892 = arith.constant 7 : i32
      %dma_start3A_893 = arith.constant 896 : i32
      %dma_start3A_894 = tpu.memref_slice %arg14[%dma_start3A_893] : memref<1024xf32, #tpu.memory_space<vmem>> -> memref<128xf32, #tpu.memory_space<vmem>>
      %dma_start3A_895 = arith.constant 0 : i32
      %dma_start3A_896 = tpu.memref_slice %arg11[%dma_start3A_892, %dma_start3A_895] : memref<8x128xi32, #tpu.memory_space<vmem>> -> memref<1x128xi32, #tpu.memory_space<vmem>>
      %dma_start3A_897 = tpu.memref_squeeze %dma_start3A_896 : memref<1x128xi32, #tpu.memory_space<vmem>> -> memref<128xi32, #tpu.memory_space<vmem>>
      %dma_start3A_898 = arith.constant 0 : i32
      %dma_start3A_899 = tpu.memref_slice %arg4[%dma_start3A_898] : memref<3200000xf32, #tpu.memory_space<hbm>> -> memref<3200000xf32, #tpu.memory_space<hbm>>
      tpu.enqueue_indirect_dma source(%dma_start3A_899 : memref<3200000xf32, #tpu.memory_space<hbm>>) target(%dma_start3A_894 : memref<128xf32, #tpu.memory_space<vmem>>) offsets(%dma_start3A_897 : memref<128xi32, #tpu.memory_space<vmem>>) semaphore(%arg18 : memref<!tpu.dma_semaphore, #tpu.memory_space<semaphore_mem>>)
      %dma_start3A_900 = arith.constant 7 : i32
      %dma_start3A_901 = arith.constant 896 : i32
      %dma_start3A_902 = tpu.memref_slice %arg15[%dma_start3A_901] : memref<1024xf32, #tpu.memory_space<vmem>> -> memref<128xf32, #tpu.memory_space<vmem>>
      %dma_start3A_903 = arith.constant 0 : i32
      %dma_start3A_904 = tpu.memref_slice %arg12[%dma_start3A_900, %dma_start3A_903] : memref<8x128xi32, #tpu.memory_space<vmem>> -> memref<1x128xi32, #tpu.memory_space<vmem>>
      %dma_start3A_905 = tpu.memref_squeeze %dma_start3A_904 : memref<1x128xi32, #tpu.memory_space<vmem>> -> memref<128xi32, #tpu.memory_space<vmem>>
      %dma_start3A_906 = arith.constant 0 : i32
      %dma_start3A_907 = tpu.memref_slice %arg4[%dma_start3A_906] : memref<3200000xf32, #tpu.memory_space<hbm>> -> memref<3200000xf32, #tpu.memory_space<hbm>>
      tpu.enqueue_indirect_dma source(%dma_start3A_907 : memref<3200000xf32, #tpu.memory_space<hbm>>) target(%dma_start3A_902 : memref<128xf32, #tpu.memory_space<vmem>>) offsets(%dma_start3A_905 : memref<128xi32, #tpu.memory_space<vmem>>) semaphore(%arg18 : memref<!tpu.dma_semaphore, #tpu.memory_space<semaphore_mem>>)
      %dma_wait3A_908 = arith.constant 0 : i32
      %dma_wait3A_909 = arith.constant 0 : i32
      %dma_wait3A_910 = tpu.memref_slice %arg14[%dma_wait3A_909] : memref<1024xf32, #tpu.memory_space<vmem>> -> memref<128xf32, #tpu.memory_space<vmem>>
      %dma_wait3A_911 = arith.constant 0 : i32
      %dma_wait3A_912 = tpu.memref_slice %arg11[%dma_wait3A_908, %dma_wait3A_911] : memref<8x128xi32, #tpu.memory_space<vmem>> -> memref<1x128xi32, #tpu.memory_space<vmem>>
      %dma_wait3A_913 = tpu.memref_squeeze %dma_wait3A_912 : memref<1x128xi32, #tpu.memory_space<vmem>> -> memref<128xi32, #tpu.memory_space<vmem>>
      %dma_wait3A_914 = arith.constant 0 : i32
      %dma_wait3A_915 = tpu.memref_slice %arg4[%dma_wait3A_914] : memref<3200000xf32, #tpu.memory_space<hbm>> -> memref<3200000xf32, #tpu.memory_space<hbm>>
      tpu.wait_indirect_dma semaphore(%arg18 : memref<!tpu.dma_semaphore, #tpu.memory_space<semaphore_mem>>) src(%dma_wait3A_915 : memref<3200000xf32, #tpu.memory_space<hbm>>) dst(%dma_wait3A_910 : memref<128xf32, #tpu.memory_space<vmem>>)
      %dma_wait3A_916 = arith.constant 0 : i32
      %dma_wait3A_917 = arith.constant 0 : i32
      %dma_wait3A_918 = tpu.memref_slice %arg15[%dma_wait3A_917] : memref<1024xf32, #tpu.memory_space<vmem>> -> memref<128xf32, #tpu.memory_space<vmem>>
      %dma_wait3A_919 = arith.constant 0 : i32
      %dma_wait3A_920 = tpu.memref_slice %arg12[%dma_wait3A_916, %dma_wait3A_919] : memref<8x128xi32, #tpu.memory_space<vmem>> -> memref<1x128xi32, #tpu.memory_space<vmem>>
      %dma_wait3A_921 = tpu.memref_squeeze %dma_wait3A_920 : memref<1x128xi32, #tpu.memory_space<vmem>> -> memref<128xi32, #tpu.memory_space<vmem>>
      %dma_wait3A_922 = arith.constant 0 : i32
      %dma_wait3A_923 = tpu.memref_slice %arg4[%dma_wait3A_922] : memref<3200000xf32, #tpu.memory_space<hbm>> -> memref<3200000xf32, #tpu.memory_space<hbm>>
      tpu.wait_indirect_dma semaphore(%arg18 : memref<!tpu.dma_semaphore, #tpu.memory_space<semaphore_mem>>) src(%dma_wait3A_923 : memref<3200000xf32, #tpu.memory_space<hbm>>) dst(%dma_wait3A_918 : memref<128xf32, #tpu.memory_space<vmem>>)
      %dma_wait3A_924 = arith.constant 1 : i32
      %dma_wait3A_925 = arith.constant 128 : i32
      %dma_wait3A_926 = tpu.memref_slice %arg14[%dma_wait3A_925] : memref<1024xf32, #tpu.memory_space<vmem>> -> memref<128xf32, #tpu.memory_space<vmem>>
      %dma_wait3A_927 = arith.constant 0 : i32
      %dma_wait3A_928 = tpu.memref_slice %arg11[%dma_wait3A_924, %dma_wait3A_927] : memref<8x128xi32, #tpu.memory_space<vmem>> -> memref<1x128xi32, #tpu.memory_space<vmem>>
      %dma_wait3A_929 = tpu.memref_squeeze %dma_wait3A_928 : memref<1x128xi32, #tpu.memory_space<vmem>> -> memref<128xi32, #tpu.memory_space<vmem>>
      %dma_wait3A_930 = arith.constant 0 : i32
      %dma_wait3A_931 = tpu.memref_slice %arg4[%dma_wait3A_930] : memref<3200000xf32, #tpu.memory_space<hbm>> -> memref<3200000xf32, #tpu.memory_space<hbm>>
      tpu.wait_indirect_dma semaphore(%arg18 : memref<!tpu.dma_semaphore, #tpu.memory_space<semaphore_mem>>) src(%dma_wait3A_931 : memref<3200000xf32, #tpu.memory_space<hbm>>) dst(%dma_wait3A_926 : memref<128xf32, #tpu.memory_space<vmem>>)
      %dma_wait3A_932 = arith.constant 1 : i32
      %dma_wait3A_933 = arith.constant 128 : i32
      %dma_wait3A_934 = tpu.memref_slice %arg15[%dma_wait3A_933] : memref<1024xf32, #tpu.memory_space<vmem>> -> memref<128xf32, #tpu.memory_space<vmem>>
      %dma_wait3A_935 = arith.constant 0 : i32
      %dma_wait3A_936 = tpu.memref_slice %arg12[%dma_wait3A_932, %dma_wait3A_935] : memref<8x128xi32, #tpu.memory_space<vmem>> -> memref<1x128xi32, #tpu.memory_space<vmem>>
      %dma_wait3A_937 = tpu.memref_squeeze %dma_wait3A_936 : memref<1x128xi32, #tpu.memory_space<vmem>> -> memref<128xi32, #tpu.memory_space<vmem>>
      %dma_wait3A_938 = arith.constant 0 : i32
      %dma_wait3A_939 = tpu.memref_slice %arg4[%dma_wait3A_938] : memref<3200000xf32, #tpu.memory_space<hbm>> -> memref<3200000xf32, #tpu.memory_space<hbm>>
      tpu.wait_indirect_dma semaphore(%arg18 : memref<!tpu.dma_semaphore, #tpu.memory_space<semaphore_mem>>) src(%dma_wait3A_939 : memref<3200000xf32, #tpu.memory_space<hbm>>) dst(%dma_wait3A_934 : memref<128xf32, #tpu.memory_space<vmem>>)
      %dma_wait3A_940 = arith.constant 2 : i32
      %dma_wait3A_941 = arith.constant 256 : i32
      %dma_wait3A_942 = tpu.memref_slice %arg14[%dma_wait3A_941] : memref<1024xf32, #tpu.memory_space<vmem>> -> memref<128xf32, #tpu.memory_space<vmem>>
      %dma_wait3A_943 = arith.constant 0 : i32
      %dma_wait3A_944 = tpu.memref_slice %arg11[%dma_wait3A_940, %dma_wait3A_943] : memref<8x128xi32, #tpu.memory_space<vmem>> -> memref<1x128xi32, #tpu.memory_space<vmem>>
      %dma_wait3A_945 = tpu.memref_squeeze %dma_wait3A_944 : memref<1x128xi32, #tpu.memory_space<vmem>> -> memref<128xi32, #tpu.memory_space<vmem>>
      %dma_wait3A_946 = arith.constant 0 : i32
      %dma_wait3A_947 = tpu.memref_slice %arg4[%dma_wait3A_946] : memref<3200000xf32, #tpu.memory_space<hbm>> -> memref<3200000xf32, #tpu.memory_space<hbm>>
      tpu.wait_indirect_dma semaphore(%arg18 : memref<!tpu.dma_semaphore, #tpu.memory_space<semaphore_mem>>) src(%dma_wait3A_947 : memref<3200000xf32, #tpu.memory_space<hbm>>) dst(%dma_wait3A_942 : memref<128xf32, #tpu.memory_space<vmem>>)
      %dma_wait3A_948 = arith.constant 2 : i32
      %dma_wait3A_949 = arith.constant 256 : i32
      %dma_wait3A_950 = tpu.memref_slice %arg15[%dma_wait3A_949] : memref<1024xf32, #tpu.memory_space<vmem>> -> memref<128xf32, #tpu.memory_space<vmem>>
      %dma_wait3A_951 = arith.constant 0 : i32
      %dma_wait3A_952 = tpu.memref_slice %arg12[%dma_wait3A_948, %dma_wait3A_951] : memref<8x128xi32, #tpu.memory_space<vmem>> -> memref<1x128xi32, #tpu.memory_space<vmem>>
      %dma_wait3A_953 = tpu.memref_squeeze %dma_wait3A_952 : memref<1x128xi32, #tpu.memory_space<vmem>> -> memref<128xi32, #tpu.memory_space<vmem>>
      %dma_wait3A_954 = arith.constant 0 : i32
      %dma_wait3A_955 = tpu.memref_slice %arg4[%dma_wait3A_954] : memref<3200000xf32, #tpu.memory_space<hbm>> -> memref<3200000xf32, #tpu.memory_space<hbm>>
      tpu.wait_indirect_dma semaphore(%arg18 : memref<!tpu.dma_semaphore, #tpu.memory_space<semaphore_mem>>) src(%dma_wait3A_955 : memref<3200000xf32, #tpu.memory_space<hbm>>) dst(%dma_wait3A_950 : memref<128xf32, #tpu.memory_space<vmem>>)
      %dma_wait3A_956 = arith.constant 3 : i32
      %dma_wait3A_957 = arith.constant 384 : i32
      %dma_wait3A_958 = tpu.memref_slice %arg14[%dma_wait3A_957] : memref<1024xf32, #tpu.memory_space<vmem>> -> memref<128xf32, #tpu.memory_space<vmem>>
      %dma_wait3A_959 = arith.constant 0 : i32
      %dma_wait3A_960 = tpu.memref_slice %arg11[%dma_wait3A_956, %dma_wait3A_959] : memref<8x128xi32, #tpu.memory_space<vmem>> -> memref<1x128xi32, #tpu.memory_space<vmem>>
      %dma_wait3A_961 = tpu.memref_squeeze %dma_wait3A_960 : memref<1x128xi32, #tpu.memory_space<vmem>> -> memref<128xi32, #tpu.memory_space<vmem>>
      %dma_wait3A_962 = arith.constant 0 : i32
      %dma_wait3A_963 = tpu.memref_slice %arg4[%dma_wait3A_962] : memref<3200000xf32, #tpu.memory_space<hbm>> -> memref<3200000xf32, #tpu.memory_space<hbm>>
      tpu.wait_indirect_dma semaphore(%arg18 : memref<!tpu.dma_semaphore, #tpu.memory_space<semaphore_mem>>) src(%dma_wait3A_963 : memref<3200000xf32, #tpu.memory_space<hbm>>) dst(%dma_wait3A_958 : memref<128xf32, #tpu.memory_space<vmem>>)
      %dma_wait3A_964 = arith.constant 3 : i32
      %dma_wait3A_965 = arith.constant 384 : i32
      %dma_wait3A_966 = tpu.memref_slice %arg15[%dma_wait3A_965] : memref<1024xf32, #tpu.memory_space<vmem>> -> memref<128xf32, #tpu.memory_space<vmem>>
      %dma_wait3A_967 = arith.constant 0 : i32
      %dma_wait3A_968 = tpu.memref_slice %arg12[%dma_wait3A_964, %dma_wait3A_967] : memref<8x128xi32, #tpu.memory_space<vmem>> -> memref<1x128xi32, #tpu.memory_space<vmem>>
      %dma_wait3A_969 = tpu.memref_squeeze %dma_wait3A_968 : memref<1x128xi32, #tpu.memory_space<vmem>> -> memref<128xi32, #tpu.memory_space<vmem>>
      %dma_wait3A_970 = arith.constant 0 : i32
      %dma_wait3A_971 = tpu.memref_slice %arg4[%dma_wait3A_970] : memref<3200000xf32, #tpu.memory_space<hbm>> -> memref<3200000xf32, #tpu.memory_space<hbm>>
      tpu.wait_indirect_dma semaphore(%arg18 : memref<!tpu.dma_semaphore, #tpu.memory_space<semaphore_mem>>) src(%dma_wait3A_971 : memref<3200000xf32, #tpu.memory_space<hbm>>) dst(%dma_wait3A_966 : memref<128xf32, #tpu.memory_space<vmem>>)
      %dma_wait3A_972 = arith.constant 4 : i32
      %dma_wait3A_973 = arith.constant 512 : i32
      %dma_wait3A_974 = tpu.memref_slice %arg14[%dma_wait3A_973] : memref<1024xf32, #tpu.memory_space<vmem>> -> memref<128xf32, #tpu.memory_space<vmem>>
      %dma_wait3A_975 = arith.constant 0 : i32
      %dma_wait3A_976 = tpu.memref_slice %arg11[%dma_wait3A_972, %dma_wait3A_975] : memref<8x128xi32, #tpu.memory_space<vmem>> -> memref<1x128xi32, #tpu.memory_space<vmem>>
      %dma_wait3A_977 = tpu.memref_squeeze %dma_wait3A_976 : memref<1x128xi32, #tpu.memory_space<vmem>> -> memref<128xi32, #tpu.memory_space<vmem>>
      %dma_wait3A_978 = arith.constant 0 : i32
      %dma_wait3A_979 = tpu.memref_slice %arg4[%dma_wait3A_978] : memref<3200000xf32, #tpu.memory_space<hbm>> -> memref<3200000xf32, #tpu.memory_space<hbm>>
      tpu.wait_indirect_dma semaphore(%arg18 : memref<!tpu.dma_semaphore, #tpu.memory_space<semaphore_mem>>) src(%dma_wait3A_979 : memref<3200000xf32, #tpu.memory_space<hbm>>) dst(%dma_wait3A_974 : memref<128xf32, #tpu.memory_space<vmem>>)
      %dma_wait3A_980 = arith.constant 4 : i32
      %dma_wait3A_981 = arith.constant 512 : i32
      %dma_wait3A_982 = tpu.memref_slice %arg15[%dma_wait3A_981] : memref<1024xf32, #tpu.memory_space<vmem>> -> memref<128xf32, #tpu.memory_space<vmem>>
      %dma_wait3A_983 = arith.constant 0 : i32
      %dma_wait3A_984 = tpu.memref_slice %arg12[%dma_wait3A_980, %dma_wait3A_983] : memref<8x128xi32, #tpu.memory_space<vmem>> -> memref<1x128xi32, #tpu.memory_space<vmem>>
      %dma_wait3A_985 = tpu.memref_squeeze %dma_wait3A_984 : memref<1x128xi32, #tpu.memory_space<vmem>> -> memref<128xi32, #tpu.memory_space<vmem>>
      %dma_wait3A_986 = arith.constant 0 : i32
      %dma_wait3A_987 = tpu.memref_slice %arg4[%dma_wait3A_986] : memref<3200000xf32, #tpu.memory_space<hbm>> -> memref<3200000xf32, #tpu.memory_space<hbm>>
      tpu.wait_indirect_dma semaphore(%arg18 : memref<!tpu.dma_semaphore, #tpu.memory_space<semaphore_mem>>) src(%dma_wait3A_987 : memref<3200000xf32, #tpu.memory_space<hbm>>) dst(%dma_wait3A_982 : memref<128xf32, #tpu.memory_space<vmem>>)
      %dma_wait3A_988 = arith.constant 5 : i32
      %dma_wait3A_989 = arith.constant 640 : i32
      %dma_wait3A_990 = tpu.memref_slice %arg14[%dma_wait3A_989] : memref<1024xf32, #tpu.memory_space<vmem>> -> memref<128xf32, #tpu.memory_space<vmem>>
      %dma_wait3A_991 = arith.constant 0 : i32
      %dma_wait3A_992 = tpu.memref_slice %arg11[%dma_wait3A_988, %dma_wait3A_991] : memref<8x128xi32, #tpu.memory_space<vmem>> -> memref<1x128xi32, #tpu.memory_space<vmem>>
      %dma_wait3A_993 = tpu.memref_squeeze %dma_wait3A_992 : memref<1x128xi32, #tpu.memory_space<vmem>> -> memref<128xi32, #tpu.memory_space<vmem>>
      %dma_wait3A_994 = arith.constant 0 : i32
      %dma_wait3A_995 = tpu.memref_slice %arg4[%dma_wait3A_994] : memref<3200000xf32, #tpu.memory_space<hbm>> -> memref<3200000xf32, #tpu.memory_space<hbm>>
      tpu.wait_indirect_dma semaphore(%arg18 : memref<!tpu.dma_semaphore, #tpu.memory_space<semaphore_mem>>) src(%dma_wait3A_995 : memref<3200000xf32, #tpu.memory_space<hbm>>) dst(%dma_wait3A_990 : memref<128xf32, #tpu.memory_space<vmem>>)
      %dma_wait3A_996 = arith.constant 5 : i32
      %dma_wait3A_997 = arith.constant 640 : i32
      %dma_wait3A_998 = tpu.memref_slice %arg15[%dma_wait3A_997] : memref<1024xf32, #tpu.memory_space<vmem>> -> memref<128xf32, #tpu.memory_space<vmem>>
      %dma_wait3A_999 = arith.constant 0 : i32
      %dma_wait3A_1000 = tpu.memref_slice %arg12[%dma_wait3A_996, %dma_wait3A_999] : memref<8x128xi32, #tpu.memory_space<vmem>> -> memref<1x128xi32, #tpu.memory_space<vmem>>
      %dma_wait3A_1001 = tpu.memref_squeeze %dma_wait3A_1000 : memref<1x128xi32, #tpu.memory_space<vmem>> -> memref<128xi32, #tpu.memory_space<vmem>>
      %dma_wait3A_1002 = arith.constant 0 : i32
      %dma_wait3A_1003 = tpu.memref_slice %arg4[%dma_wait3A_1002] : memref<3200000xf32, #tpu.memory_space<hbm>> -> memref<3200000xf32, #tpu.memory_space<hbm>>
      tpu.wait_indirect_dma semaphore(%arg18 : memref<!tpu.dma_semaphore, #tpu.memory_space<semaphore_mem>>) src(%dma_wait3A_1003 : memref<3200000xf32, #tpu.memory_space<hbm>>) dst(%dma_wait3A_998 : memref<128xf32, #tpu.memory_space<vmem>>)
      %dma_wait3A_1004 = arith.constant 6 : i32
      %dma_wait3A_1005 = arith.constant 768 : i32
      %dma_wait3A_1006 = tpu.memref_slice %arg14[%dma_wait3A_1005] : memref<1024xf32, #tpu.memory_space<vmem>> -> memref<128xf32, #tpu.memory_space<vmem>>
      %dma_wait3A_1007 = arith.constant 0 : i32
      %dma_wait3A_1008 = tpu.memref_slice %arg11[%dma_wait3A_1004, %dma_wait3A_1007] : memref<8x128xi32, #tpu.memory_space<vmem>> -> memref<1x128xi32, #tpu.memory_space<vmem>>
      %dma_wait3A_1009 = tpu.memref_squeeze %dma_wait3A_1008 : memref<1x128xi32, #tpu.memory_space<vmem>> -> memref<128xi32, #tpu.memory_space<vmem>>
      %dma_wait3A_1010 = arith.constant 0 : i32
      %dma_wait3A_1011 = tpu.memref_slice %arg4[%dma_wait3A_1010] : memref<3200000xf32, #tpu.memory_space<hbm>> -> memref<3200000xf32, #tpu.memory_space<hbm>>
      tpu.wait_indirect_dma semaphore(%arg18 : memref<!tpu.dma_semaphore, #tpu.memory_space<semaphore_mem>>) src(%dma_wait3A_1011 : memref<3200000xf32, #tpu.memory_space<hbm>>) dst(%dma_wait3A_1006 : memref<128xf32, #tpu.memory_space<vmem>>)
      %dma_wait3A_1012 = arith.constant 6 : i32
      %dma_wait3A_1013 = arith.constant 768 : i32
      %dma_wait3A_1014 = tpu.memref_slice %arg15[%dma_wait3A_1013] : memref<1024xf32, #tpu.memory_space<vmem>> -> memref<128xf32, #tpu.memory_space<vmem>>
      %dma_wait3A_1015 = arith.constant 0 : i32
      %dma_wait3A_1016 = tpu.memref_slice %arg12[%dma_wait3A_1012, %dma_wait3A_1015] : memref<8x128xi32, #tpu.memory_space<vmem>> -> memref<1x128xi32, #tpu.memory_space<vmem>>
      %dma_wait3A_1017 = tpu.memref_squeeze %dma_wait3A_1016 : memref<1x128xi32, #tpu.memory_space<vmem>> -> memref<128xi32, #tpu.memory_space<vmem>>
      %dma_wait3A_1018 = arith.constant 0 : i32
      %dma_wait3A_1019 = tpu.memref_slice %arg4[%dma_wait3A_1018] : memref<3200000xf32, #tpu.memory_space<hbm>> -> memref<3200000xf32, #tpu.memory_space<hbm>>
      tpu.wait_indirect_dma semaphore(%arg18 : memref<!tpu.dma_semaphore, #tpu.memory_space<semaphore_mem>>) src(%dma_wait3A_1019 : memref<3200000xf32, #tpu.memory_space<hbm>>) dst(%dma_wait3A_1014 : memref<128xf32, #tpu.memory_space<vmem>>)
      %dma_wait3A_1020 = arith.constant 7 : i32
      %dma_wait3A_1021 = arith.constant 896 : i32
      %dma_wait3A_1022 = tpu.memref_slice %arg14[%dma_wait3A_1021] : memref<1024xf32, #tpu.memory_space<vmem>> -> memref<128xf32, #tpu.memory_space<vmem>>
      %dma_wait3A_1023 = arith.constant 0 : i32
      %dma_wait3A_1024 = tpu.memref_slice %arg11[%dma_wait3A_1020, %dma_wait3A_1023] : memref<8x128xi32, #tpu.memory_space<vmem>> -> memref<1x128xi32, #tpu.memory_space<vmem>>
      %dma_wait3A_1025 = tpu.memref_squeeze %dma_wait3A_1024 : memref<1x128xi32, #tpu.memory_space<vmem>> -> memref<128xi32, #tpu.memory_space<vmem>>
      %dma_wait3A_1026 = arith.constant 0 : i32
      %dma_wait3A_1027 = tpu.memref_slice %arg4[%dma_wait3A_1026] : memref<3200000xf32, #tpu.memory_space<hbm>> -> memref<3200000xf32, #tpu.memory_space<hbm>>
      tpu.wait_indirect_dma semaphore(%arg18 : memref<!tpu.dma_semaphore, #tpu.memory_space<semaphore_mem>>) src(%dma_wait3A_1027 : memref<3200000xf32, #tpu.memory_space<hbm>>) dst(%dma_wait3A_1022 : memref<128xf32, #tpu.memory_space<vmem>>)
      %dma_wait3A_1028 = arith.constant 7 : i32
      %dma_wait3A_1029 = arith.constant 896 : i32
      %dma_wait3A_1030 = tpu.memref_slice %arg15[%dma_wait3A_1029] : memref<1024xf32, #tpu.memory_space<vmem>> -> memref<128xf32, #tpu.memory_space<vmem>>
      %dma_wait3A_1031 = arith.constant 0 : i32
      %dma_wait3A_1032 = tpu.memref_slice %arg12[%dma_wait3A_1028, %dma_wait3A_1031] : memref<8x128xi32, #tpu.memory_space<vmem>> -> memref<1x128xi32, #tpu.memory_space<vmem>>
      %dma_wait3A_1033 = tpu.memref_squeeze %dma_wait3A_1032 : memref<1x128xi32, #tpu.memory_space<vmem>> -> memref<128xi32, #tpu.memory_space<vmem>>
      %dma_wait3A_1034 = arith.constant 0 : i32
      %dma_wait3A_1035 = tpu.memref_slice %arg4[%dma_wait3A_1034] : memref<3200000xf32, #tpu.memory_space<hbm>> -> memref<3200000xf32, #tpu.memory_space<hbm>>
      tpu.wait_indirect_dma semaphore(%arg18 : memref<!tpu.dma_semaphore, #tpu.memory_space<semaphore_mem>>) src(%dma_wait3A_1035 : memref<3200000xf32, #tpu.memory_space<hbm>>) dst(%dma_wait3A_1030 : memref<128xf32, #tpu.memory_space<vmem>>)
      %scan3A_1036 = arith.constant 0 : i32
      %scan3A_1037 = arith.constant 0 : i32
      %scan3A_1038 = arith.constant 64 : i32
      %scan3A_1039 = arith.addi %scan3A_1037, %scan3A_1038 : i32
      %scan3A_1040 = arith.constant 1 : i32
      %scan3A_1041 = scf.for %scan3A_1044 = %scan3A_1037 to %scan3A_1039 step %scan3A_1040 iter_args(%scan3A_1045 = %scan3A_1036) -> (i32)  : i32 {
        %mul3A_1046 = arith.constant 1024 : i32
        %mul3A_1047 = arith.muli %scan3A_535, %mul3A_1046 : i32
        %mul3A_1048 = arith.constant 16 : i32
        %mul3A_1049 = arith.muli %scan3A_1044, %mul3A_1048 : i32
        %add3A_1050 = arith.addi %mul3A_1047, %mul3A_1049 : i32
        %get3A = arith.index_cast %add3A_1050 : i32 to index
        %get3A_1051 = tpu.vector_load %arg7[%get3A] {strides = array<i32>} : memref<50176xi32, #tpu.memory_space<vmem>>, vector<16xi32>,
        %ge3A = arith.constant 0 : i32
        %ge3A_1052 = vector.broadcast %ge3A : i32 to vector<16xi32>
        %ge3A_1053 = arith.cmpi sge, %get3A_1051, %ge3A_1052 : vector<16xi32>
        %mul3A_1054 = arith.constant 16 : i32
        %mul3A_1055 = arith.muli %scan3A_1044, %mul3A_1054 : i32
        %get3A_1056 = arith.index_cast %mul3A_1055 : i32 to index
        %get3A_1057 = tpu.vector_load %arg14[%get3A_1056] {strides = array<i32>} : memref<1024xf32, #tpu.memory_space<vmem>>, vector<16xf32>,
        %jit3A = arith.constant 0.000000e+00 : f32
        %broadcast_in_dim3A_1058 = vector.broadcast %jit3A : f32 to vector<16xf32>
        %select_n3A = arith.select %ge3A_1053, %get3A_1057, %broadcast_in_dim3A_1058 : vector<16xi1>, vector<16xf32>
        %mul3A_1059 = arith.constant 16 : i32
        %mul3A_1060 = arith.muli %scan3A_1044, %mul3A_1059 : i32
        %swap3A = arith.index_cast %mul3A_1060 : i32 to index
        %swap3A_1061 = tpu.vector_load %arg14[%swap3A] {strides = array<i32>} : memref<1024xf32, #tpu.memory_space<vmem>>, vector<16xf32>,
        tpu.vector_store %arg14[%swap3A], %select_n3A {strides = array<i32>} : memref<1024xf32, #tpu.memory_space<vmem>>, vector<16xf32>,
        %mul3A_1062 = arith.constant 16 : i32
        %mul3A_1063 = arith.muli %scan3A_1044, %mul3A_1062 : i32
        %get3A_1064 = arith.index_cast %mul3A_1063 : i32 to index
        %get3A_1065 = tpu.vector_load %arg15[%get3A_1064] {strides = array<i32>} : memref<1024xf32, #tpu.memory_space<vmem>>, vector<16xf32>,
        %jit3A_1066 = arith.constant 0.000000e+00 : f32
        %broadcast_in_dim3A_1067 = vector.broadcast %jit3A_1066 : f32 to vector<16xf32>
        %select_n3A_1068 = arith.select %ge3A_1053, %get3A_1065, %broadcast_in_dim3A_1067 : vector<16xi1>, vector<16xf32>
        %mul3A_1069 = arith.constant 16 : i32
        %mul3A_1070 = arith.muli %scan3A_1044, %mul3A_1069 : i32
        %swap3A_1071 = arith.index_cast %mul3A_1070 : i32 to index
        %swap3A_1072 = tpu.vector_load %arg15[%swap3A_1071] {strides = array<i32>} : memref<1024xf32, #tpu.memory_space<vmem>>, vector<16xf32>,
        tpu.vector_store %arg15[%swap3A_1071], %select_n3A_1068 {strides = array<i32>} : memref<1024xf32, #tpu.memory_space<vmem>>, vector<16xf32>,
        %scan3A_1073 = arith.constant 0 : i32
        scf.yield %scan3A_1073 : i32
      }
      %scan3A_1042 = arith.constant 64 : i32
      "tpu.region"() ({
        %run_scoped3A = tpu.sem_alloc : memref<!tpu.dma_semaphore, #tpu.memory_space<semaphore_mem>>
        %dma_start3A_1044 = tpu.memref_slice %arg5[%add3A_539] : memref<1600000xf32, #tpu.memory_space<hbm>> -> memref<1024xf32, #tpu.memory_space<hbm>>
        %dma_start3A_1045 = tpu.memref_slice %arg5[%add3A_539] : memref<1600000xf32, #tpu.memory_space<hbm>> -> memref<1024xf32, #tpu.memory_space<hbm>>
        tpu.enqueue_dma source(%arg14 : memref<1024xf32, #tpu.memory_space<vmem>>) target(%dma_start3A_1045 : memref<1024xf32, #tpu.memory_space<hbm>>) target_semaphore(%run_scoped3A : memref<!tpu.dma_semaphore, #tpu.memory_space<semaphore_mem>>)
        %dma_wait3A_1046 = tpu.memref_slice %arg5[%add3A_539] : memref<1600000xf32, #tpu.memory_space<hbm>> -> memref<1024xf32, #tpu.memory_space<hbm>>
        %dma_wait3A_1047 = tpu.memref_slice %arg5[%add3A_539] : memref<1600000xf32, #tpu.memory_space<hbm>> -> memref<1024xf32, #tpu.memory_space<hbm>>
        tpu.wait_dma2 semaphore(%run_scoped3A : memref<!tpu.dma_semaphore, #tpu.memory_space<semaphore_mem>>) src(%arg14 : memref<1024xf32, #tpu.memory_space<vmem>>) dst(%dma_wait3A_1047 : memref<1024xf32, #tpu.memory_space<hbm>>)
        tpu.yield
      }) : () -> ()
      "tpu.region"() ({
        %run_scoped3A = tpu.sem_alloc : memref<!tpu.dma_semaphore, #tpu.memory_space<semaphore_mem>>
        %dma_start3A_1044 = tpu.memref_slice %arg6[%add3A_539] : memref<1600000xf32, #tpu.memory_space<hbm>> -> memref<1024xf32, #tpu.memory_space<hbm>>
        %dma_start3A_1045 = tpu.memref_slice %arg6[%add3A_539] : memref<1600000xf32, #tpu.memory_space<hbm>> -> memref<1024xf32, #tpu.memory_space<hbm>>
        tpu.enqueue_dma source(%arg15 : memref<1024xf32, #tpu.memory_space<vmem>>) target(%dma_start3A_1045 : memref<1024xf32, #tpu.memory_space<hbm>>) target_semaphore(%run_scoped3A : memref<!tpu.dma_semaphore, #tpu.memory_space<semaphore_mem>>)
        %dma_wait3A_1046 = tpu.memref_slice %arg6[%add3A_539] : memref<1600000xf32, #tpu.memory_space<hbm>> -> memref<1024xf32, #tpu.memory_space<hbm>>
        %dma_wait3A_1047 = tpu.memref_slice %arg6[%add3A_539] : memref<1600000xf32, #tpu.memory_space<hbm>> -> memref<1024xf32, #tpu.memory_space<hbm>>
        tpu.wait_dma2 semaphore(%run_scoped3A : memref<!tpu.dma_semaphore, #tpu.memory_space<semaphore_mem>>) src(%arg15 : memref<1024xf32, #tpu.memory_space<vmem>>) dst(%dma_wait3A_1047 : memref<1024xf32, #tpu.memory_space<hbm>>)
        tpu.yield
      }) : () -> ()
      %scan3A_1043 = arith.constant 0 : i32
      scf.yield %scan3A_1043 : i32
    }
    %scan3A_30 = arith.constant 48 : i32
    %add3A_31 = arith.constant 49152 : i32
    %add3A_32 = arith.addi %mul3A_2, %add3A_31 : i32
    %scan3A_33 = arith.constant 0 : i32
    %scan3A_34 = arith.constant 0 : i32
    %scan3A_35 = arith.constant 8 : i32
    %scan3A_36 = arith.addi %scan3A_34, %scan3A_35 : i32
    %scan3A_37 = arith.constant 1 : i32
    %scan3A_38 = scf.for %scan3A_535 = %scan3A_34 to %scan3A_36 step %scan3A_37 iter_args(%scan3A_536 = %scan3A_33) -> (i32)  : i32 {
      %mul3A_537 = arith.constant 16 : i32
      %mul3A_538 = arith.muli %scan3A_535, %mul3A_537 : i32
      %add3A_539 = arith.constant 0 : i32
      %add3A_540 = arith.addi %add3A_539, %mul3A_538 : i32
      %add3A_541 = arith.constant 49152 : i32
      %add3A_542 = arith.addi %add3A_541, %add3A_540 : i32
      %get3A = arith.index_cast %add3A_542 : i32 to index
      %get3A_543 = tpu.vector_load %arg7[%get3A] {strides = array<i32>} : memref<50176xi32, #tpu.memory_space<vmem>>, vector<16xi32>,
      %add3A_544 = arith.addi %add3A_32, %add3A_540 : i32
      %add3A_545 = vector.broadcast %add3A_544 : i32 to vector<16xi32>
      %add3A_546 = arith.addi %add3A_545, %iota3A : vector<16xi32>
      %ge3A = arith.constant 0 : i32
      %ge3A_547 = vector.broadcast %ge3A : i32 to vector<16xi32>
      %ge3A_548 = arith.cmpi sge, %get3A_543, %ge3A_547 : vector<16xi32>
      %select_n3A = arith.select %ge3A_548, %get3A_543, %add3A_546 : vector<16xi1>, vector<16xi32>
      %mul3A_549 = arith.constant 16 : i32
      %mul3A_550 = arith.muli %scan3A_535, %mul3A_549 : i32
      %swap3A = arith.constant 0 : i32
      %swap3A_551 = arith.index_cast %swap3A : i32 to index
      %swap3A_552 = arith.index_cast %mul3A_550 : i32 to index
      %swap3A_553 = tpu.vector_load %arg10[%swap3A_551, %swap3A_552] {strides = array<i32>} : memref<8x128xi32, #tpu.memory_space<vmem>>, vector<16xi32>,
      tpu.vector_store %arg10[%swap3A_551, %swap3A_552], %select_n3A {strides = array<i32>} : memref<8x128xi32, #tpu.memory_space<vmem>>, vector<16xi32>,
      %scan3A_554 = arith.constant 0 : i32
      scf.yield %scan3A_554 : i32
    }
    %scan3A_39 = arith.constant 8 : i32
    %dma_start3A_40 = arith.constant 0 : i32
    %dma_start3A_41 = arith.constant 0 : i32
    %dma_start3A_42 = tpu.memref_slice %arg13[%dma_start3A_41] : memref<1024xi32, #tpu.memory_space<vmem>> -> memref<128xi32, #tpu.memory_space<vmem>>
    %dma_start3A_43 = arith.constant 0 : i32
    %dma_start3A_44 = tpu.memref_slice %arg10[%dma_start3A_40, %dma_start3A_43] : memref<8x128xi32, #tpu.memory_space<vmem>> -> memref<1x128xi32, #tpu.memory_space<vmem>>
    %dma_start3A_45 = tpu.memref_squeeze %dma_start3A_44 : memref<1x128xi32, #tpu.memory_space<vmem>> -> memref<128xi32, #tpu.memory_space<vmem>>
    %dma_start3A_46 = arith.constant 0 : i32
    %dma_start3A_47 = tpu.memref_slice %arg3[%dma_start3A_46] : memref<1600000xi32, #tpu.memory_space<hbm>> -> memref<1600000xi32, #tpu.memory_space<hbm>>
    tpu.enqueue_indirect_dma source(%dma_start3A_47 : memref<1600000xi32, #tpu.memory_space<hbm>>) target(%dma_start3A_42 : memref<128xi32, #tpu.memory_space<vmem>>) offsets(%dma_start3A_45 : memref<128xi32, #tpu.memory_space<vmem>>) semaphore(%arg18 : memref<!tpu.dma_semaphore, #tpu.memory_space<semaphore_mem>>)
    %scan3A_48 = arith.constant 0 : i32
    %scan3A_49 = arith.constant 0 : i32
    %scan3A_50 = arith.constant 8 : i32
    %scan3A_51 = arith.addi %scan3A_49, %scan3A_50 : i32
    %scan3A_52 = arith.constant 1 : i32
    %scan3A_53 = scf.for %scan3A_535 = %scan3A_49 to %scan3A_51 step %scan3A_52 iter_args(%scan3A_536 = %scan3A_48) -> (i32)  : i32 {
      %mul3A_537 = arith.constant 16 : i32
      %mul3A_538 = arith.muli %scan3A_535, %mul3A_537 : i32
      %add3A_539 = arith.constant 128 : i32
      %add3A_540 = arith.addi %add3A_539, %mul3A_538 : i32
      %add3A_541 = arith.constant 49152 : i32
      %add3A_542 = arith.addi %add3A_541, %add3A_540 : i32
      %get3A = arith.index_cast %add3A_542 : i32 to index
      %get3A_543 = tpu.vector_load %arg7[%get3A] {strides = array<i32>} : memref<50176xi32, #tpu.memory_space<vmem>>, vector<16xi32>,
      %add3A_544 = arith.addi %add3A_32, %add3A_540 : i32
      %add3A_545 = vector.broadcast %add3A_544 : i32 to vector<16xi32>
      %add3A_546 = arith.addi %add3A_545, %iota3A : vector<16xi32>
      %ge3A = arith.constant 0 : i32
      %ge3A_547 = vector.broadcast %ge3A : i32 to vector<16xi32>
      %ge3A_548 = arith.cmpi sge, %get3A_543, %ge3A_547 : vector<16xi32>
      %select_n3A = arith.select %ge3A_548, %get3A_543, %add3A_546 : vector<16xi1>, vector<16xi32>
      %mul3A_549 = arith.constant 16 : i32
      %mul3A_550 = arith.muli %scan3A_535, %mul3A_549 : i32
      %swap3A = arith.constant 1 : i32
      %swap3A_551 = arith.index_cast %swap3A : i32 to index
      %swap3A_552 = arith.index_cast %mul3A_550 : i32 to index
      %swap3A_553 = tpu.vector_load %arg10[%swap3A_551, %swap3A_552] {strides = array<i32>} : memref<8x128xi32, #tpu.memory_space<vmem>>, vector<16xi32>,
      tpu.vector_store %arg10[%swap3A_551, %swap3A_552], %select_n3A {strides = array<i32>} : memref<8x128xi32, #tpu.memory_space<vmem>>, vector<16xi32>,
      %scan3A_554 = arith.constant 0 : i32
      scf.yield %scan3A_554 : i32
    }
    %scan3A_54 = arith.constant 8 : i32
    %dma_start3A_55 = arith.constant 1 : i32
    %dma_start3A_56 = arith.constant 128 : i32
    %dma_start3A_57 = tpu.memref_slice %arg13[%dma_start3A_56] : memref<1024xi32, #tpu.memory_space<vmem>> -> memref<128xi32, #tpu.memory_space<vmem>>
    %dma_start3A_58 = arith.constant 0 : i32
    %dma_start3A_59 = tpu.memref_slice %arg10[%dma_start3A_55, %dma_start3A_58] : memref<8x128xi32, #tpu.memory_space<vmem>> -> memref<1x128xi32, #tpu.memory_space<vmem>>
    %dma_start3A_60 = tpu.memref_squeeze %dma_start3A_59 : memref<1x128xi32, #tpu.memory_space<vmem>> -> memref<128xi32, #tpu.memory_space<vmem>>
    %dma_start3A_61 = arith.constant 0 : i32
    %dma_start3A_62 = tpu.memref_slice %arg3[%dma_start3A_61] : memref<1600000xi32, #tpu.memory_space<hbm>> -> memref<1600000xi32, #tpu.memory_space<hbm>>
    tpu.enqueue_indirect_dma source(%dma_start3A_62 : memref<1600000xi32, #tpu.memory_space<hbm>>) target(%dma_start3A_57 : memref<128xi32, #tpu.memory_space<vmem>>) offsets(%dma_start3A_60 : memref<128xi32, #tpu.memory_space<vmem>>) semaphore(%arg18 : memref<!tpu.dma_semaphore, #tpu.memory_space<semaphore_mem>>)
    %scan3A_63 = arith.constant 0 : i32
    %scan3A_64 = arith.constant 0 : i32
    %scan3A_65 = arith.constant 8 : i32
    %scan3A_66 = arith.addi %scan3A_64, %scan3A_65 : i32
    %scan3A_67 = arith.constant 1 : i32
    %scan3A_68 = scf.for %scan3A_535 = %scan3A_64 to %scan3A_66 step %scan3A_67 iter_args(%scan3A_536 = %scan3A_63) -> (i32)  : i32 {
      %mul3A_537 = arith.constant 16 : i32
      %mul3A_538 = arith.muli %scan3A_535, %mul3A_537 : i32
      %add3A_539 = arith.constant 256 : i32
      %add3A_540 = arith.addi %add3A_539, %mul3A_538 : i32
      %add3A_541 = arith.constant 49152 : i32
      %add3A_542 = arith.addi %add3A_541, %add3A_540 : i32
      %get3A = arith.index_cast %add3A_542 : i32 to index
      %get3A_543 = tpu.vector_load %arg7[%get3A] {strides = array<i32>} : memref<50176xi32, #tpu.memory_space<vmem>>, vector<16xi32>,
      %add3A_544 = arith.addi %add3A_32, %add3A_540 : i32
      %add3A_545 = vector.broadcast %add3A_544 : i32 to vector<16xi32>
      %add3A_546 = arith.addi %add3A_545, %iota3A : vector<16xi32>
      %ge3A = arith.constant 0 : i32
      %ge3A_547 = vector.broadcast %ge3A : i32 to vector<16xi32>
      %ge3A_548 = arith.cmpi sge, %get3A_543, %ge3A_547 : vector<16xi32>
      %select_n3A = arith.select %ge3A_548, %get3A_543, %add3A_546 : vector<16xi1>, vector<16xi32>
      %mul3A_549 = arith.constant 16 : i32
      %mul3A_550 = arith.muli %scan3A_535, %mul3A_549 : i32
      %swap3A = arith.constant 2 : i32
      %swap3A_551 = arith.index_cast %swap3A : i32 to index
      %swap3A_552 = arith.index_cast %mul3A_550 : i32 to index
      %swap3A_553 = tpu.vector_load %arg10[%swap3A_551, %swap3A_552] {strides = array<i32>} : memref<8x128xi32, #tpu.memory_space<vmem>>, vector<16xi32>,
      tpu.vector_store %arg10[%swap3A_551, %swap3A_552], %select_n3A {strides = array<i32>} : memref<8x128xi32, #tpu.memory_space<vmem>>, vector<16xi32>,
      %scan3A_554 = arith.constant 0 : i32
      scf.yield %scan3A_554 : i32
    }
    %scan3A_69 = arith.constant 8 : i32
    %dma_start3A_70 = arith.constant 2 : i32
    %dma_start3A_71 = arith.constant 256 : i32
    %dma_start3A_72 = tpu.memref_slice %arg13[%dma_start3A_71] : memref<1024xi32, #tpu.memory_space<vmem>> -> memref<128xi32, #tpu.memory_space<vmem>>
    %dma_start3A_73 = arith.constant 0 : i32
    %dma_start3A_74 = tpu.memref_slice %arg10[%dma_start3A_70, %dma_start3A_73] : memref<8x128xi32, #tpu.memory_space<vmem>> -> memref<1x128xi32, #tpu.memory_space<vmem>>
    %dma_start3A_75 = tpu.memref_squeeze %dma_start3A_74 : memref<1x128xi32, #tpu.memory_space<vmem>> -> memref<128xi32, #tpu.memory_space<vmem>>
    %dma_start3A_76 = arith.constant 0 : i32
    %dma_start3A_77 = tpu.memref_slice %arg3[%dma_start3A_76] : memref<1600000xi32, #tpu.memory_space<hbm>> -> memref<1600000xi32, #tpu.memory_space<hbm>>
    tpu.enqueue_indirect_dma source(%dma_start3A_77 : memref<1600000xi32, #tpu.memory_space<hbm>>) target(%dma_start3A_72 : memref<128xi32, #tpu.memory_space<vmem>>) offsets(%dma_start3A_75 : memref<128xi32, #tpu.memory_space<vmem>>) semaphore(%arg18 : memref<!tpu.dma_semaphore, #tpu.memory_space<semaphore_mem>>)
    %scan3A_78 = arith.constant 0 : i32
    %scan3A_79 = arith.constant 0 : i32
    %scan3A_80 = arith.constant 8 : i32
    %scan3A_81 = arith.addi %scan3A_79, %scan3A_80 : i32
    %scan3A_82 = arith.constant 1 : i32
    %scan3A_83 = scf.for %scan3A_535 = %scan3A_79 to %scan3A_81 step %scan3A_82 iter_args(%scan3A_536 = %scan3A_78) -> (i32)  : i32 {
      %mul3A_537 = arith.constant 16 : i32
      %mul3A_538 = arith.muli %scan3A_535, %mul3A_537 : i32
      %add3A_539 = arith.constant 384 : i32
      %add3A_540 = arith.addi %add3A_539, %mul3A_538 : i32
      %add3A_541 = arith.constant 49152 : i32
      %add3A_542 = arith.addi %add3A_541, %add3A_540 : i32
      %get3A = arith.index_cast %add3A_542 : i32 to index
      %get3A_543 = tpu.vector_load %arg7[%get3A] {strides = array<i32>} : memref<50176xi32, #tpu.memory_space<vmem>>, vector<16xi32>,
      %add3A_544 = arith.addi %add3A_32, %add3A_540 : i32
      %add3A_545 = vector.broadcast %add3A_544 : i32 to vector<16xi32>
      %add3A_546 = arith.addi %add3A_545, %iota3A : vector<16xi32>
      %ge3A = arith.constant 0 : i32
      %ge3A_547 = vector.broadcast %ge3A : i32 to vector<16xi32>
      %ge3A_548 = arith.cmpi sge, %get3A_543, %ge3A_547 : vector<16xi32>
      %select_n3A = arith.select %ge3A_548, %get3A_543, %add3A_546 : vector<16xi1>, vector<16xi32>
      %mul3A_549 = arith.constant 16 : i32
      %mul3A_550 = arith.muli %scan3A_535, %mul3A_549 : i32
      %swap3A = arith.constant 3 : i32
      %swap3A_551 = arith.index_cast %swap3A : i32 to index
      %swap3A_552 = arith.index_cast %mul3A_550 : i32 to index
      %swap3A_553 = tpu.vector_load %arg10[%swap3A_551, %swap3A_552] {strides = array<i32>} : memref<8x128xi32, #tpu.memory_space<vmem>>, vector<16xi32>,
      tpu.vector_store %arg10[%swap3A_551, %swap3A_552], %select_n3A {strides = array<i32>} : memref<8x128xi32, #tpu.memory_space<vmem>>, vector<16xi32>,
      %scan3A_554 = arith.constant 0 : i32
      scf.yield %scan3A_554 : i32
    }
    %scan3A_84 = arith.constant 8 : i32
    %dma_start3A_85 = arith.constant 3 : i32
    %dma_start3A_86 = arith.constant 384 : i32
    %dma_start3A_87 = tpu.memref_slice %arg13[%dma_start3A_86] : memref<1024xi32, #tpu.memory_space<vmem>> -> memref<128xi32, #tpu.memory_space<vmem>>
    %dma_start3A_88 = arith.constant 0 : i32
    %dma_start3A_89 = tpu.memref_slice %arg10[%dma_start3A_85, %dma_start3A_88] : memref<8x128xi32, #tpu.memory_space<vmem>> -> memref<1x128xi32, #tpu.memory_space<vmem>>
    %dma_start3A_90 = tpu.memref_squeeze %dma_start3A_89 : memref<1x128xi32, #tpu.memory_space<vmem>> -> memref<128xi32, #tpu.memory_space<vmem>>
    %dma_start3A_91 = arith.constant 0 : i32
    %dma_start3A_92 = tpu.memref_slice %arg3[%dma_start3A_91] : memref<1600000xi32, #tpu.memory_space<hbm>> -> memref<1600000xi32, #tpu.memory_space<hbm>>
    tpu.enqueue_indirect_dma source(%dma_start3A_92 : memref<1600000xi32, #tpu.memory_space<hbm>>) target(%dma_start3A_87 : memref<128xi32, #tpu.memory_space<vmem>>) offsets(%dma_start3A_90 : memref<128xi32, #tpu.memory_space<vmem>>) semaphore(%arg18 : memref<!tpu.dma_semaphore, #tpu.memory_space<semaphore_mem>>)
    %scan3A_93 = arith.constant 0 : i32
    %scan3A_94 = arith.constant 0 : i32
    %scan3A_95 = arith.constant 8 : i32
    %scan3A_96 = arith.addi %scan3A_94, %scan3A_95 : i32
    %scan3A_97 = arith.constant 1 : i32
    %scan3A_98 = scf.for %scan3A_535 = %scan3A_94 to %scan3A_96 step %scan3A_97 iter_args(%scan3A_536 = %scan3A_93) -> (i32)  : i32 {
      %mul3A_537 = arith.constant 16 : i32
      %mul3A_538 = arith.muli %scan3A_535, %mul3A_537 : i32
      %add3A_539 = arith.constant 512 : i32
      %add3A_540 = arith.addi %add3A_539, %mul3A_538 : i32
      %add3A_541 = arith.constant 49152 : i32
      %add3A_542 = arith.addi %add3A_541, %add3A_540 : i32
      %get3A = arith.index_cast %add3A_542 : i32 to index
      %get3A_543 = tpu.vector_load %arg7[%get3A] {strides = array<i32>} : memref<50176xi32, #tpu.memory_space<vmem>>, vector<16xi32>,
      %add3A_544 = arith.addi %add3A_32, %add3A_540 : i32
      %add3A_545 = vector.broadcast %add3A_544 : i32 to vector<16xi32>
      %add3A_546 = arith.addi %add3A_545, %iota3A : vector<16xi32>
      %ge3A = arith.constant 0 : i32
      %ge3A_547 = vector.broadcast %ge3A : i32 to vector<16xi32>
      %ge3A_548 = arith.cmpi sge, %get3A_543, %ge3A_547 : vector<16xi32>
      %select_n3A = arith.select %ge3A_548, %get3A_543, %add3A_546 : vector<16xi1>, vector<16xi32>
      %mul3A_549 = arith.constant 16 : i32
      %mul3A_550 = arith.muli %scan3A_535, %mul3A_549 : i32
      %swap3A = arith.constant 4 : i32
      %swap3A_551 = arith.index_cast %swap3A : i32 to index
      %swap3A_552 = arith.index_cast %mul3A_550 : i32 to index
      %swap3A_553 = tpu.vector_load %arg10[%swap3A_551, %swap3A_552] {strides = array<i32>} : memref<8x128xi32, #tpu.memory_space<vmem>>, vector<16xi32>,
      tpu.vector_store %arg10[%swap3A_551, %swap3A_552], %select_n3A {strides = array<i32>} : memref<8x128xi32, #tpu.memory_space<vmem>>, vector<16xi32>,
      %scan3A_554 = arith.constant 0 : i32
      scf.yield %scan3A_554 : i32
    }
    %scan3A_99 = arith.constant 8 : i32
    %dma_start3A_100 = arith.constant 4 : i32
    %dma_start3A_101 = arith.constant 512 : i32
    %dma_start3A_102 = tpu.memref_slice %arg13[%dma_start3A_101] : memref<1024xi32, #tpu.memory_space<vmem>> -> memref<128xi32, #tpu.memory_space<vmem>>
    %dma_start3A_103 = arith.constant 0 : i32
    %dma_start3A_104 = tpu.memref_slice %arg10[%dma_start3A_100, %dma_start3A_103] : memref<8x128xi32, #tpu.memory_space<vmem>> -> memref<1x128xi32, #tpu.memory_space<vmem>>
    %dma_start3A_105 = tpu.memref_squeeze %dma_start3A_104 : memref<1x128xi32, #tpu.memory_space<vmem>> -> memref<128xi32, #tpu.memory_space<vmem>>
    %dma_start3A_106 = arith.constant 0 : i32
    %dma_start3A_107 = tpu.memref_slice %arg3[%dma_start3A_106] : memref<1600000xi32, #tpu.memory_space<hbm>> -> memref<1600000xi32, #tpu.memory_space<hbm>>
    tpu.enqueue_indirect_dma source(%dma_start3A_107 : memref<1600000xi32, #tpu.memory_space<hbm>>) target(%dma_start3A_102 : memref<128xi32, #tpu.memory_space<vmem>>) offsets(%dma_start3A_105 : memref<128xi32, #tpu.memory_space<vmem>>) semaphore(%arg18 : memref<!tpu.dma_semaphore, #tpu.memory_space<semaphore_mem>>)
    %scan3A_108 = arith.constant 0 : i32
    %scan3A_109 = arith.constant 0 : i32
    %scan3A_110 = arith.constant 8 : i32
    %scan3A_111 = arith.addi %scan3A_109, %scan3A_110 : i32
    %scan3A_112 = arith.constant 1 : i32
    %scan3A_113 = scf.for %scan3A_535 = %scan3A_109 to %scan3A_111 step %scan3A_112 iter_args(%scan3A_536 = %scan3A_108) -> (i32)  : i32 {
      %mul3A_537 = arith.constant 16 : i32
      %mul3A_538 = arith.muli %scan3A_535, %mul3A_537 : i32
      %add3A_539 = arith.constant 640 : i32
      %add3A_540 = arith.addi %add3A_539, %mul3A_538 : i32
      %add3A_541 = arith.constant 49152 : i32
      %add3A_542 = arith.addi %add3A_541, %add3A_540 : i32
      %get3A = arith.index_cast %add3A_542 : i32 to index
      %get3A_543 = tpu.vector_load %arg7[%get3A] {strides = array<i32>} : memref<50176xi32, #tpu.memory_space<vmem>>, vector<16xi32>,
      %add3A_544 = arith.addi %add3A_32, %add3A_540 : i32
      %add3A_545 = vector.broadcast %add3A_544 : i32 to vector<16xi32>
      %add3A_546 = arith.addi %add3A_545, %iota3A : vector<16xi32>
      %ge3A = arith.constant 0 : i32
      %ge3A_547 = vector.broadcast %ge3A : i32 to vector<16xi32>
      %ge3A_548 = arith.cmpi sge, %get3A_543, %ge3A_547 : vector<16xi32>
      %select_n3A = arith.select %ge3A_548, %get3A_543, %add3A_546 : vector<16xi1>, vector<16xi32>
      %mul3A_549 = arith.constant 16 : i32
      %mul3A_550 = arith.muli %scan3A_535, %mul3A_549 : i32
      %swap3A = arith.constant 5 : i32
      %swap3A_551 = arith.index_cast %swap3A : i32 to index
      %swap3A_552 = arith.index_cast %mul3A_550 : i32 to index
      %swap3A_553 = tpu.vector_load %arg10[%swap3A_551, %swap3A_552] {strides = array<i32>} : memref<8x128xi32, #tpu.memory_space<vmem>>, vector<16xi32>,
      tpu.vector_store %arg10[%swap3A_551, %swap3A_552], %select_n3A {strides = array<i32>} : memref<8x128xi32, #tpu.memory_space<vmem>>, vector<16xi32>,
      %scan3A_554 = arith.constant 0 : i32
      scf.yield %scan3A_554 : i32
    }
    %scan3A_114 = arith.constant 8 : i32
    %dma_start3A_115 = arith.constant 5 : i32
    %dma_start3A_116 = arith.constant 640 : i32
    %dma_start3A_117 = tpu.memref_slice %arg13[%dma_start3A_116] : memref<1024xi32, #tpu.memory_space<vmem>> -> memref<128xi32, #tpu.memory_space<vmem>>
    %dma_start3A_118 = arith.constant 0 : i32
    %dma_start3A_119 = tpu.memref_slice %arg10[%dma_start3A_115, %dma_start3A_118] : memref<8x128xi32, #tpu.memory_space<vmem>> -> memref<1x128xi32, #tpu.memory_space<vmem>>
    %dma_start3A_120 = tpu.memref_squeeze %dma_start3A_119 : memref<1x128xi32, #tpu.memory_space<vmem>> -> memref<128xi32, #tpu.memory_space<vmem>>
    %dma_start3A_121 = arith.constant 0 : i32
    %dma_start3A_122 = tpu.memref_slice %arg3[%dma_start3A_121] : memref<1600000xi32, #tpu.memory_space<hbm>> -> memref<1600000xi32, #tpu.memory_space<hbm>>
    tpu.enqueue_indirect_dma source(%dma_start3A_122 : memref<1600000xi32, #tpu.memory_space<hbm>>) target(%dma_start3A_117 : memref<128xi32, #tpu.memory_space<vmem>>) offsets(%dma_start3A_120 : memref<128xi32, #tpu.memory_space<vmem>>) semaphore(%arg18 : memref<!tpu.dma_semaphore, #tpu.memory_space<semaphore_mem>>)
    %scan3A_123 = arith.constant 0 : i32
    %scan3A_124 = arith.constant 0 : i32
    %scan3A_125 = arith.constant 8 : i32
    %scan3A_126 = arith.addi %scan3A_124, %scan3A_125 : i32
    %scan3A_127 = arith.constant 1 : i32
    %scan3A_128 = scf.for %scan3A_535 = %scan3A_124 to %scan3A_126 step %scan3A_127 iter_args(%scan3A_536 = %scan3A_123) -> (i32)  : i32 {
      %mul3A_537 = arith.constant 16 : i32
      %mul3A_538 = arith.muli %scan3A_535, %mul3A_537 : i32
      %add3A_539 = arith.constant 768 : i32
      %add3A_540 = arith.addi %add3A_539, %mul3A_538 : i32
      %add3A_541 = arith.constant 49152 : i32
      %add3A_542 = arith.addi %add3A_541, %add3A_540 : i32
      %get3A = arith.index_cast %add3A_542 : i32 to index
      %get3A_543 = tpu.vector_load %arg7[%get3A] {strides = array<i32>} : memref<50176xi32, #tpu.memory_space<vmem>>, vector<16xi32>,
      %add3A_544 = arith.addi %add3A_32, %add3A_540 : i32
      %add3A_545 = vector.broadcast %add3A_544 : i32 to vector<16xi32>
      %add3A_546 = arith.addi %add3A_545, %iota3A : vector<16xi32>
      %ge3A = arith.constant 0 : i32
      %ge3A_547 = vector.broadcast %ge3A : i32 to vector<16xi32>
      %ge3A_548 = arith.cmpi sge, %get3A_543, %ge3A_547 : vector<16xi32>
      %select_n3A = arith.select %ge3A_548, %get3A_543, %add3A_546 : vector<16xi1>, vector<16xi32>
      %mul3A_549 = arith.constant 16 : i32
      %mul3A_550 = arith.muli %scan3A_535, %mul3A_549 : i32
      %swap3A = arith.constant 6 : i32
      %swap3A_551 = arith.index_cast %swap3A : i32 to index
      %swap3A_552 = arith.index_cast %mul3A_550 : i32 to index
      %swap3A_553 = tpu.vector_load %arg10[%swap3A_551, %swap3A_552] {strides = array<i32>} : memref<8x128xi32, #tpu.memory_space<vmem>>, vector<16xi32>,
      tpu.vector_store %arg10[%swap3A_551, %swap3A_552], %select_n3A {strides = array<i32>} : memref<8x128xi32, #tpu.memory_space<vmem>>, vector<16xi32>,
      %scan3A_554 = arith.constant 0 : i32
      scf.yield %scan3A_554 : i32
    }
    %scan3A_129 = arith.constant 8 : i32
    %dma_start3A_130 = arith.constant 6 : i32
    %dma_start3A_131 = arith.constant 768 : i32
    %dma_start3A_132 = tpu.memref_slice %arg13[%dma_start3A_131] : memref<1024xi32, #tpu.memory_space<vmem>> -> memref<128xi32, #tpu.memory_space<vmem>>
    %dma_start3A_133 = arith.constant 0 : i32
    %dma_start3A_134 = tpu.memref_slice %arg10[%dma_start3A_130, %dma_start3A_133] : memref<8x128xi32, #tpu.memory_space<vmem>> -> memref<1x128xi32, #tpu.memory_space<vmem>>
    %dma_start3A_135 = tpu.memref_squeeze %dma_start3A_134 : memref<1x128xi32, #tpu.memory_space<vmem>> -> memref<128xi32, #tpu.memory_space<vmem>>
    %dma_start3A_136 = arith.constant 0 : i32
    %dma_start3A_137 = tpu.memref_slice %arg3[%dma_start3A_136] : memref<1600000xi32, #tpu.memory_space<hbm>> -> memref<1600000xi32, #tpu.memory_space<hbm>>
    tpu.enqueue_indirect_dma source(%dma_start3A_137 : memref<1600000xi32, #tpu.memory_space<hbm>>) target(%dma_start3A_132 : memref<128xi32, #tpu.memory_space<vmem>>) offsets(%dma_start3A_135 : memref<128xi32, #tpu.memory_space<vmem>>) semaphore(%arg18 : memref<!tpu.dma_semaphore, #tpu.memory_space<semaphore_mem>>)
    %scan3A_138 = arith.constant 0 : i32
    %scan3A_139 = arith.constant 0 : i32
    %scan3A_140 = arith.constant 8 : i32
    %scan3A_141 = arith.addi %scan3A_139, %scan3A_140 : i32
    %scan3A_142 = arith.constant 1 : i32
    %scan3A_143 = scf.for %scan3A_535 = %scan3A_139 to %scan3A_141 step %scan3A_142 iter_args(%scan3A_536 = %scan3A_138) -> (i32)  : i32 {
      %mul3A_537 = arith.constant 16 : i32
      %mul3A_538 = arith.muli %scan3A_535, %mul3A_537 : i32
      %add3A_539 = arith.constant 896 : i32
      %add3A_540 = arith.addi %add3A_539, %mul3A_538 : i32
      %add3A_541 = arith.constant 49152 : i32
      %add3A_542 = arith.addi %add3A_541, %add3A_540 : i32
      %get3A = arith.index_cast %add3A_542 : i32 to index
      %get3A_543 = tpu.vector_load %arg7[%get3A] {strides = array<i32>} : memref<50176xi32, #tpu.memory_space<vmem>>, vector<16xi32>,
      %add3A_544 = arith.addi %add3A_32, %add3A_540 : i32
      %add3A_545 = vector.broadcast %add3A_544 : i32 to vector<16xi32>
      %add3A_546 = arith.addi %add3A_545, %iota3A : vector<16xi32>
      %ge3A = arith.constant 0 : i32
      %ge3A_547 = vector.broadcast %ge3A : i32 to vector<16xi32>
      %ge3A_548 = arith.cmpi sge, %get3A_543, %ge3A_547 : vector<16xi32>
      %select_n3A = arith.select %ge3A_548, %get3A_543, %add3A_546 : vector<16xi1>, vector<16xi32>
      %mul3A_549 = arith.constant 16 : i32
      %mul3A_550 = arith.muli %scan3A_535, %mul3A_549 : i32
      %swap3A = arith.constant 7 : i32
      %swap3A_551 = arith.index_cast %swap3A : i32 to index
      %swap3A_552 = arith.index_cast %mul3A_550 : i32 to index
      %swap3A_553 = tpu.vector_load %arg10[%swap3A_551, %swap3A_552] {strides = array<i32>} : memref<8x128xi32, #tpu.memory_space<vmem>>, vector<16xi32>,
      tpu.vector_store %arg10[%swap3A_551, %swap3A_552], %select_n3A {strides = array<i32>} : memref<8x128xi32, #tpu.memory_space<vmem>>, vector<16xi32>,
      %scan3A_554 = arith.constant 0 : i32
      scf.yield %scan3A_554 : i32
    }
    %scan3A_144 = arith.constant 8 : i32
    %dma_start3A_145 = arith.constant 7 : i32
    %dma_start3A_146 = arith.constant 896 : i32
    %dma_start3A_147 = tpu.memref_slice %arg13[%dma_start3A_146] : memref<1024xi32, #tpu.memory_space<vmem>> -> memref<128xi32, #tpu.memory_space<vmem>>
    %dma_start3A_148 = arith.constant 0 : i32
    %dma_start3A_149 = tpu.memref_slice %arg10[%dma_start3A_145, %dma_start3A_148] : memref<8x128xi32, #tpu.memory_space<vmem>> -> memref<1x128xi32, #tpu.memory_space<vmem>>
    %dma_start3A_150 = tpu.memref_squeeze %dma_start3A_149 : memref<1x128xi32, #tpu.memory_space<vmem>> -> memref<128xi32, #tpu.memory_space<vmem>>
    %dma_start3A_151 = arith.constant 0 : i32
    %dma_start3A_152 = tpu.memref_slice %arg3[%dma_start3A_151] : memref<1600000xi32, #tpu.memory_space<hbm>> -> memref<1600000xi32, #tpu.memory_space<hbm>>
    tpu.enqueue_indirect_dma source(%dma_start3A_152 : memref<1600000xi32, #tpu.memory_space<hbm>>) target(%dma_start3A_147 : memref<128xi32, #tpu.memory_space<vmem>>) offsets(%dma_start3A_150 : memref<128xi32, #tpu.memory_space<vmem>>) semaphore(%arg18 : memref<!tpu.dma_semaphore, #tpu.memory_space<semaphore_mem>>)
    %dma_wait3A = arith.constant 0 : i32
    %dma_wait3A_153 = arith.constant 0 : i32
    %dma_wait3A_154 = tpu.memref_slice %arg13[%dma_wait3A_153] : memref<1024xi32, #tpu.memory_space<vmem>> -> memref<128xi32, #tpu.memory_space<vmem>>
    %dma_wait3A_155 = arith.constant 0 : i32
    %dma_wait3A_156 = tpu.memref_slice %arg10[%dma_wait3A, %dma_wait3A_155] : memref<8x128xi32, #tpu.memory_space<vmem>> -> memref<1x128xi32, #tpu.memory_space<vmem>>
    %dma_wait3A_157 = tpu.memref_squeeze %dma_wait3A_156 : memref<1x128xi32, #tpu.memory_space<vmem>> -> memref<128xi32, #tpu.memory_space<vmem>>
    %dma_wait3A_158 = arith.constant 0 : i32
    %dma_wait3A_159 = tpu.memref_slice %arg3[%dma_wait3A_158] : memref<1600000xi32, #tpu.memory_space<hbm>> -> memref<1600000xi32, #tpu.memory_space<hbm>>
    tpu.wait_indirect_dma semaphore(%arg18 : memref<!tpu.dma_semaphore, #tpu.memory_space<semaphore_mem>>) src(%dma_wait3A_159 : memref<1600000xi32, #tpu.memory_space<hbm>>) dst(%dma_wait3A_154 : memref<128xi32, #tpu.memory_space<vmem>>)
    %dma_wait3A_160 = arith.constant 1 : i32
    %dma_wait3A_161 = arith.constant 128 : i32
    %dma_wait3A_162 = tpu.memref_slice %arg13[%dma_wait3A_161] : memref<1024xi32, #tpu.memory_space<vmem>> -> memref<128xi32, #tpu.memory_space<vmem>>
    %dma_wait3A_163 = arith.constant 0 : i32
    %dma_wait3A_164 = tpu.memref_slice %arg10[%dma_wait3A_160, %dma_wait3A_163] : memref<8x128xi32, #tpu.memory_space<vmem>> -> memref<1x128xi32, #tpu.memory_space<vmem>>
    %dma_wait3A_165 = tpu.memref_squeeze %dma_wait3A_164 : memref<1x128xi32, #tpu.memory_space<vmem>> -> memref<128xi32, #tpu.memory_space<vmem>>
    %dma_wait3A_166 = arith.constant 0 : i32
    %dma_wait3A_167 = tpu.memref_slice %arg3[%dma_wait3A_166] : memref<1600000xi32, #tpu.memory_space<hbm>> -> memref<1600000xi32, #tpu.memory_space<hbm>>
    tpu.wait_indirect_dma semaphore(%arg18 : memref<!tpu.dma_semaphore, #tpu.memory_space<semaphore_mem>>) src(%dma_wait3A_167 : memref<1600000xi32, #tpu.memory_space<hbm>>) dst(%dma_wait3A_162 : memref<128xi32, #tpu.memory_space<vmem>>)
    %dma_wait3A_168 = arith.constant 2 : i32
    %dma_wait3A_169 = arith.constant 256 : i32
    %dma_wait3A_170 = tpu.memref_slice %arg13[%dma_wait3A_169] : memref<1024xi32, #tpu.memory_space<vmem>> -> memref<128xi32, #tpu.memory_space<vmem>>
    %dma_wait3A_171 = arith.constant 0 : i32
    %dma_wait3A_172 = tpu.memref_slice %arg10[%dma_wait3A_168, %dma_wait3A_171] : memref<8x128xi32, #tpu.memory_space<vmem>> -> memref<1x128xi32, #tpu.memory_space<vmem>>
    %dma_wait3A_173 = tpu.memref_squeeze %dma_wait3A_172 : memref<1x128xi32, #tpu.memory_space<vmem>> -> memref<128xi32, #tpu.memory_space<vmem>>
    %dma_wait3A_174 = arith.constant 0 : i32
    %dma_wait3A_175 = tpu.memref_slice %arg3[%dma_wait3A_174] : memref<1600000xi32, #tpu.memory_space<hbm>> -> memref<1600000xi32, #tpu.memory_space<hbm>>
    tpu.wait_indirect_dma semaphore(%arg18 : memref<!tpu.dma_semaphore, #tpu.memory_space<semaphore_mem>>) src(%dma_wait3A_175 : memref<1600000xi32, #tpu.memory_space<hbm>>) dst(%dma_wait3A_170 : memref<128xi32, #tpu.memory_space<vmem>>)
    %dma_wait3A_176 = arith.constant 3 : i32
    %dma_wait3A_177 = arith.constant 384 : i32
    %dma_wait3A_178 = tpu.memref_slice %arg13[%dma_wait3A_177] : memref<1024xi32, #tpu.memory_space<vmem>> -> memref<128xi32, #tpu.memory_space<vmem>>
    %dma_wait3A_179 = arith.constant 0 : i32
    %dma_wait3A_180 = tpu.memref_slice %arg10[%dma_wait3A_176, %dma_wait3A_179] : memref<8x128xi32, #tpu.memory_space<vmem>> -> memref<1x128xi32, #tpu.memory_space<vmem>>
    %dma_wait3A_181 = tpu.memref_squeeze %dma_wait3A_180 : memref<1x128xi32, #tpu.memory_space<vmem>> -> memref<128xi32, #tpu.memory_space<vmem>>
    %dma_wait3A_182 = arith.constant 0 : i32
    %dma_wait3A_183 = tpu.memref_slice %arg3[%dma_wait3A_182] : memref<1600000xi32, #tpu.memory_space<hbm>> -> memref<1600000xi32, #tpu.memory_space<hbm>>
    tpu.wait_indirect_dma semaphore(%arg18 : memref<!tpu.dma_semaphore, #tpu.memory_space<semaphore_mem>>) src(%dma_wait3A_183 : memref<1600000xi32, #tpu.memory_space<hbm>>) dst(%dma_wait3A_178 : memref<128xi32, #tpu.memory_space<vmem>>)
    %dma_wait3A_184 = arith.constant 4 : i32
    %dma_wait3A_185 = arith.constant 512 : i32
    %dma_wait3A_186 = tpu.memref_slice %arg13[%dma_wait3A_185] : memref<1024xi32, #tpu.memory_space<vmem>> -> memref<128xi32, #tpu.memory_space<vmem>>
    %dma_wait3A_187 = arith.constant 0 : i32
    %dma_wait3A_188 = tpu.memref_slice %arg10[%dma_wait3A_184, %dma_wait3A_187] : memref<8x128xi32, #tpu.memory_space<vmem>> -> memref<1x128xi32, #tpu.memory_space<vmem>>
    %dma_wait3A_189 = tpu.memref_squeeze %dma_wait3A_188 : memref<1x128xi32, #tpu.memory_space<vmem>> -> memref<128xi32, #tpu.memory_space<vmem>>
    %dma_wait3A_190 = arith.constant 0 : i32
    %dma_wait3A_191 = tpu.memref_slice %arg3[%dma_wait3A_190] : memref<1600000xi32, #tpu.memory_space<hbm>> -> memref<1600000xi32, #tpu.memory_space<hbm>>
    tpu.wait_indirect_dma semaphore(%arg18 : memref<!tpu.dma_semaphore, #tpu.memory_space<semaphore_mem>>) src(%dma_wait3A_191 : memref<1600000xi32, #tpu.memory_space<hbm>>) dst(%dma_wait3A_186 : memref<128xi32, #tpu.memory_space<vmem>>)
    %dma_wait3A_192 = arith.constant 5 : i32
    %dma_wait3A_193 = arith.constant 640 : i32
    %dma_wait3A_194 = tpu.memref_slice %arg13[%dma_wait3A_193] : memref<1024xi32, #tpu.memory_space<vmem>> -> memref<128xi32, #tpu.memory_space<vmem>>
    %dma_wait3A_195 = arith.constant 0 : i32
    %dma_wait3A_196 = tpu.memref_slice %arg10[%dma_wait3A_192, %dma_wait3A_195] : memref<8x128xi32, #tpu.memory_space<vmem>> -> memref<1x128xi32, #tpu.memory_space<vmem>>
    %dma_wait3A_197 = tpu.memref_squeeze %dma_wait3A_196 : memref<1x128xi32, #tpu.memory_space<vmem>> -> memref<128xi32, #tpu.memory_space<vmem>>
    %dma_wait3A_198 = arith.constant 0 : i32
    %dma_wait3A_199 = tpu.memref_slice %arg3[%dma_wait3A_198] : memref<1600000xi32, #tpu.memory_space<hbm>> -> memref<1600000xi32, #tpu.memory_space<hbm>>
    tpu.wait_indirect_dma semaphore(%arg18 : memref<!tpu.dma_semaphore, #tpu.memory_space<semaphore_mem>>) src(%dma_wait3A_199 : memref<1600000xi32, #tpu.memory_space<hbm>>) dst(%dma_wait3A_194 : memref<128xi32, #tpu.memory_space<vmem>>)
    %dma_wait3A_200 = arith.constant 6 : i32
    %dma_wait3A_201 = arith.constant 768 : i32
    %dma_wait3A_202 = tpu.memref_slice %arg13[%dma_wait3A_201] : memref<1024xi32, #tpu.memory_space<vmem>> -> memref<128xi32, #tpu.memory_space<vmem>>
    %dma_wait3A_203 = arith.constant 0 : i32
    %dma_wait3A_204 = tpu.memref_slice %arg10[%dma_wait3A_200, %dma_wait3A_203] : memref<8x128xi32, #tpu.memory_space<vmem>> -> memref<1x128xi32, #tpu.memory_space<vmem>>
    %dma_wait3A_205 = tpu.memref_squeeze %dma_wait3A_204 : memref<1x128xi32, #tpu.memory_space<vmem>> -> memref<128xi32, #tpu.memory_space<vmem>>
    %dma_wait3A_206 = arith.constant 0 : i32
    %dma_wait3A_207 = tpu.memref_slice %arg3[%dma_wait3A_206] : memref<1600000xi32, #tpu.memory_space<hbm>> -> memref<1600000xi32, #tpu.memory_space<hbm>>
    tpu.wait_indirect_dma semaphore(%arg18 : memref<!tpu.dma_semaphore, #tpu.memory_space<semaphore_mem>>) src(%dma_wait3A_207 : memref<1600000xi32, #tpu.memory_space<hbm>>) dst(%dma_wait3A_202 : memref<128xi32, #tpu.memory_space<vmem>>)
    %dma_wait3A_208 = arith.constant 7 : i32
    %dma_wait3A_209 = arith.constant 896 : i32
    %dma_wait3A_210 = tpu.memref_slice %arg13[%dma_wait3A_209] : memref<1024xi32, #tpu.memory_space<vmem>> -> memref<128xi32, #tpu.memory_space<vmem>>
    %dma_wait3A_211 = arith.constant 0 : i32
    %dma_wait3A_212 = tpu.memref_slice %arg10[%dma_wait3A_208, %dma_wait3A_211] : memref<8x128xi32, #tpu.memory_space<vmem>> -> memref<1x128xi32, #tpu.memory_space<vmem>>
    %dma_wait3A_213 = tpu.memref_squeeze %dma_wait3A_212 : memref<1x128xi32, #tpu.memory_space<vmem>> -> memref<128xi32, #tpu.memory_space<vmem>>
    %dma_wait3A_214 = arith.constant 0 : i32
    %dma_wait3A_215 = tpu.memref_slice %arg3[%dma_wait3A_214] : memref<1600000xi32, #tpu.memory_space<hbm>> -> memref<1600000xi32, #tpu.memory_space<hbm>>
    tpu.wait_indirect_dma semaphore(%arg18 : memref<!tpu.dma_semaphore, #tpu.memory_space<semaphore_mem>>) src(%dma_wait3A_215 : memref<1600000xi32, #tpu.memory_space<hbm>>) dst(%dma_wait3A_210 : memref<128xi32, #tpu.memory_space<vmem>>)
    %scan3A_216 = arith.constant 0 : i32
    %scan3A_217 = arith.constant 0 : i32
    %scan3A_218 = arith.constant 8 : i32
    %scan3A_219 = arith.addi %scan3A_217, %scan3A_218 : i32
    %scan3A_220 = arith.constant 1 : i32
    %scan3A_221 = scf.for %scan3A_535 = %scan3A_217 to %scan3A_219 step %scan3A_220 iter_args(%scan3A_536 = %scan3A_216) -> (i32)  : i32 {
      %mul3A_537 = arith.constant 16 : i32
      %mul3A_538 = arith.muli %scan3A_535, %mul3A_537 : i32
      %add3A_539 = arith.constant 0 : i32
      %add3A_540 = arith.addi %add3A_539, %mul3A_538 : i32
      %get3A = arith.index_cast %add3A_540 : i32 to index
      %get3A_541 = tpu.vector_load %arg13[%get3A] {strides = array<i32>} : memref<1024xi32, #tpu.memory_space<vmem>>, vector<16xi32>,
      %add3A_542 = arith.addi %add3A_32, %add3A_540 : i32
      %add3A_543 = vector.broadcast %add3A_542 : i32 to vector<16xi32>
      %add3A_544 = arith.addi %add3A_543, %iota3A : vector<16xi32>
      %and3A = arith.constant 31 : i32
      %and3A_545 = vector.broadcast %and3A : i32 to vector<16xi32>
      %and3A_546 = arith.andi %get3A_541, %and3A_545 : vector<16xi32>
      %mul3A_547 = arith.constant 100000 : i32
      %mul3A_548 = vector.broadcast %mul3A_547 : i32 to vector<16xi32>
      %mul3A_549 = arith.muli %and3A_546, %mul3A_548 : vector<16xi32>
      %shift_right_logical3A = arith.constant 5 : i32
      %shift_right_logical3A_550 = vector.broadcast %shift_right_logical3A : i32 to vector<16xi32>
      %shift_right_logical3A_551 = arith.shrui %add3A_544, %shift_right_logical3A_550 : vector<16xi32>
      %add3A_552 = arith.addi %mul3A_549, %shift_right_logical3A_551 : vector<16xi32>
      %mul3A_553 = arith.constant 16 : i32
      %mul3A_554 = arith.muli %scan3A_535, %mul3A_553 : i32
      %swap3A = arith.constant 0 : i32
      %swap3A_555 = arith.index_cast %swap3A : i32 to index
      %swap3A_556 = arith.index_cast %mul3A_554 : i32 to index
      %swap3A_557 = tpu.vector_load %arg11[%swap3A_555, %swap3A_556] {strides = array<i32>} : memref<8x128xi32, #tpu.memory_space<vmem>>, vector<16xi32>,
      tpu.vector_store %arg11[%swap3A_555, %swap3A_556], %add3A_552 {strides = array<i32>} : memref<8x128xi32, #tpu.memory_space<vmem>>, vector<16xi32>,
      %add3A_558 = arith.constant 50000 : i32
      %add3A_559 = vector.broadcast %add3A_558 : i32 to vector<16xi32>
      %add3A_560 = arith.addi %add3A_552, %add3A_559 : vector<16xi32>
      %mul3A_561 = arith.constant 16 : i32
      %mul3A_562 = arith.muli %scan3A_535, %mul3A_561 : i32
      %swap3A_563 = arith.constant 0 : i32
      %swap3A_564 = arith.index_cast %swap3A_563 : i32 to index
      %swap3A_565 = arith.index_cast %mul3A_562 : i32 to index
      %swap3A_566 = tpu.vector_load %arg12[%swap3A_564, %swap3A_565] {strides = array<i32>} : memref<8x128xi32, #tpu.memory_space<vmem>>, vector<16xi32>,
      tpu.vector_store %arg12[%swap3A_564, %swap3A_565], %add3A_560 {strides = array<i32>} : memref<8x128xi32, #tpu.memory_space<vmem>>, vector<16xi32>,
      %scan3A_567 = arith.constant 0 : i32
      scf.yield %scan3A_567 : i32
    }
    %scan3A_222 = arith.constant 8 : i32
    %dma_start3A_223 = arith.constant 0 : i32
    %dma_start3A_224 = arith.constant 0 : i32
    %dma_start3A_225 = tpu.memref_slice %arg14[%dma_start3A_224] : memref<1024xf32, #tpu.memory_space<vmem>> -> memref<128xf32, #tpu.memory_space<vmem>>
    %dma_start3A_226 = arith.constant 0 : i32
    %dma_start3A_227 = tpu.memref_slice %arg11[%dma_start3A_223, %dma_start3A_226] : memref<8x128xi32, #tpu.memory_space<vmem>> -> memref<1x128xi32, #tpu.memory_space<vmem>>
    %dma_start3A_228 = tpu.memref_squeeze %dma_start3A_227 : memref<1x128xi32, #tpu.memory_space<vmem>> -> memref<128xi32, #tpu.memory_space<vmem>>
    %dma_start3A_229 = arith.constant 0 : i32
    %dma_start3A_230 = tpu.memref_slice %arg4[%dma_start3A_229] : memref<3200000xf32, #tpu.memory_space<hbm>> -> memref<3200000xf32, #tpu.memory_space<hbm>>
    tpu.enqueue_indirect_dma source(%dma_start3A_230 : memref<3200000xf32, #tpu.memory_space<hbm>>) target(%dma_start3A_225 : memref<128xf32, #tpu.memory_space<vmem>>) offsets(%dma_start3A_228 : memref<128xi32, #tpu.memory_space<vmem>>) semaphore(%arg18 : memref<!tpu.dma_semaphore, #tpu.memory_space<semaphore_mem>>)
    %dma_start3A_231 = arith.constant 0 : i32
    %dma_start3A_232 = arith.constant 0 : i32
    %dma_start3A_233 = tpu.memref_slice %arg15[%dma_start3A_232] : memref<1024xf32, #tpu.memory_space<vmem>> -> memref<128xf32, #tpu.memory_space<vmem>>
    %dma_start3A_234 = arith.constant 0 : i32
    %dma_start3A_235 = tpu.memref_slice %arg12[%dma_start3A_231, %dma_start3A_234] : memref<8x128xi32, #tpu.memory_space<vmem>> -> memref<1x128xi32, #tpu.memory_space<vmem>>
    %dma_start3A_236 = tpu.memref_squeeze %dma_start3A_235 : memref<1x128xi32, #tpu.memory_space<vmem>> -> memref<128xi32, #tpu.memory_space<vmem>>
    %dma_start3A_237 = arith.constant 0 : i32
    %dma_start3A_238 = tpu.memref_slice %arg4[%dma_start3A_237] : memref<3200000xf32, #tpu.memory_space<hbm>> -> memref<3200000xf32, #tpu.memory_space<hbm>>
    tpu.enqueue_indirect_dma source(%dma_start3A_238 : memref<3200000xf32, #tpu.memory_space<hbm>>) target(%dma_start3A_233 : memref<128xf32, #tpu.memory_space<vmem>>) offsets(%dma_start3A_236 : memref<128xi32, #tpu.memory_space<vmem>>) semaphore(%arg18 : memref<!tpu.dma_semaphore, #tpu.memory_space<semaphore_mem>>)
    %scan3A_239 = arith.constant 0 : i32
    %scan3A_240 = arith.constant 0 : i32
    %scan3A_241 = arith.constant 8 : i32
    %scan3A_242 = arith.addi %scan3A_240, %scan3A_241 : i32
    %scan3A_243 = arith.constant 1 : i32
    %scan3A_244 = scf.for %scan3A_535 = %scan3A_240 to %scan3A_242 step %scan3A_243 iter_args(%scan3A_536 = %scan3A_239) -> (i32)  : i32 {
      %mul3A_537 = arith.constant 16 : i32
      %mul3A_538 = arith.muli %scan3A_535, %mul3A_537 : i32
      %add3A_539 = arith.constant 128 : i32
      %add3A_540 = arith.addi %add3A_539, %mul3A_538 : i32
      %get3A = arith.index_cast %add3A_540 : i32 to index
      %get3A_541 = tpu.vector_load %arg13[%get3A] {strides = array<i32>} : memref<1024xi32, #tpu.memory_space<vmem>>, vector<16xi32>,
      %add3A_542 = arith.addi %add3A_32, %add3A_540 : i32
      %add3A_543 = vector.broadcast %add3A_542 : i32 to vector<16xi32>
      %add3A_544 = arith.addi %add3A_543, %iota3A : vector<16xi32>
      %and3A = arith.constant 31 : i32
      %and3A_545 = vector.broadcast %and3A : i32 to vector<16xi32>
      %and3A_546 = arith.andi %get3A_541, %and3A_545 : vector<16xi32>
      %mul3A_547 = arith.constant 100000 : i32
      %mul3A_548 = vector.broadcast %mul3A_547 : i32 to vector<16xi32>
      %mul3A_549 = arith.muli %and3A_546, %mul3A_548 : vector<16xi32>
      %shift_right_logical3A = arith.constant 5 : i32
      %shift_right_logical3A_550 = vector.broadcast %shift_right_logical3A : i32 to vector<16xi32>
      %shift_right_logical3A_551 = arith.shrui %add3A_544, %shift_right_logical3A_550 : vector<16xi32>
      %add3A_552 = arith.addi %mul3A_549, %shift_right_logical3A_551 : vector<16xi32>
      %mul3A_553 = arith.constant 16 : i32
      %mul3A_554 = arith.muli %scan3A_535, %mul3A_553 : i32
      %swap3A = arith.constant 1 : i32
      %swap3A_555 = arith.index_cast %swap3A : i32 to index
      %swap3A_556 = arith.index_cast %mul3A_554 : i32 to index
      %swap3A_557 = tpu.vector_load %arg11[%swap3A_555, %swap3A_556] {strides = array<i32>} : memref<8x128xi32, #tpu.memory_space<vmem>>, vector<16xi32>,
      tpu.vector_store %arg11[%swap3A_555, %swap3A_556], %add3A_552 {strides = array<i32>} : memref<8x128xi32, #tpu.memory_space<vmem>>, vector<16xi32>,
      %add3A_558 = arith.constant 50000 : i32
      %add3A_559 = vector.broadcast %add3A_558 : i32 to vector<16xi32>
      %add3A_560 = arith.addi %add3A_552, %add3A_559 : vector<16xi32>
      %mul3A_561 = arith.constant 16 : i32
      %mul3A_562 = arith.muli %scan3A_535, %mul3A_561 : i32
      %swap3A_563 = arith.constant 1 : i32
      %swap3A_564 = arith.index_cast %swap3A_563 : i32 to index
      %swap3A_565 = arith.index_cast %mul3A_562 : i32 to index
      %swap3A_566 = tpu.vector_load %arg12[%swap3A_564, %swap3A_565] {strides = array<i32>} : memref<8x128xi32, #tpu.memory_space<vmem>>, vector<16xi32>,
      tpu.vector_store %arg12[%swap3A_564, %swap3A_565], %add3A_560 {strides = array<i32>} : memref<8x128xi32, #tpu.memory_space<vmem>>, vector<16xi32>,
      %scan3A_567 = arith.constant 0 : i32
      scf.yield %scan3A_567 : i32
    }
    %scan3A_245 = arith.constant 8 : i32
    %dma_start3A_246 = arith.constant 1 : i32
    %dma_start3A_247 = arith.constant 128 : i32
    %dma_start3A_248 = tpu.memref_slice %arg14[%dma_start3A_247] : memref<1024xf32, #tpu.memory_space<vmem>> -> memref<128xf32, #tpu.memory_space<vmem>>
    %dma_start3A_249 = arith.constant 0 : i32
    %dma_start3A_250 = tpu.memref_slice %arg11[%dma_start3A_246, %dma_start3A_249] : memref<8x128xi32, #tpu.memory_space<vmem>> -> memref<1x128xi32, #tpu.memory_space<vmem>>
    %dma_start3A_251 = tpu.memref_squeeze %dma_start3A_250 : memref<1x128xi32, #tpu.memory_space<vmem>> -> memref<128xi32, #tpu.memory_space<vmem>>
    %dma_start3A_252 = arith.constant 0 : i32
    %dma_start3A_253 = tpu.memref_slice %arg4[%dma_start3A_252] : memref<3200000xf32, #tpu.memory_space<hbm>> -> memref<3200000xf32, #tpu.memory_space<hbm>>
    tpu.enqueue_indirect_dma source(%dma_start3A_253 : memref<3200000xf32, #tpu.memory_space<hbm>>) target(%dma_start3A_248 : memref<128xf32, #tpu.memory_space<vmem>>) offsets(%dma_start3A_251 : memref<128xi32, #tpu.memory_space<vmem>>) semaphore(%arg18 : memref<!tpu.dma_semaphore, #tpu.memory_space<semaphore_mem>>)
    %dma_start3A_254 = arith.constant 1 : i32
    %dma_start3A_255 = arith.constant 128 : i32
    %dma_start3A_256 = tpu.memref_slice %arg15[%dma_start3A_255] : memref<1024xf32, #tpu.memory_space<vmem>> -> memref<128xf32, #tpu.memory_space<vmem>>
    %dma_start3A_257 = arith.constant 0 : i32
    %dma_start3A_258 = tpu.memref_slice %arg12[%dma_start3A_254, %dma_start3A_257] : memref<8x128xi32, #tpu.memory_space<vmem>> -> memref<1x128xi32, #tpu.memory_space<vmem>>
    %dma_start3A_259 = tpu.memref_squeeze %dma_start3A_258 : memref<1x128xi32, #tpu.memory_space<vmem>> -> memref<128xi32, #tpu.memory_space<vmem>>
    %dma_start3A_260 = arith.constant 0 : i32
    %dma_start3A_261 = tpu.memref_slice %arg4[%dma_start3A_260] : memref<3200000xf32, #tpu.memory_space<hbm>> -> memref<3200000xf32, #tpu.memory_space<hbm>>
    tpu.enqueue_indirect_dma source(%dma_start3A_261 : memref<3200000xf32, #tpu.memory_space<hbm>>) target(%dma_start3A_256 : memref<128xf32, #tpu.memory_space<vmem>>) offsets(%dma_start3A_259 : memref<128xi32, #tpu.memory_space<vmem>>) semaphore(%arg18 : memref<!tpu.dma_semaphore, #tpu.memory_space<semaphore_mem>>)
    %scan3A_262 = arith.constant 0 : i32
    %scan3A_263 = arith.constant 0 : i32
    %scan3A_264 = arith.constant 8 : i32
    %scan3A_265 = arith.addi %scan3A_263, %scan3A_264 : i32
    %scan3A_266 = arith.constant 1 : i32
    %scan3A_267 = scf.for %scan3A_535 = %scan3A_263 to %scan3A_265 step %scan3A_266 iter_args(%scan3A_536 = %scan3A_262) -> (i32)  : i32 {
      %mul3A_537 = arith.constant 16 : i32
      %mul3A_538 = arith.muli %scan3A_535, %mul3A_537 : i32
      %add3A_539 = arith.constant 256 : i32
      %add3A_540 = arith.addi %add3A_539, %mul3A_538 : i32
      %get3A = arith.index_cast %add3A_540 : i32 to index
      %get3A_541 = tpu.vector_load %arg13[%get3A] {strides = array<i32>} : memref<1024xi32, #tpu.memory_space<vmem>>, vector<16xi32>,
      %add3A_542 = arith.addi %add3A_32, %add3A_540 : i32
      %add3A_543 = vector.broadcast %add3A_542 : i32 to vector<16xi32>
      %add3A_544 = arith.addi %add3A_543, %iota3A : vector<16xi32>
      %and3A = arith.constant 31 : i32
      %and3A_545 = vector.broadcast %and3A : i32 to vector<16xi32>
      %and3A_546 = arith.andi %get3A_541, %and3A_545 : vector<16xi32>
      %mul3A_547 = arith.constant 100000 : i32
      %mul3A_548 = vector.broadcast %mul3A_547 : i32 to vector<16xi32>
      %mul3A_549 = arith.muli %and3A_546, %mul3A_548 : vector<16xi32>
      %shift_right_logical3A = arith.constant 5 : i32
      %shift_right_logical3A_550 = vector.broadcast %shift_right_logical3A : i32 to vector<16xi32>
      %shift_right_logical3A_551 = arith.shrui %add3A_544, %shift_right_logical3A_550 : vector<16xi32>
      %add3A_552 = arith.addi %mul3A_549, %shift_right_logical3A_551 : vector<16xi32>
      %mul3A_553 = arith.constant 16 : i32
      %mul3A_554 = arith.muli %scan3A_535, %mul3A_553 : i32
      %swap3A = arith.constant 2 : i32
      %swap3A_555 = arith.index_cast %swap3A : i32 to index
      %swap3A_556 = arith.index_cast %mul3A_554 : i32 to index
      %swap3A_557 = tpu.vector_load %arg11[%swap3A_555, %swap3A_556] {strides = array<i32>} : memref<8x128xi32, #tpu.memory_space<vmem>>, vector<16xi32>,
      tpu.vector_store %arg11[%swap3A_555, %swap3A_556], %add3A_552 {strides = array<i32>} : memref<8x128xi32, #tpu.memory_space<vmem>>, vector<16xi32>,
      %add3A_558 = arith.constant 50000 : i32
      %add3A_559 = vector.broadcast %add3A_558 : i32 to vector<16xi32>
      %add3A_560 = arith.addi %add3A_552, %add3A_559 : vector<16xi32>
      %mul3A_561 = arith.constant 16 : i32
      %mul3A_562 = arith.muli %scan3A_535, %mul3A_561 : i32
      %swap3A_563 = arith.constant 2 : i32
      %swap3A_564 = arith.index_cast %swap3A_563 : i32 to index
      %swap3A_565 = arith.index_cast %mul3A_562 : i32 to index
      %swap3A_566 = tpu.vector_load %arg12[%swap3A_564, %swap3A_565] {strides = array<i32>} : memref<8x128xi32, #tpu.memory_space<vmem>>, vector<16xi32>,
      tpu.vector_store %arg12[%swap3A_564, %swap3A_565], %add3A_560 {strides = array<i32>} : memref<8x128xi32, #tpu.memory_space<vmem>>, vector<16xi32>,
      %scan3A_567 = arith.constant 0 : i32
      scf.yield %scan3A_567 : i32
    }
    %scan3A_268 = arith.constant 8 : i32
    %dma_start3A_269 = arith.constant 2 : i32
    %dma_start3A_270 = arith.constant 256 : i32
    %dma_start3A_271 = tpu.memref_slice %arg14[%dma_start3A_270] : memref<1024xf32, #tpu.memory_space<vmem>> -> memref<128xf32, #tpu.memory_space<vmem>>
    %dma_start3A_272 = arith.constant 0 : i32
    %dma_start3A_273 = tpu.memref_slice %arg11[%dma_start3A_269, %dma_start3A_272] : memref<8x128xi32, #tpu.memory_space<vmem>> -> memref<1x128xi32, #tpu.memory_space<vmem>>
    %dma_start3A_274 = tpu.memref_squeeze %dma_start3A_273 : memref<1x128xi32, #tpu.memory_space<vmem>> -> memref<128xi32, #tpu.memory_space<vmem>>
    %dma_start3A_275 = arith.constant 0 : i32
    %dma_start3A_276 = tpu.memref_slice %arg4[%dma_start3A_275] : memref<3200000xf32, #tpu.memory_space<hbm>> -> memref<3200000xf32, #tpu.memory_space<hbm>>
    tpu.enqueue_indirect_dma source(%dma_start3A_276 : memref<3200000xf32, #tpu.memory_space<hbm>>) target(%dma_start3A_271 : memref<128xf32, #tpu.memory_space<vmem>>) offsets(%dma_start3A_274 : memref<128xi32, #tpu.memory_space<vmem>>) semaphore(%arg18 : memref<!tpu.dma_semaphore, #tpu.memory_space<semaphore_mem>>)
    %dma_start3A_277 = arith.constant 2 : i32
    %dma_start3A_278 = arith.constant 256 : i32
    %dma_start3A_279 = tpu.memref_slice %arg15[%dma_start3A_278] : memref<1024xf32, #tpu.memory_space<vmem>> -> memref<128xf32, #tpu.memory_space<vmem>>
    %dma_start3A_280 = arith.constant 0 : i32
    %dma_start3A_281 = tpu.memref_slice %arg12[%dma_start3A_277, %dma_start3A_280] : memref<8x128xi32, #tpu.memory_space<vmem>> -> memref<1x128xi32, #tpu.memory_space<vmem>>
    %dma_start3A_282 = tpu.memref_squeeze %dma_start3A_281 : memref<1x128xi32, #tpu.memory_space<vmem>> -> memref<128xi32, #tpu.memory_space<vmem>>
    %dma_start3A_283 = arith.constant 0 : i32
    %dma_start3A_284 = tpu.memref_slice %arg4[%dma_start3A_283] : memref<3200000xf32, #tpu.memory_space<hbm>> -> memref<3200000xf32, #tpu.memory_space<hbm>>
    tpu.enqueue_indirect_dma source(%dma_start3A_284 : memref<3200000xf32, #tpu.memory_space<hbm>>) target(%dma_start3A_279 : memref<128xf32, #tpu.memory_space<vmem>>) offsets(%dma_start3A_282 : memref<128xi32, #tpu.memory_space<vmem>>) semaphore(%arg18 : memref<!tpu.dma_semaphore, #tpu.memory_space<semaphore_mem>>)
    %scan3A_285 = arith.constant 0 : i32
    %scan3A_286 = arith.constant 0 : i32
    %scan3A_287 = arith.constant 8 : i32
    %scan3A_288 = arith.addi %scan3A_286, %scan3A_287 : i32
    %scan3A_289 = arith.constant 1 : i32
    %scan3A_290 = scf.for %scan3A_535 = %scan3A_286 to %scan3A_288 step %scan3A_289 iter_args(%scan3A_536 = %scan3A_285) -> (i32)  : i32 {
      %mul3A_537 = arith.constant 16 : i32
      %mul3A_538 = arith.muli %scan3A_535, %mul3A_537 : i32
      %add3A_539 = arith.constant 384 : i32
      %add3A_540 = arith.addi %add3A_539, %mul3A_538 : i32
      %get3A = arith.index_cast %add3A_540 : i32 to index
      %get3A_541 = tpu.vector_load %arg13[%get3A] {strides = array<i32>} : memref<1024xi32, #tpu.memory_space<vmem>>, vector<16xi32>,
      %add3A_542 = arith.addi %add3A_32, %add3A_540 : i32
      %add3A_543 = vector.broadcast %add3A_542 : i32 to vector<16xi32>
      %add3A_544 = arith.addi %add3A_543, %iota3A : vector<16xi32>
      %and3A = arith.constant 31 : i32
      %and3A_545 = vector.broadcast %and3A : i32 to vector<16xi32>
      %and3A_546 = arith.andi %get3A_541, %and3A_545 : vector<16xi32>
      %mul3A_547 = arith.constant 100000 : i32
      %mul3A_548 = vector.broadcast %mul3A_547 : i32 to vector<16xi32>
      %mul3A_549 = arith.muli %and3A_546, %mul3A_548 : vector<16xi32>
      %shift_right_logical3A = arith.constant 5 : i32
      %shift_right_logical3A_550 = vector.broadcast %shift_right_logical3A : i32 to vector<16xi32>
      %shift_right_logical3A_551 = arith.shrui %add3A_544, %shift_right_logical3A_550 : vector<16xi32>
      %add3A_552 = arith.addi %mul3A_549, %shift_right_logical3A_551 : vector<16xi32>
      %mul3A_553 = arith.constant 16 : i32
      %mul3A_554 = arith.muli %scan3A_535, %mul3A_553 : i32
      %swap3A = arith.constant 3 : i32
      %swap3A_555 = arith.index_cast %swap3A : i32 to index
      %swap3A_556 = arith.index_cast %mul3A_554 : i32 to index
      %swap3A_557 = tpu.vector_load %arg11[%swap3A_555, %swap3A_556] {strides = array<i32>} : memref<8x128xi32, #tpu.memory_space<vmem>>, vector<16xi32>,
      tpu.vector_store %arg11[%swap3A_555, %swap3A_556], %add3A_552 {strides = array<i32>} : memref<8x128xi32, #tpu.memory_space<vmem>>, vector<16xi32>,
      %add3A_558 = arith.constant 50000 : i32
      %add3A_559 = vector.broadcast %add3A_558 : i32 to vector<16xi32>
      %add3A_560 = arith.addi %add3A_552, %add3A_559 : vector<16xi32>
      %mul3A_561 = arith.constant 16 : i32
      %mul3A_562 = arith.muli %scan3A_535, %mul3A_561 : i32
      %swap3A_563 = arith.constant 3 : i32
      %swap3A_564 = arith.index_cast %swap3A_563 : i32 to index
      %swap3A_565 = arith.index_cast %mul3A_562 : i32 to index
      %swap3A_566 = tpu.vector_load %arg12[%swap3A_564, %swap3A_565] {strides = array<i32>} : memref<8x128xi32, #tpu.memory_space<vmem>>, vector<16xi32>,
      tpu.vector_store %arg12[%swap3A_564, %swap3A_565], %add3A_560 {strides = array<i32>} : memref<8x128xi32, #tpu.memory_space<vmem>>, vector<16xi32>,
      %scan3A_567 = arith.constant 0 : i32
      scf.yield %scan3A_567 : i32
    }
    %scan3A_291 = arith.constant 8 : i32
    %dma_start3A_292 = arith.constant 3 : i32
    %dma_start3A_293 = arith.constant 384 : i32
    %dma_start3A_294 = tpu.memref_slice %arg14[%dma_start3A_293] : memref<1024xf32, #tpu.memory_space<vmem>> -> memref<128xf32, #tpu.memory_space<vmem>>
    %dma_start3A_295 = arith.constant 0 : i32
    %dma_start3A_296 = tpu.memref_slice %arg11[%dma_start3A_292, %dma_start3A_295] : memref<8x128xi32, #tpu.memory_space<vmem>> -> memref<1x128xi32, #tpu.memory_space<vmem>>
    %dma_start3A_297 = tpu.memref_squeeze %dma_start3A_296 : memref<1x128xi32, #tpu.memory_space<vmem>> -> memref<128xi32, #tpu.memory_space<vmem>>
    %dma_start3A_298 = arith.constant 0 : i32
    %dma_start3A_299 = tpu.memref_slice %arg4[%dma_start3A_298] : memref<3200000xf32, #tpu.memory_space<hbm>> -> memref<3200000xf32, #tpu.memory_space<hbm>>
    tpu.enqueue_indirect_dma source(%dma_start3A_299 : memref<3200000xf32, #tpu.memory_space<hbm>>) target(%dma_start3A_294 : memref<128xf32, #tpu.memory_space<vmem>>) offsets(%dma_start3A_297 : memref<128xi32, #tpu.memory_space<vmem>>) semaphore(%arg18 : memref<!tpu.dma_semaphore, #tpu.memory_space<semaphore_mem>>)
    %dma_start3A_300 = arith.constant 3 : i32
    %dma_start3A_301 = arith.constant 384 : i32
    %dma_start3A_302 = tpu.memref_slice %arg15[%dma_start3A_301] : memref<1024xf32, #tpu.memory_space<vmem>> -> memref<128xf32, #tpu.memory_space<vmem>>
    %dma_start3A_303 = arith.constant 0 : i32
    %dma_start3A_304 = tpu.memref_slice %arg12[%dma_start3A_300, %dma_start3A_303] : memref<8x128xi32, #tpu.memory_space<vmem>> -> memref<1x128xi32, #tpu.memory_space<vmem>>
    %dma_start3A_305 = tpu.memref_squeeze %dma_start3A_304 : memref<1x128xi32, #tpu.memory_space<vmem>> -> memref<128xi32, #tpu.memory_space<vmem>>
    %dma_start3A_306 = arith.constant 0 : i32
    %dma_start3A_307 = tpu.memref_slice %arg4[%dma_start3A_306] : memref<3200000xf32, #tpu.memory_space<hbm>> -> memref<3200000xf32, #tpu.memory_space<hbm>>
    tpu.enqueue_indirect_dma source(%dma_start3A_307 : memref<3200000xf32, #tpu.memory_space<hbm>>) target(%dma_start3A_302 : memref<128xf32, #tpu.memory_space<vmem>>) offsets(%dma_start3A_305 : memref<128xi32, #tpu.memory_space<vmem>>) semaphore(%arg18 : memref<!tpu.dma_semaphore, #tpu.memory_space<semaphore_mem>>)
    %scan3A_308 = arith.constant 0 : i32
    %scan3A_309 = arith.constant 0 : i32
    %scan3A_310 = arith.constant 8 : i32
    %scan3A_311 = arith.addi %scan3A_309, %scan3A_310 : i32
    %scan3A_312 = arith.constant 1 : i32
    %scan3A_313 = scf.for %scan3A_535 = %scan3A_309 to %scan3A_311 step %scan3A_312 iter_args(%scan3A_536 = %scan3A_308) -> (i32)  : i32 {
      %mul3A_537 = arith.constant 16 : i32
      %mul3A_538 = arith.muli %scan3A_535, %mul3A_537 : i32
      %add3A_539 = arith.constant 512 : i32
      %add3A_540 = arith.addi %add3A_539, %mul3A_538 : i32
      %get3A = arith.index_cast %add3A_540 : i32 to index
      %get3A_541 = tpu.vector_load %arg13[%get3A] {strides = array<i32>} : memref<1024xi32, #tpu.memory_space<vmem>>, vector<16xi32>,
      %add3A_542 = arith.addi %add3A_32, %add3A_540 : i32
      %add3A_543 = vector.broadcast %add3A_542 : i32 to vector<16xi32>
      %add3A_544 = arith.addi %add3A_543, %iota3A : vector<16xi32>
      %and3A = arith.constant 31 : i32
      %and3A_545 = vector.broadcast %and3A : i32 to vector<16xi32>
      %and3A_546 = arith.andi %get3A_541, %and3A_545 : vector<16xi32>
      %mul3A_547 = arith.constant 100000 : i32
      %mul3A_548 = vector.broadcast %mul3A_547 : i32 to vector<16xi32>
      %mul3A_549 = arith.muli %and3A_546, %mul3A_548 : vector<16xi32>
      %shift_right_logical3A = arith.constant 5 : i32
      %shift_right_logical3A_550 = vector.broadcast %shift_right_logical3A : i32 to vector<16xi32>
      %shift_right_logical3A_551 = arith.shrui %add3A_544, %shift_right_logical3A_550 : vector<16xi32>
      %add3A_552 = arith.addi %mul3A_549, %shift_right_logical3A_551 : vector<16xi32>
      %mul3A_553 = arith.constant 16 : i32
      %mul3A_554 = arith.muli %scan3A_535, %mul3A_553 : i32
      %swap3A = arith.constant 4 : i32
      %swap3A_555 = arith.index_cast %swap3A : i32 to index
      %swap3A_556 = arith.index_cast %mul3A_554 : i32 to index
      %swap3A_557 = tpu.vector_load %arg11[%swap3A_555, %swap3A_556] {strides = array<i32>} : memref<8x128xi32, #tpu.memory_space<vmem>>, vector<16xi32>,
      tpu.vector_store %arg11[%swap3A_555, %swap3A_556], %add3A_552 {strides = array<i32>} : memref<8x128xi32, #tpu.memory_space<vmem>>, vector<16xi32>,
      %add3A_558 = arith.constant 50000 : i32
      %add3A_559 = vector.broadcast %add3A_558 : i32 to vector<16xi32>
      %add3A_560 = arith.addi %add3A_552, %add3A_559 : vector<16xi32>
      %mul3A_561 = arith.constant 16 : i32
      %mul3A_562 = arith.muli %scan3A_535, %mul3A_561 : i32
      %swap3A_563 = arith.constant 4 : i32
      %swap3A_564 = arith.index_cast %swap3A_563 : i32 to index
      %swap3A_565 = arith.index_cast %mul3A_562 : i32 to index
      %swap3A_566 = tpu.vector_load %arg12[%swap3A_564, %swap3A_565] {strides = array<i32>} : memref<8x128xi32, #tpu.memory_space<vmem>>, vector<16xi32>,
      tpu.vector_store %arg12[%swap3A_564, %swap3A_565], %add3A_560 {strides = array<i32>} : memref<8x128xi32, #tpu.memory_space<vmem>>, vector<16xi32>,
      %scan3A_567 = arith.constant 0 : i32
      scf.yield %scan3A_567 : i32
    }
    %scan3A_314 = arith.constant 8 : i32
    %dma_start3A_315 = arith.constant 4 : i32
    %dma_start3A_316 = arith.constant 512 : i32
    %dma_start3A_317 = tpu.memref_slice %arg14[%dma_start3A_316] : memref<1024xf32, #tpu.memory_space<vmem>> -> memref<128xf32, #tpu.memory_space<vmem>>
    %dma_start3A_318 = arith.constant 0 : i32
    %dma_start3A_319 = tpu.memref_slice %arg11[%dma_start3A_315, %dma_start3A_318] : memref<8x128xi32, #tpu.memory_space<vmem>> -> memref<1x128xi32, #tpu.memory_space<vmem>>
    %dma_start3A_320 = tpu.memref_squeeze %dma_start3A_319 : memref<1x128xi32, #tpu.memory_space<vmem>> -> memref<128xi32, #tpu.memory_space<vmem>>
    %dma_start3A_321 = arith.constant 0 : i32
    %dma_start3A_322 = tpu.memref_slice %arg4[%dma_start3A_321] : memref<3200000xf32, #tpu.memory_space<hbm>> -> memref<3200000xf32, #tpu.memory_space<hbm>>
    tpu.enqueue_indirect_dma source(%dma_start3A_322 : memref<3200000xf32, #tpu.memory_space<hbm>>) target(%dma_start3A_317 : memref<128xf32, #tpu.memory_space<vmem>>) offsets(%dma_start3A_320 : memref<128xi32, #tpu.memory_space<vmem>>) semaphore(%arg18 : memref<!tpu.dma_semaphore, #tpu.memory_space<semaphore_mem>>)
    %dma_start3A_323 = arith.constant 4 : i32
    %dma_start3A_324 = arith.constant 512 : i32
    %dma_start3A_325 = tpu.memref_slice %arg15[%dma_start3A_324] : memref<1024xf32, #tpu.memory_space<vmem>> -> memref<128xf32, #tpu.memory_space<vmem>>
    %dma_start3A_326 = arith.constant 0 : i32
    %dma_start3A_327 = tpu.memref_slice %arg12[%dma_start3A_323, %dma_start3A_326] : memref<8x128xi32, #tpu.memory_space<vmem>> -> memref<1x128xi32, #tpu.memory_space<vmem>>
    %dma_start3A_328 = tpu.memref_squeeze %dma_start3A_327 : memref<1x128xi32, #tpu.memory_space<vmem>> -> memref<128xi32, #tpu.memory_space<vmem>>
    %dma_start3A_329 = arith.constant 0 : i32
    %dma_start3A_330 = tpu.memref_slice %arg4[%dma_start3A_329] : memref<3200000xf32, #tpu.memory_space<hbm>> -> memref<3200000xf32, #tpu.memory_space<hbm>>
    tpu.enqueue_indirect_dma source(%dma_start3A_330 : memref<3200000xf32, #tpu.memory_space<hbm>>) target(%dma_start3A_325 : memref<128xf32, #tpu.memory_space<vmem>>) offsets(%dma_start3A_328 : memref<128xi32, #tpu.memory_space<vmem>>) semaphore(%arg18 : memref<!tpu.dma_semaphore, #tpu.memory_space<semaphore_mem>>)
    %scan3A_331 = arith.constant 0 : i32
    %scan3A_332 = arith.constant 0 : i32
    %scan3A_333 = arith.constant 8 : i32
    %scan3A_334 = arith.addi %scan3A_332, %scan3A_333 : i32
    %scan3A_335 = arith.constant 1 : i32
    %scan3A_336 = scf.for %scan3A_535 = %scan3A_332 to %scan3A_334 step %scan3A_335 iter_args(%scan3A_536 = %scan3A_331) -> (i32)  : i32 {
      %mul3A_537 = arith.constant 16 : i32
      %mul3A_538 = arith.muli %scan3A_535, %mul3A_537 : i32
      %add3A_539 = arith.constant 640 : i32
      %add3A_540 = arith.addi %add3A_539, %mul3A_538 : i32
      %get3A = arith.index_cast %add3A_540 : i32 to index
      %get3A_541 = tpu.vector_load %arg13[%get3A] {strides = array<i32>} : memref<1024xi32, #tpu.memory_space<vmem>>, vector<16xi32>,
      %add3A_542 = arith.addi %add3A_32, %add3A_540 : i32
      %add3A_543 = vector.broadcast %add3A_542 : i32 to vector<16xi32>
      %add3A_544 = arith.addi %add3A_543, %iota3A : vector<16xi32>
      %and3A = arith.constant 31 : i32
      %and3A_545 = vector.broadcast %and3A : i32 to vector<16xi32>
      %and3A_546 = arith.andi %get3A_541, %and3A_545 : vector<16xi32>
      %mul3A_547 = arith.constant 100000 : i32
      %mul3A_548 = vector.broadcast %mul3A_547 : i32 to vector<16xi32>
      %mul3A_549 = arith.muli %and3A_546, %mul3A_548 : vector<16xi32>
      %shift_right_logical3A = arith.constant 5 : i32
      %shift_right_logical3A_550 = vector.broadcast %shift_right_logical3A : i32 to vector<16xi32>
      %shift_right_logical3A_551 = arith.shrui %add3A_544, %shift_right_logical3A_550 : vector<16xi32>
      %add3A_552 = arith.addi %mul3A_549, %shift_right_logical3A_551 : vector<16xi32>
      %mul3A_553 = arith.constant 16 : i32
      %mul3A_554 = arith.muli %scan3A_535, %mul3A_553 : i32
      %swap3A = arith.constant 5 : i32
      %swap3A_555 = arith.index_cast %swap3A : i32 to index
      %swap3A_556 = arith.index_cast %mul3A_554 : i32 to index
      %swap3A_557 = tpu.vector_load %arg11[%swap3A_555, %swap3A_556] {strides = array<i32>} : memref<8x128xi32, #tpu.memory_space<vmem>>, vector<16xi32>,
      tpu.vector_store %arg11[%swap3A_555, %swap3A_556], %add3A_552 {strides = array<i32>} : memref<8x128xi32, #tpu.memory_space<vmem>>, vector<16xi32>,
      %add3A_558 = arith.constant 50000 : i32
      %add3A_559 = vector.broadcast %add3A_558 : i32 to vector<16xi32>
      %add3A_560 = arith.addi %add3A_552, %add3A_559 : vector<16xi32>
      %mul3A_561 = arith.constant 16 : i32
      %mul3A_562 = arith.muli %scan3A_535, %mul3A_561 : i32
      %swap3A_563 = arith.constant 5 : i32
      %swap3A_564 = arith.index_cast %swap3A_563 : i32 to index
      %swap3A_565 = arith.index_cast %mul3A_562 : i32 to index
      %swap3A_566 = tpu.vector_load %arg12[%swap3A_564, %swap3A_565] {strides = array<i32>} : memref<8x128xi32, #tpu.memory_space<vmem>>, vector<16xi32>,
      tpu.vector_store %arg12[%swap3A_564, %swap3A_565], %add3A_560 {strides = array<i32>} : memref<8x128xi32, #tpu.memory_space<vmem>>, vector<16xi32>,
      %scan3A_567 = arith.constant 0 : i32
      scf.yield %scan3A_567 : i32
    }
    %scan3A_337 = arith.constant 8 : i32
    %dma_start3A_338 = arith.constant 5 : i32
    %dma_start3A_339 = arith.constant 640 : i32
    %dma_start3A_340 = tpu.memref_slice %arg14[%dma_start3A_339] : memref<1024xf32, #tpu.memory_space<vmem>> -> memref<128xf32, #tpu.memory_space<vmem>>
    %dma_start3A_341 = arith.constant 0 : i32
    %dma_start3A_342 = tpu.memref_slice %arg11[%dma_start3A_338, %dma_start3A_341] : memref<8x128xi32, #tpu.memory_space<vmem>> -> memref<1x128xi32, #tpu.memory_space<vmem>>
    %dma_start3A_343 = tpu.memref_squeeze %dma_start3A_342 : memref<1x128xi32, #tpu.memory_space<vmem>> -> memref<128xi32, #tpu.memory_space<vmem>>
    %dma_start3A_344 = arith.constant 0 : i32
    %dma_start3A_345 = tpu.memref_slice %arg4[%dma_start3A_344] : memref<3200000xf32, #tpu.memory_space<hbm>> -> memref<3200000xf32, #tpu.memory_space<hbm>>
    tpu.enqueue_indirect_dma source(%dma_start3A_345 : memref<3200000xf32, #tpu.memory_space<hbm>>) target(%dma_start3A_340 : memref<128xf32, #tpu.memory_space<vmem>>) offsets(%dma_start3A_343 : memref<128xi32, #tpu.memory_space<vmem>>) semaphore(%arg18 : memref<!tpu.dma_semaphore, #tpu.memory_space<semaphore_mem>>)
    %dma_start3A_346 = arith.constant 5 : i32
    %dma_start3A_347 = arith.constant 640 : i32
    %dma_start3A_348 = tpu.memref_slice %arg15[%dma_start3A_347] : memref<1024xf32, #tpu.memory_space<vmem>> -> memref<128xf32, #tpu.memory_space<vmem>>
    %dma_start3A_349 = arith.constant 0 : i32
    %dma_start3A_350 = tpu.memref_slice %arg12[%dma_start3A_346, %dma_start3A_349] : memref<8x128xi32, #tpu.memory_space<vmem>> -> memref<1x128xi32, #tpu.memory_space<vmem>>
    %dma_start3A_351 = tpu.memref_squeeze %dma_start3A_350 : memref<1x128xi32, #tpu.memory_space<vmem>> -> memref<128xi32, #tpu.memory_space<vmem>>
    %dma_start3A_352 = arith.constant 0 : i32
    %dma_start3A_353 = tpu.memref_slice %arg4[%dma_start3A_352] : memref<3200000xf32, #tpu.memory_space<hbm>> -> memref<3200000xf32, #tpu.memory_space<hbm>>
    tpu.enqueue_indirect_dma source(%dma_start3A_353 : memref<3200000xf32, #tpu.memory_space<hbm>>) target(%dma_start3A_348 : memref<128xf32, #tpu.memory_space<vmem>>) offsets(%dma_start3A_351 : memref<128xi32, #tpu.memory_space<vmem>>) semaphore(%arg18 : memref<!tpu.dma_semaphore, #tpu.memory_space<semaphore_mem>>)
    %scan3A_354 = arith.constant 0 : i32
    %scan3A_355 = arith.constant 0 : i32
    %scan3A_356 = arith.constant 8 : i32
    %scan3A_357 = arith.addi %scan3A_355, %scan3A_356 : i32
    %scan3A_358 = arith.constant 1 : i32
    %scan3A_359 = scf.for %scan3A_535 = %scan3A_355 to %scan3A_357 step %scan3A_358 iter_args(%scan3A_536 = %scan3A_354) -> (i32)  : i32 {
      %mul3A_537 = arith.constant 16 : i32
      %mul3A_538 = arith.muli %scan3A_535, %mul3A_537 : i32
      %add3A_539 = arith.constant 768 : i32
      %add3A_540 = arith.addi %add3A_539, %mul3A_538 : i32
      %get3A = arith.index_cast %add3A_540 : i32 to index
      %get3A_541 = tpu.vector_load %arg13[%get3A] {strides = array<i32>} : memref<1024xi32, #tpu.memory_space<vmem>>, vector<16xi32>,
      %add3A_542 = arith.addi %add3A_32, %add3A_540 : i32
      %add3A_543 = vector.broadcast %add3A_542 : i32 to vector<16xi32>
      %add3A_544 = arith.addi %add3A_543, %iota3A : vector<16xi32>
      %and3A = arith.constant 31 : i32
      %and3A_545 = vector.broadcast %and3A : i32 to vector<16xi32>
      %and3A_546 = arith.andi %get3A_541, %and3A_545 : vector<16xi32>
      %mul3A_547 = arith.constant 100000 : i32
      %mul3A_548 = vector.broadcast %mul3A_547 : i32 to vector<16xi32>
      %mul3A_549 = arith.muli %and3A_546, %mul3A_548 : vector<16xi32>
      %shift_right_logical3A = arith.constant 5 : i32
      %shift_right_logical3A_550 = vector.broadcast %shift_right_logical3A : i32 to vector<16xi32>
      %shift_right_logical3A_551 = arith.shrui %add3A_544, %shift_right_logical3A_550 : vector<16xi32>
      %add3A_552 = arith.addi %mul3A_549, %shift_right_logical3A_551 : vector<16xi32>
      %mul3A_553 = arith.constant 16 : i32
      %mul3A_554 = arith.muli %scan3A_535, %mul3A_553 : i32
      %swap3A = arith.constant 6 : i32
      %swap3A_555 = arith.index_cast %swap3A : i32 to index
      %swap3A_556 = arith.index_cast %mul3A_554 : i32 to index
      %swap3A_557 = tpu.vector_load %arg11[%swap3A_555, %swap3A_556] {strides = array<i32>} : memref<8x128xi32, #tpu.memory_space<vmem>>, vector<16xi32>,
      tpu.vector_store %arg11[%swap3A_555, %swap3A_556], %add3A_552 {strides = array<i32>} : memref<8x128xi32, #tpu.memory_space<vmem>>, vector<16xi32>,
      %add3A_558 = arith.constant 50000 : i32
      %add3A_559 = vector.broadcast %add3A_558 : i32 to vector<16xi32>
      %add3A_560 = arith.addi %add3A_552, %add3A_559 : vector<16xi32>
      %mul3A_561 = arith.constant 16 : i32
      %mul3A_562 = arith.muli %scan3A_535, %mul3A_561 : i32
      %swap3A_563 = arith.constant 6 : i32
      %swap3A_564 = arith.index_cast %swap3A_563 : i32 to index
      %swap3A_565 = arith.index_cast %mul3A_562 : i32 to index
      %swap3A_566 = tpu.vector_load %arg12[%swap3A_564, %swap3A_565] {strides = array<i32>} : memref<8x128xi32, #tpu.memory_space<vmem>>, vector<16xi32>,
      tpu.vector_store %arg12[%swap3A_564, %swap3A_565], %add3A_560 {strides = array<i32>} : memref<8x128xi32, #tpu.memory_space<vmem>>, vector<16xi32>,
      %scan3A_567 = arith.constant 0 : i32
      scf.yield %scan3A_567 : i32
    }
    %scan3A_360 = arith.constant 8 : i32
    %dma_start3A_361 = arith.constant 6 : i32
    %dma_start3A_362 = arith.constant 768 : i32
    %dma_start3A_363 = tpu.memref_slice %arg14[%dma_start3A_362] : memref<1024xf32, #tpu.memory_space<vmem>> -> memref<128xf32, #tpu.memory_space<vmem>>
    %dma_start3A_364 = arith.constant 0 : i32
    %dma_start3A_365 = tpu.memref_slice %arg11[%dma_start3A_361, %dma_start3A_364] : memref<8x128xi32, #tpu.memory_space<vmem>> -> memref<1x128xi32, #tpu.memory_space<vmem>>
    %dma_start3A_366 = tpu.memref_squeeze %dma_start3A_365 : memref<1x128xi32, #tpu.memory_space<vmem>> -> memref<128xi32, #tpu.memory_space<vmem>>
    %dma_start3A_367 = arith.constant 0 : i32
    %dma_start3A_368 = tpu.memref_slice %arg4[%dma_start3A_367] : memref<3200000xf32, #tpu.memory_space<hbm>> -> memref<3200000xf32, #tpu.memory_space<hbm>>
    tpu.enqueue_indirect_dma source(%dma_start3A_368 : memref<3200000xf32, #tpu.memory_space<hbm>>) target(%dma_start3A_363 : memref<128xf32, #tpu.memory_space<vmem>>) offsets(%dma_start3A_366 : memref<128xi32, #tpu.memory_space<vmem>>) semaphore(%arg18 : memref<!tpu.dma_semaphore, #tpu.memory_space<semaphore_mem>>)
    %dma_start3A_369 = arith.constant 6 : i32
    %dma_start3A_370 = arith.constant 768 : i32
    %dma_start3A_371 = tpu.memref_slice %arg15[%dma_start3A_370] : memref<1024xf32, #tpu.memory_space<vmem>> -> memref<128xf32, #tpu.memory_space<vmem>>
    %dma_start3A_372 = arith.constant 0 : i32
    %dma_start3A_373 = tpu.memref_slice %arg12[%dma_start3A_369, %dma_start3A_372] : memref<8x128xi32, #tpu.memory_space<vmem>> -> memref<1x128xi32, #tpu.memory_space<vmem>>
    %dma_start3A_374 = tpu.memref_squeeze %dma_start3A_373 : memref<1x128xi32, #tpu.memory_space<vmem>> -> memref<128xi32, #tpu.memory_space<vmem>>
    %dma_start3A_375 = arith.constant 0 : i32
    %dma_start3A_376 = tpu.memref_slice %arg4[%dma_start3A_375] : memref<3200000xf32, #tpu.memory_space<hbm>> -> memref<3200000xf32, #tpu.memory_space<hbm>>
    tpu.enqueue_indirect_dma source(%dma_start3A_376 : memref<3200000xf32, #tpu.memory_space<hbm>>) target(%dma_start3A_371 : memref<128xf32, #tpu.memory_space<vmem>>) offsets(%dma_start3A_374 : memref<128xi32, #tpu.memory_space<vmem>>) semaphore(%arg18 : memref<!tpu.dma_semaphore, #tpu.memory_space<semaphore_mem>>)
    %scan3A_377 = arith.constant 0 : i32
    %scan3A_378 = arith.constant 0 : i32
    %scan3A_379 = arith.constant 8 : i32
    %scan3A_380 = arith.addi %scan3A_378, %scan3A_379 : i32
    %scan3A_381 = arith.constant 1 : i32
    %scan3A_382 = scf.for %scan3A_535 = %scan3A_378 to %scan3A_380 step %scan3A_381 iter_args(%scan3A_536 = %scan3A_377) -> (i32)  : i32 {
      %mul3A_537 = arith.constant 16 : i32
      %mul3A_538 = arith.muli %scan3A_535, %mul3A_537 : i32
      %add3A_539 = arith.constant 896 : i32
      %add3A_540 = arith.addi %add3A_539, %mul3A_538 : i32
      %get3A = arith.index_cast %add3A_540 : i32 to index
      %get3A_541 = tpu.vector_load %arg13[%get3A] {strides = array<i32>} : memref<1024xi32, #tpu.memory_space<vmem>>, vector<16xi32>,
      %add3A_542 = arith.addi %add3A_32, %add3A_540 : i32
      %add3A_543 = vector.broadcast %add3A_542 : i32 to vector<16xi32>
      %add3A_544 = arith.addi %add3A_543, %iota3A : vector<16xi32>
      %and3A = arith.constant 31 : i32
      %and3A_545 = vector.broadcast %and3A : i32 to vector<16xi32>
      %and3A_546 = arith.andi %get3A_541, %and3A_545 : vector<16xi32>
      %mul3A_547 = arith.constant 100000 : i32
      %mul3A_548 = vector.broadcast %mul3A_547 : i32 to vector<16xi32>
      %mul3A_549 = arith.muli %and3A_546, %mul3A_548 : vector<16xi32>
      %shift_right_logical3A = arith.constant 5 : i32
      %shift_right_logical3A_550 = vector.broadcast %shift_right_logical3A : i32 to vector<16xi32>
      %shift_right_logical3A_551 = arith.shrui %add3A_544, %shift_right_logical3A_550 : vector<16xi32>
      %add3A_552 = arith.addi %mul3A_549, %shift_right_logical3A_551 : vector<16xi32>
      %mul3A_553 = arith.constant 16 : i32
      %mul3A_554 = arith.muli %scan3A_535, %mul3A_553 : i32
      %swap3A = arith.constant 7 : i32
      %swap3A_555 = arith.index_cast %swap3A : i32 to index
      %swap3A_556 = arith.index_cast %mul3A_554 : i32 to index
      %swap3A_557 = tpu.vector_load %arg11[%swap3A_555, %swap3A_556] {strides = array<i32>} : memref<8x128xi32, #tpu.memory_space<vmem>>, vector<16xi32>,
      tpu.vector_store %arg11[%swap3A_555, %swap3A_556], %add3A_552 {strides = array<i32>} : memref<8x128xi32, #tpu.memory_space<vmem>>, vector<16xi32>,
      %add3A_558 = arith.constant 50000 : i32
      %add3A_559 = vector.broadcast %add3A_558 : i32 to vector<16xi32>
      %add3A_560 = arith.addi %add3A_552, %add3A_559 : vector<16xi32>
      %mul3A_561 = arith.constant 16 : i32
      %mul3A_562 = arith.muli %scan3A_535, %mul3A_561 : i32
      %swap3A_563 = arith.constant 7 : i32
      %swap3A_564 = arith.index_cast %swap3A_563 : i32 to index
      %swap3A_565 = arith.index_cast %mul3A_562 : i32 to index
      %swap3A_566 = tpu.vector_load %arg12[%swap3A_564, %swap3A_565] {strides = array<i32>} : memref<8x128xi32, #tpu.memory_space<vmem>>, vector<16xi32>,
      tpu.vector_store %arg12[%swap3A_564, %swap3A_565], %add3A_560 {strides = array<i32>} : memref<8x128xi32, #tpu.memory_space<vmem>>, vector<16xi32>,
      %scan3A_567 = arith.constant 0 : i32
      scf.yield %scan3A_567 : i32
    }
    %scan3A_383 = arith.constant 8 : i32
    %dma_start3A_384 = arith.constant 7 : i32
    %dma_start3A_385 = arith.constant 896 : i32
    %dma_start3A_386 = tpu.memref_slice %arg14[%dma_start3A_385] : memref<1024xf32, #tpu.memory_space<vmem>> -> memref<128xf32, #tpu.memory_space<vmem>>
    %dma_start3A_387 = arith.constant 0 : i32
    %dma_start3A_388 = tpu.memref_slice %arg11[%dma_start3A_384, %dma_start3A_387] : memref<8x128xi32, #tpu.memory_space<vmem>> -> memref<1x128xi32, #tpu.memory_space<vmem>>
    %dma_start3A_389 = tpu.memref_squeeze %dma_start3A_388 : memref<1x128xi32, #tpu.memory_space<vmem>> -> memref<128xi32, #tpu.memory_space<vmem>>
    %dma_start3A_390 = arith.constant 0 : i32
    %dma_start3A_391 = tpu.memref_slice %arg4[%dma_start3A_390] : memref<3200000xf32, #tpu.memory_space<hbm>> -> memref<3200000xf32, #tpu.memory_space<hbm>>
    tpu.enqueue_indirect_dma source(%dma_start3A_391 : memref<3200000xf32, #tpu.memory_space<hbm>>) target(%dma_start3A_386 : memref<128xf32, #tpu.memory_space<vmem>>) offsets(%dma_start3A_389 : memref<128xi32, #tpu.memory_space<vmem>>) semaphore(%arg18 : memref<!tpu.dma_semaphore, #tpu.memory_space<semaphore_mem>>)
    %dma_start3A_392 = arith.constant 7 : i32
    %dma_start3A_393 = arith.constant 896 : i32
    %dma_start3A_394 = tpu.memref_slice %arg15[%dma_start3A_393] : memref<1024xf32, #tpu.memory_space<vmem>> -> memref<128xf32, #tpu.memory_space<vmem>>
    %dma_start3A_395 = arith.constant 0 : i32
    %dma_start3A_396 = tpu.memref_slice %arg12[%dma_start3A_392, %dma_start3A_395] : memref<8x128xi32, #tpu.memory_space<vmem>> -> memref<1x128xi32, #tpu.memory_space<vmem>>
    %dma_start3A_397 = tpu.memref_squeeze %dma_start3A_396 : memref<1x128xi32, #tpu.memory_space<vmem>> -> memref<128xi32, #tpu.memory_space<vmem>>
    %dma_start3A_398 = arith.constant 0 : i32
    %dma_start3A_399 = tpu.memref_slice %arg4[%dma_start3A_398] : memref<3200000xf32, #tpu.memory_space<hbm>> -> memref<3200000xf32, #tpu.memory_space<hbm>>
    tpu.enqueue_indirect_dma source(%dma_start3A_399 : memref<3200000xf32, #tpu.memory_space<hbm>>) target(%dma_start3A_394 : memref<128xf32, #tpu.memory_space<vmem>>) offsets(%dma_start3A_397 : memref<128xi32, #tpu.memory_space<vmem>>) semaphore(%arg18 : memref<!tpu.dma_semaphore, #tpu.memory_space<semaphore_mem>>)
    %dma_wait3A_400 = arith.constant 0 : i32
    %dma_wait3A_401 = arith.constant 0 : i32
    %dma_wait3A_402 = tpu.memref_slice %arg14[%dma_wait3A_401] : memref<1024xf32, #tpu.memory_space<vmem>> -> memref<128xf32, #tpu.memory_space<vmem>>
    %dma_wait3A_403 = arith.constant 0 : i32
    %dma_wait3A_404 = tpu.memref_slice %arg11[%dma_wait3A_400, %dma_wait3A_403] : memref<8x128xi32, #tpu.memory_space<vmem>> -> memref<1x128xi32, #tpu.memory_space<vmem>>
    %dma_wait3A_405 = tpu.memref_squeeze %dma_wait3A_404 : memref<1x128xi32, #tpu.memory_space<vmem>> -> memref<128xi32, #tpu.memory_space<vmem>>
    %dma_wait3A_406 = arith.constant 0 : i32
    %dma_wait3A_407 = tpu.memref_slice %arg4[%dma_wait3A_406] : memref<3200000xf32, #tpu.memory_space<hbm>> -> memref<3200000xf32, #tpu.memory_space<hbm>>
    tpu.wait_indirect_dma semaphore(%arg18 : memref<!tpu.dma_semaphore, #tpu.memory_space<semaphore_mem>>) src(%dma_wait3A_407 : memref<3200000xf32, #tpu.memory_space<hbm>>) dst(%dma_wait3A_402 : memref<128xf32, #tpu.memory_space<vmem>>)
    %dma_wait3A_408 = arith.constant 0 : i32
    %dma_wait3A_409 = arith.constant 0 : i32
    %dma_wait3A_410 = tpu.memref_slice %arg15[%dma_wait3A_409] : memref<1024xf32, #tpu.memory_space<vmem>> -> memref<128xf32, #tpu.memory_space<vmem>>
    %dma_wait3A_411 = arith.constant 0 : i32
    %dma_wait3A_412 = tpu.memref_slice %arg12[%dma_wait3A_408, %dma_wait3A_411] : memref<8x128xi32, #tpu.memory_space<vmem>> -> memref<1x128xi32, #tpu.memory_space<vmem>>
    %dma_wait3A_413 = tpu.memref_squeeze %dma_wait3A_412 : memref<1x128xi32, #tpu.memory_space<vmem>> -> memref<128xi32, #tpu.memory_space<vmem>>
    %dma_wait3A_414 = arith.constant 0 : i32
    %dma_wait3A_415 = tpu.memref_slice %arg4[%dma_wait3A_414] : memref<3200000xf32, #tpu.memory_space<hbm>> -> memref<3200000xf32, #tpu.memory_space<hbm>>
    tpu.wait_indirect_dma semaphore(%arg18 : memref<!tpu.dma_semaphore, #tpu.memory_space<semaphore_mem>>) src(%dma_wait3A_415 : memref<3200000xf32, #tpu.memory_space<hbm>>) dst(%dma_wait3A_410 : memref<128xf32, #tpu.memory_space<vmem>>)
    %dma_wait3A_416 = arith.constant 1 : i32
    %dma_wait3A_417 = arith.constant 128 : i32
    %dma_wait3A_418 = tpu.memref_slice %arg14[%dma_wait3A_417] : memref<1024xf32, #tpu.memory_space<vmem>> -> memref<128xf32, #tpu.memory_space<vmem>>
    %dma_wait3A_419 = arith.constant 0 : i32
    %dma_wait3A_420 = tpu.memref_slice %arg11[%dma_wait3A_416, %dma_wait3A_419] : memref<8x128xi32, #tpu.memory_space<vmem>> -> memref<1x128xi32, #tpu.memory_space<vmem>>
    %dma_wait3A_421 = tpu.memref_squeeze %dma_wait3A_420 : memref<1x128xi32, #tpu.memory_space<vmem>> -> memref<128xi32, #tpu.memory_space<vmem>>
    %dma_wait3A_422 = arith.constant 0 : i32
    %dma_wait3A_423 = tpu.memref_slice %arg4[%dma_wait3A_422] : memref<3200000xf32, #tpu.memory_space<hbm>> -> memref<3200000xf32, #tpu.memory_space<hbm>>
    tpu.wait_indirect_dma semaphore(%arg18 : memref<!tpu.dma_semaphore, #tpu.memory_space<semaphore_mem>>) src(%dma_wait3A_423 : memref<3200000xf32, #tpu.memory_space<hbm>>) dst(%dma_wait3A_418 : memref<128xf32, #tpu.memory_space<vmem>>)
    %dma_wait3A_424 = arith.constant 1 : i32
    %dma_wait3A_425 = arith.constant 128 : i32
    %dma_wait3A_426 = tpu.memref_slice %arg15[%dma_wait3A_425] : memref<1024xf32, #tpu.memory_space<vmem>> -> memref<128xf32, #tpu.memory_space<vmem>>
    %dma_wait3A_427 = arith.constant 0 : i32
    %dma_wait3A_428 = tpu.memref_slice %arg12[%dma_wait3A_424, %dma_wait3A_427] : memref<8x128xi32, #tpu.memory_space<vmem>> -> memref<1x128xi32, #tpu.memory_space<vmem>>
    %dma_wait3A_429 = tpu.memref_squeeze %dma_wait3A_428 : memref<1x128xi32, #tpu.memory_space<vmem>> -> memref<128xi32, #tpu.memory_space<vmem>>
    %dma_wait3A_430 = arith.constant 0 : i32
    %dma_wait3A_431 = tpu.memref_slice %arg4[%dma_wait3A_430] : memref<3200000xf32, #tpu.memory_space<hbm>> -> memref<3200000xf32, #tpu.memory_space<hbm>>
    tpu.wait_indirect_dma semaphore(%arg18 : memref<!tpu.dma_semaphore, #tpu.memory_space<semaphore_mem>>) src(%dma_wait3A_431 : memref<3200000xf32, #tpu.memory_space<hbm>>) dst(%dma_wait3A_426 : memref<128xf32, #tpu.memory_space<vmem>>)
    %dma_wait3A_432 = arith.constant 2 : i32
    %dma_wait3A_433 = arith.constant 256 : i32
    %dma_wait3A_434 = tpu.memref_slice %arg14[%dma_wait3A_433] : memref<1024xf32, #tpu.memory_space<vmem>> -> memref<128xf32, #tpu.memory_space<vmem>>
    %dma_wait3A_435 = arith.constant 0 : i32
    %dma_wait3A_436 = tpu.memref_slice %arg11[%dma_wait3A_432, %dma_wait3A_435] : memref<8x128xi32, #tpu.memory_space<vmem>> -> memref<1x128xi32, #tpu.memory_space<vmem>>
    %dma_wait3A_437 = tpu.memref_squeeze %dma_wait3A_436 : memref<1x128xi32, #tpu.memory_space<vmem>> -> memref<128xi32, #tpu.memory_space<vmem>>
    %dma_wait3A_438 = arith.constant 0 : i32
    %dma_wait3A_439 = tpu.memref_slice %arg4[%dma_wait3A_438] : memref<3200000xf32, #tpu.memory_space<hbm>> -> memref<3200000xf32, #tpu.memory_space<hbm>>
    tpu.wait_indirect_dma semaphore(%arg18 : memref<!tpu.dma_semaphore, #tpu.memory_space<semaphore_mem>>) src(%dma_wait3A_439 : memref<3200000xf32, #tpu.memory_space<hbm>>) dst(%dma_wait3A_434 : memref<128xf32, #tpu.memory_space<vmem>>)
    %dma_wait3A_440 = arith.constant 2 : i32
    %dma_wait3A_441 = arith.constant 256 : i32
    %dma_wait3A_442 = tpu.memref_slice %arg15[%dma_wait3A_441] : memref<1024xf32, #tpu.memory_space<vmem>> -> memref<128xf32, #tpu.memory_space<vmem>>
    %dma_wait3A_443 = arith.constant 0 : i32
    %dma_wait3A_444 = tpu.memref_slice %arg12[%dma_wait3A_440, %dma_wait3A_443] : memref<8x128xi32, #tpu.memory_space<vmem>> -> memref<1x128xi32, #tpu.memory_space<vmem>>
    %dma_wait3A_445 = tpu.memref_squeeze %dma_wait3A_444 : memref<1x128xi32, #tpu.memory_space<vmem>> -> memref<128xi32, #tpu.memory_space<vmem>>
    %dma_wait3A_446 = arith.constant 0 : i32
    %dma_wait3A_447 = tpu.memref_slice %arg4[%dma_wait3A_446] : memref<3200000xf32, #tpu.memory_space<hbm>> -> memref<3200000xf32, #tpu.memory_space<hbm>>
    tpu.wait_indirect_dma semaphore(%arg18 : memref<!tpu.dma_semaphore, #tpu.memory_space<semaphore_mem>>) src(%dma_wait3A_447 : memref<3200000xf32, #tpu.memory_space<hbm>>) dst(%dma_wait3A_442 : memref<128xf32, #tpu.memory_space<vmem>>)
    %dma_wait3A_448 = arith.constant 3 : i32
    %dma_wait3A_449 = arith.constant 384 : i32
    %dma_wait3A_450 = tpu.memref_slice %arg14[%dma_wait3A_449] : memref<1024xf32, #tpu.memory_space<vmem>> -> memref<128xf32, #tpu.memory_space<vmem>>
    %dma_wait3A_451 = arith.constant 0 : i32
    %dma_wait3A_452 = tpu.memref_slice %arg11[%dma_wait3A_448, %dma_wait3A_451] : memref<8x128xi32, #tpu.memory_space<vmem>> -> memref<1x128xi32, #tpu.memory_space<vmem>>
    %dma_wait3A_453 = tpu.memref_squeeze %dma_wait3A_452 : memref<1x128xi32, #tpu.memory_space<vmem>> -> memref<128xi32, #tpu.memory_space<vmem>>
    %dma_wait3A_454 = arith.constant 0 : i32
    %dma_wait3A_455 = tpu.memref_slice %arg4[%dma_wait3A_454] : memref<3200000xf32, #tpu.memory_space<hbm>> -> memref<3200000xf32, #tpu.memory_space<hbm>>
    tpu.wait_indirect_dma semaphore(%arg18 : memref<!tpu.dma_semaphore, #tpu.memory_space<semaphore_mem>>) src(%dma_wait3A_455 : memref<3200000xf32, #tpu.memory_space<hbm>>) dst(%dma_wait3A_450 : memref<128xf32, #tpu.memory_space<vmem>>)
    %dma_wait3A_456 = arith.constant 3 : i32
    %dma_wait3A_457 = arith.constant 384 : i32
    %dma_wait3A_458 = tpu.memref_slice %arg15[%dma_wait3A_457] : memref<1024xf32, #tpu.memory_space<vmem>> -> memref<128xf32, #tpu.memory_space<vmem>>
    %dma_wait3A_459 = arith.constant 0 : i32
    %dma_wait3A_460 = tpu.memref_slice %arg12[%dma_wait3A_456, %dma_wait3A_459] : memref<8x128xi32, #tpu.memory_space<vmem>> -> memref<1x128xi32, #tpu.memory_space<vmem>>
    %dma_wait3A_461 = tpu.memref_squeeze %dma_wait3A_460 : memref<1x128xi32, #tpu.memory_space<vmem>> -> memref<128xi32, #tpu.memory_space<vmem>>
    %dma_wait3A_462 = arith.constant 0 : i32
    %dma_wait3A_463 = tpu.memref_slice %arg4[%dma_wait3A_462] : memref<3200000xf32, #tpu.memory_space<hbm>> -> memref<3200000xf32, #tpu.memory_space<hbm>>
    tpu.wait_indirect_dma semaphore(%arg18 : memref<!tpu.dma_semaphore, #tpu.memory_space<semaphore_mem>>) src(%dma_wait3A_463 : memref<3200000xf32, #tpu.memory_space<hbm>>) dst(%dma_wait3A_458 : memref<128xf32, #tpu.memory_space<vmem>>)
    %dma_wait3A_464 = arith.constant 4 : i32
    %dma_wait3A_465 = arith.constant 512 : i32
    %dma_wait3A_466 = tpu.memref_slice %arg14[%dma_wait3A_465] : memref<1024xf32, #tpu.memory_space<vmem>> -> memref<128xf32, #tpu.memory_space<vmem>>
    %dma_wait3A_467 = arith.constant 0 : i32
    %dma_wait3A_468 = tpu.memref_slice %arg11[%dma_wait3A_464, %dma_wait3A_467] : memref<8x128xi32, #tpu.memory_space<vmem>> -> memref<1x128xi32, #tpu.memory_space<vmem>>
    %dma_wait3A_469 = tpu.memref_squeeze %dma_wait3A_468 : memref<1x128xi32, #tpu.memory_space<vmem>> -> memref<128xi32, #tpu.memory_space<vmem>>
    %dma_wait3A_470 = arith.constant 0 : i32
    %dma_wait3A_471 = tpu.memref_slice %arg4[%dma_wait3A_470] : memref<3200000xf32, #tpu.memory_space<hbm>> -> memref<3200000xf32, #tpu.memory_space<hbm>>
    tpu.wait_indirect_dma semaphore(%arg18 : memref<!tpu.dma_semaphore, #tpu.memory_space<semaphore_mem>>) src(%dma_wait3A_471 : memref<3200000xf32, #tpu.memory_space<hbm>>) dst(%dma_wait3A_466 : memref<128xf32, #tpu.memory_space<vmem>>)
    %dma_wait3A_472 = arith.constant 4 : i32
    %dma_wait3A_473 = arith.constant 512 : i32
    %dma_wait3A_474 = tpu.memref_slice %arg15[%dma_wait3A_473] : memref<1024xf32, #tpu.memory_space<vmem>> -> memref<128xf32, #tpu.memory_space<vmem>>
    %dma_wait3A_475 = arith.constant 0 : i32
    %dma_wait3A_476 = tpu.memref_slice %arg12[%dma_wait3A_472, %dma_wait3A_475] : memref<8x128xi32, #tpu.memory_space<vmem>> -> memref<1x128xi32, #tpu.memory_space<vmem>>
    %dma_wait3A_477 = tpu.memref_squeeze %dma_wait3A_476 : memref<1x128xi32, #tpu.memory_space<vmem>> -> memref<128xi32, #tpu.memory_space<vmem>>
    %dma_wait3A_478 = arith.constant 0 : i32
    %dma_wait3A_479 = tpu.memref_slice %arg4[%dma_wait3A_478] : memref<3200000xf32, #tpu.memory_space<hbm>> -> memref<3200000xf32, #tpu.memory_space<hbm>>
    tpu.wait_indirect_dma semaphore(%arg18 : memref<!tpu.dma_semaphore, #tpu.memory_space<semaphore_mem>>) src(%dma_wait3A_479 : memref<3200000xf32, #tpu.memory_space<hbm>>) dst(%dma_wait3A_474 : memref<128xf32, #tpu.memory_space<vmem>>)
    %dma_wait3A_480 = arith.constant 5 : i32
    %dma_wait3A_481 = arith.constant 640 : i32
    %dma_wait3A_482 = tpu.memref_slice %arg14[%dma_wait3A_481] : memref<1024xf32, #tpu.memory_space<vmem>> -> memref<128xf32, #tpu.memory_space<vmem>>
    %dma_wait3A_483 = arith.constant 0 : i32
    %dma_wait3A_484 = tpu.memref_slice %arg11[%dma_wait3A_480, %dma_wait3A_483] : memref<8x128xi32, #tpu.memory_space<vmem>> -> memref<1x128xi32, #tpu.memory_space<vmem>>
    %dma_wait3A_485 = tpu.memref_squeeze %dma_wait3A_484 : memref<1x128xi32, #tpu.memory_space<vmem>> -> memref<128xi32, #tpu.memory_space<vmem>>
    %dma_wait3A_486 = arith.constant 0 : i32
    %dma_wait3A_487 = tpu.memref_slice %arg4[%dma_wait3A_486] : memref<3200000xf32, #tpu.memory_space<hbm>> -> memref<3200000xf32, #tpu.memory_space<hbm>>
    tpu.wait_indirect_dma semaphore(%arg18 : memref<!tpu.dma_semaphore, #tpu.memory_space<semaphore_mem>>) src(%dma_wait3A_487 : memref<3200000xf32, #tpu.memory_space<hbm>>) dst(%dma_wait3A_482 : memref<128xf32, #tpu.memory_space<vmem>>)
    %dma_wait3A_488 = arith.constant 5 : i32
    %dma_wait3A_489 = arith.constant 640 : i32
    %dma_wait3A_490 = tpu.memref_slice %arg15[%dma_wait3A_489] : memref<1024xf32, #tpu.memory_space<vmem>> -> memref<128xf32, #tpu.memory_space<vmem>>
    %dma_wait3A_491 = arith.constant 0 : i32
    %dma_wait3A_492 = tpu.memref_slice %arg12[%dma_wait3A_488, %dma_wait3A_491] : memref<8x128xi32, #tpu.memory_space<vmem>> -> memref<1x128xi32, #tpu.memory_space<vmem>>
    %dma_wait3A_493 = tpu.memref_squeeze %dma_wait3A_492 : memref<1x128xi32, #tpu.memory_space<vmem>> -> memref<128xi32, #tpu.memory_space<vmem>>
    %dma_wait3A_494 = arith.constant 0 : i32
    %dma_wait3A_495 = tpu.memref_slice %arg4[%dma_wait3A_494] : memref<3200000xf32, #tpu.memory_space<hbm>> -> memref<3200000xf32, #tpu.memory_space<hbm>>
    tpu.wait_indirect_dma semaphore(%arg18 : memref<!tpu.dma_semaphore, #tpu.memory_space<semaphore_mem>>) src(%dma_wait3A_495 : memref<3200000xf32, #tpu.memory_space<hbm>>) dst(%dma_wait3A_490 : memref<128xf32, #tpu.memory_space<vmem>>)
    %dma_wait3A_496 = arith.constant 6 : i32
    %dma_wait3A_497 = arith.constant 768 : i32
    %dma_wait3A_498 = tpu.memref_slice %arg14[%dma_wait3A_497] : memref<1024xf32, #tpu.memory_space<vmem>> -> memref<128xf32, #tpu.memory_space<vmem>>
    %dma_wait3A_499 = arith.constant 0 : i32
    %dma_wait3A_500 = tpu.memref_slice %arg11[%dma_wait3A_496, %dma_wait3A_499] : memref<8x128xi32, #tpu.memory_space<vmem>> -> memref<1x128xi32, #tpu.memory_space<vmem>>
    %dma_wait3A_501 = tpu.memref_squeeze %dma_wait3A_500 : memref<1x128xi32, #tpu.memory_space<vmem>> -> memref<128xi32, #tpu.memory_space<vmem>>
    %dma_wait3A_502 = arith.constant 0 : i32
    %dma_wait3A_503 = tpu.memref_slice %arg4[%dma_wait3A_502] : memref<3200000xf32, #tpu.memory_space<hbm>> -> memref<3200000xf32, #tpu.memory_space<hbm>>
    tpu.wait_indirect_dma semaphore(%arg18 : memref<!tpu.dma_semaphore, #tpu.memory_space<semaphore_mem>>) src(%dma_wait3A_503 : memref<3200000xf32, #tpu.memory_space<hbm>>) dst(%dma_wait3A_498 : memref<128xf32, #tpu.memory_space<vmem>>)
    %dma_wait3A_504 = arith.constant 6 : i32
    %dma_wait3A_505 = arith.constant 768 : i32
    %dma_wait3A_506 = tpu.memref_slice %arg15[%dma_wait3A_505] : memref<1024xf32, #tpu.memory_space<vmem>> -> memref<128xf32, #tpu.memory_space<vmem>>
    %dma_wait3A_507 = arith.constant 0 : i32
    %dma_wait3A_508 = tpu.memref_slice %arg12[%dma_wait3A_504, %dma_wait3A_507] : memref<8x128xi32, #tpu.memory_space<vmem>> -> memref<1x128xi32, #tpu.memory_space<vmem>>
    %dma_wait3A_509 = tpu.memref_squeeze %dma_wait3A_508 : memref<1x128xi32, #tpu.memory_space<vmem>> -> memref<128xi32, #tpu.memory_space<vmem>>
    %dma_wait3A_510 = arith.constant 0 : i32
    %dma_wait3A_511 = tpu.memref_slice %arg4[%dma_wait3A_510] : memref<3200000xf32, #tpu.memory_space<hbm>> -> memref<3200000xf32, #tpu.memory_space<hbm>>
    tpu.wait_indirect_dma semaphore(%arg18 : memref<!tpu.dma_semaphore, #tpu.memory_space<semaphore_mem>>) src(%dma_wait3A_511 : memref<3200000xf32, #tpu.memory_space<hbm>>) dst(%dma_wait3A_506 : memref<128xf32, #tpu.memory_space<vmem>>)
    %dma_wait3A_512 = arith.constant 7 : i32
    %dma_wait3A_513 = arith.constant 896 : i32
    %dma_wait3A_514 = tpu.memref_slice %arg14[%dma_wait3A_513] : memref<1024xf32, #tpu.memory_space<vmem>> -> memref<128xf32, #tpu.memory_space<vmem>>
    %dma_wait3A_515 = arith.constant 0 : i32
    %dma_wait3A_516 = tpu.memref_slice %arg11[%dma_wait3A_512, %dma_wait3A_515] : memref<8x128xi32, #tpu.memory_space<vmem>> -> memref<1x128xi32, #tpu.memory_space<vmem>>
    %dma_wait3A_517 = tpu.memref_squeeze %dma_wait3A_516 : memref<1x128xi32, #tpu.memory_space<vmem>> -> memref<128xi32, #tpu.memory_space<vmem>>
    %dma_wait3A_518 = arith.constant 0 : i32
    %dma_wait3A_519 = tpu.memref_slice %arg4[%dma_wait3A_518] : memref<3200000xf32, #tpu.memory_space<hbm>> -> memref<3200000xf32, #tpu.memory_space<hbm>>
    tpu.wait_indirect_dma semaphore(%arg18 : memref<!tpu.dma_semaphore, #tpu.memory_space<semaphore_mem>>) src(%dma_wait3A_519 : memref<3200000xf32, #tpu.memory_space<hbm>>) dst(%dma_wait3A_514 : memref<128xf32, #tpu.memory_space<vmem>>)
    %dma_wait3A_520 = arith.constant 7 : i32
    %dma_wait3A_521 = arith.constant 896 : i32
    %dma_wait3A_522 = tpu.memref_slice %arg15[%dma_wait3A_521] : memref<1024xf32, #tpu.memory_space<vmem>> -> memref<128xf32, #tpu.memory_space<vmem>>
    %dma_wait3A_523 = arith.constant 0 : i32
    %dma_wait3A_524 = tpu.memref_slice %arg12[%dma_wait3A_520, %dma_wait3A_523] : memref<8x128xi32, #tpu.memory_space<vmem>> -> memref<1x128xi32, #tpu.memory_space<vmem>>
    %dma_wait3A_525 = tpu.memref_squeeze %dma_wait3A_524 : memref<1x128xi32, #tpu.memory_space<vmem>> -> memref<128xi32, #tpu.memory_space<vmem>>
    %dma_wait3A_526 = arith.constant 0 : i32
    %dma_wait3A_527 = tpu.memref_slice %arg4[%dma_wait3A_526] : memref<3200000xf32, #tpu.memory_space<hbm>> -> memref<3200000xf32, #tpu.memory_space<hbm>>
    tpu.wait_indirect_dma semaphore(%arg18 : memref<!tpu.dma_semaphore, #tpu.memory_space<semaphore_mem>>) src(%dma_wait3A_527 : memref<3200000xf32, #tpu.memory_space<hbm>>) dst(%dma_wait3A_522 : memref<128xf32, #tpu.memory_space<vmem>>)
    %scan3A_528 = arith.constant 0 : i32
    %scan3A_529 = arith.constant 0 : i32
    %scan3A_530 = arith.constant 64 : i32
    %scan3A_531 = arith.addi %scan3A_529, %scan3A_530 : i32
    %scan3A_532 = arith.constant 1 : i32
    %scan3A_533 = scf.for %scan3A_535 = %scan3A_529 to %scan3A_531 step %scan3A_532 iter_args(%scan3A_536 = %scan3A_528) -> (i32)  : i32 {
      %mul3A_537 = arith.constant 16 : i32
      %mul3A_538 = arith.muli %scan3A_535, %mul3A_537 : i32
      %add3A_539 = arith.constant 49152 : i32
      %add3A_540 = arith.addi %add3A_539, %mul3A_538 : i32
      %get3A = arith.index_cast %add3A_540 : i32 to index
      %get3A_541 = tpu.vector_load %arg7[%get3A] {strides = array<i32>} : memref<50176xi32, #tpu.memory_space<vmem>>, vector<16xi32>,
      %ge3A = arith.constant 0 : i32
      %ge3A_542 = vector.broadcast %ge3A : i32 to vector<16xi32>
      %ge3A_543 = arith.cmpi sge, %get3A_541, %ge3A_542 : vector<16xi32>
      %mul3A_544 = arith.constant 16 : i32
      %mul3A_545 = arith.muli %scan3A_535, %mul3A_544 : i32
      %get3A_546 = arith.index_cast %mul3A_545 : i32 to index
      %get3A_547 = tpu.vector_load %arg14[%get3A_546] {strides = array<i32>} : memref<1024xf32, #tpu.memory_space<vmem>>, vector<16xf32>,
      %jit3A = arith.constant 0.000000e+00 : f32
      %broadcast_in_dim3A_548 = vector.broadcast %jit3A : f32 to vector<16xf32>
      %select_n3A = arith.select %ge3A_543, %get3A_547, %broadcast_in_dim3A_548 : vector<16xi1>, vector<16xf32>
      %mul3A_549 = arith.constant 16 : i32
      %mul3A_550 = arith.muli %scan3A_535, %mul3A_549 : i32
      %swap3A = arith.index_cast %mul3A_550 : i32 to index
      %swap3A_551 = tpu.vector_load %arg14[%swap3A] {strides = array<i32>} : memref<1024xf32, #tpu.memory_space<vmem>>, vector<16xf32>,
      tpu.vector_store %arg14[%swap3A], %select_n3A {strides = array<i32>} : memref<1024xf32, #tpu.memory_space<vmem>>, vector<16xf32>,
      %mul3A_552 = arith.constant 16 : i32
      %mul3A_553 = arith.muli %scan3A_535, %mul3A_552 : i32
      %get3A_554 = arith.index_cast %mul3A_553 : i32 to index
      %get3A_555 = tpu.vector_load %arg15[%get3A_554] {strides = array<i32>} : memref<1024xf32, #tpu.memory_space<vmem>>, vector<16xf32>,
      %jit3A_556 = arith.constant 0.000000e+00 : f32
      %broadcast_in_dim3A_557 = vector.broadcast %jit3A_556 : f32 to vector<16xf32>
      %select_n3A_558 = arith.select %ge3A_543, %get3A_555, %broadcast_in_dim3A_557 : vector<16xi1>, vector<16xf32>
      %mul3A_559 = arith.constant 16 : i32
      %mul3A_560 = arith.muli %scan3A_535, %mul3A_559 : i32
      %swap3A_561 = arith.index_cast %mul3A_560 : i32 to index
      %swap3A_562 = tpu.vector_load %arg15[%swap3A_561] {strides = array<i32>} : memref<1024xf32, #tpu.memory_space<vmem>>, vector<16xf32>,
      tpu.vector_store %arg15[%swap3A_561], %select_n3A_558 {strides = array<i32>} : memref<1024xf32, #tpu.memory_space<vmem>>, vector<16xf32>,
      %scan3A_563 = arith.constant 0 : i32
      scf.yield %scan3A_563 : i32
    }
    %scan3A_534 = arith.constant 64 : i32
    "tpu.region"() ({
      %run_scoped3A = tpu.sem_alloc : memref<!tpu.dma_semaphore, #tpu.memory_space<semaphore_mem>>
      %dma_start3A_535 = arith.constant 0 : i32
      %dma_start3A_536 = tpu.memref_slice %arg14[%dma_start3A_535] : memref<1024xf32, #tpu.memory_space<vmem>> -> memref<848xf32, #tpu.memory_space<vmem>>
      %dma_start3A_537 = tpu.memref_slice %arg5[%add3A_32] : memref<1600000xf32, #tpu.memory_space<hbm>> -> memref<848xf32, #tpu.memory_space<hbm>>
      %dma_start3A_538 = tpu.memref_slice %arg5[%add3A_32] : memref<1600000xf32, #tpu.memory_space<hbm>> -> memref<848xf32, #tpu.memory_space<hbm>>
      %dma_start3A_539 = arith.constant 0 : i32
      %dma_start3A_540 = tpu.memref_slice %arg14[%dma_start3A_539] : memref<1024xf32, #tpu.memory_space<vmem>> -> memref<848xf32, #tpu.memory_space<vmem>>
      tpu.enqueue_dma source(%dma_start3A_540 : memref<848xf32, #tpu.memory_space<vmem>>) target(%dma_start3A_538 : memref<848xf32, #tpu.memory_space<hbm>>) target_semaphore(%run_scoped3A : memref<!tpu.dma_semaphore, #tpu.memory_space<semaphore_mem>>)
      %dma_wait3A_541 = arith.constant 0 : i32
      %dma_wait3A_542 = tpu.memref_slice %arg14[%dma_wait3A_541] : memref<1024xf32, #tpu.memory_space<vmem>> -> memref<848xf32, #tpu.memory_space<vmem>>
      %dma_wait3A_543 = tpu.memref_slice %arg5[%add3A_32] : memref<1600000xf32, #tpu.memory_space<hbm>> -> memref<848xf32, #tpu.memory_space<hbm>>
      %dma_wait3A_544 = tpu.memref_slice %arg5[%add3A_32] : memref<1600000xf32, #tpu.memory_space<hbm>> -> memref<848xf32, #tpu.memory_space<hbm>>
      %dma_wait3A_545 = arith.constant 0 : i32
      %dma_wait3A_546 = tpu.memref_slice %arg14[%dma_wait3A_545] : memref<1024xf32, #tpu.memory_space<vmem>> -> memref<848xf32, #tpu.memory_space<vmem>>
      tpu.wait_dma2 semaphore(%run_scoped3A : memref<!tpu.dma_semaphore, #tpu.memory_space<semaphore_mem>>) src(%dma_wait3A_546 : memref<848xf32, #tpu.memory_space<vmem>>) dst(%dma_wait3A_544 : memref<848xf32, #tpu.memory_space<hbm>>)
      tpu.yield
    }) : () -> ()
    "tpu.region"() ({
      %run_scoped3A = tpu.sem_alloc : memref<!tpu.dma_semaphore, #tpu.memory_space<semaphore_mem>>
      %dma_start3A_535 = arith.constant 0 : i32
      %dma_start3A_536 = tpu.memref_slice %arg15[%dma_start3A_535] : memref<1024xf32, #tpu.memory_space<vmem>> -> memref<848xf32, #tpu.memory_space<vmem>>
      %dma_start3A_537 = tpu.memref_slice %arg6[%add3A_32] : memref<1600000xf32, #tpu.memory_space<hbm>> -> memref<848xf32, #tpu.memory_space<hbm>>
      %dma_start3A_538 = tpu.memref_slice %arg6[%add3A_32] : memref<1600000xf32, #tpu.memory_space<hbm>> -> memref<848xf32, #tpu.memory_space<hbm>>
      %dma_start3A_539 = arith.constant 0 : i32
      %dma_start3A_540 = tpu.memref_slice %arg15[%dma_start3A_539] : memref<1024xf32, #tpu.memory_space<vmem>> -> memref<848xf32, #tpu.memory_space<vmem>>
      tpu.enqueue_dma source(%dma_start3A_540 : memref<848xf32, #tpu.memory_space<vmem>>) target(%dma_start3A_538 : memref<848xf32, #tpu.memory_space<hbm>>) target_semaphore(%run_scoped3A : memref<!tpu.dma_semaphore, #tpu.memory_space<semaphore_mem>>)
      %dma_wait3A_541 = arith.constant 0 : i32
      %dma_wait3A_542 = tpu.memref_slice %arg15[%dma_wait3A_541] : memref<1024xf32, #tpu.memory_space<vmem>> -> memref<848xf32, #tpu.memory_space<vmem>>
      %dma_wait3A_543 = tpu.memref_slice %arg6[%add3A_32] : memref<1600000xf32, #tpu.memory_space<hbm>> -> memref<848xf32, #tpu.memory_space<hbm>>
      %dma_wait3A_544 = tpu.memref_slice %arg6[%add3A_32] : memref<1600000xf32, #tpu.memory_space<hbm>> -> memref<848xf32, #tpu.memory_space<hbm>>
      %dma_wait3A_545 = arith.constant 0 : i32
      %dma_wait3A_546 = tpu.memref_slice %arg15[%dma_wait3A_545] : memref<1024xf32, #tpu.memory_space<vmem>> -> memref<848xf32, #tpu.memory_space<vmem>>
      tpu.wait_dma2 semaphore(%run_scoped3A : memref<!tpu.dma_semaphore, #tpu.memory_space<semaphore_mem>>) src(%dma_wait3A_546 : memref<848xf32, #tpu.memory_space<vmem>>) dst(%dma_wait3A_544 : memref<848xf32, #tpu.memory_space<hbm>>)
      tpu.yield
    }) : () -> ()
    return
  }
}

module attributes {stable_mosaic.version = 14 : i64} {
  func.func @_tc_body(%arg0: i32, %arg1: memref<1000x32xf32, #tpu.memory_space<vmem>>, %arg2: memref<1000x32xf32, #tpu.memory_space<vmem>>, %arg3: memref<2x32xf32, #tpu.memory_space<vmem>>, %arg4: memref<1x32xf32, #tpu.memory_space<vmem>>, %arg5: memref<32x16xf32, #tpu.memory_space<vmem>>, %arg6: memref<1x16xf32, #tpu.memory_space<vmem>>, %arg7: memref<16x32xf32, #tpu.memory_space<vmem>>, %arg8: memref<1x32xf32, #tpu.memory_space<vmem>>, %arg9: memref<1000x32xf32, #tpu.memory_space<vmem>>) attributes {dimension_semantics = [#tpu.dimension_semantics<arbitrary>], iteration_bounds = array<i64: 50>, scalar_prefetch = 0 : i64, scratch_operands = 0 : i64, tpu.core_type = #tpu.core_type<tc>, window_params = [{transform_indices = @transform_0, window_bounds = array<i64: 1000, 32>}, {transform_indices = @transform_1, window_bounds = array<i64: 1000, 32>}, {pipeline_mode = #tpu.pipeline_mode<synchronous>, transform_indices = @transform_2, window_bounds = array<i64: 2, 32>}, {pipeline_mode = #tpu.pipeline_mode<synchronous>, transform_indices = @transform_3, window_bounds = array<i64: 1, 32>}, {pipeline_mode = #tpu.pipeline_mode<synchronous>, transform_indices = @transform_4, window_bounds = array<i64: 32, 16>}, {pipeline_mode = #tpu.pipeline_mode<synchronous>, transform_indices = @transform_5, window_bounds = array<i64: 1, 16>}, {pipeline_mode = #tpu.pipeline_mode<synchronous>, transform_indices = @transform_6, window_bounds = array<i64: 16, 32>}, {pipeline_mode = #tpu.pipeline_mode<synchronous>, transform_indices = @transform_7, window_bounds = array<i64: 1, 32>}, {transform_indices = @transform_8, window_bounds = array<i64: 1000, 32>}]} {
    %get3A = arith.constant 0 : index
    %get3A_0 = arith.constant 0 : index
    %get3A_1 = vector.load %arg1[%get3A, %get3A_0] : memref<1000x32xf32, #tpu.memory_space<vmem>>, vector<1000x32xf32>
    %get3A_2 = arith.constant 0 : index
    %get3A_3 = arith.constant 0 : index
    %get3A_4 = vector.load %arg2[%get3A_2, %get3A_3] : memref<1000x32xf32, #tpu.memory_space<vmem>>, vector<1000x32xf32>
    %get3A_5 = arith.constant 0 : index
    %get3A_6 = arith.constant 0 : index
    %get3A_7 = vector.load %arg3[%get3A_5, %get3A_6] : memref<2x32xf32, #tpu.memory_space<vmem>>, vector<2x32xf32>
    %broadcast_in_dim3A = vector.shape_cast %get3A_1 : vector<1000x32xf32> to vector<1000x32x1xf32>
    %slice3A = vector.extract_strided_slice %get3A_7 {offsets = [0, 0], sizes = [1, 32], strides = [1, 1]} : vector<2x32xf32> to vector<1x32xf32>
    %squeeze3A = vector.shape_cast %slice3A : vector<1x32xf32> to vector<32xf32>
    %broadcast_in_dim3A_8 = vector.shape_cast %squeeze3A : vector<32xf32> to vector<1x1x32xf32>
    %mul3A = vector.broadcast %broadcast_in_dim3A : vector<1000x32x1xf32> to vector<1000x32x32xf32>
    %mul3A_9 = vector.broadcast %broadcast_in_dim3A_8 : vector<1x1x32xf32> to vector<1000x32x32xf32>
    %mul3A_10 = arith.mulf %mul3A, %mul3A_9 : vector<1000x32x32xf32>
    %broadcast_in_dim3A_11 = vector.shape_cast %get3A_4 : vector<1000x32xf32> to vector<1000x32x1xf32>
    %slice3A_12 = vector.extract_strided_slice %get3A_7 {offsets = [1, 0], sizes = [1, 32], strides = [1, 1]} : vector<2x32xf32> to vector<1x32xf32>
    %squeeze3A_13 = vector.shape_cast %slice3A_12 : vector<1x32xf32> to vector<32xf32>
    %broadcast_in_dim3A_14 = vector.shape_cast %squeeze3A_13 : vector<32xf32> to vector<1x1x32xf32>
    %mul3A_15 = vector.broadcast %broadcast_in_dim3A_11 : vector<1000x32x1xf32> to vector<1000x32x32xf32>
    %mul3A_16 = vector.broadcast %broadcast_in_dim3A_14 : vector<1x1x32xf32> to vector<1000x32x32xf32>
    %mul3A_17 = arith.mulf %mul3A_15, %mul3A_16 : vector<1000x32x32xf32>
    %add3A = arith.addf %mul3A_10, %mul3A_17 : vector<1000x32x32xf32>
    %get3A_18 = arith.constant 0 : index
    %get3A_19 = arith.constant 0 : index
    %get3A_20 = vector.load %arg4[%get3A_18, %get3A_19] : memref<1x32xf32, #tpu.memory_space<vmem>>, vector<1x32xf32>
    %squeeze3A_21 = vector.shape_cast %get3A_20 : vector<1x32xf32> to vector<32xf32>
    %broadcast_in_dim3A_22 = vector.shape_cast %squeeze3A_21 : vector<32xf32> to vector<1x1x32xf32>
    %add3A_23 = vector.broadcast %broadcast_in_dim3A_22 : vector<1x1x32xf32> to vector<1000x32x32xf32>
    %add3A_24 = arith.addf %add3A, %add3A_23 : vector<1000x32x32xf32>
    %reshape3A = vector.shape_cast %add3A_24 : vector<1000x32x32xf32> to vector<32000x32xf32>
    %get3A_25 = arith.constant 0 : index
    %get3A_26 = arith.constant 0 : index
    %get3A_27 = vector.load %arg5[%get3A_25, %get3A_26] : memref<32x16xf32, #tpu.memory_space<vmem>>, vector<32x16xf32>
    %dot_general3A = arith.constant dense<0.000000e+00> : vector<32000x16xf32>
    %dot_general3A_28 = tpu.matmul %reshape3A, %get3A_27, %dot_general3A {dimension_numbers = #tpu.dot_dimension_numbers<[1], [0], [0], [1], [0, 0, 1, 1], [], []>, transpose_lhs_hint = false} : vector<32000x32xf32>, vector<32x16xf32>, vector<32000x16xf32> -> vector<32000x16xf32>
    %get3A_29 = arith.constant 0 : index
    %get3A_30 = arith.constant 0 : index
    %get3A_31 = vector.load %arg6[%get3A_29, %get3A_30] : memref<1x16xf32, #tpu.memory_space<vmem>>, vector<1x16xf32>
    %squeeze3A_32 = vector.shape_cast %get3A_31 : vector<1x16xf32> to vector<16xf32>
    %broadcast_in_dim3A_33 = vector.shape_cast %squeeze3A_32 : vector<16xf32> to vector<1x16xf32>
    %add3A_34 = vector.broadcast %broadcast_in_dim3A_33 : vector<1x16xf32> to vector<32000x16xf32>
    %add3A_35 = arith.addf %dot_general3A_28, %add3A_34 : vector<32000x16xf32>
    %max3A = arith.constant 0.000000e+00 : f32
    %max3A_36 = vector.broadcast %max3A : f32 to vector<32000x16xf32>
    %max3A_37 = arith.maximumf %add3A_35, %max3A_36 : vector<32000x16xf32>
    %get3A_38 = arith.constant 0 : index
    %get3A_39 = arith.constant 0 : index
    %get3A_40 = vector.load %arg7[%get3A_38, %get3A_39] : memref<16x32xf32, #tpu.memory_space<vmem>>, vector<16x32xf32>
    %dot_general3A_41 = arith.constant dense<0.000000e+00> : vector<32000x32xf32>
    %dot_general3A_42 = tpu.matmul %max3A_37, %get3A_40, %dot_general3A_41 {dimension_numbers = #tpu.dot_dimension_numbers<[1], [0], [0], [1], [0, 0, 1, 1], [], []>, transpose_lhs_hint = false} : vector<32000x16xf32>, vector<16x32xf32>, vector<32000x32xf32> -> vector<32000x32xf32>
    %get3A_43 = arith.constant 0 : index
    %get3A_44 = arith.constant 0 : index
    %get3A_45 = vector.load %arg8[%get3A_43, %get3A_44] : memref<1x32xf32, #tpu.memory_space<vmem>>, vector<1x32xf32>
    %squeeze3A_46 = vector.shape_cast %get3A_45 : vector<1x32xf32> to vector<32xf32>
    %broadcast_in_dim3A_47 = vector.shape_cast %squeeze3A_46 : vector<32xf32> to vector<1x32xf32>
    %add3A_48 = vector.broadcast %broadcast_in_dim3A_47 : vector<1x32xf32> to vector<32000x32xf32>
    %add3A_49 = arith.addf %dot_general3A_42, %add3A_48 : vector<32000x32xf32>
    %max3A_50 = arith.constant 0.000000e+00 : f32
    %max3A_51 = vector.broadcast %max3A_50 : f32 to vector<32000x32xf32>
    %max3A_52 = arith.maximumf %add3A_49, %max3A_51 : vector<32000x32xf32>
    %reshape3A_53 = vector.shape_cast %max3A_52 : vector<32000x32xf32> to vector<1000x32x32xf32>
    %reduce_max3A = arith.constant dense<0xFF800000> : vector<1000x32xf32>
    %reduce_max3A_54 = vector.multi_reduction <maximumf>, %reshape3A_53, %reduce_max3A [1] : vector<1000x32x32xf32> to vector<1000x32xf32>
    %swap3A = arith.constant 0 : index
    %swap3A_55 = arith.constant 0 : index
    %swap3A_56 = vector.load %arg9[%swap3A, %swap3A_55] : memref<1000x32xf32, #tpu.memory_space<vmem>>, vector<1000x32xf32>
    tpu.vector_store %arg9[%swap3A, %swap3A_55], %reduce_max3A_54 {strides = array<i32>} : memref<1000x32xf32, #tpu.memory_space<vmem>>, vector<1000x32xf32>,
    return
  }
  func.func @transform_0(%arg0: i32) -> (i32, i32) {
    %c0_i32 = arith.constant 0 : i32
    %c0_i32_0 = arith.constant 0 : i32
    return %arg0, %c0_i32 : i32, i32
  }
  func.func @transform_1(%arg0: i32) -> (i32, i32) {
    %c0_i32 = arith.constant 0 : i32
    %c0_i32_0 = arith.constant 0 : i32
    return %arg0, %c0_i32 : i32, i32
  }
  func.func @transform_2(%arg0: i32) -> (i32, i32) {
    %c0_i32 = arith.constant 0 : i32
    %c0_i32_0 = arith.constant 0 : i32
    %c0_i32_1 = arith.constant 0 : i32
    return %c0_i32, %c0_i32_0 : i32, i32
  }
  func.func @transform_3(%arg0: i32) -> (i32, i32) {
    %c0_i32 = arith.constant 0 : i32
    %c0_i32_0 = arith.constant 0 : i32
    %c0_i32_1 = arith.constant 0 : i32
    return %c0_i32, %c0_i32_0 : i32, i32
  }
  func.func @transform_4(%arg0: i32) -> (i32, i32) {
    %c0_i32 = arith.constant 0 : i32
    %c0_i32_0 = arith.constant 0 : i32
    %c0_i32_1 = arith.constant 0 : i32
    return %c0_i32, %c0_i32_0 : i32, i32
  }
  func.func @transform_5(%arg0: i32) -> (i32, i32) {
    %c0_i32 = arith.constant 0 : i32
    %c0_i32_0 = arith.constant 0 : i32
    %c0_i32_1 = arith.constant 0 : i32
    return %c0_i32, %c0_i32_0 : i32, i32
  }
  func.func @transform_6(%arg0: i32) -> (i32, i32) {
    %c0_i32 = arith.constant 0 : i32
    %c0_i32_0 = arith.constant 0 : i32
    %c0_i32_1 = arith.constant 0 : i32
    return %c0_i32, %c0_i32_0 : i32, i32
  }
  func.func @transform_7(%arg0: i32) -> (i32, i32) {
    %c0_i32 = arith.constant 0 : i32
    %c0_i32_0 = arith.constant 0 : i32
    %c0_i32_1 = arith.constant 0 : i32
    return %c0_i32, %c0_i32_0 : i32, i32
  }
  func.func @transform_8(%arg0: i32) -> (i32, i32) {
    %c0_i32 = arith.constant 0 : i32
    %c0_i32_0 = arith.constant 0 : i32
    return %arg0, %c0_i32 : i32, i32
  }
}

</mosaic_0001>

<sc_bundles>
// kernel: kernel.4.cloned.1.call-start
scs
__scs_entry_jumppad:
0x0: {  	(pc) =	sbr.rel $0x88, $3  }
0x1: {  	(tag) =	ssettag $0x0;
	lr =	simm.s32 $0x1  }
0x2: {  	[smem:$0x3F99] =	sst lr;
	_ =	strace $0xD0000000  }
0x3: {  	_ = 	snop  }
0x4: {  	_ = 	snop  }
0x5: {  	_ = 	snop  }
0x6: {  	_ = 	snop  }
0x7: {  	_ = 	snop  }
__scs_overlays_trampoline_lowered:
0x8: {  	[smem:$0x3FA8] =	sst s0  }
0x9: {  	[smem:$0x3FA9] =	sst s1  }
0xa: {  	[smem:$0x3FAA] =	sst s2  }
0xb: {  	[smem:$0x3FAB] =	sst s3  }
0xc: {  	[smem:$0x3FAC] =	sst s4  }
0xd: {  	[smem:$0x3FAD] =	sst s5  }
0xe: {  	[smem:$0x3FAE] =	sst s6  }
0xf: {  	[smem:$0x3FAF] =	sst s7  }
0x10: {  	[smem:$0x3FB0] =	sst s8  }
0x11: {  	[smem:$0x3FB1] =	sst s9;
	s0 =	simm.s32 @!p0 $0x0  }
0x12: {  	s1 =	sld [smem:$0x3F97];
	s0 =	simm.s32 @p0 $0x1  }
0x13: {  	[smem:$0x3FB2] =	sst s0;
	s0 =	simm.s32 @!p1 $0x0  }
0x14: {  	s2 =	sld [smem:$0x3F96];
	s0 =	simm.s32 @p1 $0x1  }
0x15: {  	[smem:$0x3FB3] =	sst s0;
	s0 =	simm.s32 @!p2 $0x0  }
0x16: {  	s3 =	sld [smem:$0x3FDB];
	s0 =	simm.s32 @p2 $0x1  }
0x17: {  	s4 =	simm.s32 $0x1BF5;
	[smem:$0x3FB5] =	sst s0  }
0x18: {  	s0 =	sld [smem:$0x3F98];
	_ =	swait.ge [sflag:s4], $0x0  }
0x19: {  	s7 =	sld [smem:$0x3F99]  }
0x1a: {  	s8 =	sadd.s32 $0xFFFFE003, lr  }
0x1b: {  	s9 =	sadd.s32 $0xFFFFFEF7, lr;
	s5 =	simm.s32 $0xFFFFFFFF;
	p2 =	slt.u32 s8, $0xFFFFF086  }
0x1c: {  	p1 =	slt.u32 s9, $0xF7A;
	s5 =	simm.s32 @!p2 $0x0  }
0x1d: {  	s5 =	simm.s32 @p1 $0x1;
	p0 =	seq.s32 s7, s2  }
0x1e: {  	s7 =	smul.u32 @!p0 $0xF7A, s2;
	p2 =	seq.s32 @!p0 s5, $0x0  }
0x1f: {  	s9 =	smul.u32 $0xF7A, s1;
	s8 =	simm.s32 @!p0 $0x1BF5;
	p2 =	por !p2, p0  }
0x20: {  	[sflag:s8] =	ssyncset.s32 @!p0 $0xFFFFF086;
	s6 =	sadd.s32 @!p0 s3, s7;
	s7 =	simm.s32 @!p0 $0x108  }
0x21: {  	s3 =	sadd.s32 s3, s9;
	s6 =	sadd.s32 @!p0 $0x88, s6;
	s7 =	simm.s32 @p2 $0x1082  }
0x22: {  	[simem:s7], [sflag:s8] =	dma.local @!p0 [hbm:s6], $0xF7A  }
0x23: {  	s9 =	sor.u32 $0xD0000000, s2;
	s6 =	simm.s32 $0x108;
	_ =	swait.ge @!p0 [sflag:s8], $0x0  }
0x24: {  	s3 =	sadd.s32 $0x88, s3;
	s6 =	simm.s32 @!p1 $0x1082;
	[sflag:s4] =	ssyncset.s32 $0xFFFFF086  }
0x25: {  	[simem:s6], [sflag:s4] =	dma.local [hbm:s3], $0xF7A  }
0x26: {  	[smem:$0x3F99] =	sst s1;
	(tag) =	ssettag s2;
	_ =	strace s9  }
0x27: {  	s1 =	sld [smem:$0x3FA9]  }
0x28: {  	s2 =	sld [smem:$0x3FAA]  }
0x29: {  	s4 =	sld [smem:$0x3FAC]  }
0x2a: {  	p0 =	seq.s32 s5, $0x0;
	s5 =	sld [smem:$0x3FAD]  }
0x2b: {  	s6 =	sld [smem:$0x3FAE]  }
0x2c: {  	s7 =	sld [smem:$0x3FAF]  }
0x2d: {  	s3 =	simm.s32 $0x108;
	s8 =	sld [smem:$0x3FB0]  }
0x2e: {  	s3 =	simm.s32 @!p0 $0x1082;
	s9 =	sld [smem:$0x3FB1]  }
0x2f: {  	lr =	sadd.s32 s0, s3;
	s0 =	sld [smem:$0x3FA8]  }
0x30: {  	s3 =	sld [smem:$0x3FAB]  }
0x31: {  	[smem:$0x3FB4] =	sst s10  }
0x32: {  	s10 =	sld [smem:$0x3FB2];
	_ =	sdelay $0x3  }
0x33: {  	p0 =	seq.s32 s10, $0x1;
	s10 =	sld [smem:$0x3FB4];
	_ =	sdelay $0x3  }
0x34: {  	[smem:$0x3FB4] =	sst s10  }
0x35: {  	s10 =	sld [smem:$0x3FB3];
	_ =	sdelay $0x3  }
0x36: {  	p1 =	seq.s32 s10, $0x1;
	s10 =	sld [smem:$0x3FB4];
	_ =	sdelay $0x3  }
0x37: {  	[smem:$0x3FB4] =	sst s10  }
0x38: {  	s10 =	sld [smem:$0x3FB5]  }
0x39: {  	_ = 	snop;
	(pc) =	sbr.ind lr, $3  }
0x3a: {  	_ = 	snop  }
0x3b: {  	_ = 	snop  }
0x3c: {  	p2 =	seq.s32 s10, $0x1;
	s10 =	sld [smem:$0x3FB4]  }
0x3d: {  	_ =	shalt  }
0x3e: {  	_ =	shalt  }
0x3f: {  	_ =	shalt  }
0x40: {  	_ =	shalt  }
0x41: {  	_ =	shalt  }
0x42: {  	_ =	shalt  }
0x43: {  	_ =	shalt  }
0x44: {  	_ =	shalt  }
0x45: {  	_ =	shalt  }
0x46: {  	_ =	shalt  }
0x47: {  	_ =	shalt  }
0x48: {  	_ =	shalt  }
0x49: {  	_ =	shalt  }
0x4a: {  	_ =	shalt  }
0x4b: {  	_ =	shalt  }
0x4c: {  	_ =	shalt  }
0x4d: {  	_ =	shalt  }
0x4e: {  	_ =	shalt  }
0x4f: {  	_ =	shalt  }
0x50: {  	_ =	shalt  }
0x51: {  	_ =	shalt  }
0x52: {  	_ =	shalt  }
0x53: {  	_ =	shalt  }
0x54: {  	_ =	shalt  }
0x55: {  	_ =	shalt  }
0x56: {  	_ =	shalt  }
0x57: {  	_ =	shalt  }
0x58: {  	_ =	shalt  }
0x59: {  	_ =	shalt  }
0x5a: {  	_ =	shalt  }
0x5b: {  	_ =	shalt  }
0x5c: {  	_ =	shalt  }
0x5d: {  	_ =	shalt  }
0x5e: {  	_ =	shalt  }
0x5f: {  	_ =	shalt  }
0x60: {  	_ =	shalt  }
0x61: {  	_ =	shalt  }
0x62: {  	_ =	shalt  }
0x63: {  	_ =	shalt  }
0x64: {  	_ =	shalt  }
0x65: {  	_ =	shalt  }
0x66: {  	_ =	shalt  }
0x67: {  	_ =	shalt  }
0x68: {  	_ =	shalt  }
0x69: {  	_ =	shalt  }
0x6a: {  	_ =	shalt  }
0x6b: {  	_ =	shalt  }
0x6c: {  	_ =	shalt  }
0x6d: {  	_ =	shalt  }
0x6e: {  	_ =	shalt  }
0x6f: {  	_ =	shalt  }
0x70: {  	_ =	shalt  }
0x71: {  	_ =	shalt  }
0x72: {  	_ =	shalt  }
0x73: {  	_ =	shalt  }
0x74: {  	_ =	shalt  }
0x75: {  	_ =	shalt  }
0x76: {  	_ =	shalt  }
0x77: {  	_ =	shalt  }
0x78: {  	_ =	shalt  }
0x79: {  	_ =	shalt  }
0x7a: {  	_ =	shalt  }
0x7b: {  	_ =	shalt  }
0x7c: {  	_ =	shalt  }
0x7d: {  	_ =	shalt  }
0x7e: {  	_ =	shalt  }
0x7f: {  	_ =	shalt  }
0x80: {  	_ =	shalt  }
0x81: {  	_ =	shalt  }
0x82: {  	_ =	shalt  }
0x83: {  	_ =	shalt  }
0x84: {  	_ =	shalt  }
0x85: {  	_ =	shalt  }
0x86: {  	_ =	shalt  }
0x87: {  	_ =	shalt  }
.Lfunc_end0:
.L_simem_size_0:
called_computation_lowered:
.L_overlay_start_0:
0x88: {  	s2 =	sld [smem:$0x3FD9]  }
0x89: {  	s3 =	sld [smem:$0x3FFE];
	_ =	sdelay $0x1  }
0x8a: {  	s1 =	srdreg.scid  }
0x8b: {  	s0 =	sand.u32 $0x1, s1  }
0x8c: {  	s17 =	sshll.u32 s0, $0xA;
	s2 =	sadd.s32 s3, s2  }
0x8d: {  	s2 =	sadd.s32 s2, s17  }
0x8e: {  	[smem:$0x3FC0] =	sst s2  }
0x8f: {  	_ = 	snop  }
0x90: {  	s2 =	sld [smem:$0x3FD0];
	(tm) =	ssettm $0x1  }
0x91: {  	s18 =	sld [smem:$0x3FFB];
	_ =	sdelay $0x3  }
0x92: {  	_ =	strace s18  }
0x93: {  	s3 =	sld [smem:$0x3FFC];
	_ =	sdelay $0x3  }
0x94: {  	_ =	strace s3  }
0x95: {  	s3 =	sld [smem:$0x3FFD];
	_ =	sdelay $0x3  }
0x96: {  	_ =	strace s3  }
0x97: {  	_ =	strace $0x8FFFFFFF  }
0x98: {  	s19 =	sld [smem:$0x3FDB];
	_ =	sdelay $0x1  }
0x99: {  	s4 =	simm.s32 $_scs_section_size  }
0x9a: {  	s5 =	simm.s32 $_size__tile_overlayer_lowered;
	s6 =	simm.s32 $_tile_overlayer_lowered  }
0x9b: {  	s22 =	simm.s32 $0x1BFF;
	s21 =	sshll.u32 s6, $0x1;
	s3 =	sadd.s32 s4, s19  }
0x9c: {  	s7 =	simm.s32 $0x0;
	s20 =	sshll.u32 s5, $0x1;
	s5 =	sadd.s32 s21, s3  }
0x9d: {  	[timem:s7], [sflag:s22] =	dma.local [hbm:s5], s20  }
0x9e: {  	_ =	swait.ge [sflag:s22], s20  }
0x9f: {  	s4 =	ssub.s32 $0x0, s20;
	[sflag:s22] =	ssyncset.done $0x0  }
0xa0: {  	[sflag:s22] =	ssyncadd.s32 s4;
	_ =	sdelay $0x1  }
0xa1: {  	s23 =	simm.s32 $0x1B8B  }
0xa2: {  	_ =	swait.ge [sflag:s23], $0x1  }
0xa3: {  	[sflag:s23] =	ssyncset.done $0x0  }
0xa4: {  	s25 =	simm.s32 $0x1B8E;
	s24 =	sld [smem:$0x3FFE];
	[sflag:s23] =	ssyncadd.s32 $0xFFFFFFFF  }
0xa5: {  	s26 =	simm.s32 $execute0_lowered;
	[smem:$0x3FD2] =	sst s25  }
0xa6: {  	s5 =	sshll.u32 s26, $0x1;
	_ =	strace $0x80000046;
	[dreg:$0x1] =	wrdreg $0xFFFFFFFF  }
0xa7: {  	s28 =	simm.s32 $_size_execute0_lowered;
	s3 =	sadd.s32 s3, s5;
	[dreg:$0x0] =	wrdreg $0x0  }
0xa8: {  	s5 =	sshll.u32 s28, $0x1;
	[dreg:$0x2] =	wrdreg s3  }
0xa9: {  	[dreg:$0x3] =	wrdreg s5  }
0xaa: {  	[dreg:$0x4] =	wrdreg $0xC0  }
0xab: {  	_ =	task [dreg:s7], $0x5FFFF  }
0xac: {  	[dreg:$0x1] =	wrdreg $0xFFFFFFFF  }
0xad: {  	[dreg:$0x0] =	wrdreg $0x60  }
0xae: {  	[dreg:$0x2] =	wrdreg s24  }
0xaf: {  	[dreg:$0x3] =	wrdreg s2  }
0xb0: {  	[dreg:$0x4] =	wrdreg $0x9  }
0xb1: {  	_ =	task.clear_ibuf [dreg:s7], $0x5FFFF;
	_ =	strace $0x90000046  }
0xb2: {  	s29 =	simm.s32 $0x9;
	_ =	strace $0x80000048  }
0xb3: {  	_ =	swait.ge [sflag:s29], $0x1  }
0xb4: {  	[sflag:s29] =	ssyncadd.s32 $0xFFFFFFFF  }
0xb5: {  	_ =	strace $0x90000048  }
0xb6: {  	_ =	sfence  }
0xb7: {  	s30 =	sld [smem:$0x0];
	_ =	sdelay $0x2  }
0xb8: {  	s31 =	sshll.u32 s1, $0xD;
	s1 =	sshrl.u32 s1, $0x2  }
0xb9: {  	s3 =	sand.u32 $0x4000, s31;
	s1 =	sadd.s32 s1, s30  }
0xba: {  	s0 =	sor.u32 s3, s0;
	s1 =	sshll.u32 s1, $0x11  }
0xbb: {  	s0 =	sor.u32 s1, s0  }
0xbc: {  	s0 =	sadd.s32 $0x8F2B, s0  }
0xbd: {  	[sflag:s0] =	ssyncadd.remote.s32 $0x1  }
0xbe: {  	_ =	sfence.sel $0xFFFF  }
0xbf: {  	[dreg:$0x0] =	wrdreg $0xFFFFFFFF;
	(pc) =	sbr.abs _section_cstart, $3  }
0xc0: {  	[dreg:$0x1] =	wrdreg $0xFFFFFFFF  }
0xc1: {  	_ =	task.clear_ibuf [dreg:s7], $0x2FFFF;
	_ =	strace $0x9FFFFFFF  }
0xc2: {  	(tm) =	ssettm $0x7FFFFFFF  }
0xc3: {  	_ =	shalt  }
tec
execute0_lowered:
.L_overlay_start_1:
0x0: {  	(tag) =	ssettag $0x1  }
0x1: {  	s0 =	rddreg [dreg:$0x0]  }
0x2: {  	s2 =	rddreg [dreg:$0x1];
	s3 =	simm.s32 $0x0;
	s1 =	srdreg.scid  }
0x3: {  	s6 =	stileid.u32;
	[smem:$0x7FF] =	sst s3  }
0x4: {  	s1 =	sand.u32 $0x1, s1;
	s10 =	sadd.s32 $0x62C00, s0;
	s5 =	sadd.s32 $0x1000, s0  }
0x5: {  	s9 =	sadd.s32 $0x93A00, s0;
	s12 =	sadd.s32 $0xC4800, s0;
	s0 =	sadd.s32 $0x62FE8, s0  }
0x6: {  	s4 =	sshll.u32 s6, $0x1;
	_ =	strace $0x80000047;
	[dreg:$0x7] =	wrdreg s0  }
0x7: {  	s6 =	smul.u32 $0x186A0, s6;
	s4 =	sor.u32 s1, s4;
	[dreg:$0x4] =	wrdreg s9  }
0x8: {  	s18 =	ssub.s32 $0x2, s1;
	s1 =	smul.u32 $0xC350, s1;
	[dreg:$0x6] =	wrdreg s12  }
0x9: {  	[dreg:$0x3] =	wrdreg s10  }
0xa: {  	s11 =	smul.u32 $0xC350, s4;
	s7 =	sshrl.u32 s18, $0x1;
	s21 =	sadd.s32 s1, s6  }
0xb: {  	s4 =	ssub.s32 s18, s7;
	[dreg:$0xa] =	wrdreg s21  }
0xc: {  	s22 =	smax.u32 s4, $0x1;
	[dreg:$0x5] =	wrdreg s11  }
0xd: {  	s23 =	sadd.s32 $0x80, s21;
	[dreg:$0xb] =	wrdreg s22  }
0xe: {  	s24 =	sadd.s32 $0x100, s21;
	[dreg:$0xc] =	wrdreg s23  }
0xf: {  	s25 =	sadd.s32 $0x180, s21;
	[dreg:$0xd] =	wrdreg s24  }
0x10: {  	s26 =	sadd.s32 $0x200, s21;
	[dreg:$0xe] =	wrdreg s25  }
0x11: {  	s28 =	sadd.s32 $0x280, s21;
	[dreg:$0xf] =	wrdreg s26  }
0x12: {  	s29 =	sadd.s32 $0x300, s21;
	[dreg:$0x10] =	wrdreg s28  }
0x13: {  	s31 =	sadd.s32 $0x380, s21;
	[dreg:$0x11] =	wrdreg s29  }
0x14: {  	s13 =	sadd.s32 $0xC000, s21;
	[dreg:$0x12] =	wrdreg s31  }
0x15: {  	s14 =	sadd.s32 $0xC080, s21;
	[dreg:$0x13] =	wrdreg s13  }
0x16: {  	s15 =	sadd.s32 $0xC100, s21;
	[dreg:$0x14] =	wrdreg s14  }
0x17: {  	s16 =	sadd.s32 $0xC180, s21;
	[dreg:$0x15] =	wrdreg s15  }
0x18: {  	s8 =	sshrl.u32 s11, $0x3;
	s17 =	sadd.s32 $0xC200, s21;
	[dreg:$0x16] =	wrdreg s16  }
0x19: {  	s18 =	sadd.s32 $0xC280, s21;
	s19 =	sadd.s32 $0x1800, s8;
	[dreg:$0x17] =	wrdreg s17  }
0x1a: {  	s30 =	simm.s32 $0x80;
	[dreg:$0x18] =	wrdreg s18;
	s20 =	sadd.s32 s9, s19  }
0x1b: {  	s1 =	simm.s32 $0x0;
	s0 =	sadd.s32 s12, s19;
	[dreg:$0x8] =	wrdreg s20  }
0x1c: {  	s22 =	simm.s32 $0x1;
	s19 =	sadd.s32 $0xC300, s21;
	[dreg:$0x9] =	wrdreg s0  }
0x1d: {  	s23 =	simm.s32 $0x2;
	s20 =	sadd.s32 $0xC380, s21;
	[dreg:$0x19] =	wrdreg s19  }
0x1e: {  	v1 =	vimm.s32 $0xFFFFFFFF;
	v2 =	vlaneseq.u32;
	v0 =	vmov s11;
	s25 =	simm.s32 $0x3;
	s21 =	simm.s32 $0xE380;
	[dreg:$0x1a] =	wrdreg s20  }
.LBB2_1:
0x1f: {  	[dreg:$0x1b] =	wrdreg s1;
	s0 =	simm.s32 $0x40;
	s1 =	simm.s32 $0x0  }
.LBB2_2:
0x20: {  	p0 =	sne.s32 s0, $0x30FC0;
	[tilespmem:s1+$0x0] =	vst v1;
	s1 =	smov.u32 s0;
	s0 =	sadd.s32 $0x40, s0  }
.Ltmp0:
0x21: {  	(pc) =	sbr.rel @p0 .LBB2_2-.Ltmp0, $2  }
0x22: {  	_ =	sdelay $0x2  }
0x23: {  	s1 =	sshra.s32 s1, $0x2  }
0x24: {  	[tilespmem:s1+$0x0] =	vst v1;
	s6 =	simm.s32 $0x0;
	s0 =	simm.s32 $0xC400  }
0x25: {  	[tilespmem:s0], [sflag:$0x1] =	stream.linear.gather [hbm4b:s10+s6], $0x1F40, $0x38;
	[tilespmem:$0x11B00] =	vst v63  }
0x26: {  	s31 =	rddreg [dreg:$0x7]  }
0x27: {  	[tilespmem:s21], [sflag:$0x2] =	stream.linear.gather [hbm4b:s31+s6], $0x1F40, $0x38;
	[tilespmem:$0x11B00] =	vst v63  }
.LBB2_4:
0x28: {  	_ =	swait.ge [sflag:s22], $0x1F40;
	s8 =	smul.u32 $0x3E80, s6  }
0x29: {  	[sflag:s22] =	ssyncset.done $0x0  }
0x2a: {  	s7 =	simm.s32 $0xFFFFFFF8;
	s9 =	simm.s32 $0xC440;
	[sflag:s22] =	ssyncadd.s32 $0xFFFFE0C0;
	v4 =	vor.u32 s8, v2  }
.LBB2_5:
0x2b: {  	v3 =	vld [tilespmem:s9+$0xFFFFFFC0];
	_ =	sdelay $0x4  }
0x2c: {  	v5 =	vsub.s32 v3, v0  }
0x2d: {  	vm0 =	vlt.u32 v5, $0xC350;
	_ =	sdelay $0x5  }
0x2e: {  	[tilespmem:v5+s3+$0x0] =	vst.idx.msk vm0, v4  }
0x2f: {  	v3 =	vmov v4;
	v4 =	vld [tilespmem:s9+$0xFFFFFFD0];
	_ =	sdelay $0x4  }
0x30: {  	v4 =	vsub.s32 v4, v0  }
0x31: {  	vm9 =	vlt.u32 v4, $0xC350;
	_ =	sdelay $0x4  }
0x32: {  	v5 =	vadd.s32 $0x10, v3  }
0x33: {  	[tilespmem:v4+s3+$0x0] =	vst.idx.msk vm9, v5  }
0x34: {  	v4 =	vld [tilespmem:s9+$0xFFFFFFE0];
	_ =	sdelay $0x4  }
0x35: {  	v4 =	vsub.s32 v4, v0  }
0x36: {  	vm10 =	vlt.u32 v4, $0xC350;
	_ =	sdelay $0x4  }
0x37: {  	v5 =	vadd.s32 $0x20, v3  }
0x38: {  	[tilespmem:v4+s3+$0x0] =	vst.idx.msk vm10, v5  }
0x39: {  	v4 =	vld [tilespmem:s9+$0xFFFFFFF0];
	_ =	sdelay $0x4  }
0x3a: {  	v4 =	vsub.s32 v4, v0  }
0x3b: {  	vm11 =	vlt.u32 v4, $0xC350;
	_ =	sdelay $0x4  }
0x3c: {  	v5 =	vadd.s32 $0x30, v3  }
0x3d: {  	[tilespmem:v4+s3+$0x0] =	vst.idx.msk vm11, v5  }
0x3e: {  	v4 =	vld [tilespmem:s9+$0x0];
	_ =	sdelay $0x4  }
0x3f: {  	v4 =	vsub.s32 v4, v0  }
0x40: {  	vm12 =	vlt.u32 v4, $0xC350;
	_ =	sdelay $0x4  }
0x41: {  	v5 =	vadd.s32 $0x40, v3  }
0x42: {  	[tilespmem:v4+s3+$0x0] =	vst.idx.msk vm12, v5  }
0x43: {  	v4 =	vld [tilespmem:s9+$0x10];
	_ =	sdelay $0x4  }
0x44: {  	v4 =	vsub.s32 v4, v0  }
0x45: {  	vm13 =	vlt.u32 v4, $0xC350;
	_ =	sdelay $0x4  }
0x46: {  	v5 =	vadd.s32 $0x50, v3  }
0x47: {  	[tilespmem:v4+s3+$0x0] =	vst.idx.msk vm13, v5  }
0x48: {  	v4 =	vld [tilespmem:s9+$0x20];
	_ =	sdelay $0x4  }
0x49: {  	v4 =	vsub.s32 v4, v0  }
0x4a: {  	vm14 =	vlt.u32 v4, $0xC350;
	_ =	sdelay $0x4  }
0x4b: {  	v5 =	vadd.s32 $0x60, v3  }
0x4c: {  	[tilespmem:v4+s3+$0x0] =	vst.idx.msk vm14, v5  }
0x4d: {  	v4 =	vld [tilespmem:s9+$0x30];
	_ =	sdelay $0x4  }
0x4e: {  	v4 =	vsub.s32 v4, v0  }
0x4f: {  	s7 =	sadd.s32 $0x8, s7;
	vm15 =	vlt.u32 v4, $0xC350  }
0x50: {  	p0 =	slt.u32 s7, $0x1E8  }
.Ltmp1:
0x51: {  	_ = 	snop;
	(pc) =	sbr.rel @p0 .LBB2_5-.Ltmp1, $3  }
0x52: {  	_ =	sdelay $0x1  }
0x53: {  	v5 =	vadd.s32 $0x70, v3  }
0x54: {  	s9 =	sadd.s32 $0x80, s9;
	[tilespmem:v4+s3+$0x0] =	vst.idx.msk vm15, v5;
	v4 =	vadd.s32 $0x80, v3  }
0x55: {  	v5 =	vld [tilespmem:$0xE300];
	_ =	sdelay $0x4  }
0x56: {  	v5 =	vsub.s32 v5, v0  }
0x57: {  	vm0 =	vlt.u32 v5, $0xC350;
	_ =	sdelay $0x5  }
0x58: {  	[tilespmem:v5+s3+$0x0] =	vst.idx.msk vm0, v4  }
0x59: {  	v4 =	vld [tilespmem:$0xE310];
	_ =	sdelay $0x4  }
0x5a: {  	v4 =	vsub.s32 v4, v0  }
0x5b: {  	vm13 =	vlt.u32 v4, $0xC350;
	_ =	sdelay $0x4  }
0x5c: {  	v5 =	vadd.s32 $0x90, v3  }
0x5d: {  	[tilespmem:v4+s3+$0x0] =	vst.idx.msk vm13, v5  }
0x5e: {  	v4 =	vld [tilespmem:$0xE320];
	_ =	sdelay $0x4  }
0x5f: {  	v4 =	vsub.s32 v4, v0  }
0x60: {  	vm14 =	vlt.u32 v4, $0xC350;
	_ =	sdelay $0x4  }
0x61: {  	v5 =	vadd.s32 $0xA0, v3  }
0x62: {  	[tilespmem:v4+s3+$0x0] =	vst.idx.msk vm14, v5  }
0x63: {  	v4 =	vld [tilespmem:$0xE330];
	_ =	sdelay $0x4  }
0x64: {  	v4 =	vsub.s32 v4, v0  }
0x65: {  	vm15 =	vlt.u32 v4, $0xC350;
	_ =	sdelay $0x2  }
0x66: {  	p0 =	seq.s32 s6, $0x63  }
0x67: {  	s0 =	sshrl.u32 @!p0 s8, $0x3  }
0x68: {  	s0 =	sadd.s32 @!p0 s10, s0;
	v3 =	vadd.s32 $0xB0, v3  }
0x69: {  	s1 =	simm.s32 @!p0 $0x0;
	s4 =	simm.s32 @!p0 $0xC400;
	s0 =	sadd.s32 @!p0 $0x7D0, s0;
	[tilespmem:v4+s3+$0x0] =	vst.idx.msk vm15, v3  }
0x6a: {  	[tilespmem:s4], [sflag:$0x1] =	stream.linear.gather @!p0 [hbm4b:s0+s1], $0x1F40, $0x38;
	[tilespmem:$0x11B00] =	vst v63  }
0x6b: {  	_ =	swait.ge [sflag:s23], $0x1F40  }
0x6c: {  	s31 =	sadd.s32 $0x1F40, s8;
	[sflag:s23] =	ssyncset.done $0x0  }
0x6d: {  	s7 =	simm.s32 $0xFFFFFFF8;
	s9 =	simm.s32 $0xE3C0;
	v4 =	vor.u32 s31, v2;
	[sflag:s23] =	ssyncadd.s32 $0xFFFFE0C0  }
.LBB2_7:
0x6e: {  	v3 =	vld [tilespmem:s9+$0xFFFFFFC0];
	_ =	sdelay $0x4  }
0x6f: {  	v5 =	vsub.s32 v3, v0  }
0x70: {  	vm0 =	vlt.u32 v5, $0xC350;
	_ =	sdelay $0x5  }
0x71: {  	[tilespmem:v5+s3+$0x0] =	vst.idx.msk vm0, v4  }
0x72: {  	v3 =	vmov v4;
	v4 =	vld [tilespmem:s9+$0xFFFFFFD0];
	_ =	sdelay $0x4  }
0x73: {  	v4 =	vsub.s32 v4, v0  }
0x74: {  	vm9 =	vlt.u32 v4, $0xC350;
	_ =	sdelay $0x4  }
0x75: {  	v5 =	vadd.s32 $0x10, v3  }
0x76: {  	[tilespmem:v4+s3+$0x0] =	vst.idx.msk vm9, v5  }
0x77: {  	v4 =	vld [tilespmem:s9+$0xFFFFFFE0];
	_ =	sdelay $0x4  }
0x78: {  	v4 =	vsub.s32 v4, v0  }
0x79: {  	vm10 =	vlt.u32 v4, $0xC350;
	_ =	sdelay $0x4  }
0x7a: {  	v5 =	vadd.s32 $0x20, v3  }
0x7b: {  	[tilespmem:v4+s3+$0x0] =	vst.idx.msk vm10, v5  }
0x7c: {  	v4 =	vld [tilespmem:s9+$0xFFFFFFF0];
	_ =	sdelay $0x4  }
0x7d: {  	v4 =	vsub.s32 v4, v0  }
0x7e: {  	vm11 =	vlt.u32 v4, $0xC350;
	_ =	sdelay $0x4  }
0x7f: {  	v5 =	vadd.s32 $0x30, v3  }
0x80: {  	[tilespmem:v4+s3+$0x0] =	vst.idx.msk vm11, v5  }
0x81: {  	v4 =	vld [tilespmem:s9+$0x0];
	_ =	sdelay $0x4  }
0x82: {  	v4 =	vsub.s32 v4, v0  }
0x83: {  	vm12 =	vlt.u32 v4, $0xC350;
	_ =	sdelay $0x4  }
0x84: {  	v5 =	vadd.s32 $0x40, v3  }
0x85: {  	[tilespmem:v4+s3+$0x0] =	vst.idx.msk vm12, v5  }
0x86: {  	v4 =	vld [tilespmem:s9+$0x10];
	_ =	sdelay $0x4  }
0x87: {  	v4 =	vsub.s32 v4, v0  }
0x88: {  	vm13 =	vlt.u32 v4, $0xC350;
	_ =	sdelay $0x4  }
0x89: {  	v5 =	vadd.s32 $0x50, v3  }
0x8a: {  	[tilespmem:v4+s3+$0x0] =	vst.idx.msk vm13, v5  }
0x8b: {  	v4 =	vld [tilespmem:s9+$0x20];
	_ =	sdelay $0x4  }
0x8c: {  	v4 =	vsub.s32 v4, v0  }
0x8d: {  	vm14 =	vlt.u32 v4, $0xC350;
	_ =	sdelay $0x4  }
0x8e: {  	v5 =	vadd.s32 $0x60, v3  }
0x8f: {  	[tilespmem:v4+s3+$0x0] =	vst.idx.msk vm14, v5  }
0x90: {  	v4 =	vld [tilespmem:s9+$0x30];
	_ =	sdelay $0x4  }
0x91: {  	v4 =	vsub.s32 v4, v0  }
0x92: {  	s7 =	sadd.s32 $0x8, s7;
	vm15 =	vlt.u32 v4, $0xC350  }
0x93: {  	p1 =	slt.u32 s7, $0x1E8  }
.Ltmp2:
0x94: {  	_ = 	snop;
	(pc) =	sbr.rel @p1 .LBB2_7-.Ltmp2, $3  }
0x95: {  	_ =	sdelay $0x1  }
0x96: {  	v5 =	vadd.s32 $0x70, v3  }
0x97: {  	s9 =	sadd.s32 $0x80, s9;
	[tilespmem:v4+s3+$0x0] =	vst.idx.msk vm15, v5;
	v4 =	vadd.s32 $0x80, v3  }
0x98: {  	v5 =	vld [tilespmem:$0x10280];
	_ =	sdelay $0x4  }
0x99: {  	v5 =	vsub.s32 v5, v0  }
0x9a: {  	vm0 =	vlt.u32 v5, $0xC350;
	_ =	sdelay $0x4  }
0x9b: {  	s12 =	simm.s32 $0x0  }
0x9c: {  	[tilespmem:v5+s12+$0x0] =	vst.idx.msk vm0, v4  }
0x9d: {  	v4 =	vld [tilespmem:$0x10290];
	_ =	sdelay $0x4  }
0x9e: {  	v4 =	vsub.s32 v4, v0  }
0x9f: {  	vm13 =	vlt.u32 v4, $0xC350;
	_ =	sdelay $0x4  }
0xa0: {  	v62 =	vadd.s32 $0x90, v3  }
0xa1: {  	[tilespmem:v4+s12+$0x0] =	vst.idx.msk vm13, v62  }
0xa2: {  	v4 =	vld [tilespmem:$0x102A0];
	_ =	sdelay $0x4  }
0xa3: {  	v4 =	vsub.s32 v4, v0  }
0xa4: {  	vm14 =	vlt.u32 v4, $0xC350;
	_ =	sdelay $0x4  }
0xa5: {  	v63 =	vadd.s32 $0xA0, v3  }
0xa6: {  	[tilespmem:v4+s12+$0x0] =	vst.idx.msk vm14, v63  }
0xa7: {  	v4 =	vld [tilespmem:$0x102B0];
	_ =	sdelay $0x4  }
0xa8: {  	v4 =	vsub.s32 v4, v0  }
0xa9: {  	vm15 =	vlt.u32 v4, $0xC350;
	_ =	sdelay $0x1  }
.Ltmp3:
0xaa: {  	_ = 	snop;
	(pc) =	sbr.rel @p0 .LBB2_9-.Ltmp3, $3  }
0xab: {  	_ =	sdelay $0x1  }
0xac: {  	v3 =	vadd.s32 $0xB0, v3  }
0xad: {  	[tilespmem:v4+s12+$0x0] =	vst.idx.msk vm15, v3  }
.Ltmp4:
0xae: {  	(pc) =	sbr.rel .LBB2_4-.Ltmp4, $4  }
0xaf: {  	s0 =	sshrl.u32 s8, $0x3  }
0xb0: {  	s0 =	sadd.s32 s10, s0  }
0xb1: {  	s6 =	sadd.s32 $0x1, s6;
	s0 =	sadd.s32 $0xBB8, s0  }
0xb2: {  	[tilespmem:s21], [sflag:$0x2] =	stream.linear.gather [hbm4b:s0+s3], $0x1F40, $0x38;
	[tilespmem:$0x11B00] =	vst v63  }
.LBB2_9:
0xb3: {  	s10 =	rddreg [dreg:$0x12]  }
0xb4: {  	s11 =	rddreg [dreg:$0x11]  }
0xb5: {  	s13 =	rddreg [dreg:$0x10]  }
0xb6: {  	s14 =	rddreg [dreg:$0xf]  }
0xb7: {  	s21 =	simm.s32 $0x80;
	s22 =	simm.s32 $0x100;
	s15 =	rddreg [dreg:$0xe]  }
0xb8: {  	s23 =	simm.s32 $0x180;
	s24 =	simm.s32 $0x200;
	s16 =	rddreg [dreg:$0xd]  }
0xb9: {  	s26 =	simm.s32 $0x280;
	s29 =	simm.s32 $0x300;
	s17 =	rddreg [dreg:$0xc]  }
0xba: {  	s9 =	simm.s32 $0x380;
	s18 =	rddreg [dreg:$0xa];
	s19 =	simm.s32 $0x0  }
.LBB2_10:
0xbb: {  	v3 =	vmov s12;
	_ =	sdelay $0x3  }
0xbc: {  	s0 =	simm.s32 $0x0  }
0xbd: {  	v4 =	vld.idx.msk [tilespmem:v3+s0+$0x0 ss:$0x1], $0xffff;
	_ =	sdelay $0x4  }
0xbe: {  	v5 =	vor.u32 s18, v2;
	vm0 =	vlt.s32 v4, $0x0  }
0xbf: {  	s8 =	sshll.u32 s19, $0xA;
	s1 =	rddreg [dreg:$0x5];
	s7 =	simm.s32 $0x10;
	v4 =	vsel vm0, v5, v4  }
0xc0: {  	s31 =	simm.s32 $0x80;
	s28 =	smov.u32 s18;
	s6 =	sadd.s32 s1, s8;
	[tilespmem:s0+$0x10300] =	vst v4  }
.LBB2_11:
0xc1: {  	p0 =	sne.s32 s31, $0x1C0;
	v4 =	vld.idx.msk [tilespmem:v3+s7+$0x0 ss:$0x1], $0xffff;
	_ =	sdelay $0x3  }
.Ltmp5:
0xc2: {  	(pc) =	sbr.rel @p0 .LBB2_11-.Ltmp5, $4  }
0xc3: {  	s28 =	sadd.s32 $0x10, s28  }
0xc4: {  	v5 =	vor.u32 s28, v2;
	vm0 =	vlt.s32 v4, $0x0  }
0xc5: {  	v4 =	vsel vm0, v5, v4  }
0xc6: {  	[tilespmem:s7+$0x10300] =	vst v4;
	s7 =	sshra.s32 s31, $0x2;
	s31 =	sadd.s32 $0x40, s31  }
0xc7: {  	_ =	sdelay $0x3  }
0xc8: {  	v4 =	vld.idx.msk [tilespmem:v3+s7+$0x0 ss:$0x1], $0xffff;
	_ =	sdelay $0x3  }
0xc9: {  	s0 =	sadd.s32 $0x10, s28;
	v3 =	vmov s21  }
0xca: {  	v5 =	vor.u32 s0, v2;
	vm0 =	vlt.s32 v4, $0x0  }
0xcb: {  	v4 =	vsel vm0, v5, v4  }
0xcc: {  	s1 =	simm.s32 $0x10F00;
	s20 =	simm.s32 $0x0;
	[tilespmem:s7+$0x10300] =	vst v4;
	s7 =	simm.s32 $0x10300  }
0xcd: {  	[tilespmem:s1], [sflag:$0x3] =	stream.indirect.gather [hbm4b:s2+s30], $0x1, s7, s30, $0xb8;
	[tilespmem:$0x11B00] =	vst v63  }
0xce: {  	v4 =	vld.idx.msk [tilespmem:v3+s20+$0x0 ss:$0x1], $0xffff;
	_ =	sdelay $0x4  }
0xcf: {  	v5 =	vor.u32 s17, v2;
	vm15 =	vlt.s32 v4, $0x0  }
0xd0: {  	v4 =	vsel vm15, v5, v4  }
0xd1: {  	s31 =	simm.s32 $0x80;
	s28 =	smov.u32 s17;
	s7 =	simm.s32 $0x10;
	[tilespmem:s20+$0x10380] =	vst v4  }
.LBB2_13:
0xd2: {  	p0 =	sne.s32 s31, $0x1C0;
	v4 =	vld.idx.msk [tilespmem:v3+s7+$0x0 ss:$0x1], $0xffff;
	_ =	sdelay $0x3  }
.Ltmp6:
0xd3: {  	(pc) =	sbr.rel @p0 .LBB2_13-.Ltmp6, $4  }
0xd4: {  	s28 =	sadd.s32 $0x10, s28  }
0xd5: {  	v5 =	vor.u32 s28, v2;
	vm0 =	vlt.s32 v4, $0x0  }
0xd6: {  	v4 =	vsel vm0, v5, v4  }
0xd7: {  	[tilespmem:s7+$0x10380] =	vst v4;
	s7 =	sshra.s32 s31, $0x2;
	s31 =	sadd.s32 $0x40, s31  }
0xd8: {  	_ =	sdelay $0x3  }
0xd9: {  	v4 =	vld.idx.msk [tilespmem:v3+s7+$0x0 ss:$0x1], $0xffff;
	_ =	sdelay $0x3  }
0xda: {  	s0 =	sadd.s32 $0x10, s28;
	v3 =	vmov s22  }
0xdb: {  	v5 =	vor.u32 s0, v2;
	vm0 =	vlt.s32 v4, $0x0  }
0xdc: {  	v4 =	vsel vm0, v5, v4  }
0xdd: {  	s1 =	simm.s32 $0x10F80;
	s20 =	simm.s32 $0x0;
	[tilespmem:s7+$0x10380] =	vst v4;
	s7 =	simm.s32 $0x10380  }
0xde: {  	[tilespmem:s1], [sflag:$0x3] =	stream.indirect.gather [hbm4b:s2+s30], $0x1, s7, s30, $0xb8;
	[tilespmem:$0x11B00] =	vst v63  }
0xdf: {  	v4 =	vld.idx.msk [tilespmem:v3+s20+$0x0 ss:$0x1], $0xffff;
	_ =	sdelay $0x4  }
0xe0: {  	v5 =	vor.u32 s16, v2;
	vm15 =	vlt.s32 v4, $0x0  }
0xe1: {  	v4 =	vsel vm15, v5, v4  }
0xe2: {  	s31 =	simm.s32 $0x80;
	s28 =	smov.u32 s16;
	s7 =	simm.s32 $0x10;
	[tilespmem:s20+$0x10400] =	vst v4  }
.LBB2_15:
0xe3: {  	p0 =	sne.s32 s31, $0x1C0;
	v4 =	vld.idx.msk [tilespmem:v3+s7+$0x0 ss:$0x1], $0xffff;
	_ =	sdelay $0x3  }
.Ltmp7:
0xe4: {  	(pc) =	sbr.rel @p0 .LBB2_15-.Ltmp7, $4  }
0xe5: {  	s28 =	sadd.s32 $0x10, s28  }
0xe6: {  	v5 =	vor.u32 s28, v2;
	vm0 =	vlt.s32 v4, $0x0  }
0xe7: {  	v4 =	vsel vm0, v5, v4  }
0xe8: {  	[tilespmem:s7+$0x10400] =	vst v4;
	s7 =	sshra.s32 s31, $0x2;
	s31 =	sadd.s32 $0x40, s31  }
0xe9: {  	_ =	sdelay $0x3  }
0xea: {  	v4 =	vld.idx.msk [tilespmem:v3+s7+$0x0 ss:$0x1], $0xffff;
	_ =	sdelay $0x3  }
0xeb: {  	s0 =	sadd.s32 $0x10, s28;
	v3 =	vmov s23  }
0xec: {  	v5 =	vor.u32 s0, v2;
	vm0 =	vlt.s32 v4, $0x0  }
0xed: {  	v4 =	vsel vm0, v5, v4  }
0xee: {  	s1 =	simm.s32 $0x11000;
	s20 =	simm.s32 $0x0;
	[tilespmem:s7+$0x10400] =	vst v4;
	s7 =	simm.s32 $0x10400  }
0xef: {  	[tilespmem:s1], [sflag:$0x3] =	stream.indirect.gather [hbm4b:s2+s30], $0x1, s7, s30, $0xb8;
	[tilespmem:$0x11B00] =	vst v63  }
0xf0: {  	v4 =	vld.idx.msk [tilespmem:v3+s20+$0x0 ss:$0x1], $0xffff;
	_ =	sdelay $0x4  }
0xf1: {  	v5 =	vor.u32 s15, v2;
	vm15 =	vlt.s32 v4, $0x0  }
0xf2: {  	v4 =	vsel vm15, v5, v4  }
0xf3: {  	s31 =	simm.s32 $0x80;
	s28 =	smov.u32 s15;
	s7 =	simm.s32 $0x10;
	[tilespmem:s20+$0x10480] =	vst v4  }
.LBB2_17:
0xf4: {  	p0 =	sne.s32 s31, $0x1C0;
	v4 =	vld.idx.msk [tilespmem:v3+s7+$0x0 ss:$0x1], $0xffff;
	_ =	sdelay $0x3  }
.Ltmp8:
0xf5: {  	(pc) =	sbr.rel @p0 .LBB2_17-.Ltmp8, $4  }
0xf6: {  	s28 =	sadd.s32 $0x10, s28  }
0xf7: {  	v5 =	vor.u32 s28, v2;
	vm0 =	vlt.s32 v4, $0x0  }
0xf8: {  	v4 =	vsel vm0, v5, v4  }
0xf9: {  	[tilespmem:s7+$0x10480] =	vst v4;
	s7 =	sshra.s32 s31, $0x2;
	s31 =	sadd.s32 $0x40, s31  }
0xfa: {  	_ =	sdelay $0x3  }
0xfb: {  	v4 =	vld.idx.msk [tilespmem:v3+s7+$0x0 ss:$0x1], $0xffff;
	_ =	sdelay $0x3  }
0xfc: {  	s0 =	sadd.s32 $0x10, s28;
	v3 =	vmov s24  }
0xfd: {  	v5 =	vor.u32 s0, v2;
	vm0 =	vlt.s32 v4, $0x0  }
0xfe: {  	v4 =	vsel vm0, v5, v4  }
0xff: {  	s1 =	simm.s32 $0x11080;
	s20 =	simm.s32 $0x0;
	[tilespmem:s7+$0x10480] =	vst v4;
	s7 =	simm.s32 $0x10480  }
0x100: {  	[tilespmem:s1], [sflag:$0x3] =	stream.indirect.gather [hbm4b:s2+s30], $0x1, s7, s30, $0xb8;
	[tilespmem:$0x11B00] =	vst v63  }
0x101: {  	v4 =	vld.idx.msk [tilespmem:v3+s20+$0x0 ss:$0x1], $0xffff;
	_ =	sdelay $0x4  }
0x102: {  	v5 =	vor.u32 s14, v2;
	vm15 =	vlt.s32 v4, $0x0  }
0x103: {  	v4 =	vsel vm15, v5, v4  }
0x104: {  	s31 =	simm.s32 $0x80;
	s28 =	smov.u32 s14;
	s7 =	simm.s32 $0x10;
	[tilespmem:s20+$0x10500] =	vst v4  }
.LBB2_19:
0x105: {  	p0 =	sne.s32 s31, $0x1C0;
	v4 =	vld.idx.msk [tilespmem:v3+s7+$0x0 ss:$0x1], $0xffff;
	_ =	sdelay $0x3  }
.Ltmp9:
0x106: {  	(pc) =	sbr.rel @p0 .LBB2_19-.Ltmp9, $4  }
0x107: {  	s28 =	sadd.s32 $0x10, s28  }
0x108: {  	v5 =	vor.u32 s28, v2;
	vm0 =	vlt.s32 v4, $0x0  }
0x109: {  	v4 =	vsel vm0, v5, v4  }
0x10a: {  	[tilespmem:s7+$0x10500] =	vst v4;
	s7 =	sshra.s32 s31, $0x2;
	s31 =	sadd.s32 $0x40, s31  }
0x10b: {  	_ =	sdelay $0x3  }
0x10c: {  	v4 =	vld.idx.msk [tilespmem:v3+s7+$0x0 ss:$0x1], $0xffff;
	_ =	sdelay $0x3  }
0x10d: {  	s0 =	sadd.s32 $0x10, s28;
	v3 =	vmov s26  }
0x10e: {  	v5 =	vor.u32 s0, v2;
	vm0 =	vlt.s32 v4, $0x0  }
0x10f: {  	v4 =	vsel vm0, v5, v4  }
0x110: {  	s1 =	simm.s32 $0x11100;
	s20 =	simm.s32 $0x0;
	[tilespmem:s7+$0x10500] =	vst v4;
	s7 =	simm.s32 $0x10500  }
0x111: {  	[tilespmem:s1], [sflag:$0x3] =	stream.indirect.gather [hbm4b:s2+s30], $0x1, s7, s30, $0xb8;
	[tilespmem:$0x11B00] =	vst v63  }
0x112: {  	v4 =	vld.idx.msk [tilespmem:v3+s20+$0x0 ss:$0x1], $0xffff;
	_ =	sdelay $0x4  }
0x113: {  	v5 =	vor.u32 s13, v2;
	vm15 =	vlt.s32 v4, $0x0  }
0x114: {  	v4 =	vsel vm15, v5, v4  }
0x115: {  	s31 =	simm.s32 $0x80;
	s28 =	smov.u32 s13;
	s7 =	simm.s32 $0x10;
	[tilespmem:s20+$0x10580] =	vst v4  }
.LBB2_21:
0x116: {  	p0 =	sne.s32 s31, $0x1C0;
	v4 =	vld.idx.msk [tilespmem:v3+s7+$0x0 ss:$0x1], $0xffff;
	_ =	sdelay $0x3  }
.Ltmp10:
0x117: {  	(pc) =	sbr.rel @p0 .LBB2_21-.Ltmp10, $4  }
0x118: {  	s28 =	sadd.s32 $0x10, s28  }
0x119: {  	v5 =	vor.u32 s28, v2;
	vm0 =	vlt.s32 v4, $0x0  }
0x11a: {  	v4 =	vsel vm0, v5, v4  }
0x11b: {  	[tilespmem:s7+$0x10580] =	vst v4;
	s7 =	sshra.s32 s31, $0x2;
	s31 =	sadd.s32 $0x40, s31  }
0x11c: {  	_ =	sdelay $0x3  }
0x11d: {  	v4 =	vld.idx.msk [tilespmem:v3+s7+$0x0 ss:$0x1], $0xffff;
	_ =	sdelay $0x3  }
0x11e: {  	s0 =	sadd.s32 $0x10, s28;
	v3 =	vmov s29  }
0x11f: {  	v5 =	vor.u32 s0, v2;
	vm0 =	vlt.s32 v4, $0x0  }
0x120: {  	v4 =	vsel vm0, v5, v4  }
0x121: {  	s1 =	simm.s32 $0x11180;
	s20 =	simm.s32 $0x0;
	[tilespmem:s7+$0x10580] =	vst v4;
	s7 =	simm.s32 $0x10580  }
0x122: {  	[tilespmem:s1], [sflag:$0x3] =	stream.indirect.gather [hbm4b:s2+s30], $0x1, s7, s30, $0xb8;
	[tilespmem:$0x11B00] =	vst v63  }
0x123: {  	v4 =	vld.idx.msk [tilespmem:v3+s20+$0x0 ss:$0x1], $0xffff;
	_ =	sdelay $0x4  }
0x124: {  	v5 =	vor.u32 s11, v2;
	vm15 =	vlt.s32 v4, $0x0  }
0x125: {  	v4 =	vsel vm15, v5, v4  }
0x126: {  	s31 =	simm.s32 $0x80;
	s28 =	smov.u32 s11;
	s7 =	simm.s32 $0x10;
	[tilespmem:s20+$0x10600] =	vst v4  }
.LBB2_23:
0x127: {  	p0 =	sne.s32 s31, $0x1C0;
	v4 =	vld.idx.msk [tilespmem:v3+s7+$0x0 ss:$0x1], $0xffff;
	_ =	sdelay $0x3  }
.Ltmp11:
0x128: {  	(pc) =	sbr.rel @p0 .LBB2_23-.Ltmp11, $4  }
0x129: {  	s28 =	sadd.s32 $0x10, s28  }
0x12a: {  	v5 =	vor.u32 s28, v2;
	vm0 =	vlt.s32 v4, $0x0  }
0x12b: {  	v4 =	vsel vm0, v5, v4  }
0x12c: {  	[tilespmem:s7+$0x10600] =	vst v4;
	s7 =	sshra.s32 s31, $0x2;
	s31 =	sadd.s32 $0x40, s31  }
0x12d: {  	_ =	sdelay $0x3  }
0x12e: {  	v4 =	vld.idx.msk [tilespmem:v3+s7+$0x0 ss:$0x1], $0xffff;
	_ =	sdelay $0x3  }
0x12f: {  	s0 =	sadd.s32 $0x10, s28;
	v3 =	vmov s9  }
0x130: {  	v5 =	vor.u32 s0, v2;
	vm0 =	vlt.s32 v4, $0x0  }
0x131: {  	v4 =	vsel vm0, v5, v4  }
0x132: {  	s1 =	simm.s32 $0x11200;
	s20 =	simm.s32 $0x0;
	[tilespmem:s7+$0x10600] =	vst v4;
	s7 =	simm.s32 $0x10600  }
0x133: {  	[tilespmem:s1], [sflag:$0x3] =	stream.indirect.gather [hbm4b:s2+s30], $0x1, s7, s30, $0xb8;
	[tilespmem:$0x11B00] =	vst v63  }
0x134: {  	v4 =	vld.idx.msk [tilespmem:v3+s20+$0x0 ss:$0x1], $0xffff;
	_ =	sdelay $0x4  }
0x135: {  	v5 =	vor.u32 s10, v2;
	vm15 =	vlt.s32 v4, $0x0  }
0x136: {  	v4 =	vsel vm15, v5, v4  }
0x137: {  	s31 =	simm.s32 $0x80;
	s28 =	smov.u32 s10;
	s7 =	simm.s32 $0x10;
	[tilespmem:s20+$0x10680] =	vst v4  }
.LBB2_25:
0x138: {  	p0 =	sne.s32 s31, $0x1C0;
	v4 =	vld.idx.msk [tilespmem:v3+s7+$0x0 ss:$0x1], $0xffff;
	_ =	sdelay $0x3  }
.Ltmp12:
0x139: {  	(pc) =	sbr.rel @p0 .LBB2_25-.Ltmp12, $4  }
0x13a: {  	s28 =	sadd.s32 $0x10, s28  }
0x13b: {  	v5 =	vor.u32 s28, v2;
	vm0 =	vlt.s32 v4, $0x0  }
0x13c: {  	v4 =	vsel vm0, v5, v4  }
0x13d: {  	[tilespmem:s7+$0x10680] =	vst v4;
	s7 =	sshra.s32 s31, $0x2;
	s31 =	sadd.s32 $0x40, s31  }
0x13e: {  	_ =	sdelay $0x3  }
0x13f: {  	v3 =	vld.idx.msk [tilespmem:v3+s7+$0x0 ss:$0x1], $0xffff;
	_ =	sdelay $0x3  }
0x140: {  	s0 =	sadd.s32 $0x10, s28  }
0x141: {  	v4 =	vor.u32 s0, v2;
	vm0 =	vlt.s32 v3, $0x0  }
0x142: {  	v3 =	vsel vm0, v4, v3  }
0x143: {  	s20 =	simm.s32 $0x10680;
	s1 =	simm.s32 $0x11280;
	[tilespmem:s7+$0x10680] =	vst v3  }
0x144: {  	[tilespmem:s1], [sflag:$0x3] =	stream.indirect.gather [hbm4b:s2+s30], $0x1, s20, s30, $0xb8;
	[tilespmem:$0x11B00] =	vst v63  }
0x145: {  	_ =	swait.ge [sflag:s25], $0x80  }
0x146: {  	[sflag:s25] =	ssyncset.done $0x0  }
0x147: {  	[sflag:s25] =	ssyncadd.s32 $0xFFFFFF80  }
0x148: {  	_ =	swait.ge [sflag:s25], $0x80  }
0x149: {  	[sflag:s25] =	ssyncset.done $0x0  }
0x14a: {  	[sflag:s25] =	ssyncadd.s32 $0xFFFFFF80  }
0x14b: {  	_ =	swait.ge [sflag:s25], $0x80  }
0x14c: {  	[sflag:s25] =	ssyncset.done $0x0  }
0x14d: {  	[sflag:s25] =	ssyncadd.s32 $0xFFFFFF80  }
0x14e: {  	_ =	swait.ge [sflag:s25], $0x80  }
0x14f: {  	[sflag:s25] =	ssyncset.done $0x0  }
0x150: {  	[sflag:s25] =	ssyncadd.s32 $0xFFFFFF80  }
0x151: {  	_ =	swait.ge [sflag:s25], $0x80  }
0x152: {  	[sflag:s25] =	ssyncset.done $0x0  }
0x153: {  	[sflag:s25] =	ssyncadd.s32 $0xFFFFFF80  }
0x154: {  	_ =	swait.ge [sflag:s25], $0x80  }
0x155: {  	[sflag:s25] =	ssyncset.done $0x0  }
0x156: {  	[sflag:s25] =	ssyncadd.s32 $0xFFFFFF80  }
0x157: {  	_ =	swait.ge [sflag:s25], $0x80  }
0x158: {  	[sflag:s25] =	ssyncset.done $0x0  }
0x159: {  	[sflag:s25] =	ssyncadd.s32 $0xFFFFFF80  }
0x15a: {  	_ =	swait.ge [sflag:s25], $0x80  }
0x15b: {  	[sflag:s25] =	ssyncset.done $0x0  }
0x15c: {  	s7 =	simm.s32 $0x0;
	[sflag:s25] =	ssyncadd.s32 $0xFFFFFF80  }
0x15d: {  	v3 =	vld [tilespmem:s7+$0x10F00];
	_ =	sdelay $0x3  }
0x15e: {  	s28 =	simm.s32 $0x40;
	s31 =	smov.u32 s18;
	v4 =	vmov s18  }
.LBB2_27:
0x15f: {  	s0 =	sshra.s32 s28, $0x2;
	p0 =	sne.s32 s28, $0x1C0;
	s28 =	sadd.s32 $0x40, s28;
	v5 =	vand.u32 $0x1F, v3;
	v4 =	vshrl.u32 v4, $0x5  }
.Ltmp13:
0x160: {  	v3 =	vld [tilespmem:s0+$0x10F00];
	v5 =	vmul.u32 $0x186A0, v5;
	v4 =	vbroadcast v4, $0x0;
	(pc) =	sbr.rel @p0 .LBB2_27-.Ltmp13, $4  }
0x161: {  	_ = 	snop  }
0x162: {  	v4 =	vadd.s32 v4, v5  }
0x163: {  	s31 =	sadd.s32 $0x10, s31;
	[tilespmem:s7+$0x10700] =	vst v4;
	v5 =	vadd.s32 $0xC350, v4  }
0x164: {  	v4 =	vmov s31;
	[tilespmem:s7+$0x10B00] =	vst v5;
	s7 =	smov.u32 s0  }
0x165: {  	v3 =	vand.u32 $0x1F, v3;
	v4 =	vshrl.u32 v4, $0x5  }
0x166: {  	v3 =	vmul.u32 $0x186A0, v3;
	v4 =	vbroadcast v4, $0x0;
	_ =	sdelay $0x1  }
0x167: {  	v3 =	vadd.s32 v4, v3  }
0x168: {  	[tilespmem:s7+$0x10700] =	vst v3;
	v3 =	vadd.s32 $0xC350, v3  }
0x169: {  	s0 =	simm.s32 $0x10700;
	s1 =	simm.s32 $0x11300;
	[tilespmem:s7+$0x10B00] =	vst v3  }
0x16a: {  	[tilespmem:s1], [sflag:$0x3] =	stream.indirect.gather [hbm4b:s5+s30], $0x1, s0, s30, $0xb8;
	[tilespmem:$0x11B00] =	vst v63  }
0x16b: {  	s20 =	simm.s32 $0x11700;
	s7 =	simm.s32 $0x10B00  }
0x16c: {  	[tilespmem:s20], [sflag:$0x3] =	stream.indirect.gather [hbm4b:s5+s30], $0x1, s7, s30, $0xb8;
	[tilespmem:$0x11B00] =	vst v63  }
0x16d: {  	s7 =	simm.s32 $0x0  }
0x16e: {  	v3 =	vld [tilespmem:s7+$0x10F80];
	_ =	sdelay $0x3  }
0x16f: {  	s28 =	simm.s32 $0x40;
	s31 =	smov.u32 s17;
	v4 =	vmov s17  }
.LBB2_29:
0x170: {  	s0 =	sshra.s32 s28, $0x2;
	p0 =	sne.s32 s28, $0x1C0;
	s28 =	sadd.s32 $0x40, s28;
	v5 =	vand.u32 $0x1F, v3;
	v4 =	vshrl.u32 v4, $0x5  }
.Ltmp14:
0x171: {  	v3 =	vld [tilespmem:s0+$0x10F80];
	v5 =	vmul.u32 $0x186A0, v5;
	v4 =	vbroadcast v4, $0x0;
	(pc) =	sbr.rel @p0 .LBB2_29-.Ltmp14, $4  }
0x172: {  	_ = 	snop  }
0x173: {  	v4 =	vadd.s32 v4, v5  }
0x174: {  	s31 =	sadd.s32 $0x10, s31;
	[tilespmem:s7+$0x10780] =	vst v4;
	v5 =	vadd.s32 $0xC350, v4  }
0x175: {  	v4 =	vmov s31;
	[tilespmem:s7+$0x10B80] =	vst v5;
	s7 =	smov.u32 s0  }
0x176: {  	v3 =	vand.u32 $0x1F, v3;
	v4 =	vshrl.u32 v4, $0x5  }
0x177: {  	v3 =	vmul.u32 $0x186A0, v3;
	v4 =	vbroadcast v4, $0x0;
	_ =	sdelay $0x1  }
0x178: {  	v3 =	vadd.s32 v4, v3  }
0x179: {  	[tilespmem:s7+$0x10780] =	vst v3;
	v3 =	vadd.s32 $0xC350, v3  }
0x17a: {  	s0 =	simm.s32 $0x10780;
	s1 =	simm.s32 $0x11380;
	[tilespmem:s7+$0x10B80] =	vst v3  }
0x17b: {  	[tilespmem:s1], [sflag:$0x3] =	stream.indirect.gather [hbm4b:s5+s30], $0x1, s0, s30, $0xb8;
	[tilespmem:$0x11B00] =	vst v63  }
0x17c: {  	s20 =	simm.s32 $0x11780;
	s7 =	simm.s32 $0x10B80  }
0x17d: {  	[tilespmem:s20], [sflag:$0x3] =	stream.indirect.gather [hbm4b:s5+s30], $0x1, s7, s30, $0xb8;
	[tilespmem:$0x11B00] =	vst v63  }
0x17e: {  	s7 =	simm.s32 $0x0  }
0x17f: {  	v3 =	vld [tilespmem:s7+$0x11000];
	_ =	sdelay $0x3  }
0x180: {  	s28 =	simm.s32 $0x40;
	s31 =	smov.u32 s16;
	v4 =	vmov s16  }
.LBB2_31:
0x181: {  	s0 =	sshra.s32 s28, $0x2;
	p0 =	sne.s32 s28, $0x1C0;
	s28 =	sadd.s32 $0x40, s28;
	v5 =	vand.u32 $0x1F, v3;
	v4 =	vshrl.u32 v4, $0x5  }
.Ltmp15:
0x182: {  	v3 =	vld [tilespmem:s0+$0x11000];
	v5 =	vmul.u32 $0x186A0, v5;
	v4 =	vbroadcast v4, $0x0;
	(pc) =	sbr.rel @p0 .LBB2_31-.Ltmp15, $4  }
0x183: {  	_ = 	snop  }
0x184: {  	v4 =	vadd.s32 v4, v5  }
0x185: {  	s31 =	sadd.s32 $0x10, s31;
	[tilespmem:s7+$0x10800] =	vst v4;
	v5 =	vadd.s32 $0xC350, v4  }
0x186: {  	v4 =	vmov s31;
	[tilespmem:s7+$0x10C00] =	vst v5;
	s7 =	smov.u32 s0  }
0x187: {  	v3 =	vand.u32 $0x1F, v3;
	v4 =	vshrl.u32 v4, $0x5  }
0x188: {  	v3 =	vmul.u32 $0x186A0, v3;
	v4 =	vbroadcast v4, $0x0;
	_ =	sdelay $0x1  }
0x189: {  	v3 =	vadd.s32 v4, v3  }
0x18a: {  	[tilespmem:s7+$0x10800] =	vst v3;
	v3 =	vadd.s32 $0xC350, v3  }
0x18b: {  	s0 =	simm.s32 $0x10800;
	s1 =	simm.s32 $0x11400;
	[tilespmem:s7+$0x10C00] =	vst v3  }
0x18c: {  	[tilespmem:s1], [sflag:$0x3] =	stream.indirect.gather [hbm4b:s5+s30], $0x1, s0, s30, $0xb8;
	[tilespmem:$0x11B00] =	vst v63  }
0x18d: {  	s20 =	simm.s32 $0x11800;
	s7 =	simm.s32 $0x10C00  }
0x18e: {  	[tilespmem:s20], [sflag:$0x3] =	stream.indirect.gather [hbm4b:s5+s30], $0x1, s7, s30, $0xb8;
	[tilespmem:$0x11B00] =	vst v63  }
0x18f: {  	s7 =	simm.s32 $0x0  }
0x190: {  	v3 =	vld [tilespmem:s7+$0x11080];
	_ =	sdelay $0x3  }
0x191: {  	s28 =	simm.s32 $0x40;
	s31 =	smov.u32 s15;
	v4 =	vmov s15  }
.LBB2_33:
0x192: {  	s0 =	sshra.s32 s28, $0x2;
	p0 =	sne.s32 s28, $0x1C0;
	s28 =	sadd.s32 $0x40, s28;
	v5 =	vand.u32 $0x1F, v3;
	v4 =	vshrl.u32 v4, $0x5  }
.Ltmp16:
0x193: {  	v3 =	vld [tilespmem:s0+$0x11080];
	v5 =	vmul.u32 $0x186A0, v5;
	v4 =	vbroadcast v4, $0x0;
	(pc) =	sbr.rel @p0 .LBB2_33-.Ltmp16, $4  }
0x194: {  	_ = 	snop  }
0x195: {  	v4 =	vadd.s32 v4, v5  }
0x196: {  	s31 =	sadd.s32 $0x10, s31;
	[tilespmem:s7+$0x10880] =	vst v4;
	v5 =	vadd.s32 $0xC350, v4  }
0x197: {  	v4 =	vmov s31;
	[tilespmem:s7+$0x10C80] =	vst v5;
	s7 =	smov.u32 s0  }
0x198: {  	v3 =	vand.u32 $0x1F, v3;
	v4 =	vshrl.u32 v4, $0x5  }
0x199: {  	v3 =	vmul.u32 $0x186A0, v3;
	v4 =	vbroadcast v4, $0x0;
	_ =	sdelay $0x1  }
0x19a: {  	v3 =	vadd.s32 v4, v3  }
0x19b: {  	[tilespmem:s7+$0x10880] =	vst v3;
	v3 =	vadd.s32 $0xC350, v3  }
0x19c: {  	s0 =	simm.s32 $0x10880;
	s1 =	simm.s32 $0x11480;
	[tilespmem:s7+$0x10C80] =	vst v3  }
0x19d: {  	[tilespmem:s1], [sflag:$0x3] =	stream.indirect.gather [hbm4b:s5+s30], $0x1, s0, s30, $0xb8;
	[tilespmem:$0x11B00] =	vst v63  }
0x19e: {  	s20 =	simm.s32 $0x11880;
	s7 =	simm.s32 $0x10C80  }
0x19f: {  	[tilespmem:s20], [sflag:$0x3] =	stream.indirect.gather [hbm4b:s5+s30], $0x1, s7, s30, $0xb8;
	[tilespmem:$0x11B00] =	vst v63  }
0x1a0: {  	s7 =	simm.s32 $0x0  }
0x1a1: {  	v3 =	vld [tilespmem:s7+$0x11100];
	_ =	sdelay $0x3  }
0x1a2: {  	s28 =	simm.s32 $0x40;
	s31 =	smov.u32 s14;
	v4 =	vmov s14  }
.LBB2_35:
0x1a3: {  	s0 =	sshra.s32 s28, $0x2;
	p0 =	sne.s32 s28, $0x1C0;
	s28 =	sadd.s32 $0x40, s28;
	v5 =	vand.u32 $0x1F, v3;
	v4 =	vshrl.u32 v4, $0x5  }
.Ltmp17:
0x1a4: {  	v3 =	vld [tilespmem:s0+$0x11100];
	v5 =	vmul.u32 $0x186A0, v5;
	v4 =	vbroadcast v4, $0x0;
	(pc) =	sbr.rel @p0 .LBB2_35-.Ltmp17, $4  }
0x1a5: {  	_ = 	snop  }
0x1a6: {  	v4 =	vadd.s32 v4, v5  }
0x1a7: {  	s31 =	sadd.s32 $0x10, s31;
	[tilespmem:s7+$0x10900] =	vst v4;
	v5 =	vadd.s32 $0xC350, v4  }
0x1a8: {  	v4 =	vmov s31;
	[tilespmem:s7+$0x10D00] =	vst v5;
	s7 =	smov.u32 s0  }
0x1a9: {  	v3 =	vand.u32 $0x1F, v3;
	v4 =	vshrl.u32 v4, $0x5  }
0x1aa: {  	v3 =	vmul.u32 $0x186A0, v3;
	v4 =	vbroadcast v4, $0x0;
	_ =	sdelay $0x1  }
0x1ab: {  	v3 =	vadd.s32 v4, v3  }
0x1ac: {  	[tilespmem:s7+$0x10900] =	vst v3;
	v3 =	vadd.s32 $0xC350, v3  }
0x1ad: {  	s0 =	simm.s32 $0x10900;
	s1 =	simm.s32 $0x11500;
	[tilespmem:s7+$0x10D00] =	vst v3  }
0x1ae: {  	[tilespmem:s1], [sflag:$0x3] =	stream.indirect.gather [hbm4b:s5+s30], $0x1, s0, s30, $0xb8;
	[tilespmem:$0x11B00] =	vst v63  }
0x1af: {  	s20 =	simm.s32 $0x11900;
	s7 =	simm.s32 $0x10D00  }
0x1b0: {  	[tilespmem:s20], [sflag:$0x3] =	stream.indirect.gather [hbm4b:s5+s30], $0x1, s7, s30, $0xb8;
	[tilespmem:$0x11B00] =	vst v63  }
0x1b1: {  	s7 =	simm.s32 $0x0  }
0x1b2: {  	v3 =	vld [tilespmem:s7+$0x11180];
	_ =	sdelay $0x3  }
0x1b3: {  	s28 =	simm.s32 $0x40;
	s31 =	smov.u32 s13;
	v4 =	vmov s13  }
.LBB2_37:
0x1b4: {  	s0 =	sshra.s32 s28, $0x2;
	p0 =	sne.s32 s28, $0x1C0;
	s28 =	sadd.s32 $0x40, s28;
	v5 =	vand.u32 $0x1F, v3;
	v4 =	vshrl.u32 v4, $0x5  }
.Ltmp18:
0x1b5: {  	v3 =	vld [tilespmem:s0+$0x11180];
	v5 =	vmul.u32 $0x186A0, v5;
	v4 =	vbroadcast v4, $0x0;
	(pc) =	sbr.rel @p0 .LBB2_37-.Ltmp18, $4  }
0x1b6: {  	_ = 	snop  }
0x1b7: {  	v4 =	vadd.s32 v4, v5  }
0x1b8: {  	s31 =	sadd.s32 $0x10, s31;
	[tilespmem:s7+$0x10980] =	vst v4;
	v5 =	vadd.s32 $0xC350, v4  }
0x1b9: {  	v4 =	vmov s31;
	[tilespmem:s7+$0x10D80] =	vst v5;
	s7 =	smov.u32 s0  }
0x1ba: {  	v3 =	vand.u32 $0x1F, v3;
	v4 =	vshrl.u32 v4, $0x5  }
0x1bb: {  	v3 =	vmul.u32 $0x186A0, v3;
	v4 =	vbroadcast v4, $0x0;
	_ =	sdelay $0x1  }
0x1bc: {  	v3 =	vadd.s32 v4, v3  }
0x1bd: {  	[tilespmem:s7+$0x10980] =	vst v3;
	v3 =	vadd.s32 $0xC350, v3  }
0x1be: {  	s0 =	simm.s32 $0x10980;
	s1 =	simm.s32 $0x11580;
	[tilespmem:s7+$0x10D80] =	vst v3  }
0x1bf: {  	[tilespmem:s1], [sflag:$0x3] =	stream.indirect.gather [hbm4b:s5+s30], $0x1, s0, s30, $0xb8;
	[tilespmem:$0x11B00] =	vst v63  }
0x1c0: {  	s20 =	simm.s32 $0x11980;
	s7 =	simm.s32 $0x10D80  }
0x1c1: {  	[tilespmem:s20], [sflag:$0x3] =	stream.indirect.gather [hbm4b:s5+s30], $0x1, s7, s30, $0xb8;
	[tilespmem:$0x11B00] =	vst v63  }
0x1c2: {  	s7 =	simm.s32 $0x0  }
0x1c3: {  	v3 =	vld [tilespmem:s7+$0x11200];
	_ =	sdelay $0x3  }
0x1c4: {  	s28 =	simm.s32 $0x40;
	s31 =	smov.u32 s11;
	v4 =	vmov s11  }
.LBB2_39:
0x1c5: {  	s0 =	sshra.s32 s28, $0x2;
	p0 =	sne.s32 s28, $0x1C0;
	s28 =	sadd.s32 $0x40, s28;
	v5 =	vand.u32 $0x1F, v3;
	v4 =	vshrl.u32 v4, $0x5  }
.Ltmp19:
0x1c6: {  	v3 =	vld [tilespmem:s0+$0x11200];
	v5 =	vmul.u32 $0x186A0, v5;
	v4 =	vbroadcast v4, $0x0;
	(pc) =	sbr.rel @p0 .LBB2_39-.Ltmp19, $4  }
0x1c7: {  	_ = 	snop  }
0x1c8: {  	v4 =	vadd.s32 v4, v5  }
0x1c9: {  	s31 =	sadd.s32 $0x10, s31;
	[tilespmem:s7+$0x10A00] =	vst v4;
	v5 =	vadd.s32 $0xC350, v4  }
0x1ca: {  	v4 =	vmov s31;
	[tilespmem:s7+$0x10E00] =	vst v5;
	s7 =	smov.u32 s0  }
0x1cb: {  	v3 =	vand.u32 $0x1F, v3;
	v4 =	vshrl.u32 v4, $0x5  }
0x1cc: {  	v3 =	vmul.u32 $0x186A0, v3;
	v4 =	vbroadcast v4, $0x0;
	_ =	sdelay $0x1  }
0x1cd: {  	v3 =	vadd.s32 v4, v3  }
0x1ce: {  	[tilespmem:s7+$0x10A00] =	vst v3;
	v3 =	vadd.s32 $0xC350, v3  }
0x1cf: {  	s0 =	simm.s32 $0x10A00;
	s1 =	simm.s32 $0x11600;
	[tilespmem:s7+$0x10E00] =	vst v3  }
0x1d0: {  	[tilespmem:s1], [sflag:$0x3] =	stream.indirect.gather [hbm4b:s5+s30], $0x1, s0, s30, $0xb8;
	[tilespmem:$0x11B00] =	vst v63  }
0x1d1: {  	s20 =	simm.s32 $0x11A00;
	s7 =	simm.s32 $0x10E00  }
0x1d2: {  	[tilespmem:s20], [sflag:$0x3] =	stream.indirect.gather [hbm4b:s5+s30], $0x1, s7, s30, $0xb8;
	[tilespmem:$0x11B00] =	vst v63  }
0x1d3: {  	s7 =	simm.s32 $0x0  }
0x1d4: {  	v3 =	vld [tilespmem:s7+$0x11280];
	_ =	sdelay $0x3  }
0x1d5: {  	s28 =	simm.s32 $0x40;
	s31 =	smov.u32 s10;
	v4 =	vmov s10  }
.LBB2_41:
0x1d6: {  	s0 =	sshra.s32 s28, $0x2;
	p0 =	sne.s32 s28, $0x1C0;
	s28 =	sadd.s32 $0x40, s28;
	v5 =	vand.u32 $0x1F, v3;
	v4 =	vshrl.u32 v4, $0x5  }
.Ltmp20:
0x1d7: {  	v3 =	vld [tilespmem:s0+$0x11280];
	v5 =	vmul.u32 $0x186A0, v5;
	v4 =	vbroadcast v4, $0x0;
	(pc) =	sbr.rel @p0 .LBB2_41-.Ltmp20, $4  }
0x1d8: {  	_ = 	snop  }
0x1d9: {  	v4 =	vadd.s32 v4, v5  }
0x1da: {  	s31 =	sadd.s32 $0x10, s31;
	[tilespmem:s7+$0x10A80] =	vst v4;
	v5 =	vadd.s32 $0xC350, v4  }
0x1db: {  	v4 =	vmov s31;
	[tilespmem:s7+$0x10E80] =	vst v5;
	s7 =	smov.u32 s0  }
0x1dc: {  	v3 =	vand.u32 $0x1F, v3;
	v4 =	vshrl.u32 v4, $0x5  }
0x1dd: {  	v3 =	vmul.u32 $0x186A0, v3;
	v4 =	vbroadcast v4, $0x0;
	_ =	sdelay $0x1  }
0x1de: {  	v3 =	vadd.s32 v4, v3  }
0x1df: {  	[tilespmem:s7+$0x10A80] =	vst v3;
	v3 =	vadd.s32 $0xC350, v3  }
0x1e0: {  	s0 =	simm.s32 $0x10A80;
	s1 =	simm.s32 $0x11680;
	[tilespmem:s7+$0x10E80] =	vst v3  }
0x1e1: {  	[tilespmem:s1], [sflag:$0x3] =	stream.indirect.gather [hbm4b:s5+s30], $0x1, s0, s30, $0xb8;
	[tilespmem:$0x11B00] =	vst v63  }
0x1e2: {  	s20 =	simm.s32 $0x11A80;
	s7 =	simm.s32 $0x10E80  }
0x1e3: {  	[tilespmem:s20], [sflag:$0x3] =	stream.indirect.gather [hbm4b:s5+s30], $0x1, s7, s30, $0xb8;
	[tilespmem:$0x11B00] =	vst v63  }
0x1e4: {  	_ =	swait.ge [sflag:s25], $0x80  }
0x1e5: {  	[sflag:s25] =	ssyncset.done $0x0  }
0x1e6: {  	[sflag:s25] =	ssyncadd.s32 $0xFFFFFF80  }
0x1e7: {  	_ =	swait.ge [sflag:s25], $0x80  }
0x1e8: {  	[sflag:s25] =	ssyncset.done $0x0  }
0x1e9: {  	[sflag:s25] =	ssyncadd.s32 $0xFFFFFF80  }
0x1ea: {  	_ =	swait.ge [sflag:s25], $0x80  }
0x1eb: {  	[sflag:s25] =	ssyncset.done $0x0  }
0x1ec: {  	[sflag:s25] =	ssyncadd.s32 $0xFFFFFF80  }
0x1ed: {  	_ =	swait.ge [sflag:s25], $0x80  }
0x1ee: {  	[sflag:s25] =	ssyncset.done $0x0  }
0x1ef: {  	[sflag:s25] =	ssyncadd.s32 $0xFFFFFF80  }
0x1f0: {  	_ =	swait.ge [sflag:s25], $0x80  }
0x1f1: {  	[sflag:s25] =	ssyncset.done $0x0  }
0x1f2: {  	[sflag:s25] =	ssyncadd.s32 $0xFFFFFF80  }
0x1f3: {  	_ =	swait.ge [sflag:s25], $0x80  }
0x1f4: {  	[sflag:s25] =	ssyncset.done $0x0  }
0x1f5: {  	[sflag:s25] =	ssyncadd.s32 $0xFFFFFF80  }
0x1f6: {  	_ =	swait.ge [sflag:s25], $0x80  }
0x1f7: {  	[sflag:s25] =	ssyncset.done $0x0  }
0x1f8: {  	[sflag:s25] =	ssyncadd.s32 $0xFFFFFF80  }
0x1f9: {  	_ =	swait.ge [sflag:s25], $0x80  }
0x1fa: {  	[sflag:s25] =	ssyncset.done $0x0  }
0x1fb: {  	[sflag:s25] =	ssyncadd.s32 $0xFFFFFF80  }
0x1fc: {  	_ =	swait.ge [sflag:s25], $0x80  }
0x1fd: {  	[sflag:s25] =	ssyncset.done $0x0  }
0x1fe: {  	[sflag:s25] =	ssyncadd.s32 $0xFFFFFF80  }
0x1ff: {  	_ =	swait.ge [sflag:s25], $0x80  }
0x200: {  	[sflag:s25] =	ssyncset.done $0x0  }
0x201: {  	[sflag:s25] =	ssyncadd.s32 $0xFFFFFF80  }
0x202: {  	_ =	swait.ge [sflag:s25], $0x80  }
0x203: {  	[sflag:s25] =	ssyncset.done $0x0  }
0x204: {  	[sflag:s25] =	ssyncadd.s32 $0xFFFFFF80  }
0x205: {  	_ =	swait.ge [sflag:s25], $0x80  }
0x206: {  	[sflag:s25] =	ssyncset.done $0x0  }
0x207: {  	[sflag:s25] =	ssyncadd.s32 $0xFFFFFF80  }
0x208: {  	_ =	swait.ge [sflag:s25], $0x80  }
0x209: {  	[sflag:s25] =	ssyncset.done $0x0  }
0x20a: {  	[sflag:s25] =	ssyncadd.s32 $0xFFFFFF80  }
0x20b: {  	_ =	swait.ge [sflag:s25], $0x80  }
0x20c: {  	[sflag:s25] =	ssyncset.done $0x0  }
0x20d: {  	[sflag:s25] =	ssyncadd.s32 $0xFFFFFF80  }
0x20e: {  	_ =	swait.ge [sflag:s25], $0x80  }
0x20f: {  	[sflag:s25] =	ssyncset.done $0x0  }
0x210: {  	s4 =	simm.s32 $0x0;
	[sflag:s25] =	ssyncadd.s32 $0xFFFFFF80  }
0x211: {  	s7 =	sand.u32 $0x380, s4;
	_ =	swait.ge [sflag:s25], $0x80  }
0x212: {  	s0 =	sand.u32 $0x70, s4;
	s1 =	sadd.s32 s7, s8;
	[sflag:s25] =	ssyncset.done $0x0  }
0x213: {  	s0 =	sadd.s32 s0, s1;
	[sflag:s25] =	ssyncadd.s32 $0xFFFFFF80  }
0x214: {  	s7 =	simm.s32 $0x11300;
	v3 =	vld [tilespmem:s0+$0x0]  }
0x215: {  	v4 =	vld [tilespmem:s7+$0x0];
	_ =	sdelay $0x3  }
0x216: {  	vm0 =	vgt.s32 v3, $0xFFFFFFFF  }
0x217: {  	v3 =	vnsel vm0, $0x0, v4  }
0x218: {  	s31 =	simm.s32 $0x11700;
	[tilespmem:s7+$0x0] =	vst v3  }
0x219: {  	v3 =	vld [tilespmem:s31+$0x0];
	_ =	sdelay $0x2  }
0x21a: {  	s20 =	simm.s32 $0x10  }
0x21b: {  	s28 =	simm.s32 $0x11710;
	s4 =	sand.u32 $0x380, s20  }
0x21c: {  	s1 =	sand.u32 $0x70, s20;
	s4 =	sadd.s32 s4, s8;
	s0 =	simm.s32 $0x20;
	v3 =	vnsel vm0, $0x0, v3  }
.LBB2_43:
0x21d: {  	s1 =	sadd.s32 s1, s4;
	s7 =	sadd.s32 $0x10, s7  }
0x21e: {  	[tilespmem:s31+$0x0] =	vst v3;
	s4 =	smov.u32 s0;
	s20 =	sadd.s32 $0x10, s0;
	s31 =	smov.u32 s28  }
0x21f: {  	p0 =	sne.s32 s0, $0x3F0;
	v3 =	vld [tilespmem:s1+$0x0]  }
0x220: {  	v4 =	vld [tilespmem:s7+$0x0];
	_ =	sdelay $0x3  }
0x221: {  	vm0 =	vgt.s32 v3, $0xFFFFFFFF  }
0x222: {  	v3 =	vnsel vm0, $0x0, v4  }
0x223: {  	[tilespmem:s7+$0x0] =	vst v3  }
0x224: {  	v3 =	vld [tilespmem:s28+$0x0]  }
.Ltmp21:
0x225: {  	(pc) =	sbr.rel @p0 .LBB2_43-.Ltmp21, $3  }
0x226: {  	_ =	sdelay $0x1  }
0x227: {  	s0 =	sand.u32 $0x380, s4;
	s1 =	sand.u32 $0x70, s4  }
0x228: {  	s4 =	sadd.s32 s0, s8;
	s0 =	smov.u32 s20;
	s28 =	sadd.s32 $0x10, s28;
	v3 =	vnsel vm0, $0x0, v3  }
0x229: {  	s0 =	sadd.s32 s1, s4;
	[tilespmem:s31+$0x0] =	vst v3  }
0x22a: {  	s1 =	sadd.s32 $0x10, s7;
	v3 =	vld [tilespmem:s0+$0x0]  }
0x22b: {  	v4 =	vld [tilespmem:s1+$0x0];
	_ =	sdelay $0x3  }
0x22c: {  	vm0 =	vgt.s32 v3, $0xFFFFFFFF  }
0x22d: {  	v3 =	vnsel vm0, $0x0, v4  }
0x22e: {  	[tilespmem:s1+$0x0] =	vst v3  }
0x22f: {  	v3 =	vld [tilespmem:s28+$0x0]  }
0x230: {  	s4 =	sshrl.u32 s6, $0x3  }
0x231: {  	s6 =	rddreg [dreg:$0x4];
	s7 =	simm.s32 $0x0;
	s8 =	simm.s32 $0x11300  }
0x232: {  	s20 =	simm.s32 $0x4;
	s31 =	simm.s32 $0x11700;
	s19 =	sadd.s32 $0x1, s19  }
0x233: {  	s12 =	sadd.s32 $0x400, s12;
	s18 =	sadd.s32 $0x400, s18;
	s17 =	sadd.s32 $0x400, s17  }
0x234: {  	s21 =	sadd.s32 $0x400, s21;
	s16 =	sadd.s32 $0x400, s16;
	s22 =	sadd.s32 $0x400, s22;
	v3 =	vnsel vm0, $0x0, v3  }
0x235: {  	s15 =	sadd.s32 $0x400, s15;
	s23 =	sadd.s32 $0x400, s23;
	s1 =	sadd.s32 s6, s4;
	[tilespmem:s28+$0x0] =	vst v3  }
0x236: {  	[hbm4b:s1+s7] =	stream.linear.scatter [tilespmem:s8], [sflag:$0x4], $0x400, $0x38;
	[tilespmem:$0x11B00] =	vst v63  }
0x237: {  	s14 =	sadd.s32 $0x400, s14;
	s24 =	sadd.s32 $0x400, s24;
	_ =	swait.ge [sflag:s20], $0x400  }
0x238: {  	p0 =	sne.s32 s19, $0x30;
	[sflag:s20] =	ssyncset.done $0x0;
	s28 =	rddreg [dreg:$0x6]  }
.Ltmp22:
0x239: {  	[sflag:s20] =	ssyncadd.s32 $0xFFFFFC00;
	s0 =	sadd.s32 s28, s4;
	(pc) =	sbr.rel @p0 .LBB2_10-.Ltmp22, $4  }
0x23a: {  	[hbm4b:s0+s7] =	stream.linear.scatter [tilespmem:s31], [sflag:$0x4], $0x400, $0x38;
	[tilespmem:$0x11B00] =	vst v63  }
0x23b: {  	s13 =	sadd.s32 $0x400, s13;
	s26 =	sadd.s32 $0x400, s26;
	_ =	swait.ge [sflag:s20], $0x400  }
0x23c: {  	s11 =	sadd.s32 $0x400, s11;
	s29 =	sadd.s32 $0x400, s29;
	[sflag:s20] =	ssyncset.done $0x0  }
0x23d: {  	s10 =	sadd.s32 $0x400, s10;
	s9 =	sadd.s32 $0x400, s9;
	[sflag:s20] =	ssyncadd.s32 $0xFFFFFC00  }
0x23e: {  	s6 =	simm.s32 $0x0  }
0x23f: {  	v3 =	vld [tilespmem:s6+$0xC000];
	_ =	sdelay $0x2  }
0x240: {  	s13 =	rddreg [dreg:$0x13]  }
0x241: {  	s7 =	simm.s32 $0x40;
	s17 =	rddreg [dreg:$0x17];
	s8 =	smov.u32 s13  }
.LBB2_46:
0x242: {  	s0 =	sshra.s32 s7, $0x2;
	p0 =	sne.s32 s7, $0x1C0;
	s7 =	sadd.s32 $0x40, s7;
	v4 =	vor.u32 s8, v2;
	vm0 =	vlt.s32 v3, $0x0  }
.Ltmp23:
0x243: {  	v4 =	vsel vm0, v4, v3;
	v3 =	vld [tilespmem:s0+$0xC000];
	(pc) =	sbr.rel @p0 .LBB2_46-.Ltmp23, $2  }
0x244: {  	[tilespmem:s6+$0x10300] =	vst v4;
	s6 =	smov.u32 s0;
	_ =	sdelay $0x2  }
0x245: {  	s8 =	sadd.s32 $0x10, s8  }
0x246: {  	v4 =	vor.u32 s8, v2;
	vm0 =	vlt.s32 v3, $0x0;
	s14 =	rddreg [dreg:$0x14]  }
0x247: {  	s0 =	simm.s32 $0x10300;
	s10 =	rddreg [dreg:$0x3];
	v3 =	vsel vm0, v4, v3  }
0x248: {  	s1 =	simm.s32 $0x10F00;
	s15 =	rddreg [dreg:$0x15];
	[tilespmem:s6+$0x10300] =	vst v3;
	s6 =	simm.s32 $0x0  }
0x249: {  	[tilespmem:s1], [sflag:$0x3] =	stream.indirect.gather [hbm4b:s2+s30], $0x1, s0, s30, $0xb8;
	[tilespmem:$0x11B00] =	vst v63  }
0x24a: {  	s16 =	rddreg [dreg:$0x16];
	v3 =	vld [tilespmem:s6+$0xC080]  }
0x24b: {  	s18 =	rddreg [dreg:$0x18]  }
0x24c: {  	s19 =	rddreg [dreg:$0x19]  }
0x24d: {  	s7 =	simm.s32 $0x40;
	s20 =	rddreg [dreg:$0x1a];
	s21 =	simm.s32 $0xE380  }
0x24e: {  	s22 =	simm.s32 $0x1;
	s23 =	simm.s32 $0x2;
	s8 =	smov.u32 s14  }
.LBB2_48:
0x24f: {  	s0 =	sshra.s32 s7, $0x2;
	p0 =	sne.s32 s7, $0x1C0;
	s7 =	sadd.s32 $0x40, s7;
	v4 =	vor.u32 s8, v2;
	vm0 =	vlt.s32 v3, $0x0  }
.Ltmp24:
0x250: {  	v4 =	vsel vm0, v4, v3;
	v3 =	vld [tilespmem:s0+$0xC080];
	(pc) =	sbr.rel @p0 .LBB2_48-.Ltmp24, $2  }
0x251: {  	[tilespmem:s6+$0x10380] =	vst v4;
	s6 =	smov.u32 s0;
	_ =	sdelay $0x2  }
0x252: {  	s8 =	sadd.s32 $0x10, s8  }
0x253: {  	v4 =	vor.u32 s8, v2;
	vm0 =	vlt.s32 v3, $0x0  }
0x254: {  	v3 =	vsel vm0, v4, v3  }
0x255: {  	s0 =	simm.s32 $0x10380;
	s1 =	simm.s32 $0x10F80;
	[tilespmem:s6+$0x10380] =	vst v3;
	s6 =	simm.s32 $0x0  }
0x256: {  	[tilespmem:s1], [sflag:$0x3] =	stream.indirect.gather [hbm4b:s2+s30], $0x1, s0, s30, $0xb8;
	[tilespmem:$0x11B00] =	vst v63  }
0x257: {  	v3 =	vld [tilespmem:s6+$0xC100];
	_ =	sdelay $0x3  }
0x258: {  	s7 =	simm.s32 $0x40;
	s8 =	smov.u32 s15  }
.LBB2_50:
0x259: {  	s0 =	sshra.s32 s7, $0x2;
	p0 =	sne.s32 s7, $0x1C0;
	s7 =	sadd.s32 $0x40, s7;
	v4 =	vor.u32 s8, v2;
	vm0 =	vlt.s32 v3, $0x0  }
.Ltmp25:
0x25a: {  	v4 =	vsel vm0, v4, v3;
	v3 =	vld [tilespmem:s0+$0xC100];
	(pc) =	sbr.rel @p0 .LBB2_50-.Ltmp25, $2  }
0x25b: {  	[tilespmem:s6+$0x10400] =	vst v4;
	s6 =	smov.u32 s0;
	_ =	sdelay $0x2  }
0x25c: {  	s8 =	sadd.s32 $0x10, s8  }
0x25d: {  	v4 =	vor.u32 s8, v2;
	vm0 =	vlt.s32 v3, $0x0  }
0x25e: {  	v3 =	vsel vm0, v4, v3  }
0x25f: {  	s0 =	simm.s32 $0x10400;
	s1 =	simm.s32 $0x11000;
	[tilespmem:s6+$0x10400] =	vst v3;
	s6 =	simm.s32 $0x0  }
0x260: {  	[tilespmem:s1], [sflag:$0x3] =	stream.indirect.gather [hbm4b:s2+s30], $0x1, s0, s30, $0xb8;
	[tilespmem:$0x11B00] =	vst v63  }
0x261: {  	v3 =	vld [tilespmem:s6+$0xC180];
	_ =	sdelay $0x3  }
0x262: {  	s7 =	simm.s32 $0x40;
	s8 =	smov.u32 s16  }
.LBB2_52:
0x263: {  	s0 =	sshra.s32 s7, $0x2;
	p0 =	sne.s32 s7, $0x1C0;
	s7 =	sadd.s32 $0x40, s7;
	v4 =	vor.u32 s8, v2;
	vm0 =	vlt.s32 v3, $0x0  }
.Ltmp26:
0x264: {  	v4 =	vsel vm0, v4, v3;
	v3 =	vld [tilespmem:s0+$0xC180];
	(pc) =	sbr.rel @p0 .LBB2_52-.Ltmp26, $2  }
0x265: {  	[tilespmem:s6+$0x10480] =	vst v4;
	s6 =	smov.u32 s0;
	_ =	sdelay $0x2  }
0x266: {  	s8 =	sadd.s32 $0x10, s8  }
0x267: {  	v4 =	vor.u32 s8, v2;
	vm0 =	vlt.s32 v3, $0x0  }
0x268: {  	v3 =	vsel vm0, v4, v3  }
0x269: {  	s0 =	simm.s32 $0x10480;
	s1 =	simm.s32 $0x11080;
	[tilespmem:s6+$0x10480] =	vst v3;
	s6 =	simm.s32 $0x0  }
0x26a: {  	[tilespmem:s1], [sflag:$0x3] =	stream.indirect.gather [hbm4b:s2+s30], $0x1, s0, s30, $0xb8;
	[tilespmem:$0x11B00] =	vst v63  }
0x26b: {  	v3 =	vld [tilespmem:s6+$0xC200];
	_ =	sdelay $0x3  }
0x26c: {  	s7 =	simm.s32 $0x40;
	s8 =	smov.u32 s17  }
.LBB2_54:
0x26d: {  	s0 =	sshra.s32 s7, $0x2;
	p0 =	sne.s32 s7, $0x1C0;
	s7 =	sadd.s32 $0x40, s7;
	v4 =	vor.u32 s8, v2;
	vm0 =	vlt.s32 v3, $0x0  }
.Ltmp27:
0x26e: {  	v4 =	vsel vm0, v4, v3;
	v3 =	vld [tilespmem:s0+$0xC200];
	(pc) =	sbr.rel @p0 .LBB2_54-.Ltmp27, $2  }
0x26f: {  	[tilespmem:s6+$0x10500] =	vst v4;
	s6 =	smov.u32 s0;
	_ =	sdelay $0x2  }
0x270: {  	s8 =	sadd.s32 $0x10, s8  }
0x271: {  	v4 =	vor.u32 s8, v2;
	vm0 =	vlt.s32 v3, $0x0  }
0x272: {  	v3 =	vsel vm0, v4, v3  }
0x273: {  	s0 =	simm.s32 $0x10500;
	s1 =	simm.s32 $0x11100;
	[tilespmem:s6+$0x10500] =	vst v3;
	s6 =	simm.s32 $0x0  }
0x274: {  	[tilespmem:s1], [sflag:$0x3] =	stream.indirect.gather [hbm4b:s2+s30], $0x1, s0, s30, $0xb8;
	[tilespmem:$0x11B00] =	vst v63  }
0x275: {  	v3 =	vld [tilespmem:s6+$0xC280];
	_ =	sdelay $0x3  }
0x276: {  	s7 =	simm.s32 $0x40;
	s8 =	smov.u32 s18  }
.LBB2_56:
0x277: {  	s0 =	sshra.s32 s7, $0x2;
	p0 =	sne.s32 s7, $0x1C0;
	s7 =	sadd.s32 $0x40, s7;
	v4 =	vor.u32 s8, v2;
	vm0 =	vlt.s32 v3, $0x0  }
.Ltmp28:
0x278: {  	v4 =	vsel vm0, v4, v3;
	v3 =	vld [tilespmem:s0+$0xC280];
	(pc) =	sbr.rel @p0 .LBB2_56-.Ltmp28, $2  }
0x279: {  	[tilespmem:s6+$0x10580] =	vst v4;
	s6 =	smov.u32 s0;
	_ =	sdelay $0x2  }
0x27a: {  	s8 =	sadd.s32 $0x10, s8  }
0x27b: {  	v4 =	vor.u32 s8, v2;
	vm0 =	vlt.s32 v3, $0x0  }
0x27c: {  	v3 =	vsel vm0, v4, v3  }
0x27d: {  	s0 =	simm.s32 $0x10580;
	s1 =	simm.s32 $0x11180;
	[tilespmem:s6+$0x10580] =	vst v3;
	s6 =	simm.s32 $0x0  }
0x27e: {  	[tilespmem:s1], [sflag:$0x3] =	stream.indirect.gather [hbm4b:s2+s30], $0x1, s0, s30, $0xb8;
	[tilespmem:$0x11B00] =	vst v63  }
0x27f: {  	v3 =	vld [tilespmem:s6+$0xC300];
	_ =	sdelay $0x3  }
0x280: {  	s7 =	simm.s32 $0x40;
	s8 =	smov.u32 s19  }
.LBB2_58:
0x281: {  	s0 =	sshra.s32 s7, $0x2;
	p0 =	sne.s32 s7, $0x1C0;
	s7 =	sadd.s32 $0x40, s7;
	v4 =	vor.u32 s8, v2;
	vm0 =	vlt.s32 v3, $0x0  }
.Ltmp29:
0x282: {  	v4 =	vsel vm0, v4, v3;
	v3 =	vld [tilespmem:s0+$0xC300];
	(pc) =	sbr.rel @p0 .LBB2_58-.Ltmp29, $2  }
0x283: {  	[tilespmem:s6+$0x10600] =	vst v4;
	s6 =	smov.u32 s0;
	_ =	sdelay $0x2  }
0x284: {  	s8 =	sadd.s32 $0x10, s8  }
0x285: {  	v4 =	vor.u32 s8, v2;
	vm0 =	vlt.s32 v3, $0x0  }
0x286: {  	v3 =	vsel vm0, v4, v3  }
0x287: {  	s0 =	simm.s32 $0x10600;
	s1 =	simm.s32 $0x11200;
	[tilespmem:s6+$0x10600] =	vst v3;
	s6 =	simm.s32 $0x0  }
0x288: {  	[tilespmem:s1], [sflag:$0x3] =	stream.indirect.gather [hbm4b:s2+s30], $0x1, s0, s30, $0xb8;
	[tilespmem:$0x11B00] =	vst v63  }
0x289: {  	v3 =	vld [tilespmem:s6+$0xC380];
	_ =	sdelay $0x3  }
0x28a: {  	s7 =	simm.s32 $0x40;
	s8 =	smov.u32 s20  }
.LBB2_60:
0x28b: {  	s0 =	sshra.s32 s7, $0x2;
	p0 =	sne.s32 s7, $0x1C0;
	s7 =	sadd.s32 $0x40, s7;
	v4 =	vor.u32 s8, v2;
	vm0 =	vlt.s32 v3, $0x0  }
.Ltmp30:
0x28c: {  	v4 =	vsel vm0, v4, v3;
	v3 =	vld [tilespmem:s0+$0xC380];
	(pc) =	sbr.rel @p0 .LBB2_60-.Ltmp30, $2  }
0x28d: {  	[tilespmem:s6+$0x10680] =	vst v4;
	s6 =	smov.u32 s0;
	_ =	sdelay $0x2  }
0x28e: {  	s8 =	sadd.s32 $0x10, s8  }
0x28f: {  	v4 =	vor.u32 s8, v2;
	vm0 =	vlt.s32 v3, $0x0  }
0x290: {  	v3 =	vsel vm0, v4, v3  }
0x291: {  	s0 =	simm.s32 $0x10680;
	s1 =	simm.s32 $0x11280;
	[tilespmem:s6+$0x10680] =	vst v3  }
0x292: {  	[tilespmem:s1], [sflag:$0x3] =	stream.indirect.gather [hbm4b:s2+s30], $0x1, s0, s30, $0xb8;
	[tilespmem:$0x11B00] =	vst v63  }
0x293: {  	_ =	swait.ge [sflag:s25], $0x80  }
0x294: {  	[sflag:s25] =	ssyncset.done $0x0  }
0x295: {  	[sflag:s25] =	ssyncadd.s32 $0xFFFFFF80  }
0x296: {  	_ =	swait.ge [sflag:s25], $0x80  }
0x297: {  	[sflag:s25] =	ssyncset.done $0x0  }
0x298: {  	[sflag:s25] =	ssyncadd.s32 $0xFFFFFF80  }
0x299: {  	_ =	swait.ge [sflag:s25], $0x80  }
0x29a: {  	[sflag:s25] =	ssyncset.done $0x0  }
0x29b: {  	[sflag:s25] =	ssyncadd.s32 $0xFFFFFF80  }
0x29c: {  	_ =	swait.ge [sflag:s25], $0x80  }
0x29d: {  	[sflag:s25] =	ssyncset.done $0x0  }
0x29e: {  	[sflag:s25] =	ssyncadd.s32 $0xFFFFFF80  }
0x29f: {  	_ =	swait.ge [sflag:s25], $0x80  }
0x2a0: {  	[sflag:s25] =	ssyncset.done $0x0  }
0x2a1: {  	[sflag:s25] =	ssyncadd.s32 $0xFFFFFF80  }
0x2a2: {  	_ =	swait.ge [sflag:s25], $0x80  }
0x2a3: {  	[sflag:s25] =	ssyncset.done $0x0  }
0x2a4: {  	[sflag:s25] =	ssyncadd.s32 $0xFFFFFF80  }
0x2a5: {  	_ =	swait.ge [sflag:s25], $0x80  }
0x2a6: {  	[sflag:s25] =	ssyncset.done $0x0  }
0x2a7: {  	[sflag:s25] =	ssyncadd.s32 $0xFFFFFF80  }
0x2a8: {  	_ =	swait.ge [sflag:s25], $0x80  }
0x2a9: {  	[sflag:s25] =	ssyncset.done $0x0  }
0x2aa: {  	s6 =	simm.s32 $0x0;
	[sflag:s25] =	ssyncadd.s32 $0xFFFFFF80  }
0x2ab: {  	v3 =	vld [tilespmem:s6+$0x10F00];
	_ =	sdelay $0x3  }
0x2ac: {  	s7 =	simm.s32 $0x40;
	s8 =	smov.u32 s13;
	v4 =	vmov s13  }
.LBB2_62:
0x2ad: {  	s0 =	sshra.s32 s7, $0x2;
	p0 =	sne.s32 s7, $0x1C0;
	s7 =	sadd.s32 $0x40, s7;
	v5 =	vand.u32 $0x1F, v3;
	v4 =	vshrl.u32 v4, $0x5  }
.Ltmp31:
0x2ae: {  	v3 =	vld [tilespmem:s0+$0x10F00];
	v5 =	vmul.u32 $0x186A0, v5;
	v4 =	vbroadcast v4, $0x0;
	(pc) =	sbr.rel @p0 .LBB2_62-.Ltmp31, $4  }
0x2af: {  	_ = 	snop  }
0x2b0: {  	v4 =	vadd.s32 v4, v5  }
0x2b1: {  	s8 =	sadd.s32 $0x10, s8;
	[tilespmem:s6+$0x10700] =	vst v4;
	v5 =	vadd.s32 $0xC350, v4  }
0x2b2: {  	v4 =	vmov s8;
	[tilespmem:s6+$0x10B00] =	vst v5;
	s6 =	smov.u32 s0  }
0x2b3: {  	v3 =	vand.u32 $0x1F, v3;
	v4 =	vshrl.u32 v4, $0x5  }
0x2b4: {  	v3 =	vmul.u32 $0x186A0, v3;
	v4 =	vbroadcast v4, $0x0;
	_ =	sdelay $0x1  }
0x2b5: {  	v3 =	vadd.s32 v4, v3  }
0x2b6: {  	[tilespmem:s6+$0x10700] =	vst v3;
	v3 =	vadd.s32 $0xC350, v3  }
0x2b7: {  	s0 =	simm.s32 $0x10700;
	s1 =	simm.s32 $0x11300;
	[tilespmem:s6+$0x10B00] =	vst v3  }
0x2b8: {  	[tilespmem:s1], [sflag:$0x3] =	stream.indirect.gather [hbm4b:s5+s30], $0x1, s0, s30, $0xb8;
	[tilespmem:$0x11B00] =	vst v63  }
0x2b9: {  	s29 =	simm.s32 $0x10B00;
	s31 =	simm.s32 $0x11700;
	s6 =	simm.s32 $0x0  }
0x2ba: {  	[tilespmem:s31], [sflag:$0x3] =	stream.indirect.gather [hbm4b:s5+s30], $0x1, s29, s30, $0xb8;
	[tilespmem:$0x11B00] =	vst v63  }
0x2bb: {  	v3 =	vld [tilespmem:s6+$0x10F80];
	_ =	sdelay $0x3  }
0x2bc: {  	s7 =	simm.s32 $0x40;
	s8 =	smov.u32 s14;
	v4 =	vmov s14  }
.LBB2_64:
0x2bd: {  	s0 =	sshra.s32 s7, $0x2;
	p0 =	sne.s32 s7, $0x1C0;
	s7 =	sadd.s32 $0x40, s7;
	v5 =	vand.u32 $0x1F, v3;
	v4 =	vshrl.u32 v4, $0x5  }
.Ltmp32:
0x2be: {  	v3 =	vld [tilespmem:s0+$0x10F80];
	v5 =	vmul.u32 $0x186A0, v5;
	v4 =	vbroadcast v4, $0x0;
	(pc) =	sbr.rel @p0 .LBB2_64-.Ltmp32, $4  }
0x2bf: {  	_ = 	snop  }
0x2c0: {  	v4 =	vadd.s32 v4, v5  }
0x2c1: {  	s8 =	sadd.s32 $0x10, s8;
	[tilespmem:s6+$0x10780] =	vst v4;
	v5 =	vadd.s32 $0xC350, v4  }
0x2c2: {  	v4 =	vmov s8;
	[tilespmem:s6+$0x10B80] =	vst v5;
	s6 =	smov.u32 s0  }
0x2c3: {  	v3 =	vand.u32 $0x1F, v3;
	v4 =	vshrl.u32 v4, $0x5  }
0x2c4: {  	v3 =	vmul.u32 $0x186A0, v3;
	v4 =	vbroadcast v4, $0x0;
	_ =	sdelay $0x1  }
0x2c5: {  	v3 =	vadd.s32 v4, v3  }
0x2c6: {  	[tilespmem:s6+$0x10780] =	vst v3;
	v3 =	vadd.s32 $0xC350, v3  }
0x2c7: {  	s0 =	simm.s32 $0x10780;
	s1 =	simm.s32 $0x11380;
	[tilespmem:s6+$0x10B80] =	vst v3  }
0x2c8: {  	[tilespmem:s1], [sflag:$0x3] =	stream.indirect.gather [hbm4b:s5+s30], $0x1, s0, s30, $0xb8;
	[tilespmem:$0x11B00] =	vst v63  }
0x2c9: {  	s29 =	simm.s32 $0x10B80;
	s31 =	simm.s32 $0x11780;
	s6 =	simm.s32 $0x0  }
0x2ca: {  	[tilespmem:s31], [sflag:$0x3] =	stream.indirect.gather [hbm4b:s5+s30], $0x1, s29, s30, $0xb8;
	[tilespmem:$0x11B00] =	vst v63  }
0x2cb: {  	v3 =	vld [tilespmem:s6+$0x11000];
	_ =	sdelay $0x3  }
0x2cc: {  	s7 =	simm.s32 $0x40;
	s8 =	smov.u32 s15;
	v4 =	vmov s15  }
.LBB2_66:
0x2cd: {  	s0 =	sshra.s32 s7, $0x2;
	p0 =	sne.s32 s7, $0x1C0;
	s7 =	sadd.s32 $0x40, s7;
	v5 =	vand.u32 $0x1F, v3;
	v4 =	vshrl.u32 v4, $0x5  }
.Ltmp33:
0x2ce: {  	v3 =	vld [tilespmem:s0+$0x11000];
	v5 =	vmul.u32 $0x186A0, v5;
	v4 =	vbroadcast v4, $0x0;
	(pc) =	sbr.rel @p0 .LBB2_66-.Ltmp33, $4  }
0x2cf: {  	_ = 	snop  }
0x2d0: {  	v4 =	vadd.s32 v4, v5  }
0x2d1: {  	s8 =	sadd.s32 $0x10, s8;
	[tilespmem:s6+$0x10800] =	vst v4;
	v5 =	vadd.s32 $0xC350, v4  }
0x2d2: {  	v4 =	vmov s8;
	[tilespmem:s6+$0x10C00] =	vst v5;
	s6 =	smov.u32 s0  }
0x2d3: {  	v3 =	vand.u32 $0x1F, v3;
	v4 =	vshrl.u32 v4, $0x5  }
0x2d4: {  	v3 =	vmul.u32 $0x186A0, v3;
	v4 =	vbroadcast v4, $0x0;
	_ =	sdelay $0x1  }
0x2d5: {  	v3 =	vadd.s32 v4, v3  }
0x2d6: {  	[tilespmem:s6+$0x10800] =	vst v3;
	v3 =	vadd.s32 $0xC350, v3  }
0x2d7: {  	s0 =	simm.s32 $0x10800;
	s1 =	simm.s32 $0x11400;
	[tilespmem:s6+$0x10C00] =	vst v3  }
0x2d8: {  	[tilespmem:s1], [sflag:$0x3] =	stream.indirect.gather [hbm4b:s5+s30], $0x1, s0, s30, $0xb8;
	[tilespmem:$0x11B00] =	vst v63  }
0x2d9: {  	s29 =	simm.s32 $0x10C00;
	s31 =	simm.s32 $0x11800;
	s6 =	simm.s32 $0x0  }
0x2da: {  	[tilespmem:s31], [sflag:$0x3] =	stream.indirect.gather [hbm4b:s5+s30], $0x1, s29, s30, $0xb8;
	[tilespmem:$0x11B00] =	vst v63  }
0x2db: {  	v3 =	vld [tilespmem:s6+$0x11080];
	_ =	sdelay $0x3  }
0x2dc: {  	s7 =	simm.s32 $0x40;
	s8 =	smov.u32 s16;
	v4 =	vmov s16  }
.LBB2_68:
0x2dd: {  	s0 =	sshra.s32 s7, $0x2;
	p0 =	sne.s32 s7, $0x1C0;
	s7 =	sadd.s32 $0x40, s7;
	v5 =	vand.u32 $0x1F, v3;
	v4 =	vshrl.u32 v4, $0x5  }
.Ltmp34:
0x2de: {  	v3 =	vld [tilespmem:s0+$0x11080];
	v5 =	vmul.u32 $0x186A0, v5;
	v4 =	vbroadcast v4, $0x0;
	(pc) =	sbr.rel @p0 .LBB2_68-.Ltmp34, $4  }
0x2df: {  	_ = 	snop  }
0x2e0: {  	v4 =	vadd.s32 v4, v5  }
0x2e1: {  	s8 =	sadd.s32 $0x10, s8;
	[tilespmem:s6+$0x10880] =	vst v4;
	v5 =	vadd.s32 $0xC350, v4  }
0x2e2: {  	v4 =	vmov s8;
	[tilespmem:s6+$0x10C80] =	vst v5;
	s6 =	smov.u32 s0  }
0x2e3: {  	v3 =	vand.u32 $0x1F, v3;
	v4 =	vshrl.u32 v4, $0x5  }
0x2e4: {  	v3 =	vmul.u32 $0x186A0, v3;
	v4 =	vbroadcast v4, $0x0;
	_ =	sdelay $0x1  }
0x2e5: {  	v3 =	vadd.s32 v4, v3  }
0x2e6: {  	[tilespmem:s6+$0x10880] =	vst v3;
	v3 =	vadd.s32 $0xC350, v3  }
0x2e7: {  	s0 =	simm.s32 $0x10880;
	s1 =	simm.s32 $0x11480;
	[tilespmem:s6+$0x10C80] =	vst v3  }
0x2e8: {  	[tilespmem:s1], [sflag:$0x3] =	stream.indirect.gather [hbm4b:s5+s30], $0x1, s0, s30, $0xb8;
	[tilespmem:$0x11B00] =	vst v63  }
0x2e9: {  	s29 =	simm.s32 $0x10C80;
	s31 =	simm.s32 $0x11880;
	s6 =	simm.s32 $0x0  }
0x2ea: {  	[tilespmem:s31], [sflag:$0x3] =	stream.indirect.gather [hbm4b:s5+s30], $0x1, s29, s30, $0xb8;
	[tilespmem:$0x11B00] =	vst v63  }
0x2eb: {  	v3 =	vld [tilespmem:s6+$0x11100];
	_ =	sdelay $0x3  }
0x2ec: {  	s7 =	simm.s32 $0x40;
	s8 =	smov.u32 s17;
	v4 =	vmov s17  }
.LBB2_70:
0x2ed: {  	s0 =	sshra.s32 s7, $0x2;
	p0 =	sne.s32 s7, $0x1C0;
	s7 =	sadd.s32 $0x40, s7;
	v5 =	vand.u32 $0x1F, v3;
	v4 =	vshrl.u32 v4, $0x5  }
.Ltmp35:
0x2ee: {  	v3 =	vld [tilespmem:s0+$0x11100];
	v5 =	vmul.u32 $0x186A0, v5;
	v4 =	vbroadcast v4, $0x0;
	(pc) =	sbr.rel @p0 .LBB2_70-.Ltmp35, $4  }
0x2ef: {  	_ = 	snop  }
0x2f0: {  	v4 =	vadd.s32 v4, v5  }
0x2f1: {  	s8 =	sadd.s32 $0x10, s8;
	[tilespmem:s6+$0x10900] =	vst v4;
	v5 =	vadd.s32 $0xC350, v4  }
0x2f2: {  	v4 =	vmov s8;
	[tilespmem:s6+$0x10D00] =	vst v5;
	s6 =	smov.u32 s0  }
0x2f3: {  	v3 =	vand.u32 $0x1F, v3;
	v4 =	vshrl.u32 v4, $0x5  }
0x2f4: {  	v3 =	vmul.u32 $0x186A0, v3;
	v4 =	vbroadcast v4, $0x0;
	_ =	sdelay $0x1  }
0x2f5: {  	v3 =	vadd.s32 v4, v3  }
0x2f6: {  	[tilespmem:s6+$0x10900] =	vst v3;
	v3 =	vadd.s32 $0xC350, v3  }
0x2f7: {  	s0 =	simm.s32 $0x10900;
	s1 =	simm.s32 $0x11500;
	[tilespmem:s6+$0x10D00] =	vst v3  }
0x2f8: {  	[tilespmem:s1], [sflag:$0x3] =	stream.indirect.gather [hbm4b:s5+s30], $0x1, s0, s30, $0xb8;
	[tilespmem:$0x11B00] =	vst v63  }
0x2f9: {  	s29 =	simm.s32 $0x10D00;
	s31 =	simm.s32 $0x11900;
	s6 =	simm.s32 $0x0  }
0x2fa: {  	[tilespmem:s31], [sflag:$0x3] =	stream.indirect.gather [hbm4b:s5+s30], $0x1, s29, s30, $0xb8;
	[tilespmem:$0x11B00] =	vst v63  }
0x2fb: {  	v3 =	vld [tilespmem:s6+$0x11180];
	_ =	sdelay $0x3  }
0x2fc: {  	s7 =	simm.s32 $0x40;
	s8 =	smov.u32 s18;
	v4 =	vmov s18  }
.LBB2_72:
0x2fd: {  	s0 =	sshra.s32 s7, $0x2;
	p0 =	sne.s32 s7, $0x1C0;
	s7 =	sadd.s32 $0x40, s7;
	v5 =	vand.u32 $0x1F, v3;
	v4 =	vshrl.u32 v4, $0x5  }
.Ltmp36:
0x2fe: {  	v3 =	vld [tilespmem:s0+$0x11180];
	v5 =	vmul.u32 $0x186A0, v5;
	v4 =	vbroadcast v4, $0x0;
	(pc) =	sbr.rel @p0 .LBB2_72-.Ltmp36, $4  }
0x2ff: {  	_ = 	snop  }
0x300: {  	v4 =	vadd.s32 v4, v5  }
0x301: {  	s8 =	sadd.s32 $0x10, s8;
	[tilespmem:s6+$0x10980] =	vst v4;
	v5 =	vadd.s32 $0xC350, v4  }
0x302: {  	v4 =	vmov s8;
	[tilespmem:s6+$0x10D80] =	vst v5;
	s6 =	smov.u32 s0  }
0x303: {  	v3 =	vand.u32 $0x1F, v3;
	v4 =	vshrl.u32 v4, $0x5  }
0x304: {  	v3 =	vmul.u32 $0x186A0, v3;
	v4 =	vbroadcast v4, $0x0;
	_ =	sdelay $0x1  }
0x305: {  	v3 =	vadd.s32 v4, v3  }
0x306: {  	[tilespmem:s6+$0x10980] =	vst v3;
	v3 =	vadd.s32 $0xC350, v3  }
0x307: {  	s0 =	simm.s32 $0x10980;
	s1 =	simm.s32 $0x11580;
	[tilespmem:s6+$0x10D80] =	vst v3  }
0x308: {  	[tilespmem:s1], [sflag:$0x3] =	stream.indirect.gather [hbm4b:s5+s30], $0x1, s0, s30, $0xb8;
	[tilespmem:$0x11B00] =	vst v63  }
0x309: {  	s29 =	simm.s32 $0x10D80;
	s31 =	simm.s32 $0x11980;
	s6 =	simm.s32 $0x0  }
0x30a: {  	[tilespmem:s31], [sflag:$0x3] =	stream.indirect.gather [hbm4b:s5+s30], $0x1, s29, s30, $0xb8;
	[tilespmem:$0x11B00] =	vst v63  }
0x30b: {  	v3 =	vld [tilespmem:s6+$0x11200];
	_ =	sdelay $0x3  }
0x30c: {  	s7 =	simm.s32 $0x40;
	s8 =	smov.u32 s19;
	v4 =	vmov s19  }
.LBB2_74:
0x30d: {  	s0 =	sshra.s32 s7, $0x2;
	p0 =	sne.s32 s7, $0x1C0;
	s7 =	sadd.s32 $0x40, s7;
	v5 =	vand.u32 $0x1F, v3;
	v4 =	vshrl.u32 v4, $0x5  }
.Ltmp37:
0x30e: {  	v3 =	vld [tilespmem:s0+$0x11200];
	v5 =	vmul.u32 $0x186A0, v5;
	v4 =	vbroadcast v4, $0x0;
	(pc) =	sbr.rel @p0 .LBB2_74-.Ltmp37, $4  }
0x30f: {  	_ = 	snop  }
0x310: {  	v4 =	vadd.s32 v4, v5  }
0x311: {  	s8 =	sadd.s32 $0x10, s8;
	[tilespmem:s6+$0x10A00] =	vst v4;
	v5 =	vadd.s32 $0xC350, v4  }
0x312: {  	v4 =	vmov s8;
	[tilespmem:s6+$0x10E00] =	vst v5;
	s6 =	smov.u32 s0  }
0x313: {  	v3 =	vand.u32 $0x1F, v3;
	v4 =	vshrl.u32 v4, $0x5  }
0x314: {  	v3 =	vmul.u32 $0x186A0, v3;
	v4 =	vbroadcast v4, $0x0;
	_ =	sdelay $0x1  }
0x315: {  	v3 =	vadd.s32 v4, v3  }
0x316: {  	[tilespmem:s6+$0x10A00] =	vst v3;
	v3 =	vadd.s32 $0xC350, v3  }
0x317: {  	s0 =	simm.s32 $0x10A00;
	s1 =	simm.s32 $0x11600;
	[tilespmem:s6+$0x10E00] =	vst v3  }
0x318: {  	[tilespmem:s1], [sflag:$0x3] =	stream.indirect.gather [hbm4b:s5+s30], $0x1, s0, s30, $0xb8;
	[tilespmem:$0x11B00] =	vst v63  }
0x319: {  	s29 =	simm.s32 $0x10E00;
	s31 =	simm.s32 $0x11A00;
	s6 =	simm.s32 $0x0  }
0x31a: {  	[tilespmem:s31], [sflag:$0x3] =	stream.indirect.gather [hbm4b:s5+s30], $0x1, s29, s30, $0xb8;
	[tilespmem:$0x11B00] =	vst v63  }
0x31b: {  	v3 =	vld [tilespmem:s6+$0x11280];
	_ =	sdelay $0x3  }
0x31c: {  	s7 =	simm.s32 $0x40;
	s8 =	smov.u32 s20;
	v4 =	vmov s20  }
.LBB2_76:
0x31d: {  	s0 =	sshra.s32 s7, $0x2;
	p0 =	sne.s32 s7, $0x1C0;
	s7 =	sadd.s32 $0x40, s7;
	v5 =	vand.u32 $0x1F, v3;
	v4 =	vshrl.u32 v4, $0x5  }
.Ltmp38:
0x31e: {  	v3 =	vld [tilespmem:s0+$0x11280];
	v5 =	vmul.u32 $0x186A0, v5;
	v4 =	vbroadcast v4, $0x0;
	(pc) =	sbr.rel @p0 .LBB2_76-.Ltmp38, $4  }
0x31f: {  	_ = 	snop  }
0x320: {  	v4 =	vadd.s32 v4, v5  }
0x321: {  	s8 =	sadd.s32 $0x10, s8;
	[tilespmem:s6+$0x10A80] =	vst v4;
	v5 =	vadd.s32 $0xC350, v4  }
0x322: {  	v4 =	vmov s8;
	[tilespmem:s6+$0x10E80] =	vst v5;
	s6 =	smov.u32 s0  }
0x323: {  	v3 =	vand.u32 $0x1F, v3;
	v4 =	vshrl.u32 v4, $0x5  }
0x324: {  	v3 =	vmul.u32 $0x186A0, v3;
	v4 =	vbroadcast v4, $0x0;
	_ =	sdelay $0x1  }
0x325: {  	v3 =	vadd.s32 v4, v3  }
0x326: {  	[tilespmem:s6+$0x10A80] =	vst v3;
	v3 =	vadd.s32 $0xC350, v3  }
0x327: {  	s0 =	simm.s32 $0x10A80;
	s1 =	simm.s32 $0x11680;
	[tilespmem:s6+$0x10E80] =	vst v3  }
0x328: {  	[tilespmem:s1], [sflag:$0x3] =	stream.indirect.gather [hbm4b:s5+s30], $0x1, s0, s30, $0xb8;
	[tilespmem:$0x11B00] =	vst v63  }
0x329: {  	s28 =	simm.s32 $0x10E80;
	s29 =	simm.s32 $0x11A80  }
0x32a: {  	[tilespmem:s29], [sflag:$0x3] =	stream.indirect.gather [hbm4b:s5+s30], $0x1, s28, s30, $0xb8;
	[tilespmem:$0x11B00] =	vst v63  }
0x32b: {  	_ =	swait.ge [sflag:s25], $0x80  }
0x32c: {  	[sflag:s25] =	ssyncset.done $0x0  }
0x32d: {  	[sflag:s25] =	ssyncadd.s32 $0xFFFFFF80  }
0x32e: {  	_ =	swait.ge [sflag:s25], $0x80  }
0x32f: {  	[sflag:s25] =	ssyncset.done $0x0  }
0x330: {  	[sflag:s25] =	ssyncadd.s32 $0xFFFFFF80  }
0x331: {  	_ =	swait.ge [sflag:s25], $0x80  }
0x332: {  	[sflag:s25] =	ssyncset.done $0x0  }
0x333: {  	[sflag:s25] =	ssyncadd.s32 $0xFFFFFF80  }
0x334: {  	_ =	swait.ge [sflag:s25], $0x80  }
0x335: {  	[sflag:s25] =	ssyncset.done $0x0  }
0x336: {  	[sflag:s25] =	ssyncadd.s32 $0xFFFFFF80  }
0x337: {  	_ =	swait.ge [sflag:s25], $0x80  }
0x338: {  	[sflag:s25] =	ssyncset.done $0x0  }
0x339: {  	[sflag:s25] =	ssyncadd.s32 $0xFFFFFF80  }
0x33a: {  	_ =	swait.ge [sflag:s25], $0x80  }
0x33b: {  	[sflag:s25] =	ssyncset.done $0x0  }
0x33c: {  	[sflag:s25] =	ssyncadd.s32 $0xFFFFFF80  }
0x33d: {  	_ =	swait.ge [sflag:s25], $0x80  }
0x33e: {  	[sflag:s25] =	ssyncset.done $0x0  }
0x33f: {  	[sflag:s25] =	ssyncadd.s32 $0xFFFFFF80  }
0x340: {  	_ =	swait.ge [sflag:s25], $0x80  }
0x341: {  	[sflag:s25] =	ssyncset.done $0x0  }
0x342: {  	[sflag:s25] =	ssyncadd.s32 $0xFFFFFF80  }
0x343: {  	_ =	swait.ge [sflag:s25], $0x80  }
0x344: {  	[sflag:s25] =	ssyncset.done $0x0  }
0x345: {  	[sflag:s25] =	ssyncadd.s32 $0xFFFFFF80  }
0x346: {  	_ =	swait.ge [sflag:s25], $0x80  }
0x347: {  	[sflag:s25] =	ssyncset.done $0x0  }
0x348: {  	[sflag:s25] =	ssyncadd.s32 $0xFFFFFF80  }
0x349: {  	_ =	swait.ge [sflag:s25], $0x80  }
0x34a: {  	[sflag:s25] =	ssyncset.done $0x0  }
0x34b: {  	[sflag:s25] =	ssyncadd.s32 $0xFFFFFF80  }
0x34c: {  	_ =	swait.ge [sflag:s25], $0x80  }
0x34d: {  	[sflag:s25] =	ssyncset.done $0x0  }
0x34e: {  	[sflag:s25] =	ssyncadd.s32 $0xFFFFFF80  }
0x34f: {  	_ =	swait.ge [sflag:s25], $0x80  }
0x350: {  	[sflag:s25] =	ssyncset.done $0x0  }
0x351: {  	[sflag:s25] =	ssyncadd.s32 $0xFFFFFF80  }
0x352: {  	_ =	swait.ge [sflag:s25], $0x80  }
0x353: {  	[sflag:s25] =	ssyncset.done $0x0  }
0x354: {  	[sflag:s25] =	ssyncadd.s32 $0xFFFFFF80  }
0x355: {  	_ =	swait.ge [sflag:s25], $0x80  }
0x356: {  	[sflag:s25] =	ssyncset.done $0x0  }
0x357: {  	[sflag:s25] =	ssyncadd.s32 $0xFFFFFF80  }
0x358: {  	_ =	swait.ge [sflag:s25], $0x80  }
0x359: {  	s31 =	simm.s32 $0x0;
	[sflag:s25] =	ssyncset.done $0x0  }
0x35a: {  	s0 =	sand.u32 $0x3F0, s31;
	[sflag:s25] =	ssyncadd.s32 $0xFFFFFF80  }
0x35b: {  	s6 =	simm.s32 $0x11300;
	v3 =	vld [tilespmem:s0+$0xC000]  }
0x35c: {  	v4 =	vld [tilespmem:s6+$0x0];
	_ =	sdelay $0x3  }
0x35d: {  	vm0 =	vgt.s32 v3, $0xFFFFFFFF  }
0x35e: {  	v3 =	vnsel vm0, $0x0, v4  }
0x35f: {  	s8 =	simm.s32 $0x11700;
	[tilespmem:s6+$0x0] =	vst v3  }
0x360: {  	v3 =	vld [tilespmem:s8+$0x0];
	_ =	sdelay $0x4  }
0x361: {  	s9 =	simm.s32 $0x10;
	s7 =	simm.s32 $0x11710;
	s0 =	simm.s32 $0x20;
	v3 =	vnsel vm0, $0x0, v3  }
.LBB2_78:
0x362: {  	s1 =	sand.u32 $0x3F0, s9;
	s6 =	sadd.s32 $0x10, s6  }
0x363: {  	[tilespmem:s8+$0x0] =	vst v3;
	s9 =	smov.u32 s0;
	s4 =	sadd.s32 $0x10, s0;
	s8 =	smov.u32 s7  }
0x364: {  	p0 =	sne.s32 s0, $0x3F0;
	v3 =	vld [tilespmem:s1+$0xC000]  }
0x365: {  	v4 =	vld [tilespmem:s6+$0x0];
	_ =	sdelay $0x3  }
0x366: {  	vm0 =	vgt.s32 v3, $0xFFFFFFFF  }
0x367: {  	v3 =	vnsel vm0, $0x0, v4  }
0x368: {  	[tilespmem:s6+$0x0] =	vst v3  }
0x369: {  	v3 =	vld [tilespmem:s7+$0x0]  }
.Ltmp39:
0x36a: {  	(pc) =	sbr.rel @p0 .LBB2_78-.Ltmp39, $2  }
0x36b: {  	_ =	sdelay $0x2  }
0x36c: {  	s0 =	smov.u32 s4;
	s7 =	sadd.s32 $0x10, s7;
	v3 =	vnsel vm0, $0x0, v3  }
0x36d: {  	s0 =	sand.u32 $0x3F0, s9;
	[tilespmem:s8+$0x0] =	vst v3  }
0x36e: {  	s1 =	sadd.s32 $0x10, s6;
	v3 =	vld [tilespmem:s0+$0xC000]  }
0x36f: {  	v4 =	vld [tilespmem:s1+$0x0];
	_ =	sdelay $0x3  }
0x370: {  	vm0 =	vgt.s32 v3, $0xFFFFFFFF  }
0x371: {  	v3 =	vnsel vm0, $0x0, v4  }
0x372: {  	[tilespmem:s1+$0x0] =	vst v3  }
0x373: {  	v3 =	vld [tilespmem:s7+$0x0];
	_ =	sdelay $0x4  }
0x374: {  	v3 =	vnsel vm0, $0x0, v3  }
0x375: {  	s20 =	rddreg [dreg:$0x8];
	s24 =	simm.s32 $0x11300;
	s4 =	simm.s32 $0x4;
	[tilespmem:s7+$0x0] =	vst v3  }
0x376: {  	[hbm4b:s20+s3] =	stream.linear.scatter [tilespmem:s24], [sflag:$0x4], $0x350, $0x38;
	[tilespmem:$0x11B00] =	vst v63  }
0x377: {  	_ =	swait.ge [sflag:s4], $0x350  }
0x378: {  	[sflag:s4] =	ssyncset.done $0x0  }
0x379: {  	s28 =	simm.s32 $0x11700;
	s26 =	rddreg [dreg:$0x9];
	[sflag:s4] =	ssyncadd.s32 $0xFFFFFCB0  }
0x37a: {  	[hbm4b:s26+s3] =	stream.linear.scatter [tilespmem:s28], [sflag:$0x4], $0x350, $0x38;
	[tilespmem:$0x11B00] =	vst v63  }
0x37b: {  	_ =	swait.ge [sflag:s4], $0x350  }
0x37c: {  	s29 =	rddreg [dreg:$0x1b]  }
0x37d: {  	s31 =	rddreg [dreg:$0xb];
	s1 =	sadd.s32 $0x1, s29  }
0x37e: {  	p0 =	sne.s32 s1, s31  }
.Ltmp40:
0x37f: {  	_ = 	snop;
	(pc) =	sbr.rel @p0 .LBB2_1-.Ltmp40, $3  }
0x380: {  	_ =	sdelay $0x1  }
0x381: {  	[sflag:s4] =	ssyncset.done $0x0  }
0x382: {  	[sflag:s4] =	ssyncadd.s32 $0xFFFFFCB0  }
0x383: {  	_ =	sfence.sel $0x180000  }
0x384: {  	[bflag:$0x0] =	sbarrier.arrive $0xFFFF  }
0x385: {  	_ =	strace $0x90000047  }
0x386: {  	s0 =	stileid.u32;
	[bflag:$0x2] =	sbarrier.arrive $0xFFFF  }
0x387: {  	p0 =	sne.s32 s0, $0x0;
	s0 =	rddreg [dreg:$0x2]  }
0x388: {  	s0 =	sadd.s32 @!p0 $0x100000, s0  }
0x389: {  	[sflag:s0] =	ssyncadd.tile.s32 @!p0 $0x1;
	_ =	shalt  }
.Lfunc_end2:
_tile_overlayer_lowered:
.L_overlay_start_2:
0x38a: {  	(tag) =	ssettag $0x2  }
0x38b: {  	s0 =	rddreg [dreg:$0x0];
	s2 =	stileid.u32  }
0x38c: {  	s1 =	rddreg [dreg:$0x1];
	p0 =	sne.s32 s2, $0x0  }
0x38d: {  	s3 =	rddreg [dreg:$0x2];
	[bflag:$0x3] =	sbarrier.arrive $0xFFFF;
	s2 =	simm.s32 @!p0 $0x1C04  }
0x38e: {  	[timem:s3], [sflag:s2] =	dma.local @!p0 [hbm:s0], s1  }
0x38f: {  	s0 =	simm.s32 @!p0 $0x4  }
0x390: {  	_ =	swait.ge @!p0 [sflag:s0], s1  }
0x391: {  	s1 =	ssub.s32 @!p0 $0x0, s1;
	[sflag:s0] =	ssyncset.done @!p0 $0x0  }
0x392: {  	[sflag:s0] =	ssyncadd.s32 @!p0 s1  }
0x393: {  	[bflag:$0x3] =	sbarrier.arrive $0xFFFF  }
0x394: {  	_ =	shalt  }

</sc_bundles>
